<compile_context>
chip_gen: v7x
topology: tpu7x:2x2x1
jax: 0.10.2.dev20260603
libtpu: 0.0.44.dev20260713+nightly
codegen_flags: <defaults>
</compile_context>

<pallas_src>
import numpy as np
import jax
import jax.numpy as jnp
from jax import lax
from jax.experimental import pallas as pl
from jax.experimental.pallas import tpu as pltpu
from jax.experimental.pallas import tpu_sc as plsc

_B = 4096
_F = 26
_V = 100000
_D = 32
_NF1 = _F + 1
_NIDX = _B * _F
_WIN = 128
_BBLK = 512

_LI, _LJ = np.tril_indices(_NF1, -1)


_NW = 32
_NR = _F * _D
_RPW = _NR // _NW


def _sc_gather_t(tab_t, lS_i):
    mesh = plsc.VectorSubcoreMesh(core_axis_name="core", subcore_axis_name="subcore")

    @pl.kernel(
        out_type=jax.ShapeDtypeStruct((_NR, _B), jnp.float32),
        mesh=mesh,
        compiler_params=pltpu.CompilerParams(needs_layout_passes=False),
        scratch_types=[
            pltpu.VMEM((1, _V), jnp.float32),
            pltpu.VMEM((1, _B), jnp.int32),
            pltpu.VMEM((2, 1, _B), jnp.float32),
            pltpu.SemaphoreType.DMA,
            pltpu.SemaphoreType.DMA,
        ],
    )
    def k(tab_hbm, i_hbm, o_hbm, row_v, idx_v, out_v, rsem, osem):
        w = jax.lax.axis_index("subcore") * 2 + jax.lax.axis_index("core")
        stores = [None, None]
        for j in range(_RPW):
            r = w * _RPW + j
            f = jax.lax.div(r, _D)
            rcp = pltpu.async_copy(tab_hbm.at[pl.ds(r, 1)], row_v, rsem)
            pltpu.sync_copy(i_hbm.at[pl.ds(f, 1)], idx_v)
            rcp.wait()
            ob = out_v.at[j % 2]
            zero = jnp.zeros((16,), jnp.int32)

            @pl.loop(0, _B // 16)
            def _(i):
                v = idx_v[0, pl.ds(i * 16, 16)]
                ob[0, pl.ds(i * 16, 16)] = plsc.load_gather(row_v, [zero, v])

            if stores[j % 2] is not None:
                stores[j % 2].wait()
            stores[j % 2] = pltpu.async_copy(ob, o_hbm.at[pl.ds(r, 1)], osem)
        for cp in stores:
            if cp is not None:
                cp.wait()

    return k(tab_t, lS_i)


def _tc_body(x_ref, ly_ref, w0t, b0, w1t, b1, w2t, b2, wx, wz, tb0, tw1t, tb1,
             tw2t, tb2, o_ref):
    x = x_ref[...]
    h = jnp.maximum(jnp.dot(x, w0t[...], preferred_element_type=jnp.float32) + b0[...], 0.0)
    h = jnp.maximum(jnp.dot(h, w1t[...], preferred_element_type=jnp.float32) + b1[...], 0.0)
    x3 = jnp.maximum(jnp.dot(h, w2t[...], preferred_element_type=jnp.float32) + b2[...], 0.0)
    ly = ly_ref[...].T
    t3 = jnp.concatenate([x3[:, None, :], ly.reshape(_BBLK, _F, _D)], axis=1)
    z = lax.dot_general(t3, t3, (((2,), (2,)), ((0,), (0,))),
                        preferred_element_type=jnp.float32)
    zf = z.reshape(_BBLK, _NF1 * _NF1)
    y = (jnp.dot(x3, wx[...], preferred_element_type=jnp.float32)
         + jnp.dot(zf, wz[...], preferred_element_type=jnp.float32) + tb0[...])
    y = jnp.maximum(y, 0.0)
    y = jnp.maximum(jnp.dot(y, tw1t[...], preferred_element_type=jnp.float32) + tb1[...], 0.0)
    y = jnp.dot(y, tw2t[...], preferred_element_type=jnp.float32) + tb2[...]
    o_ref[...] = 1.0 / (1.0 + jnp.exp(-y))


def _tc_dense(dense_x, ly, w0t, b0, w1t, b1, w2t, b2, wx, wz, tb0, tw1t, tb1,
              tw2t, tb2):
    nblk = _B // _BBLK
    full = lambda shape: pl.BlockSpec(shape, lambda i: (0, 0))
    return pl.pallas_call(
        _tc_body,
        grid=(nblk,),
        in_specs=[
            pl.BlockSpec((_BBLK, 13), lambda i: (i, 0)),
            pl.BlockSpec((_NR, _BBLK), lambda i: (0, i)),
            full((13, 512)), full((1, 512)),
            full((512, 256)), full((1, 256)),
            full((256, 32)), full((1, 32)),
            full((32, 512)), full((_NF1 * _NF1, 512)), full((1, 512)),
            full((512, 256)), full((1, 256)),
            full((256, 1)), full((1, 1)),
        ],
        out_specs=pl.BlockSpec((_BBLK, 1), lambda i: (i, 0)),
        out_shape=jax.ShapeDtypeStruct((_B, 1), jnp.float32),
    )(dense_x, ly, w0t, b0, w1t, b1, w2t, b2, wx, wz, tb0, tw1t, tb1, tw2t, tb2)


def kernel(dense_x, lS_i, emb_tables, bot_w0, bot_b0, bot_w1, bot_b1, bot_w2,
           bot_b2, top_w0, top_b0, top_w1, top_b1, top_w2, top_b2):
    tab_t = jnp.swapaxes(emb_tables, 1, 2).reshape(_NR, _V)
    ly = _sc_gather_t(tab_t, lS_i.astype(jnp.int32))

    w0t, w1t, w2t = bot_w0.T, bot_w1.T, bot_w2.T
    tw1t, tw2t = top_w1.T, top_w2.T
    wx = top_w0[:, :_D].T
    pair_pos = _LI * _NF1 + _LJ
    wz = jnp.zeros((_NF1 * _NF1, 512), jnp.float32).at[pair_pos, :].set(
        top_w0[:, _D:].T)

    return _tc_dense(
        dense_x, ly, w0t, bot_b0[None, :], w1t, bot_b1[None, :], w2t,
        bot_b2[None, :], wx, wz, top_b0[None, :], tw1t, top_b1[None, :], tw2t,
        top_b2[None, :])

# --- scband reference (transcript-rebuilt; emitter-appended) ---
"""Pipeline reference for scband-dlrm-net-31825707664001 (READ-ONLY COPY).

The authoritative reference and input builder live on the scoring server;
editing this copy changes nothing except your own understanding.
"""

import jax, jax.numpy as jnp
import numpy as np

B = 4096
NDENSE = 13
NFIELDS = 26
VOCAB = 100000
D = 32
LN_BOT = [13, 512, 256, 32]
LN_TOP = [383, 512, 256, 1]


def _mk_mlp(key, ln):
    ws = []
    for i in range(len(ln) - 1):
        n, m = ln[i], ln[i + 1]
        key, k1, k2 = jax.random.split(key, 3)
        w = jax.random.normal(k1, (m, n), dtype=jnp.float32) * np.sqrt(2.0 / (m + n))
        b = jax.random.normal(k2, (m,), dtype=jnp.float32) * np.sqrt(1.0 / m)
        ws.append((w, b))
    return ws


def setup_inputs(seed: int = 0):
    key = jax.random.key(seed)
    ks = jax.random.split(key, 6)
    inp = {}
    inp["dense_x"] = jax.random.normal(ks[0], (B, NDENSE), dtype=jnp.float32)
    inp["lS_i"] = jax.random.randint(ks[1], (NFIELDS, B), 0, VOCAB)
    scale = float(np.sqrt(1.0 / VOCAB))
    inp["emb_tables"] = jax.random.uniform(ks[2], (NFIELDS, VOCAB, D), minval=-scale, maxval=scale, dtype=jnp.float32)
    bot = _mk_mlp(ks[3], LN_BOT)
    top = _mk_mlp(ks[4], LN_TOP)
    for i, (w, b) in enumerate(bot):
        inp["bot_w%d" % i] = w
        inp["bot_b%d" % i] = b
    for i, (w, b) in enumerate(top):
        inp["top_w%d" % i] = w
        inp["top_b%d" % i] = b
    return inp


def reference(dense_x, lS_i, emb_tables, bot_w0, bot_b0, bot_w1, bot_b1, bot_w2, bot_b2, top_w0, top_b0, top_w1, top_b1, top_w2, top_b2):
    # bottom MLP (all ReLU, sigmoid_bot=-1)
    x = dense_x
    for w, b in [(bot_w0, bot_b0), (bot_w1, bot_b1), (bot_w2, bot_b2)]:
        x = jax.nn.relu(x @ w.T + b)
    # embedding lookups: one index per sample per sparse field (sum-pooling over a single index)
    ly = jax.vmap(lambda t, i: jnp.take(t, i, axis=0))(emb_tables, lS_i)  # [F, B, D]
    # dot interaction (arch_interaction_op='dot', itself=False)
    T = jnp.concatenate([x[:, None, :], jnp.transpose(ly, (1, 0, 2))], axis=1)  # [B, F+1, D]
    Z = jnp.einsum('bif,bjf->bij', T, T)
    li, lj = np.tril_indices(NFIELDS + 1, -1)
    Zflat = Z[:, li, lj]  # [B, 351]
    p = jnp.concatenate([x, Zflat], axis=1)  # [B, 383]
    # top MLP with sigmoid on last layer (sigmoid_top=2)
    tops = [(top_w0, top_b0), (top_w1, top_b1), (top_w2, top_b2)]
    for j, (w, b) in enumerate(tops):
        p = p @ w.T + b
        p = jax.nn.sigmoid(p) if j == len(tops) - 1 else jax.nn.relu(p)
    return p

if __name__ == "__main__":
    import jax
    _d = setup_inputs()
    print(jax.jit(kernel)(*tuple(_d.values())))

</pallas_src>

<mosaic_0001>
#map = affine_map<(d0, d1) -> (0, 0)>
module attributes {stable_mosaic.version = 14 : i64} {
  func.func @k(%arg0: i32, %arg1: i32, %arg2: memref<832x100000xf32, #tpu.memory_space<hbm>>, %arg3: memref<26x4096xi32, #tpu.memory_space<hbm>>, %arg4: memref<832x4096xf32, #tpu.memory_space<hbm>>, %arg5: memref<1x100000xf32, #tpu.memory_space<vmem>>, %arg6: memref<1x4096xi32, #tpu.memory_space<vmem>>, %arg7: memref<2x1x4096xf32, #tpu.memory_space<vmem>>, %arg8: memref<!tpu.dma_semaphore, #tpu.memory_space<semaphore_mem>>, %arg9: memref<!tpu.dma_semaphore, #tpu.memory_space<semaphore_mem>>) attributes {dimension_semantics = [#tpu.dimension_semantics<core_parallel>, #tpu.dimension_semantics<subcore_parallel>], iteration_bounds = array<i64: 2, 16>, scalar_prefetch = 0 : i64, scratch_operands = 5 : i64, tpu.core_type = #tpu.core_type<sc_vector_subcore>, window_params = [{transform_indices = #map}, {transform_indices = #map}, {transform_indices = #map}]} {
    %mul3A = arith.constant 2 : i32
    %mul3A_0 = arith.muli %arg1, %mul3A : i32
    %add3A = arith.addi %mul3A_0, %arg0 : i32
    %mul3A_1 = arith.constant 26 : i32
    %mul3A_2 = arith.muli %add3A, %mul3A_1 : i32
    %add3A_3 = arith.constant 0 : i32
    %add3A_4 = arith.addi %mul3A_2, %add3A_3 : i32
    %div3A = arith.constant 32 : i32
    %div3A_5 = arith.divsi %add3A_4, %div3A : i32
    %dma_start3A = arith.constant 0 : i32
    %dma_start3A_6 = tpu.memref_slice %arg2[%add3A_4, %dma_start3A] : memref<832x100000xf32, #tpu.memory_space<hbm>> -> memref<1x100000xf32, #tpu.memory_space<hbm>>
    %dma_start3A_7 = arith.constant 0 : i32
    %dma_start3A_8 = tpu.memref_slice %arg2[%add3A_4, %dma_start3A_7] : memref<832x100000xf32, #tpu.memory_space<hbm>> -> memref<1x100000xf32, #tpu.memory_space<hbm>>
    tpu.enqueue_dma source(%dma_start3A_8 : memref<1x100000xf32, #tpu.memory_space<hbm>>) target(%arg5 : memref<1x100000xf32, #tpu.memory_space<vmem>>) target_semaphore(%arg8 : memref<!tpu.dma_semaphore, #tpu.memory_space<semaphore_mem>>)
    "tpu.region"() ({
      %run_scoped3A = tpu.sem_alloc : memref<!tpu.dma_semaphore, #tpu.memory_space<semaphore_mem>>
      %dma_start3A_1244 = arith.constant 0 : i32
      %dma_start3A_1245 = tpu.memref_slice %arg3[%div3A_5, %dma_start3A_1244] : memref<26x4096xi32, #tpu.memory_space<hbm>> -> memref<1x4096xi32, #tpu.memory_space<hbm>>
      %dma_start3A_1246 = arith.constant 0 : i32
      %dma_start3A_1247 = tpu.memref_slice %arg3[%div3A_5, %dma_start3A_1246] : memref<26x4096xi32, #tpu.memory_space<hbm>> -> memref<1x4096xi32, #tpu.memory_space<hbm>>
      tpu.enqueue_dma source(%dma_start3A_1247 : memref<1x4096xi32, #tpu.memory_space<hbm>>) target(%arg6 : memref<1x4096xi32, #tpu.memory_space<vmem>>) target_semaphore(%run_scoped3A : memref<!tpu.dma_semaphore, #tpu.memory_space<semaphore_mem>>)
      %dma_wait3A_1248 = arith.constant 0 : i32
      %dma_wait3A_1249 = tpu.memref_slice %arg3[%div3A_5, %dma_wait3A_1248] : memref<26x4096xi32, #tpu.memory_space<hbm>> -> memref<1x4096xi32, #tpu.memory_space<hbm>>
      %dma_wait3A_1250 = arith.constant 0 : i32
      %dma_wait3A_1251 = tpu.memref_slice %arg3[%div3A_5, %dma_wait3A_1250] : memref<26x4096xi32, #tpu.memory_space<hbm>> -> memref<1x4096xi32, #tpu.memory_space<hbm>>
      tpu.wait_dma2 semaphore(%run_scoped3A : memref<!tpu.dma_semaphore, #tpu.memory_space<semaphore_mem>>) src(%dma_wait3A_1251 : memref<1x4096xi32, #tpu.memory_space<hbm>>) dst(%arg6 : memref<1x4096xi32, #tpu.memory_space<vmem>>)
      tpu.yield
    }) : () -> ()
    %dma_wait3A = arith.constant 0 : i32
    %dma_wait3A_9 = tpu.memref_slice %arg2[%add3A_4, %dma_wait3A] : memref<832x100000xf32, #tpu.memory_space<hbm>> -> memref<1x100000xf32, #tpu.memory_space<hbm>>
    %dma_wait3A_10 = arith.constant 0 : i32
    %dma_wait3A_11 = tpu.memref_slice %arg2[%add3A_4, %dma_wait3A_10] : memref<832x100000xf32, #tpu.memory_space<hbm>> -> memref<1x100000xf32, #tpu.memory_space<hbm>>
    tpu.wait_dma2 semaphore(%arg8 : memref<!tpu.dma_semaphore, #tpu.memory_space<semaphore_mem>>) src(%dma_wait3A_11 : memref<1x100000xf32, #tpu.memory_space<hbm>>) dst(%arg5 : memref<1x100000xf32, #tpu.memory_space<vmem>>)
    %broadcast_in_dim3A = arith.constant 0 : i32
    %broadcast_in_dim3A_12 = vector.broadcast %broadcast_in_dim3A : i32 to vector<16xi32>
    %scan3A = arith.constant 0 : i32
    %scan3A_13 = arith.constant 0 : i32
    %scan3A_14 = arith.constant 256 : i32
    %scan3A_15 = arith.addi %scan3A_13, %scan3A_14 : i32
    %scan3A_16 = arith.constant 1 : i32
    scf.for %scan3A_1244 = %scan3A_13 to %scan3A_15 step %scan3A_16  : i32 {
      %mul3A_1245 = arith.constant 1 : i32
      %mul3A_1246 = arith.muli %scan3A_1244, %mul3A_1245 : i32
      %add3A_1247 = arith.constant 0 : i32
      %add3A_1248 = arith.addi %add3A_1247, %mul3A_1246 : i32
      %mul3A_1249 = arith.constant 16 : i32
      %mul3A_1250 = arith.muli %add3A_1248, %mul3A_1249 : i32
      %get3A = arith.constant 0 : i32
      %get3A_1251 = arith.index_cast %get3A : i32 to index
      %get3A_1252 = arith.index_cast %mul3A_1250 : i32 to index
      %get3A_1253 = tpu.vector_load %arg6[%get3A_1251, %get3A_1252] {strides = array<i32>} : memref<1x4096xi32, #tpu.memory_space<vmem>>, vector<16xi32>,
      %gather3A = tpu.vector_load_idx %arg5[%broadcast_in_dim3A_12, %get3A_1253] : memref<1x100000xf32, #tpu.memory_space<vmem>>[vector<16xi32>, vector<16xi32>], vector<16xf32>,
      %mul3A_1254 = arith.constant 16 : i32
      %mul3A_1255 = arith.muli %add3A_1248, %mul3A_1254 : i32
      %swap3A = arith.constant 0 : i32
      %swap3A_1256 = arith.constant 0 : i32
      %swap3A_1257 = arith.constant 0 : i32
      %swap3A_1258 = tpu.memref_slice %arg7[%scan3A, %swap3A_1256, %swap3A_1257] : memref<2x1x4096xf32, #tpu.memory_space<vmem>> -> memref<1x1x4096xf32, #tpu.memory_space<vmem>>
      %swap3A_1259 = tpu.memref_squeeze %swap3A_1258 : memref<1x1x4096xf32, #tpu.memory_space<vmem>> -> memref<1x4096xf32, #tpu.memory_space<vmem>>
      %swap3A_1260 = arith.index_cast %swap3A : i32 to index
      %swap3A_1261 = arith.index_cast %mul3A_1255 : i32 to index
      %swap3A_1262 = tpu.vector_load %swap3A_1259[%swap3A_1260, %swap3A_1261] {strides = array<i32>} : memref<1x4096xf32, #tpu.memory_space<vmem>>, vector<16xf32>,
      tpu.vector_store %swap3A_1259[%swap3A_1260, %swap3A_1261], %gather3A {strides = array<i32>} : memref<1x4096xf32, #tpu.memory_space<vmem>>, vector<16xf32>,
    }
    %scan3A_17 = arith.constant 256 : i32
    %dma_start3A_18 = arith.constant 0 : i32
    %dma_start3A_19 = arith.constant 0 : i32
    %dma_start3A_20 = arith.constant 0 : i32
    %dma_start3A_21 = tpu.memref_slice %arg7[%dma_start3A_18, %dma_start3A_19, %dma_start3A_20] : memref<2x1x4096xf32, #tpu.memory_space<vmem>> -> memref<1x1x4096xf32, #tpu.memory_space<vmem>>
    %dma_start3A_22 = tpu.memref_squeeze %dma_start3A_21 : memref<1x1x4096xf32, #tpu.memory_space<vmem>> -> memref<1x4096xf32, #tpu.memory_space<vmem>>
    %dma_start3A_23 = arith.constant 0 : i32
    %dma_start3A_24 = tpu.memref_slice %arg4[%add3A_4, %dma_start3A_23] : memref<832x4096xf32, #tpu.memory_space<hbm>> -> memref<1x4096xf32, #tpu.memory_space<hbm>>
    %dma_start3A_25 = arith.constant 0 : i32
    %dma_start3A_26 = tpu.memref_slice %arg4[%add3A_4, %dma_start3A_25] : memref<832x4096xf32, #tpu.memory_space<hbm>> -> memref<1x4096xf32, #tpu.memory_space<hbm>>
    %dma_start3A_27 = arith.constant 0 : i32
    %dma_start3A_28 = arith.constant 0 : i32
    %dma_start3A_29 = tpu.memref_slice %arg7[%dma_start3A_18, %dma_start3A_27, %dma_start3A_28] : memref<2x1x4096xf32, #tpu.memory_space<vmem>> -> memref<1x1x4096xf32, #tpu.memory_space<vmem>>
    %dma_start3A_30 = tpu.memref_squeeze %dma_start3A_29 : memref<1x1x4096xf32, #tpu.memory_space<vmem>> -> memref<1x4096xf32, #tpu.memory_space<vmem>>
    tpu.enqueue_dma source(%dma_start3A_30 : memref<1x4096xf32, #tpu.memory_space<vmem>>) target(%dma_start3A_26 : memref<1x4096xf32, #tpu.memory_space<hbm>>) target_semaphore(%arg9 : memref<!tpu.dma_semaphore, #tpu.memory_space<semaphore_mem>>)
    %mul3A_31 = arith.constant 26 : i32
    %mul3A_32 = arith.muli %add3A, %mul3A_31 : i32
    %add3A_33 = arith.constant 1 : i32
    %add3A_34 = arith.addi %mul3A_32, %add3A_33 : i32
    %div3A_35 = arith.constant 32 : i32
    %div3A_36 = arith.divsi %add3A_34, %div3A_35 : i32
    %dma_start3A_37 = arith.constant 0 : i32
    %dma_start3A_38 = tpu.memref_slice %arg2[%add3A_34, %dma_start3A_37] : memref<832x100000xf32, #tpu.memory_space<hbm>> -> memref<1x100000xf32, #tpu.memory_space<hbm>>
    %dma_start3A_39 = arith.constant 0 : i32
    %dma_start3A_40 = tpu.memref_slice %arg2[%add3A_34, %dma_start3A_39] : memref<832x100000xf32, #tpu.memory_space<hbm>> -> memref<1x100000xf32, #tpu.memory_space<hbm>>
    tpu.enqueue_dma source(%dma_start3A_40 : memref<1x100000xf32, #tpu.memory_space<hbm>>) target(%arg5 : memref<1x100000xf32, #tpu.memory_space<vmem>>) target_semaphore(%arg8 : memref<!tpu.dma_semaphore, #tpu.memory_space<semaphore_mem>>)
    "tpu.region"() ({
      %run_scoped3A = tpu.sem_alloc : memref<!tpu.dma_semaphore, #tpu.memory_space<semaphore_mem>>
      %dma_start3A_1244 = arith.constant 0 : i32
      %dma_start3A_1245 = tpu.memref_slice %arg3[%div3A_36, %dma_start3A_1244] : memref<26x4096xi32, #tpu.memory_space<hbm>> -> memref<1x4096xi32, #tpu.memory_space<hbm>>
      %dma_start3A_1246 = arith.constant 0 : i32
      %dma_start3A_1247 = tpu.memref_slice %arg3[%div3A_36, %dma_start3A_1246] : memref<26x4096xi32, #tpu.memory_space<hbm>> -> memref<1x4096xi32, #tpu.memory_space<hbm>>
      tpu.enqueue_dma source(%dma_start3A_1247 : memref<1x4096xi32, #tpu.memory_space<hbm>>) target(%arg6 : memref<1x4096xi32, #tpu.memory_space<vmem>>) target_semaphore(%run_scoped3A : memref<!tpu.dma_semaphore, #tpu.memory_space<semaphore_mem>>)
      %dma_wait3A_1248 = arith.constant 0 : i32
      %dma_wait3A_1249 = tpu.memref_slice %arg3[%div3A_36, %dma_wait3A_1248] : memref<26x4096xi32, #tpu.memory_space<hbm>> -> memref<1x4096xi32, #tpu.memory_space<hbm>>
      %dma_wait3A_1250 = arith.constant 0 : i32
      %dma_wait3A_1251 = tpu.memref_slice %arg3[%div3A_36, %dma_wait3A_1250] : memref<26x4096xi32, #tpu.memory_space<hbm>> -> memref<1x4096xi32, #tpu.memory_space<hbm>>
      tpu.wait_dma2 semaphore(%run_scoped3A : memref<!tpu.dma_semaphore, #tpu.memory_space<semaphore_mem>>) src(%dma_wait3A_1251 : memref<1x4096xi32, #tpu.memory_space<hbm>>) dst(%arg6 : memref<1x4096xi32, #tpu.memory_space<vmem>>)
      tpu.yield
    }) : () -> ()
    %dma_wait3A_41 = arith.constant 0 : i32
    %dma_wait3A_42 = tpu.memref_slice %arg2[%add3A_34, %dma_wait3A_41] : memref<832x100000xf32, #tpu.memory_space<hbm>> -> memref<1x100000xf32, #tpu.memory_space<hbm>>
    %dma_wait3A_43 = arith.constant 0 : i32
    %dma_wait3A_44 = tpu.memref_slice %arg2[%add3A_34, %dma_wait3A_43] : memref<832x100000xf32, #tpu.memory_space<hbm>> -> memref<1x100000xf32, #tpu.memory_space<hbm>>
    tpu.wait_dma2 semaphore(%arg8 : memref<!tpu.dma_semaphore, #tpu.memory_space<semaphore_mem>>) src(%dma_wait3A_44 : memref<1x100000xf32, #tpu.memory_space<hbm>>) dst(%arg5 : memref<1x100000xf32, #tpu.memory_space<vmem>>)
    %broadcast_in_dim3A_45 = arith.constant 0 : i32
    %broadcast_in_dim3A_46 = vector.broadcast %broadcast_in_dim3A_45 : i32 to vector<16xi32>
    %scan3A_47 = arith.constant 1 : i32
    %scan3A_48 = arith.constant 0 : i32
    %scan3A_49 = arith.constant 256 : i32
    %scan3A_50 = arith.addi %scan3A_48, %scan3A_49 : i32
    %scan3A_51 = arith.constant 1 : i32
    scf.for %scan3A_1244 = %scan3A_48 to %scan3A_50 step %scan3A_51  : i32 {
      %mul3A_1245 = arith.constant 1 : i32
      %mul3A_1246 = arith.muli %scan3A_1244, %mul3A_1245 : i32
      %add3A_1247 = arith.constant 0 : i32
      %add3A_1248 = arith.addi %add3A_1247, %mul3A_1246 : i32
      %mul3A_1249 = arith.constant 16 : i32
      %mul3A_1250 = arith.muli %add3A_1248, %mul3A_1249 : i32
      %get3A = arith.constant 0 : i32
      %get3A_1251 = arith.index_cast %get3A : i32 to index
      %get3A_1252 = arith.index_cast %mul3A_1250 : i32 to index
      %get3A_1253 = tpu.vector_load %arg6[%get3A_1251, %get3A_1252] {strides = array<i32>} : memref<1x4096xi32, #tpu.memory_space<vmem>>, vector<16xi32>,
      %gather3A = tpu.vector_load_idx %arg5[%broadcast_in_dim3A_46, %get3A_1253] : memref<1x100000xf32, #tpu.memory_space<vmem>>[vector<16xi32>, vector<16xi32>], vector<16xf32>,
      %mul3A_1254 = arith.constant 16 : i32
      %mul3A_1255 = arith.muli %add3A_1248, %mul3A_1254 : i32
      %swap3A = arith.constant 0 : i32
      %swap3A_1256 = arith.constant 0 : i32
      %swap3A_1257 = arith.constant 0 : i32
      %swap3A_1258 = tpu.memref_slice %arg7[%scan3A_47, %swap3A_1256, %swap3A_1257] : memref<2x1x4096xf32, #tpu.memory_space<vmem>> -> memref<1x1x4096xf32, #tpu.memory_space<vmem>>
      %swap3A_1259 = tpu.memref_squeeze %swap3A_1258 : memref<1x1x4096xf32, #tpu.memory_space<vmem>> -> memref<1x4096xf32, #tpu.memory_space<vmem>>
      %swap3A_1260 = arith.index_cast %swap3A : i32 to index
      %swap3A_1261 = arith.index_cast %mul3A_1255 : i32 to index
      %swap3A_1262 = tpu.vector_load %swap3A_1259[%swap3A_1260, %swap3A_1261] {strides = array<i32>} : memref<1x4096xf32, #tpu.memory_space<vmem>>, vector<16xf32>,
      tpu.vector_store %swap3A_1259[%swap3A_1260, %swap3A_1261], %gather3A {strides = array<i32>} : memref<1x4096xf32, #tpu.memory_space<vmem>>, vector<16xf32>,
    }
    %scan3A_52 = arith.constant 256 : i32
    %dma_start3A_53 = arith.constant 1 : i32
    %dma_start3A_54 = arith.constant 0 : i32
    %dma_start3A_55 = arith.constant 0 : i32
    %dma_start3A_56 = tpu.memref_slice %arg7[%dma_start3A_53, %dma_start3A_54, %dma_start3A_55] : memref<2x1x4096xf32, #tpu.memory_space<vmem>> -> memref<1x1x4096xf32, #tpu.memory_space<vmem>>
    %dma_start3A_57 = tpu.memref_squeeze %dma_start3A_56 : memref<1x1x4096xf32, #tpu.memory_space<vmem>> -> memref<1x4096xf32, #tpu.memory_space<vmem>>
    %dma_start3A_58 = arith.constant 0 : i32
    %dma_start3A_59 = tpu.memref_slice %arg4[%add3A_34, %dma_start3A_58] : memref<832x4096xf32, #tpu.memory_space<hbm>> -> memref<1x4096xf32, #tpu.memory_space<hbm>>
    %dma_start3A_60 = arith.constant 0 : i32
    %dma_start3A_61 = tpu.memref_slice %arg4[%add3A_34, %dma_start3A_60] : memref<832x4096xf32, #tpu.memory_space<hbm>> -> memref<1x4096xf32, #tpu.memory_space<hbm>>
    %dma_start3A_62 = arith.constant 0 : i32
    %dma_start3A_63 = arith.constant 0 : i32
    %dma_start3A_64 = tpu.memref_slice %arg7[%dma_start3A_53, %dma_start3A_62, %dma_start3A_63] : memref<2x1x4096xf32, #tpu.memory_space<vmem>> -> memref<1x1x4096xf32, #tpu.memory_space<vmem>>
    %dma_start3A_65 = tpu.memref_squeeze %dma_start3A_64 : memref<1x1x4096xf32, #tpu.memory_space<vmem>> -> memref<1x4096xf32, #tpu.memory_space<vmem>>
    tpu.enqueue_dma source(%dma_start3A_65 : memref<1x4096xf32, #tpu.memory_space<vmem>>) target(%dma_start3A_61 : memref<1x4096xf32, #tpu.memory_space<hbm>>) target_semaphore(%arg9 : memref<!tpu.dma_semaphore, #tpu.memory_space<semaphore_mem>>)
    %mul3A_66 = arith.constant 26 : i32
    %mul3A_67 = arith.muli %add3A, %mul3A_66 : i32
    %add3A_68 = arith.constant 2 : i32
    %add3A_69 = arith.addi %mul3A_67, %add3A_68 : i32
    %div3A_70 = arith.constant 32 : i32
    %div3A_71 = arith.divsi %add3A_69, %div3A_70 : i32
    %dma_start3A_72 = arith.constant 0 : i32
    %dma_start3A_73 = tpu.memref_slice %arg2[%add3A_69, %dma_start3A_72] : memref<832x100000xf32, #tpu.memory_space<hbm>> -> memref<1x100000xf32, #tpu.memory_space<hbm>>
    %dma_start3A_74 = arith.constant 0 : i32
    %dma_start3A_75 = tpu.memref_slice %arg2[%add3A_69, %dma_start3A_74] : memref<832x100000xf32, #tpu.memory_space<hbm>> -> memref<1x100000xf32, #tpu.memory_space<hbm>>
    tpu.enqueue_dma source(%dma_start3A_75 : memref<1x100000xf32, #tpu.memory_space<hbm>>) target(%arg5 : memref<1x100000xf32, #tpu.memory_space<vmem>>) target_semaphore(%arg8 : memref<!tpu.dma_semaphore, #tpu.memory_space<semaphore_mem>>)
    "tpu.region"() ({
      %run_scoped3A = tpu.sem_alloc : memref<!tpu.dma_semaphore, #tpu.memory_space<semaphore_mem>>
      %dma_start3A_1244 = arith.constant 0 : i32
      %dma_start3A_1245 = tpu.memref_slice %arg3[%div3A_71, %dma_start3A_1244] : memref<26x4096xi32, #tpu.memory_space<hbm>> -> memref<1x4096xi32, #tpu.memory_space<hbm>>
      %dma_start3A_1246 = arith.constant 0 : i32
      %dma_start3A_1247 = tpu.memref_slice %arg3[%div3A_71, %dma_start3A_1246] : memref<26x4096xi32, #tpu.memory_space<hbm>> -> memref<1x4096xi32, #tpu.memory_space<hbm>>
      tpu.enqueue_dma source(%dma_start3A_1247 : memref<1x4096xi32, #tpu.memory_space<hbm>>) target(%arg6 : memref<1x4096xi32, #tpu.memory_space<vmem>>) target_semaphore(%run_scoped3A : memref<!tpu.dma_semaphore, #tpu.memory_space<semaphore_mem>>)
      %dma_wait3A_1248 = arith.constant 0 : i32
      %dma_wait3A_1249 = tpu.memref_slice %arg3[%div3A_71, %dma_wait3A_1248] : memref<26x4096xi32, #tpu.memory_space<hbm>> -> memref<1x4096xi32, #tpu.memory_space<hbm>>
      %dma_wait3A_1250 = arith.constant 0 : i32
      %dma_wait3A_1251 = tpu.memref_slice %arg3[%div3A_71, %dma_wait3A_1250] : memref<26x4096xi32, #tpu.memory_space<hbm>> -> memref<1x4096xi32, #tpu.memory_space<hbm>>
      tpu.wait_dma2 semaphore(%run_scoped3A : memref<!tpu.dma_semaphore, #tpu.memory_space<semaphore_mem>>) src(%dma_wait3A_1251 : memref<1x4096xi32, #tpu.memory_space<hbm>>) dst(%arg6 : memref<1x4096xi32, #tpu.memory_space<vmem>>)
      tpu.yield
    }) : () -> ()
    %dma_wait3A_76 = arith.constant 0 : i32
    %dma_wait3A_77 = tpu.memref_slice %arg2[%add3A_69, %dma_wait3A_76] : memref<832x100000xf32, #tpu.memory_space<hbm>> -> memref<1x100000xf32, #tpu.memory_space<hbm>>
    %dma_wait3A_78 = arith.constant 0 : i32
    %dma_wait3A_79 = tpu.memref_slice %arg2[%add3A_69, %dma_wait3A_78] : memref<832x100000xf32, #tpu.memory_space<hbm>> -> memref<1x100000xf32, #tpu.memory_space<hbm>>
    tpu.wait_dma2 semaphore(%arg8 : memref<!tpu.dma_semaphore, #tpu.memory_space<semaphore_mem>>) src(%dma_wait3A_79 : memref<1x100000xf32, #tpu.memory_space<hbm>>) dst(%arg5 : memref<1x100000xf32, #tpu.memory_space<vmem>>)
    %broadcast_in_dim3A_80 = arith.constant 0 : i32
    %broadcast_in_dim3A_81 = vector.broadcast %broadcast_in_dim3A_80 : i32 to vector<16xi32>
    %scan3A_82 = arith.constant 0 : i32
    %scan3A_83 = arith.constant 0 : i32
    %scan3A_84 = arith.constant 256 : i32
    %scan3A_85 = arith.addi %scan3A_83, %scan3A_84 : i32
    %scan3A_86 = arith.constant 1 : i32
    scf.for %scan3A_1244 = %scan3A_83 to %scan3A_85 step %scan3A_86  : i32 {
      %mul3A_1245 = arith.constant 1 : i32
      %mul3A_1246 = arith.muli %scan3A_1244, %mul3A_1245 : i32
      %add3A_1247 = arith.constant 0 : i32
      %add3A_1248 = arith.addi %add3A_1247, %mul3A_1246 : i32
      %mul3A_1249 = arith.constant 16 : i32
      %mul3A_1250 = arith.muli %add3A_1248, %mul3A_1249 : i32
      %get3A = arith.constant 0 : i32
      %get3A_1251 = arith.index_cast %get3A : i32 to index
      %get3A_1252 = arith.index_cast %mul3A_1250 : i32 to index
      %get3A_1253 = tpu.vector_load %arg6[%get3A_1251, %get3A_1252] {strides = array<i32>} : memref<1x4096xi32, #tpu.memory_space<vmem>>, vector<16xi32>,
      %gather3A = tpu.vector_load_idx %arg5[%broadcast_in_dim3A_81, %get3A_1253] : memref<1x100000xf32, #tpu.memory_space<vmem>>[vector<16xi32>, vector<16xi32>], vector<16xf32>,
      %mul3A_1254 = arith.constant 16 : i32
      %mul3A_1255 = arith.muli %add3A_1248, %mul3A_1254 : i32
      %swap3A = arith.constant 0 : i32
      %swap3A_1256 = arith.constant 0 : i32
      %swap3A_1257 = arith.constant 0 : i32
      %swap3A_1258 = tpu.memref_slice %arg7[%scan3A_82, %swap3A_1256, %swap3A_1257] : memref<2x1x4096xf32, #tpu.memory_space<vmem>> -> memref<1x1x4096xf32, #tpu.memory_space<vmem>>
      %swap3A_1259 = tpu.memref_squeeze %swap3A_1258 : memref<1x1x4096xf32, #tpu.memory_space<vmem>> -> memref<1x4096xf32, #tpu.memory_space<vmem>>
      %swap3A_1260 = arith.index_cast %swap3A : i32 to index
      %swap3A_1261 = arith.index_cast %mul3A_1255 : i32 to index
      %swap3A_1262 = tpu.vector_load %swap3A_1259[%swap3A_1260, %swap3A_1261] {strides = array<i32>} : memref<1x4096xf32, #tpu.memory_space<vmem>>, vector<16xf32>,
      tpu.vector_store %swap3A_1259[%swap3A_1260, %swap3A_1261], %gather3A {strides = array<i32>} : memref<1x4096xf32, #tpu.memory_space<vmem>>, vector<16xf32>,
    }
    %scan3A_87 = arith.constant 256 : i32
    %dma_wait3A_88 = arith.constant 0 : i32
    %dma_wait3A_89 = arith.constant 0 : i32
    %dma_wait3A_90 = arith.constant 0 : i32
    %dma_wait3A_91 = tpu.memref_slice %arg7[%dma_wait3A_88, %dma_wait3A_89, %dma_wait3A_90] : memref<2x1x4096xf32, #tpu.memory_space<vmem>> -> memref<1x1x4096xf32, #tpu.memory_space<vmem>>
    %dma_wait3A_92 = tpu.memref_squeeze %dma_wait3A_91 : memref<1x1x4096xf32, #tpu.memory_space<vmem>> -> memref<1x4096xf32, #tpu.memory_space<vmem>>
    %dma_wait3A_93 = arith.constant 0 : i32
    %dma_wait3A_94 = tpu.memref_slice %arg4[%add3A_4, %dma_wait3A_93] : memref<832x4096xf32, #tpu.memory_space<hbm>> -> memref<1x4096xf32, #tpu.memory_space<hbm>>
    %dma_wait3A_95 = arith.constant 0 : i32
    %dma_wait3A_96 = tpu.memref_slice %arg4[%add3A_4, %dma_wait3A_95] : memref<832x4096xf32, #tpu.memory_space<hbm>> -> memref<1x4096xf32, #tpu.memory_space<hbm>>
    %dma_wait3A_97 = arith.constant 0 : i32
    %dma_wait3A_98 = arith.constant 0 : i32
    %dma_wait3A_99 = tpu.memref_slice %arg7[%dma_wait3A_88, %dma_wait3A_97, %dma_wait3A_98] : memref<2x1x4096xf32, #tpu.memory_space<vmem>> -> memref<1x1x4096xf32, #tpu.memory_space<vmem>>
    %dma_wait3A_100 = tpu.memref_squeeze %dma_wait3A_99 : memref<1x1x4096xf32, #tpu.memory_space<vmem>> -> memref<1x4096xf32, #tpu.memory_space<vmem>>
    tpu.wait_dma2 semaphore(%arg9 : memref<!tpu.dma_semaphore, #tpu.memory_space<semaphore_mem>>) src(%dma_wait3A_100 : memref<1x4096xf32, #tpu.memory_space<vmem>>) dst(%dma_wait3A_96 : memref<1x4096xf32, #tpu.memory_space<hbm>>)
    %dma_start3A_101 = arith.constant 0 : i32
    %dma_start3A_102 = arith.constant 0 : i32
    %dma_start3A_103 = arith.constant 0 : i32
    %dma_start3A_104 = tpu.memref_slice %arg7[%dma_start3A_101, %dma_start3A_102, %dma_start3A_103] : memref<2x1x4096xf32, #tpu.memory_space<vmem>> -> memref<1x1x4096xf32, #tpu.memory_space<vmem>>
    %dma_start3A_105 = tpu.memref_squeeze %dma_start3A_104 : memref<1x1x4096xf32, #tpu.memory_space<vmem>> -> memref<1x4096xf32, #tpu.memory_space<vmem>>
    %dma_start3A_106 = arith.constant 0 : i32
    %dma_start3A_107 = tpu.memref_slice %arg4[%add3A_69, %dma_start3A_106] : memref<832x4096xf32, #tpu.memory_space<hbm>> -> memref<1x4096xf32, #tpu.memory_space<hbm>>
    %dma_start3A_108 = arith.constant 0 : i32
    %dma_start3A_109 = tpu.memref_slice %arg4[%add3A_69, %dma_start3A_108] : memref<832x4096xf32, #tpu.memory_space<hbm>> -> memref<1x4096xf32, #tpu.memory_space<hbm>>
    %dma_start3A_110 = arith.constant 0 : i32
    %dma_start3A_111 = arith.constant 0 : i32
    %dma_start3A_112 = tpu.memref_slice %arg7[%dma_start3A_101, %dma_start3A_110, %dma_start3A_111] : memref<2x1x4096xf32, #tpu.memory_space<vmem>> -> memref<1x1x4096xf32, #tpu.memory_space<vmem>>
    %dma_start3A_113 = tpu.memref_squeeze %dma_start3A_112 : memref<1x1x4096xf32, #tpu.memory_space<vmem>> -> memref<1x4096xf32, #tpu.memory_space<vmem>>
    tpu.enqueue_dma source(%dma_start3A_113 : memref<1x4096xf32, #tpu.memory_space<vmem>>) target(%dma_start3A_109 : memref<1x4096xf32, #tpu.memory_space<hbm>>) target_semaphore(%arg9 : memref<!tpu.dma_semaphore, #tpu.memory_space<semaphore_mem>>)
    %mul3A_114 = arith.constant 26 : i32
    %mul3A_115 = arith.muli %add3A, %mul3A_114 : i32
    %add3A_116 = arith.constant 3 : i32
    %add3A_117 = arith.addi %mul3A_115, %add3A_116 : i32
    %div3A_118 = arith.constant 32 : i32
    %div3A_119 = arith.divsi %add3A_117, %div3A_118 : i32
    %dma_start3A_120 = arith.constant 0 : i32
    %dma_start3A_121 = tpu.memref_slice %arg2[%add3A_117, %dma_start3A_120] : memref<832x100000xf32, #tpu.memory_space<hbm>> -> memref<1x100000xf32, #tpu.memory_space<hbm>>
    %dma_start3A_122 = arith.constant 0 : i32
    %dma_start3A_123 = tpu.memref_slice %arg2[%add3A_117, %dma_start3A_122] : memref<832x100000xf32, #tpu.memory_space<hbm>> -> memref<1x100000xf32, #tpu.memory_space<hbm>>
    tpu.enqueue_dma source(%dma_start3A_123 : memref<1x100000xf32, #tpu.memory_space<hbm>>) target(%arg5 : memref<1x100000xf32, #tpu.memory_space<vmem>>) target_semaphore(%arg8 : memref<!tpu.dma_semaphore, #tpu.memory_space<semaphore_mem>>)
    "tpu.region"() ({
      %run_scoped3A = tpu.sem_alloc : memref<!tpu.dma_semaphore, #tpu.memory_space<semaphore_mem>>
      %dma_start3A_1244 = arith.constant 0 : i32
      %dma_start3A_1245 = tpu.memref_slice %arg3[%div3A_119, %dma_start3A_1244] : memref<26x4096xi32, #tpu.memory_space<hbm>> -> memref<1x4096xi32, #tpu.memory_space<hbm>>
      %dma_start3A_1246 = arith.constant 0 : i32
      %dma_start3A_1247 = tpu.memref_slice %arg3[%div3A_119, %dma_start3A_1246] : memref<26x4096xi32, #tpu.memory_space<hbm>> -> memref<1x4096xi32, #tpu.memory_space<hbm>>
      tpu.enqueue_dma source(%dma_start3A_1247 : memref<1x4096xi32, #tpu.memory_space<hbm>>) target(%arg6 : memref<1x4096xi32, #tpu.memory_space<vmem>>) target_semaphore(%run_scoped3A : memref<!tpu.dma_semaphore, #tpu.memory_space<semaphore_mem>>)
      %dma_wait3A_1248 = arith.constant 0 : i32
      %dma_wait3A_1249 = tpu.memref_slice %arg3[%div3A_119, %dma_wait3A_1248] : memref<26x4096xi32, #tpu.memory_space<hbm>> -> memref<1x4096xi32, #tpu.memory_space<hbm>>
      %dma_wait3A_1250 = arith.constant 0 : i32
      %dma_wait3A_1251 = tpu.memref_slice %arg3[%div3A_119, %dma_wait3A_1250] : memref<26x4096xi32, #tpu.memory_space<hbm>> -> memref<1x4096xi32, #tpu.memory_space<hbm>>
      tpu.wait_dma2 semaphore(%run_scoped3A : memref<!tpu.dma_semaphore, #tpu.memory_space<semaphore_mem>>) src(%dma_wait3A_1251 : memref<1x4096xi32, #tpu.memory_space<hbm>>) dst(%arg6 : memref<1x4096xi32, #tpu.memory_space<vmem>>)
      tpu.yield
    }) : () -> ()
    %dma_wait3A_124 = arith.constant 0 : i32
    %dma_wait3A_125 = tpu.memref_slice %arg2[%add3A_117, %dma_wait3A_124] : memref<832x100000xf32, #tpu.memory_space<hbm>> -> memref<1x100000xf32, #tpu.memory_space<hbm>>
    %dma_wait3A_126 = arith.constant 0 : i32
    %dma_wait3A_127 = tpu.memref_slice %arg2[%add3A_117, %dma_wait3A_126] : memref<832x100000xf32, #tpu.memory_space<hbm>> -> memref<1x100000xf32, #tpu.memory_space<hbm>>
    tpu.wait_dma2 semaphore(%arg8 : memref<!tpu.dma_semaphore, #tpu.memory_space<semaphore_mem>>) src(%dma_wait3A_127 : memref<1x100000xf32, #tpu.memory_space<hbm>>) dst(%arg5 : memref<1x100000xf32, #tpu.memory_space<vmem>>)
    %broadcast_in_dim3A_128 = arith.constant 0 : i32
    %broadcast_in_dim3A_129 = vector.broadcast %broadcast_in_dim3A_128 : i32 to vector<16xi32>
    %scan3A_130 = arith.constant 1 : i32
    %scan3A_131 = arith.constant 0 : i32
    %scan3A_132 = arith.constant 256 : i32
    %scan3A_133 = arith.addi %scan3A_131, %scan3A_132 : i32
    %scan3A_134 = arith.constant 1 : i32
    scf.for %scan3A_1244 = %scan3A_131 to %scan3A_133 step %scan3A_134  : i32 {
      %mul3A_1245 = arith.constant 1 : i32
      %mul3A_1246 = arith.muli %scan3A_1244, %mul3A_1245 : i32
      %add3A_1247 = arith.constant 0 : i32
      %add3A_1248 = arith.addi %add3A_1247, %mul3A_1246 : i32
      %mul3A_1249 = arith.constant 16 : i32
      %mul3A_1250 = arith.muli %add3A_1248, %mul3A_1249 : i32
      %get3A = arith.constant 0 : i32
      %get3A_1251 = arith.index_cast %get3A : i32 to index
      %get3A_1252 = arith.index_cast %mul3A_1250 : i32 to index
      %get3A_1253 = tpu.vector_load %arg6[%get3A_1251, %get3A_1252] {strides = array<i32>} : memref<1x4096xi32, #tpu.memory_space<vmem>>, vector<16xi32>,
      %gather3A = tpu.vector_load_idx %arg5[%broadcast_in_dim3A_129, %get3A_1253] : memref<1x100000xf32, #tpu.memory_space<vmem>>[vector<16xi32>, vector<16xi32>], vector<16xf32>,
      %mul3A_1254 = arith.constant 16 : i32
      %mul3A_1255 = arith.muli %add3A_1248, %mul3A_1254 : i32
      %swap3A = arith.constant 0 : i32
      %swap3A_1256 = arith.constant 0 : i32
      %swap3A_1257 = arith.constant 0 : i32
      %swap3A_1258 = tpu.memref_slice %arg7[%scan3A_130, %swap3A_1256, %swap3A_1257] : memref<2x1x4096xf32, #tpu.memory_space<vmem>> -> memref<1x1x4096xf32, #tpu.memory_space<vmem>>
      %swap3A_1259 = tpu.memref_squeeze %swap3A_1258 : memref<1x1x4096xf32, #tpu.memory_space<vmem>> -> memref<1x4096xf32, #tpu.memory_space<vmem>>
      %swap3A_1260 = arith.index_cast %swap3A : i32 to index
      %swap3A_1261 = arith.index_cast %mul3A_1255 : i32 to index
      %swap3A_1262 = tpu.vector_load %swap3A_1259[%swap3A_1260, %swap3A_1261] {strides = array<i32>} : memref<1x4096xf32, #tpu.memory_space<vmem>>, vector<16xf32>,
      tpu.vector_store %swap3A_1259[%swap3A_1260, %swap3A_1261], %gather3A {strides = array<i32>} : memref<1x4096xf32, #tpu.memory_space<vmem>>, vector<16xf32>,
    }
    %scan3A_135 = arith.constant 256 : i32
    %dma_wait3A_136 = arith.constant 1 : i32
    %dma_wait3A_137 = arith.constant 0 : i32
    %dma_wait3A_138 = arith.constant 0 : i32
    %dma_wait3A_139 = tpu.memref_slice %arg7[%dma_wait3A_136, %dma_wait3A_137, %dma_wait3A_138] : memref<2x1x4096xf32, #tpu.memory_space<vmem>> -> memref<1x1x4096xf32, #tpu.memory_space<vmem>>
    %dma_wait3A_140 = tpu.memref_squeeze %dma_wait3A_139 : memref<1x1x4096xf32, #tpu.memory_space<vmem>> -> memref<1x4096xf32, #tpu.memory_space<vmem>>
    %dma_wait3A_141 = arith.constant 0 : i32
    %dma_wait3A_142 = tpu.memref_slice %arg4[%add3A_34, %dma_wait3A_141] : memref<832x4096xf32, #tpu.memory_space<hbm>> -> memref<1x4096xf32, #tpu.memory_space<hbm>>
    %dma_wait3A_143 = arith.constant 0 : i32
    %dma_wait3A_144 = tpu.memref_slice %arg4[%add3A_34, %dma_wait3A_143] : memref<832x4096xf32, #tpu.memory_space<hbm>> -> memref<1x4096xf32, #tpu.memory_space<hbm>>
    %dma_wait3A_145 = arith.constant 0 : i32
    %dma_wait3A_146 = arith.constant 0 : i32
    %dma_wait3A_147 = tpu.memref_slice %arg7[%dma_wait3A_136, %dma_wait3A_145, %dma_wait3A_146] : memref<2x1x4096xf32, #tpu.memory_space<vmem>> -> memref<1x1x4096xf32, #tpu.memory_space<vmem>>
    %dma_wait3A_148 = tpu.memref_squeeze %dma_wait3A_147 : memref<1x1x4096xf32, #tpu.memory_space<vmem>> -> memref<1x4096xf32, #tpu.memory_space<vmem>>
    tpu.wait_dma2 semaphore(%arg9 : memref<!tpu.dma_semaphore, #tpu.memory_space<semaphore_mem>>) src(%dma_wait3A_148 : memref<1x4096xf32, #tpu.memory_space<vmem>>) dst(%dma_wait3A_144 : memref<1x4096xf32, #tpu.memory_space<hbm>>)
    %dma_start3A_149 = arith.constant 1 : i32
    %dma_start3A_150 = arith.constant 0 : i32
    %dma_start3A_151 = arith.constant 0 : i32
    %dma_start3A_152 = tpu.memref_slice %arg7[%dma_start3A_149, %dma_start3A_150, %dma_start3A_151] : memref<2x1x4096xf32, #tpu.memory_space<vmem>> -> memref<1x1x4096xf32, #tpu.memory_space<vmem>>
    %dma_start3A_153 = tpu.memref_squeeze %dma_start3A_152 : memref<1x1x4096xf32, #tpu.memory_space<vmem>> -> memref<1x4096xf32, #tpu.memory_space<vmem>>
    %dma_start3A_154 = arith.constant 0 : i32
    %dma_start3A_155 = tpu.memref_slice %arg4[%add3A_117, %dma_start3A_154] : memref<832x4096xf32, #tpu.memory_space<hbm>> -> memref<1x4096xf32, #tpu.memory_space<hbm>>
    %dma_start3A_156 = arith.constant 0 : i32
    %dma_start3A_157 = tpu.memref_slice %arg4[%add3A_117, %dma_start3A_156] : memref<832x4096xf32, #tpu.memory_space<hbm>> -> memref<1x4096xf32, #tpu.memory_space<hbm>>
    %dma_start3A_158 = arith.constant 0 : i32
    %dma_start3A_159 = arith.constant 0 : i32
    %dma_start3A_160 = tpu.memref_slice %arg7[%dma_start3A_149, %dma_start3A_158, %dma_start3A_159] : memref<2x1x4096xf32, #tpu.memory_space<vmem>> -> memref<1x1x4096xf32, #tpu.memory_space<vmem>>
    %dma_start3A_161 = tpu.memref_squeeze %dma_start3A_160 : memref<1x1x4096xf32, #tpu.memory_space<vmem>> -> memref<1x4096xf32, #tpu.memory_space<vmem>>
    tpu.enqueue_dma source(%dma_start3A_161 : memref<1x4096xf32, #tpu.memory_space<vmem>>) target(%dma_start3A_157 : memref<1x4096xf32, #tpu.memory_space<hbm>>) target_semaphore(%arg9 : memref<!tpu.dma_semaphore, #tpu.memory_space<semaphore_mem>>)
    %mul3A_162 = arith.constant 26 : i32
    %mul3A_163 = arith.muli %add3A, %mul3A_162 : i32
    %add3A_164 = arith.constant 4 : i32
    %add3A_165 = arith.addi %mul3A_163, %add3A_164 : i32
    %div3A_166 = arith.constant 32 : i32
    %div3A_167 = arith.divsi %add3A_165, %div3A_166 : i32
    %dma_start3A_168 = arith.constant 0 : i32
    %dma_start3A_169 = tpu.memref_slice %arg2[%add3A_165, %dma_start3A_168] : memref<832x100000xf32, #tpu.memory_space<hbm>> -> memref<1x100000xf32, #tpu.memory_space<hbm>>
    %dma_start3A_170 = arith.constant 0 : i32
    %dma_start3A_171 = tpu.memref_slice %arg2[%add3A_165, %dma_start3A_170] : memref<832x100000xf32, #tpu.memory_space<hbm>> -> memref<1x100000xf32, #tpu.memory_space<hbm>>
    tpu.enqueue_dma source(%dma_start3A_171 : memref<1x100000xf32, #tpu.memory_space<hbm>>) target(%arg5 : memref<1x100000xf32, #tpu.memory_space<vmem>>) target_semaphore(%arg8 : memref<!tpu.dma_semaphore, #tpu.memory_space<semaphore_mem>>)
    "tpu.region"() ({
      %run_scoped3A = tpu.sem_alloc : memref<!tpu.dma_semaphore, #tpu.memory_space<semaphore_mem>>
      %dma_start3A_1244 = arith.constant 0 : i32
      %dma_start3A_1245 = tpu.memref_slice %arg3[%div3A_167, %dma_start3A_1244] : memref<26x4096xi32, #tpu.memory_space<hbm>> -> memref<1x4096xi32, #tpu.memory_space<hbm>>
      %dma_start3A_1246 = arith.constant 0 : i32
      %dma_start3A_1247 = tpu.memref_slice %arg3[%div3A_167, %dma_start3A_1246] : memref<26x4096xi32, #tpu.memory_space<hbm>> -> memref<1x4096xi32, #tpu.memory_space<hbm>>
      tpu.enqueue_dma source(%dma_start3A_1247 : memref<1x4096xi32, #tpu.memory_space<hbm>>) target(%arg6 : memref<1x4096xi32, #tpu.memory_space<vmem>>) target_semaphore(%run_scoped3A : memref<!tpu.dma_semaphore, #tpu.memory_space<semaphore_mem>>)
      %dma_wait3A_1248 = arith.constant 0 : i32
      %dma_wait3A_1249 = tpu.memref_slice %arg3[%div3A_167, %dma_wait3A_1248] : memref<26x4096xi32, #tpu.memory_space<hbm>> -> memref<1x4096xi32, #tpu.memory_space<hbm>>
      %dma_wait3A_1250 = arith.constant 0 : i32
      %dma_wait3A_1251 = tpu.memref_slice %arg3[%div3A_167, %dma_wait3A_1250] : memref<26x4096xi32, #tpu.memory_space<hbm>> -> memref<1x4096xi32, #tpu.memory_space<hbm>>
      tpu.wait_dma2 semaphore(%run_scoped3A : memref<!tpu.dma_semaphore, #tpu.memory_space<semaphore_mem>>) src(%dma_wait3A_1251 : memref<1x4096xi32, #tpu.memory_space<hbm>>) dst(%arg6 : memref<1x4096xi32, #tpu.memory_space<vmem>>)
      tpu.yield
    }) : () -> ()
    %dma_wait3A_172 = arith.constant 0 : i32
    %dma_wait3A_173 = tpu.memref_slice %arg2[%add3A_165, %dma_wait3A_172] : memref<832x100000xf32, #tpu.memory_space<hbm>> -> memref<1x100000xf32, #tpu.memory_space<hbm>>
    %dma_wait3A_174 = arith.constant 0 : i32
    %dma_wait3A_175 = tpu.memref_slice %arg2[%add3A_165, %dma_wait3A_174] : memref<832x100000xf32, #tpu.memory_space<hbm>> -> memref<1x100000xf32, #tpu.memory_space<hbm>>
    tpu.wait_dma2 semaphore(%arg8 : memref<!tpu.dma_semaphore, #tpu.memory_space<semaphore_mem>>) src(%dma_wait3A_175 : memref<1x100000xf32, #tpu.memory_space<hbm>>) dst(%arg5 : memref<1x100000xf32, #tpu.memory_space<vmem>>)
    %broadcast_in_dim3A_176 = arith.constant 0 : i32
    %broadcast_in_dim3A_177 = vector.broadcast %broadcast_in_dim3A_176 : i32 to vector<16xi32>
    %scan3A_178 = arith.constant 0 : i32
    %scan3A_179 = arith.constant 0 : i32
    %scan3A_180 = arith.constant 256 : i32
    %scan3A_181 = arith.addi %scan3A_179, %scan3A_180 : i32
    %scan3A_182 = arith.constant 1 : i32
    scf.for %scan3A_1244 = %scan3A_179 to %scan3A_181 step %scan3A_182  : i32 {
      %mul3A_1245 = arith.constant 1 : i32
      %mul3A_1246 = arith.muli %scan3A_1244, %mul3A_1245 : i32
      %add3A_1247 = arith.constant 0 : i32
      %add3A_1248 = arith.addi %add3A_1247, %mul3A_1246 : i32
      %mul3A_1249 = arith.constant 16 : i32
      %mul3A_1250 = arith.muli %add3A_1248, %mul3A_1249 : i32
      %get3A = arith.constant 0 : i32
      %get3A_1251 = arith.index_cast %get3A : i32 to index
      %get3A_1252 = arith.index_cast %mul3A_1250 : i32 to index
      %get3A_1253 = tpu.vector_load %arg6[%get3A_1251, %get3A_1252] {strides = array<i32>} : memref<1x4096xi32, #tpu.memory_space<vmem>>, vector<16xi32>,
      %gather3A = tpu.vector_load_idx %arg5[%broadcast_in_dim3A_177, %get3A_1253] : memref<1x100000xf32, #tpu.memory_space<vmem>>[vector<16xi32>, vector<16xi32>], vector<16xf32>,
      %mul3A_1254 = arith.constant 16 : i32
      %mul3A_1255 = arith.muli %add3A_1248, %mul3A_1254 : i32
      %swap3A = arith.constant 0 : i32
      %swap3A_1256 = arith.constant 0 : i32
      %swap3A_1257 = arith.constant 0 : i32
      %swap3A_1258 = tpu.memref_slice %arg7[%scan3A_178, %swap3A_1256, %swap3A_1257] : memref<2x1x4096xf32, #tpu.memory_space<vmem>> -> memref<1x1x4096xf32, #tpu.memory_space<vmem>>
      %swap3A_1259 = tpu.memref_squeeze %swap3A_1258 : memref<1x1x4096xf32, #tpu.memory_space<vmem>> -> memref<1x4096xf32, #tpu.memory_space<vmem>>
      %swap3A_1260 = arith.index_cast %swap3A : i32 to index
      %swap3A_1261 = arith.index_cast %mul3A_1255 : i32 to index
      %swap3A_1262 = tpu.vector_load %swap3A_1259[%swap3A_1260, %swap3A_1261] {strides = array<i32>} : memref<1x4096xf32, #tpu.memory_space<vmem>>, vector<16xf32>,
      tpu.vector_store %swap3A_1259[%swap3A_1260, %swap3A_1261], %gather3A {strides = array<i32>} : memref<1x4096xf32, #tpu.memory_space<vmem>>, vector<16xf32>,
    }
    %scan3A_183 = arith.constant 256 : i32
    %dma_wait3A_184 = arith.constant 0 : i32
    %dma_wait3A_185 = arith.constant 0 : i32
    %dma_wait3A_186 = arith.constant 0 : i32
    %dma_wait3A_187 = tpu.memref_slice %arg7[%dma_wait3A_184, %dma_wait3A_185, %dma_wait3A_186] : memref<2x1x4096xf32, #tpu.memory_space<vmem>> -> memref<1x1x4096xf32, #tpu.memory_space<vmem>>
    %dma_wait3A_188 = tpu.memref_squeeze %dma_wait3A_187 : memref<1x1x4096xf32, #tpu.memory_space<vmem>> -> memref<1x4096xf32, #tpu.memory_space<vmem>>
    %dma_wait3A_189 = arith.constant 0 : i32
    %dma_wait3A_190 = tpu.memref_slice %arg4[%add3A_69, %dma_wait3A_189] : memref<832x4096xf32, #tpu.memory_space<hbm>> -> memref<1x4096xf32, #tpu.memory_space<hbm>>
    %dma_wait3A_191 = arith.constant 0 : i32
    %dma_wait3A_192 = tpu.memref_slice %arg4[%add3A_69, %dma_wait3A_191] : memref<832x4096xf32, #tpu.memory_space<hbm>> -> memref<1x4096xf32, #tpu.memory_space<hbm>>
    %dma_wait3A_193 = arith.constant 0 : i32
    %dma_wait3A_194 = arith.constant 0 : i32
    %dma_wait3A_195 = tpu.memref_slice %arg7[%dma_wait3A_184, %dma_wait3A_193, %dma_wait3A_194] : memref<2x1x4096xf32, #tpu.memory_space<vmem>> -> memref<1x1x4096xf32, #tpu.memory_space<vmem>>
    %dma_wait3A_196 = tpu.memref_squeeze %dma_wait3A_195 : memref<1x1x4096xf32, #tpu.memory_space<vmem>> -> memref<1x4096xf32, #tpu.memory_space<vmem>>
    tpu.wait_dma2 semaphore(%arg9 : memref<!tpu.dma_semaphore, #tpu.memory_space<semaphore_mem>>) src(%dma_wait3A_196 : memref<1x4096xf32, #tpu.memory_space<vmem>>) dst(%dma_wait3A_192 : memref<1x4096xf32, #tpu.memory_space<hbm>>)
    %dma_start3A_197 = arith.constant 0 : i32
    %dma_start3A_198 = arith.constant 0 : i32
    %dma_start3A_199 = arith.constant 0 : i32
    %dma_start3A_200 = tpu.memref_slice %arg7[%dma_start3A_197, %dma_start3A_198, %dma_start3A_199] : memref<2x1x4096xf32, #tpu.memory_space<vmem>> -> memref<1x1x4096xf32, #tpu.memory_space<vmem>>
    %dma_start3A_201 = tpu.memref_squeeze %dma_start3A_200 : memref<1x1x4096xf32, #tpu.memory_space<vmem>> -> memref<1x4096xf32, #tpu.memory_space<vmem>>
    %dma_start3A_202 = arith.constant 0 : i32
    %dma_start3A_203 = tpu.memref_slice %arg4[%add3A_165, %dma_start3A_202] : memref<832x4096xf32, #tpu.memory_space<hbm>> -> memref<1x4096xf32, #tpu.memory_space<hbm>>
    %dma_start3A_204 = arith.constant 0 : i32
    %dma_start3A_205 = tpu.memref_slice %arg4[%add3A_165, %dma_start3A_204] : memref<832x4096xf32, #tpu.memory_space<hbm>> -> memref<1x4096xf32, #tpu.memory_space<hbm>>
    %dma_start3A_206 = arith.constant 0 : i32
    %dma_start3A_207 = arith.constant 0 : i32
    %dma_start3A_208 = tpu.memref_slice %arg7[%dma_start3A_197, %dma_start3A_206, %dma_start3A_207] : memref<2x1x4096xf32, #tpu.memory_space<vmem>> -> memref<1x1x4096xf32, #tpu.memory_space<vmem>>
    %dma_start3A_209 = tpu.memref_squeeze %dma_start3A_208 : memref<1x1x4096xf32, #tpu.memory_space<vmem>> -> memref<1x4096xf32, #tpu.memory_space<vmem>>
    tpu.enqueue_dma source(%dma_start3A_209 : memref<1x4096xf32, #tpu.memory_space<vmem>>) target(%dma_start3A_205 : memref<1x4096xf32, #tpu.memory_space<hbm>>) target_semaphore(%arg9 : memref<!tpu.dma_semaphore, #tpu.memory_space<semaphore_mem>>)
    %mul3A_210 = arith.constant 26 : i32
    %mul3A_211 = arith.muli %add3A, %mul3A_210 : i32
    %add3A_212 = arith.constant 5 : i32
    %add3A_213 = arith.addi %mul3A_211, %add3A_212 : i32
    %div3A_214 = arith.constant 32 : i32
    %div3A_215 = arith.divsi %add3A_213, %div3A_214 : i32
    %dma_start3A_216 = arith.constant 0 : i32
    %dma_start3A_217 = tpu.memref_slice %arg2[%add3A_213, %dma_start3A_216] : memref<832x100000xf32, #tpu.memory_space<hbm>> -> memref<1x100000xf32, #tpu.memory_space<hbm>>
    %dma_start3A_218 = arith.constant 0 : i32
    %dma_start3A_219 = tpu.memref_slice %arg2[%add3A_213, %dma_start3A_218] : memref<832x100000xf32, #tpu.memory_space<hbm>> -> memref<1x100000xf32, #tpu.memory_space<hbm>>
    tpu.enqueue_dma source(%dma_start3A_219 : memref<1x100000xf32, #tpu.memory_space<hbm>>) target(%arg5 : memref<1x100000xf32, #tpu.memory_space<vmem>>) target_semaphore(%arg8 : memref<!tpu.dma_semaphore, #tpu.memory_space<semaphore_mem>>)
    "tpu.region"() ({
      %run_scoped3A = tpu.sem_alloc : memref<!tpu.dma_semaphore, #tpu.memory_space<semaphore_mem>>
      %dma_start3A_1244 = arith.constant 0 : i32
      %dma_start3A_1245 = tpu.memref_slice %arg3[%div3A_215, %dma_start3A_1244] : memref<26x4096xi32, #tpu.memory_space<hbm>> -> memref<1x4096xi32, #tpu.memory_space<hbm>>
      %dma_start3A_1246 = arith.constant 0 : i32
      %dma_start3A_1247 = tpu.memref_slice %arg3[%div3A_215, %dma_start3A_1246] : memref<26x4096xi32, #tpu.memory_space<hbm>> -> memref<1x4096xi32, #tpu.memory_space<hbm>>
      tpu.enqueue_dma source(%dma_start3A_1247 : memref<1x4096xi32, #tpu.memory_space<hbm>>) target(%arg6 : memref<1x4096xi32, #tpu.memory_space<vmem>>) target_semaphore(%run_scoped3A : memref<!tpu.dma_semaphore, #tpu.memory_space<semaphore_mem>>)
      %dma_wait3A_1248 = arith.constant 0 : i32
      %dma_wait3A_1249 = tpu.memref_slice %arg3[%div3A_215, %dma_wait3A_1248] : memref<26x4096xi32, #tpu.memory_space<hbm>> -> memref<1x4096xi32, #tpu.memory_space<hbm>>
      %dma_wait3A_1250 = arith.constant 0 : i32
      %dma_wait3A_1251 = tpu.memref_slice %arg3[%div3A_215, %dma_wait3A_1250] : memref<26x4096xi32, #tpu.memory_space<hbm>> -> memref<1x4096xi32, #tpu.memory_space<hbm>>
      tpu.wait_dma2 semaphore(%run_scoped3A : memref<!tpu.dma_semaphore, #tpu.memory_space<semaphore_mem>>) src(%dma_wait3A_1251 : memref<1x4096xi32, #tpu.memory_space<hbm>>) dst(%arg6 : memref<1x4096xi32, #tpu.memory_space<vmem>>)
      tpu.yield
    }) : () -> ()
    %dma_wait3A_220 = arith.constant 0 : i32
    %dma_wait3A_221 = tpu.memref_slice %arg2[%add3A_213, %dma_wait3A_220] : memref<832x100000xf32, #tpu.memory_space<hbm>> -> memref<1x100000xf32, #tpu.memory_space<hbm>>
    %dma_wait3A_222 = arith.constant 0 : i32
    %dma_wait3A_223 = tpu.memref_slice %arg2[%add3A_213, %dma_wait3A_222] : memref<832x100000xf32, #tpu.memory_space<hbm>> -> memref<1x100000xf32, #tpu.memory_space<hbm>>
    tpu.wait_dma2 semaphore(%arg8 : memref<!tpu.dma_semaphore, #tpu.memory_space<semaphore_mem>>) src(%dma_wait3A_223 : memref<1x100000xf32, #tpu.memory_space<hbm>>) dst(%arg5 : memref<1x100000xf32, #tpu.memory_space<vmem>>)
    %broadcast_in_dim3A_224 = arith.constant 0 : i32
    %broadcast_in_dim3A_225 = vector.broadcast %broadcast_in_dim3A_224 : i32 to vector<16xi32>
    %scan3A_226 = arith.constant 1 : i32
    %scan3A_227 = arith.constant 0 : i32
    %scan3A_228 = arith.constant 256 : i32
    %scan3A_229 = arith.addi %scan3A_227, %scan3A_228 : i32
    %scan3A_230 = arith.constant 1 : i32
    scf.for %scan3A_1244 = %scan3A_227 to %scan3A_229 step %scan3A_230  : i32 {
      %mul3A_1245 = arith.constant 1 : i32
      %mul3A_1246 = arith.muli %scan3A_1244, %mul3A_1245 : i32
      %add3A_1247 = arith.constant 0 : i32
      %add3A_1248 = arith.addi %add3A_1247, %mul3A_1246 : i32
      %mul3A_1249 = arith.constant 16 : i32
      %mul3A_1250 = arith.muli %add3A_1248, %mul3A_1249 : i32
      %get3A = arith.constant 0 : i32
      %get3A_1251 = arith.index_cast %get3A : i32 to index
      %get3A_1252 = arith.index_cast %mul3A_1250 : i32 to index
      %get3A_1253 = tpu.vector_load %arg6[%get3A_1251, %get3A_1252] {strides = array<i32>} : memref<1x4096xi32, #tpu.memory_space<vmem>>, vector<16xi32>,
      %gather3A = tpu.vector_load_idx %arg5[%broadcast_in_dim3A_225, %get3A_1253] : memref<1x100000xf32, #tpu.memory_space<vmem>>[vector<16xi32>, vector<16xi32>], vector<16xf32>,
      %mul3A_1254 = arith.constant 16 : i32
      %mul3A_1255 = arith.muli %add3A_1248, %mul3A_1254 : i32
      %swap3A = arith.constant 0 : i32
      %swap3A_1256 = arith.constant 0 : i32
      %swap3A_1257 = arith.constant 0 : i32
      %swap3A_1258 = tpu.memref_slice %arg7[%scan3A_226, %swap3A_1256, %swap3A_1257] : memref<2x1x4096xf32, #tpu.memory_space<vmem>> -> memref<1x1x4096xf32, #tpu.memory_space<vmem>>
      %swap3A_1259 = tpu.memref_squeeze %swap3A_1258 : memref<1x1x4096xf32, #tpu.memory_space<vmem>> -> memref<1x4096xf32, #tpu.memory_space<vmem>>
      %swap3A_1260 = arith.index_cast %swap3A : i32 to index
      %swap3A_1261 = arith.index_cast %mul3A_1255 : i32 to index
      %swap3A_1262 = tpu.vector_load %swap3A_1259[%swap3A_1260, %swap3A_1261] {strides = array<i32>} : memref<1x4096xf32, #tpu.memory_space<vmem>>, vector<16xf32>,
      tpu.vector_store %swap3A_1259[%swap3A_1260, %swap3A_1261], %gather3A {strides = array<i32>} : memref<1x4096xf32, #tpu.memory_space<vmem>>, vector<16xf32>,
    }
    %scan3A_231 = arith.constant 256 : i32
    %dma_wait3A_232 = arith.constant 1 : i32
    %dma_wait3A_233 = arith.constant 0 : i32
    %dma_wait3A_234 = arith.constant 0 : i32
    %dma_wait3A_235 = tpu.memref_slice %arg7[%dma_wait3A_232, %dma_wait3A_233, %dma_wait3A_234] : memref<2x1x4096xf32, #tpu.memory_space<vmem>> -> memref<1x1x4096xf32, #tpu.memory_space<vmem>>
    %dma_wait3A_236 = tpu.memref_squeeze %dma_wait3A_235 : memref<1x1x4096xf32, #tpu.memory_space<vmem>> -> memref<1x4096xf32, #tpu.memory_space<vmem>>
    %dma_wait3A_237 = arith.constant 0 : i32
    %dma_wait3A_238 = tpu.memref_slice %arg4[%add3A_117, %dma_wait3A_237] : memref<832x4096xf32, #tpu.memory_space<hbm>> -> memref<1x4096xf32, #tpu.memory_space<hbm>>
    %dma_wait3A_239 = arith.constant 0 : i32
    %dma_wait3A_240 = tpu.memref_slice %arg4[%add3A_117, %dma_wait3A_239] : memref<832x4096xf32, #tpu.memory_space<hbm>> -> memref<1x4096xf32, #tpu.memory_space<hbm>>
    %dma_wait3A_241 = arith.constant 0 : i32
    %dma_wait3A_242 = arith.constant 0 : i32
    %dma_wait3A_243 = tpu.memref_slice %arg7[%dma_wait3A_232, %dma_wait3A_241, %dma_wait3A_242] : memref<2x1x4096xf32, #tpu.memory_space<vmem>> -> memref<1x1x4096xf32, #tpu.memory_space<vmem>>
    %dma_wait3A_244 = tpu.memref_squeeze %dma_wait3A_243 : memref<1x1x4096xf32, #tpu.memory_space<vmem>> -> memref<1x4096xf32, #tpu.memory_space<vmem>>
    tpu.wait_dma2 semaphore(%arg9 : memref<!tpu.dma_semaphore, #tpu.memory_space<semaphore_mem>>) src(%dma_wait3A_244 : memref<1x4096xf32, #tpu.memory_space<vmem>>) dst(%dma_wait3A_240 : memref<1x4096xf32, #tpu.memory_space<hbm>>)
    %dma_start3A_245 = arith.constant 1 : i32
    %dma_start3A_246 = arith.constant 0 : i32
    %dma_start3A_247 = arith.constant 0 : i32
    %dma_start3A_248 = tpu.memref_slice %arg7[%dma_start3A_245, %dma_start3A_246, %dma_start3A_247] : memref<2x1x4096xf32, #tpu.memory_space<vmem>> -> memref<1x1x4096xf32, #tpu.memory_space<vmem>>
    %dma_start3A_249 = tpu.memref_squeeze %dma_start3A_248 : memref<1x1x4096xf32, #tpu.memory_space<vmem>> -> memref<1x4096xf32, #tpu.memory_space<vmem>>
    %dma_start3A_250 = arith.constant 0 : i32
    %dma_start3A_251 = tpu.memref_slice %arg4[%add3A_213, %dma_start3A_250] : memref<832x4096xf32, #tpu.memory_space<hbm>> -> memref<1x4096xf32, #tpu.memory_space<hbm>>
    %dma_start3A_252 = arith.constant 0 : i32
    %dma_start3A_253 = tpu.memref_slice %arg4[%add3A_213, %dma_start3A_252] : memref<832x4096xf32, #tpu.memory_space<hbm>> -> memref<1x4096xf32, #tpu.memory_space<hbm>>
    %dma_start3A_254 = arith.constant 0 : i32
    %dma_start3A_255 = arith.constant 0 : i32
    %dma_start3A_256 = tpu.memref_slice %arg7[%dma_start3A_245, %dma_start3A_254, %dma_start3A_255] : memref<2x1x4096xf32, #tpu.memory_space<vmem>> -> memref<1x1x4096xf32, #tpu.memory_space<vmem>>
    %dma_start3A_257 = tpu.memref_squeeze %dma_start3A_256 : memref<1x1x4096xf32, #tpu.memory_space<vmem>> -> memref<1x4096xf32, #tpu.memory_space<vmem>>
    tpu.enqueue_dma source(%dma_start3A_257 : memref<1x4096xf32, #tpu.memory_space<vmem>>) target(%dma_start3A_253 : memref<1x4096xf32, #tpu.memory_space<hbm>>) target_semaphore(%arg9 : memref<!tpu.dma_semaphore, #tpu.memory_space<semaphore_mem>>)
    %mul3A_258 = arith.constant 26 : i32
    %mul3A_259 = arith.muli %add3A, %mul3A_258 : i32
    %add3A_260 = arith.constant 6 : i32
    %add3A_261 = arith.addi %mul3A_259, %add3A_260 : i32
    %div3A_262 = arith.constant 32 : i32
    %div3A_263 = arith.divsi %add3A_261, %div3A_262 : i32
    %dma_start3A_264 = arith.constant 0 : i32
    %dma_start3A_265 = tpu.memref_slice %arg2[%add3A_261, %dma_start3A_264] : memref<832x100000xf32, #tpu.memory_space<hbm>> -> memref<1x100000xf32, #tpu.memory_space<hbm>>
    %dma_start3A_266 = arith.constant 0 : i32
    %dma_start3A_267 = tpu.memref_slice %arg2[%add3A_261, %dma_start3A_266] : memref<832x100000xf32, #tpu.memory_space<hbm>> -> memref<1x100000xf32, #tpu.memory_space<hbm>>
    tpu.enqueue_dma source(%dma_start3A_267 : memref<1x100000xf32, #tpu.memory_space<hbm>>) target(%arg5 : memref<1x100000xf32, #tpu.memory_space<vmem>>) target_semaphore(%arg8 : memref<!tpu.dma_semaphore, #tpu.memory_space<semaphore_mem>>)
    "tpu.region"() ({
      %run_scoped3A = tpu.sem_alloc : memref<!tpu.dma_semaphore, #tpu.memory_space<semaphore_mem>>
      %dma_start3A_1244 = arith.constant 0 : i32
      %dma_start3A_1245 = tpu.memref_slice %arg3[%div3A_263, %dma_start3A_1244] : memref<26x4096xi32, #tpu.memory_space<hbm>> -> memref<1x4096xi32, #tpu.memory_space<hbm>>
      %dma_start3A_1246 = arith.constant 0 : i32
      %dma_start3A_1247 = tpu.memref_slice %arg3[%div3A_263, %dma_start3A_1246] : memref<26x4096xi32, #tpu.memory_space<hbm>> -> memref<1x4096xi32, #tpu.memory_space<hbm>>
      tpu.enqueue_dma source(%dma_start3A_1247 : memref<1x4096xi32, #tpu.memory_space<hbm>>) target(%arg6 : memref<1x4096xi32, #tpu.memory_space<vmem>>) target_semaphore(%run_scoped3A : memref<!tpu.dma_semaphore, #tpu.memory_space<semaphore_mem>>)
      %dma_wait3A_1248 = arith.constant 0 : i32
      %dma_wait3A_1249 = tpu.memref_slice %arg3[%div3A_263, %dma_wait3A_1248] : memref<26x4096xi32, #tpu.memory_space<hbm>> -> memref<1x4096xi32, #tpu.memory_space<hbm>>
      %dma_wait3A_1250 = arith.constant 0 : i32
      %dma_wait3A_1251 = tpu.memref_slice %arg3[%div3A_263, %dma_wait3A_1250] : memref<26x4096xi32, #tpu.memory_space<hbm>> -> memref<1x4096xi32, #tpu.memory_space<hbm>>
      tpu.wait_dma2 semaphore(%run_scoped3A : memref<!tpu.dma_semaphore, #tpu.memory_space<semaphore_mem>>) src(%dma_wait3A_1251 : memref<1x4096xi32, #tpu.memory_space<hbm>>) dst(%arg6 : memref<1x4096xi32, #tpu.memory_space<vmem>>)
      tpu.yield
    }) : () -> ()
    %dma_wait3A_268 = arith.constant 0 : i32
    %dma_wait3A_269 = tpu.memref_slice %arg2[%add3A_261, %dma_wait3A_268] : memref<832x100000xf32, #tpu.memory_space<hbm>> -> memref<1x100000xf32, #tpu.memory_space<hbm>>
    %dma_wait3A_270 = arith.constant 0 : i32
    %dma_wait3A_271 = tpu.memref_slice %arg2[%add3A_261, %dma_wait3A_270] : memref<832x100000xf32, #tpu.memory_space<hbm>> -> memref<1x100000xf32, #tpu.memory_space<hbm>>
    tpu.wait_dma2 semaphore(%arg8 : memref<!tpu.dma_semaphore, #tpu.memory_space<semaphore_mem>>) src(%dma_wait3A_271 : memref<1x100000xf32, #tpu.memory_space<hbm>>) dst(%arg5 : memref<1x100000xf32, #tpu.memory_space<vmem>>)
    %broadcast_in_dim3A_272 = arith.constant 0 : i32
    %broadcast_in_dim3A_273 = vector.broadcast %broadcast_in_dim3A_272 : i32 to vector<16xi32>
    %scan3A_274 = arith.constant 0 : i32
    %scan3A_275 = arith.constant 0 : i32
    %scan3A_276 = arith.constant 256 : i32
    %scan3A_277 = arith.addi %scan3A_275, %scan3A_276 : i32
    %scan3A_278 = arith.constant 1 : i32
    scf.for %scan3A_1244 = %scan3A_275 to %scan3A_277 step %scan3A_278  : i32 {
      %mul3A_1245 = arith.constant 1 : i32
      %mul3A_1246 = arith.muli %scan3A_1244, %mul3A_1245 : i32
      %add3A_1247 = arith.constant 0 : i32
      %add3A_1248 = arith.addi %add3A_1247, %mul3A_1246 : i32
      %mul3A_1249 = arith.constant 16 : i32
      %mul3A_1250 = arith.muli %add3A_1248, %mul3A_1249 : i32
      %get3A = arith.constant 0 : i32
      %get3A_1251 = arith.index_cast %get3A : i32 to index
      %get3A_1252 = arith.index_cast %mul3A_1250 : i32 to index
      %get3A_1253 = tpu.vector_load %arg6[%get3A_1251, %get3A_1252] {strides = array<i32>} : memref<1x4096xi32, #tpu.memory_space<vmem>>, vector<16xi32>,
      %gather3A = tpu.vector_load_idx %arg5[%broadcast_in_dim3A_273, %get3A_1253] : memref<1x100000xf32, #tpu.memory_space<vmem>>[vector<16xi32>, vector<16xi32>], vector<16xf32>,
      %mul3A_1254 = arith.constant 16 : i32
      %mul3A_1255 = arith.muli %add3A_1248, %mul3A_1254 : i32
      %swap3A = arith.constant 0 : i32
      %swap3A_1256 = arith.constant 0 : i32
      %swap3A_1257 = arith.constant 0 : i32
      %swap3A_1258 = tpu.memref_slice %arg7[%scan3A_274, %swap3A_1256, %swap3A_1257] : memref<2x1x4096xf32, #tpu.memory_space<vmem>> -> memref<1x1x4096xf32, #tpu.memory_space<vmem>>
      %swap3A_1259 = tpu.memref_squeeze %swap3A_1258 : memref<1x1x4096xf32, #tpu.memory_space<vmem>> -> memref<1x4096xf32, #tpu.memory_space<vmem>>
      %swap3A_1260 = arith.index_cast %swap3A : i32 to index
      %swap3A_1261 = arith.index_cast %mul3A_1255 : i32 to index
      %swap3A_1262 = tpu.vector_load %swap3A_1259[%swap3A_1260, %swap3A_1261] {strides = array<i32>} : memref<1x4096xf32, #tpu.memory_space<vmem>>, vector<16xf32>,
      tpu.vector_store %swap3A_1259[%swap3A_1260, %swap3A_1261], %gather3A {strides = array<i32>} : memref<1x4096xf32, #tpu.memory_space<vmem>>, vector<16xf32>,
    }
    %scan3A_279 = arith.constant 256 : i32
    %dma_wait3A_280 = arith.constant 0 : i32
    %dma_wait3A_281 = arith.constant 0 : i32
    %dma_wait3A_282 = arith.constant 0 : i32
    %dma_wait3A_283 = tpu.memref_slice %arg7[%dma_wait3A_280, %dma_wait3A_281, %dma_wait3A_282] : memref<2x1x4096xf32, #tpu.memory_space<vmem>> -> memref<1x1x4096xf32, #tpu.memory_space<vmem>>
    %dma_wait3A_284 = tpu.memref_squeeze %dma_wait3A_283 : memref<1x1x4096xf32, #tpu.memory_space<vmem>> -> memref<1x4096xf32, #tpu.memory_space<vmem>>
    %dma_wait3A_285 = arith.constant 0 : i32
    %dma_wait3A_286 = tpu.memref_slice %arg4[%add3A_165, %dma_wait3A_285] : memref<832x4096xf32, #tpu.memory_space<hbm>> -> memref<1x4096xf32, #tpu.memory_space<hbm>>
    %dma_wait3A_287 = arith.constant 0 : i32
    %dma_wait3A_288 = tpu.memref_slice %arg4[%add3A_165, %dma_wait3A_287] : memref<832x4096xf32, #tpu.memory_space<hbm>> -> memref<1x4096xf32, #tpu.memory_space<hbm>>
    %dma_wait3A_289 = arith.constant 0 : i32
    %dma_wait3A_290 = arith.constant 0 : i32
    %dma_wait3A_291 = tpu.memref_slice %arg7[%dma_wait3A_280, %dma_wait3A_289, %dma_wait3A_290] : memref<2x1x4096xf32, #tpu.memory_space<vmem>> -> memref<1x1x4096xf32, #tpu.memory_space<vmem>>
    %dma_wait3A_292 = tpu.memref_squeeze %dma_wait3A_291 : memref<1x1x4096xf32, #tpu.memory_space<vmem>> -> memref<1x4096xf32, #tpu.memory_space<vmem>>
    tpu.wait_dma2 semaphore(%arg9 : memref<!tpu.dma_semaphore, #tpu.memory_space<semaphore_mem>>) src(%dma_wait3A_292 : memref<1x4096xf32, #tpu.memory_space<vmem>>) dst(%dma_wait3A_288 : memref<1x4096xf32, #tpu.memory_space<hbm>>)
    %dma_start3A_293 = arith.constant 0 : i32
    %dma_start3A_294 = arith.constant 0 : i32
    %dma_start3A_295 = arith.constant 0 : i32
    %dma_start3A_296 = tpu.memref_slice %arg7[%dma_start3A_293, %dma_start3A_294, %dma_start3A_295] : memref<2x1x4096xf32, #tpu.memory_space<vmem>> -> memref<1x1x4096xf32, #tpu.memory_space<vmem>>
    %dma_start3A_297 = tpu.memref_squeeze %dma_start3A_296 : memref<1x1x4096xf32, #tpu.memory_space<vmem>> -> memref<1x4096xf32, #tpu.memory_space<vmem>>
    %dma_start3A_298 = arith.constant 0 : i32
    %dma_start3A_299 = tpu.memref_slice %arg4[%add3A_261, %dma_start3A_298] : memref<832x4096xf32, #tpu.memory_space<hbm>> -> memref<1x4096xf32, #tpu.memory_space<hbm>>
    %dma_start3A_300 = arith.constant 0 : i32
    %dma_start3A_301 = tpu.memref_slice %arg4[%add3A_261, %dma_start3A_300] : memref<832x4096xf32, #tpu.memory_space<hbm>> -> memref<1x4096xf32, #tpu.memory_space<hbm>>
    %dma_start3A_302 = arith.constant 0 : i32
    %dma_start3A_303 = arith.constant 0 : i32
    %dma_start3A_304 = tpu.memref_slice %arg7[%dma_start3A_293, %dma_start3A_302, %dma_start3A_303] : memref<2x1x4096xf32, #tpu.memory_space<vmem>> -> memref<1x1x4096xf32, #tpu.memory_space<vmem>>
    %dma_start3A_305 = tpu.memref_squeeze %dma_start3A_304 : memref<1x1x4096xf32, #tpu.memory_space<vmem>> -> memref<1x4096xf32, #tpu.memory_space<vmem>>
    tpu.enqueue_dma source(%dma_start3A_305 : memref<1x4096xf32, #tpu.memory_space<vmem>>) target(%dma_start3A_301 : memref<1x4096xf32, #tpu.memory_space<hbm>>) target_semaphore(%arg9 : memref<!tpu.dma_semaphore, #tpu.memory_space<semaphore_mem>>)
    %mul3A_306 = arith.constant 26 : i32
    %mul3A_307 = arith.muli %add3A, %mul3A_306 : i32
    %add3A_308 = arith.constant 7 : i32
    %add3A_309 = arith.addi %mul3A_307, %add3A_308 : i32
    %div3A_310 = arith.constant 32 : i32
    %div3A_311 = arith.divsi %add3A_309, %div3A_310 : i32
    %dma_start3A_312 = arith.constant 0 : i32
    %dma_start3A_313 = tpu.memref_slice %arg2[%add3A_309, %dma_start3A_312] : memref<832x100000xf32, #tpu.memory_space<hbm>> -> memref<1x100000xf32, #tpu.memory_space<hbm>>
    %dma_start3A_314 = arith.constant 0 : i32
    %dma_start3A_315 = tpu.memref_slice %arg2[%add3A_309, %dma_start3A_314] : memref<832x100000xf32, #tpu.memory_space<hbm>> -> memref<1x100000xf32, #tpu.memory_space<hbm>>
    tpu.enqueue_dma source(%dma_start3A_315 : memref<1x100000xf32, #tpu.memory_space<hbm>>) target(%arg5 : memref<1x100000xf32, #tpu.memory_space<vmem>>) target_semaphore(%arg8 : memref<!tpu.dma_semaphore, #tpu.memory_space<semaphore_mem>>)
    "tpu.region"() ({
      %run_scoped3A = tpu.sem_alloc : memref<!tpu.dma_semaphore, #tpu.memory_space<semaphore_mem>>
      %dma_start3A_1244 = arith.constant 0 : i32
      %dma_start3A_1245 = tpu.memref_slice %arg3[%div3A_311, %dma_start3A_1244] : memref<26x4096xi32, #tpu.memory_space<hbm>> -> memref<1x4096xi32, #tpu.memory_space<hbm>>
      %dma_start3A_1246 = arith.constant 0 : i32
      %dma_start3A_1247 = tpu.memref_slice %arg3[%div3A_311, %dma_start3A_1246] : memref<26x4096xi32, #tpu.memory_space<hbm>> -> memref<1x4096xi32, #tpu.memory_space<hbm>>
      tpu.enqueue_dma source(%dma_start3A_1247 : memref<1x4096xi32, #tpu.memory_space<hbm>>) target(%arg6 : memref<1x4096xi32, #tpu.memory_space<vmem>>) target_semaphore(%run_scoped3A : memref<!tpu.dma_semaphore, #tpu.memory_space<semaphore_mem>>)
      %dma_wait3A_1248 = arith.constant 0 : i32
      %dma_wait3A_1249 = tpu.memref_slice %arg3[%div3A_311, %dma_wait3A_1248] : memref<26x4096xi32, #tpu.memory_space<hbm>> -> memref<1x4096xi32, #tpu.memory_space<hbm>>
      %dma_wait3A_1250 = arith.constant 0 : i32
      %dma_wait3A_1251 = tpu.memref_slice %arg3[%div3A_311, %dma_wait3A_1250] : memref<26x4096xi32, #tpu.memory_space<hbm>> -> memref<1x4096xi32, #tpu.memory_space<hbm>>
      tpu.wait_dma2 semaphore(%run_scoped3A : memref<!tpu.dma_semaphore, #tpu.memory_space<semaphore_mem>>) src(%dma_wait3A_1251 : memref<1x4096xi32, #tpu.memory_space<hbm>>) dst(%arg6 : memref<1x4096xi32, #tpu.memory_space<vmem>>)
      tpu.yield
    }) : () -> ()
    %dma_wait3A_316 = arith.constant 0 : i32
    %dma_wait3A_317 = tpu.memref_slice %arg2[%add3A_309, %dma_wait3A_316] : memref<832x100000xf32, #tpu.memory_space<hbm>> -> memref<1x100000xf32, #tpu.memory_space<hbm>>
    %dma_wait3A_318 = arith.constant 0 : i32
    %dma_wait3A_319 = tpu.memref_slice %arg2[%add3A_309, %dma_wait3A_318] : memref<832x100000xf32, #tpu.memory_space<hbm>> -> memref<1x100000xf32, #tpu.memory_space<hbm>>
    tpu.wait_dma2 semaphore(%arg8 : memref<!tpu.dma_semaphore, #tpu.memory_space<semaphore_mem>>) src(%dma_wait3A_319 : memref<1x100000xf32, #tpu.memory_space<hbm>>) dst(%arg5 : memref<1x100000xf32, #tpu.memory_space<vmem>>)
    %broadcast_in_dim3A_320 = arith.constant 0 : i32
    %broadcast_in_dim3A_321 = vector.broadcast %broadcast_in_dim3A_320 : i32 to vector<16xi32>
    %scan3A_322 = arith.constant 1 : i32
    %scan3A_323 = arith.constant 0 : i32
    %scan3A_324 = arith.constant 256 : i32
    %scan3A_325 = arith.addi %scan3A_323, %scan3A_324 : i32
    %scan3A_326 = arith.constant 1 : i32
    scf.for %scan3A_1244 = %scan3A_323 to %scan3A_325 step %scan3A_326  : i32 {
      %mul3A_1245 = arith.constant 1 : i32
      %mul3A_1246 = arith.muli %scan3A_1244, %mul3A_1245 : i32
      %add3A_1247 = arith.constant 0 : i32
      %add3A_1248 = arith.addi %add3A_1247, %mul3A_1246 : i32
      %mul3A_1249 = arith.constant 16 : i32
      %mul3A_1250 = arith.muli %add3A_1248, %mul3A_1249 : i32
      %get3A = arith.constant 0 : i32
      %get3A_1251 = arith.index_cast %get3A : i32 to index
      %get3A_1252 = arith.index_cast %mul3A_1250 : i32 to index
      %get3A_1253 = tpu.vector_load %arg6[%get3A_1251, %get3A_1252] {strides = array<i32>} : memref<1x4096xi32, #tpu.memory_space<vmem>>, vector<16xi32>,
      %gather3A = tpu.vector_load_idx %arg5[%broadcast_in_dim3A_321, %get3A_1253] : memref<1x100000xf32, #tpu.memory_space<vmem>>[vector<16xi32>, vector<16xi32>], vector<16xf32>,
      %mul3A_1254 = arith.constant 16 : i32
      %mul3A_1255 = arith.muli %add3A_1248, %mul3A_1254 : i32
      %swap3A = arith.constant 0 : i32
      %swap3A_1256 = arith.constant 0 : i32
      %swap3A_1257 = arith.constant 0 : i32
      %swap3A_1258 = tpu.memref_slice %arg7[%scan3A_322, %swap3A_1256, %swap3A_1257] : memref<2x1x4096xf32, #tpu.memory_space<vmem>> -> memref<1x1x4096xf32, #tpu.memory_space<vmem>>
      %swap3A_1259 = tpu.memref_squeeze %swap3A_1258 : memref<1x1x4096xf32, #tpu.memory_space<vmem>> -> memref<1x4096xf32, #tpu.memory_space<vmem>>
      %swap3A_1260 = arith.index_cast %swap3A : i32 to index
      %swap3A_1261 = arith.index_cast %mul3A_1255 : i32 to index
      %swap3A_1262 = tpu.vector_load %swap3A_1259[%swap3A_1260, %swap3A_1261] {strides = array<i32>} : memref<1x4096xf32, #tpu.memory_space<vmem>>, vector<16xf32>,
      tpu.vector_store %swap3A_1259[%swap3A_1260, %swap3A_1261], %gather3A {strides = array<i32>} : memref<1x4096xf32, #tpu.memory_space<vmem>>, vector<16xf32>,
    }
    %scan3A_327 = arith.constant 256 : i32
    %dma_wait3A_328 = arith.constant 1 : i32
    %dma_wait3A_329 = arith.constant 0 : i32
    %dma_wait3A_330 = arith.constant 0 : i32
    %dma_wait3A_331 = tpu.memref_slice %arg7[%dma_wait3A_328, %dma_wait3A_329, %dma_wait3A_330] : memref<2x1x4096xf32, #tpu.memory_space<vmem>> -> memref<1x1x4096xf32, #tpu.memory_space<vmem>>
    %dma_wait3A_332 = tpu.memref_squeeze %dma_wait3A_331 : memref<1x1x4096xf32, #tpu.memory_space<vmem>> -> memref<1x4096xf32, #tpu.memory_space<vmem>>
    %dma_wait3A_333 = arith.constant 0 : i32
    %dma_wait3A_334 = tpu.memref_slice %arg4[%add3A_213, %dma_wait3A_333] : memref<832x4096xf32, #tpu.memory_space<hbm>> -> memref<1x4096xf32, #tpu.memory_space<hbm>>
    %dma_wait3A_335 = arith.constant 0 : i32
    %dma_wait3A_336 = tpu.memref_slice %arg4[%add3A_213, %dma_wait3A_335] : memref<832x4096xf32, #tpu.memory_space<hbm>> -> memref<1x4096xf32, #tpu.memory_space<hbm>>
    %dma_wait3A_337 = arith.constant 0 : i32
    %dma_wait3A_338 = arith.constant 0 : i32
    %dma_wait3A_339 = tpu.memref_slice %arg7[%dma_wait3A_328, %dma_wait3A_337, %dma_wait3A_338] : memref<2x1x4096xf32, #tpu.memory_space<vmem>> -> memref<1x1x4096xf32, #tpu.memory_space<vmem>>
    %dma_wait3A_340 = tpu.memref_squeeze %dma_wait3A_339 : memref<1x1x4096xf32, #tpu.memory_space<vmem>> -> memref<1x4096xf32, #tpu.memory_space<vmem>>
    tpu.wait_dma2 semaphore(%arg9 : memref<!tpu.dma_semaphore, #tpu.memory_space<semaphore_mem>>) src(%dma_wait3A_340 : memref<1x4096xf32, #tpu.memory_space<vmem>>) dst(%dma_wait3A_336 : memref<1x4096xf32, #tpu.memory_space<hbm>>)
    %dma_start3A_341 = arith.constant 1 : i32
    %dma_start3A_342 = arith.constant 0 : i32
    %dma_start3A_343 = arith.constant 0 : i32
    %dma_start3A_344 = tpu.memref_slice %arg7[%dma_start3A_341, %dma_start3A_342, %dma_start3A_343] : memref<2x1x4096xf32, #tpu.memory_space<vmem>> -> memref<1x1x4096xf32, #tpu.memory_space<vmem>>
    %dma_start3A_345 = tpu.memref_squeeze %dma_start3A_344 : memref<1x1x4096xf32, #tpu.memory_space<vmem>> -> memref<1x4096xf32, #tpu.memory_space<vmem>>
    %dma_start3A_346 = arith.constant 0 : i32
    %dma_start3A_347 = tpu.memref_slice %arg4[%add3A_309, %dma_start3A_346] : memref<832x4096xf32, #tpu.memory_space<hbm>> -> memref<1x4096xf32, #tpu.memory_space<hbm>>
    %dma_start3A_348 = arith.constant 0 : i32
    %dma_start3A_349 = tpu.memref_slice %arg4[%add3A_309, %dma_start3A_348] : memref<832x4096xf32, #tpu.memory_space<hbm>> -> memref<1x4096xf32, #tpu.memory_space<hbm>>
    %dma_start3A_350 = arith.constant 0 : i32
    %dma_start3A_351 = arith.constant 0 : i32
    %dma_start3A_352 = tpu.memref_slice %arg7[%dma_start3A_341, %dma_start3A_350, %dma_start3A_351] : memref<2x1x4096xf32, #tpu.memory_space<vmem>> -> memref<1x1x4096xf32, #tpu.memory_space<vmem>>
    %dma_start3A_353 = tpu.memref_squeeze %dma_start3A_352 : memref<1x1x4096xf32, #tpu.memory_space<vmem>> -> memref<1x4096xf32, #tpu.memory_space<vmem>>
    tpu.enqueue_dma source(%dma_start3A_353 : memref<1x4096xf32, #tpu.memory_space<vmem>>) target(%dma_start3A_349 : memref<1x4096xf32, #tpu.memory_space<hbm>>) target_semaphore(%arg9 : memref<!tpu.dma_semaphore, #tpu.memory_space<semaphore_mem>>)
    %mul3A_354 = arith.constant 26 : i32
    %mul3A_355 = arith.muli %add3A, %mul3A_354 : i32
    %add3A_356 = arith.constant 8 : i32
    %add3A_357 = arith.addi %mul3A_355, %add3A_356 : i32
    %div3A_358 = arith.constant 32 : i32
    %div3A_359 = arith.divsi %add3A_357, %div3A_358 : i32
    %dma_start3A_360 = arith.constant 0 : i32
    %dma_start3A_361 = tpu.memref_slice %arg2[%add3A_357, %dma_start3A_360] : memref<832x100000xf32, #tpu.memory_space<hbm>> -> memref<1x100000xf32, #tpu.memory_space<hbm>>
    %dma_start3A_362 = arith.constant 0 : i32
    %dma_start3A_363 = tpu.memref_slice %arg2[%add3A_357, %dma_start3A_362] : memref<832x100000xf32, #tpu.memory_space<hbm>> -> memref<1x100000xf32, #tpu.memory_space<hbm>>
    tpu.enqueue_dma source(%dma_start3A_363 : memref<1x100000xf32, #tpu.memory_space<hbm>>) target(%arg5 : memref<1x100000xf32, #tpu.memory_space<vmem>>) target_semaphore(%arg8 : memref<!tpu.dma_semaphore, #tpu.memory_space<semaphore_mem>>)
    "tpu.region"() ({
      %run_scoped3A = tpu.sem_alloc : memref<!tpu.dma_semaphore, #tpu.memory_space<semaphore_mem>>
      %dma_start3A_1244 = arith.constant 0 : i32
      %dma_start3A_1245 = tpu.memref_slice %arg3[%div3A_359, %dma_start3A_1244] : memref<26x4096xi32, #tpu.memory_space<hbm>> -> memref<1x4096xi32, #tpu.memory_space<hbm>>
      %dma_start3A_1246 = arith.constant 0 : i32
      %dma_start3A_1247 = tpu.memref_slice %arg3[%div3A_359, %dma_start3A_1246] : memref<26x4096xi32, #tpu.memory_space<hbm>> -> memref<1x4096xi32, #tpu.memory_space<hbm>>
      tpu.enqueue_dma source(%dma_start3A_1247 : memref<1x4096xi32, #tpu.memory_space<hbm>>) target(%arg6 : memref<1x4096xi32, #tpu.memory_space<vmem>>) target_semaphore(%run_scoped3A : memref<!tpu.dma_semaphore, #tpu.memory_space<semaphore_mem>>)
      %dma_wait3A_1248 = arith.constant 0 : i32
      %dma_wait3A_1249 = tpu.memref_slice %arg3[%div3A_359, %dma_wait3A_1248] : memref<26x4096xi32, #tpu.memory_space<hbm>> -> memref<1x4096xi32, #tpu.memory_space<hbm>>
      %dma_wait3A_1250 = arith.constant 0 : i32
      %dma_wait3A_1251 = tpu.memref_slice %arg3[%div3A_359, %dma_wait3A_1250] : memref<26x4096xi32, #tpu.memory_space<hbm>> -> memref<1x4096xi32, #tpu.memory_space<hbm>>
      tpu.wait_dma2 semaphore(%run_scoped3A : memref<!tpu.dma_semaphore, #tpu.memory_space<semaphore_mem>>) src(%dma_wait3A_1251 : memref<1x4096xi32, #tpu.memory_space<hbm>>) dst(%arg6 : memref<1x4096xi32, #tpu.memory_space<vmem>>)
      tpu.yield
    }) : () -> ()
    %dma_wait3A_364 = arith.constant 0 : i32
    %dma_wait3A_365 = tpu.memref_slice %arg2[%add3A_357, %dma_wait3A_364] : memref<832x100000xf32, #tpu.memory_space<hbm>> -> memref<1x100000xf32, #tpu.memory_space<hbm>>
    %dma_wait3A_366 = arith.constant 0 : i32
    %dma_wait3A_367 = tpu.memref_slice %arg2[%add3A_357, %dma_wait3A_366] : memref<832x100000xf32, #tpu.memory_space<hbm>> -> memref<1x100000xf32, #tpu.memory_space<hbm>>
    tpu.wait_dma2 semaphore(%arg8 : memref<!tpu.dma_semaphore, #tpu.memory_space<semaphore_mem>>) src(%dma_wait3A_367 : memref<1x100000xf32, #tpu.memory_space<hbm>>) dst(%arg5 : memref<1x100000xf32, #tpu.memory_space<vmem>>)
    %broadcast_in_dim3A_368 = arith.constant 0 : i32
    %broadcast_in_dim3A_369 = vector.broadcast %broadcast_in_dim3A_368 : i32 to vector<16xi32>
    %scan3A_370 = arith.constant 0 : i32
    %scan3A_371 = arith.constant 0 : i32
    %scan3A_372 = arith.constant 256 : i32
    %scan3A_373 = arith.addi %scan3A_371, %scan3A_372 : i32
    %scan3A_374 = arith.constant 1 : i32
    scf.for %scan3A_1244 = %scan3A_371 to %scan3A_373 step %scan3A_374  : i32 {
      %mul3A_1245 = arith.constant 1 : i32
      %mul3A_1246 = arith.muli %scan3A_1244, %mul3A_1245 : i32
      %add3A_1247 = arith.constant 0 : i32
      %add3A_1248 = arith.addi %add3A_1247, %mul3A_1246 : i32
      %mul3A_1249 = arith.constant 16 : i32
      %mul3A_1250 = arith.muli %add3A_1248, %mul3A_1249 : i32
      %get3A = arith.constant 0 : i32
      %get3A_1251 = arith.index_cast %get3A : i32 to index
      %get3A_1252 = arith.index_cast %mul3A_1250 : i32 to index
      %get3A_1253 = tpu.vector_load %arg6[%get3A_1251, %get3A_1252] {strides = array<i32>} : memref<1x4096xi32, #tpu.memory_space<vmem>>, vector<16xi32>,
      %gather3A = tpu.vector_load_idx %arg5[%broadcast_in_dim3A_369, %get3A_1253] : memref<1x100000xf32, #tpu.memory_space<vmem>>[vector<16xi32>, vector<16xi32>], vector<16xf32>,
      %mul3A_1254 = arith.constant 16 : i32
      %mul3A_1255 = arith.muli %add3A_1248, %mul3A_1254 : i32
      %swap3A = arith.constant 0 : i32
      %swap3A_1256 = arith.constant 0 : i32
      %swap3A_1257 = arith.constant 0 : i32
      %swap3A_1258 = tpu.memref_slice %arg7[%scan3A_370, %swap3A_1256, %swap3A_1257] : memref<2x1x4096xf32, #tpu.memory_space<vmem>> -> memref<1x1x4096xf32, #tpu.memory_space<vmem>>
      %swap3A_1259 = tpu.memref_squeeze %swap3A_1258 : memref<1x1x4096xf32, #tpu.memory_space<vmem>> -> memref<1x4096xf32, #tpu.memory_space<vmem>>
      %swap3A_1260 = arith.index_cast %swap3A : i32 to index
      %swap3A_1261 = arith.index_cast %mul3A_1255 : i32 to index
      %swap3A_1262 = tpu.vector_load %swap3A_1259[%swap3A_1260, %swap3A_1261] {strides = array<i32>} : memref<1x4096xf32, #tpu.memory_space<vmem>>, vector<16xf32>,
      tpu.vector_store %swap3A_1259[%swap3A_1260, %swap3A_1261], %gather3A {strides = array<i32>} : memref<1x4096xf32, #tpu.memory_space<vmem>>, vector<16xf32>,
    }
    %scan3A_375 = arith.constant 256 : i32
    %dma_wait3A_376 = arith.constant 0 : i32
    %dma_wait3A_377 = arith.constant 0 : i32
    %dma_wait3A_378 = arith.constant 0 : i32
    %dma_wait3A_379 = tpu.memref_slice %arg7[%dma_wait3A_376, %dma_wait3A_377, %dma_wait3A_378] : memref<2x1x4096xf32, #tpu.memory_space<vmem>> -> memref<1x1x4096xf32, #tpu.memory_space<vmem>>
    %dma_wait3A_380 = tpu.memref_squeeze %dma_wait3A_379 : memref<1x1x4096xf32, #tpu.memory_space<vmem>> -> memref<1x4096xf32, #tpu.memory_space<vmem>>
    %dma_wait3A_381 = arith.constant 0 : i32
    %dma_wait3A_382 = tpu.memref_slice %arg4[%add3A_261, %dma_wait3A_381] : memref<832x4096xf32, #tpu.memory_space<hbm>> -> memref<1x4096xf32, #tpu.memory_space<hbm>>
    %dma_wait3A_383 = arith.constant 0 : i32
    %dma_wait3A_384 = tpu.memref_slice %arg4[%add3A_261, %dma_wait3A_383] : memref<832x4096xf32, #tpu.memory_space<hbm>> -> memref<1x4096xf32, #tpu.memory_space<hbm>>
    %dma_wait3A_385 = arith.constant 0 : i32
    %dma_wait3A_386 = arith.constant 0 : i32
    %dma_wait3A_387 = tpu.memref_slice %arg7[%dma_wait3A_376, %dma_wait3A_385, %dma_wait3A_386] : memref<2x1x4096xf32, #tpu.memory_space<vmem>> -> memref<1x1x4096xf32, #tpu.memory_space<vmem>>
    %dma_wait3A_388 = tpu.memref_squeeze %dma_wait3A_387 : memref<1x1x4096xf32, #tpu.memory_space<vmem>> -> memref<1x4096xf32, #tpu.memory_space<vmem>>
    tpu.wait_dma2 semaphore(%arg9 : memref<!tpu.dma_semaphore, #tpu.memory_space<semaphore_mem>>) src(%dma_wait3A_388 : memref<1x4096xf32, #tpu.memory_space<vmem>>) dst(%dma_wait3A_384 : memref<1x4096xf32, #tpu.memory_space<hbm>>)
    %dma_start3A_389 = arith.constant 0 : i32
    %dma_start3A_390 = arith.constant 0 : i32
    %dma_start3A_391 = arith.constant 0 : i32
    %dma_start3A_392 = tpu.memref_slice %arg7[%dma_start3A_389, %dma_start3A_390, %dma_start3A_391] : memref<2x1x4096xf32, #tpu.memory_space<vmem>> -> memref<1x1x4096xf32, #tpu.memory_space<vmem>>
    %dma_start3A_393 = tpu.memref_squeeze %dma_start3A_392 : memref<1x1x4096xf32, #tpu.memory_space<vmem>> -> memref<1x4096xf32, #tpu.memory_space<vmem>>
    %dma_start3A_394 = arith.constant 0 : i32
    %dma_start3A_395 = tpu.memref_slice %arg4[%add3A_357, %dma_start3A_394] : memref<832x4096xf32, #tpu.memory_space<hbm>> -> memref<1x4096xf32, #tpu.memory_space<hbm>>
    %dma_start3A_396 = arith.constant 0 : i32
    %dma_start3A_397 = tpu.memref_slice %arg4[%add3A_357, %dma_start3A_396] : memref<832x4096xf32, #tpu.memory_space<hbm>> -> memref<1x4096xf32, #tpu.memory_space<hbm>>
    %dma_start3A_398 = arith.constant 0 : i32
    %dma_start3A_399 = arith.constant 0 : i32
    %dma_start3A_400 = tpu.memref_slice %arg7[%dma_start3A_389, %dma_start3A_398, %dma_start3A_399] : memref<2x1x4096xf32, #tpu.memory_space<vmem>> -> memref<1x1x4096xf32, #tpu.memory_space<vmem>>
    %dma_start3A_401 = tpu.memref_squeeze %dma_start3A_400 : memref<1x1x4096xf32, #tpu.memory_space<vmem>> -> memref<1x4096xf32, #tpu.memory_space<vmem>>
    tpu.enqueue_dma source(%dma_start3A_401 : memref<1x4096xf32, #tpu.memory_space<vmem>>) target(%dma_start3A_397 : memref<1x4096xf32, #tpu.memory_space<hbm>>) target_semaphore(%arg9 : memref<!tpu.dma_semaphore, #tpu.memory_space<semaphore_mem>>)
    %mul3A_402 = arith.constant 26 : i32
    %mul3A_403 = arith.muli %add3A, %mul3A_402 : i32
    %add3A_404 = arith.constant 9 : i32
    %add3A_405 = arith.addi %mul3A_403, %add3A_404 : i32
    %div3A_406 = arith.constant 32 : i32
    %div3A_407 = arith.divsi %add3A_405, %div3A_406 : i32
    %dma_start3A_408 = arith.constant 0 : i32
    %dma_start3A_409 = tpu.memref_slice %arg2[%add3A_405, %dma_start3A_408] : memref<832x100000xf32, #tpu.memory_space<hbm>> -> memref<1x100000xf32, #tpu.memory_space<hbm>>
    %dma_start3A_410 = arith.constant 0 : i32
    %dma_start3A_411 = tpu.memref_slice %arg2[%add3A_405, %dma_start3A_410] : memref<832x100000xf32, #tpu.memory_space<hbm>> -> memref<1x100000xf32, #tpu.memory_space<hbm>>
    tpu.enqueue_dma source(%dma_start3A_411 : memref<1x100000xf32, #tpu.memory_space<hbm>>) target(%arg5 : memref<1x100000xf32, #tpu.memory_space<vmem>>) target_semaphore(%arg8 : memref<!tpu.dma_semaphore, #tpu.memory_space<semaphore_mem>>)
    "tpu.region"() ({
      %run_scoped3A = tpu.sem_alloc : memref<!tpu.dma_semaphore, #tpu.memory_space<semaphore_mem>>
      %dma_start3A_1244 = arith.constant 0 : i32
      %dma_start3A_1245 = tpu.memref_slice %arg3[%div3A_407, %dma_start3A_1244] : memref<26x4096xi32, #tpu.memory_space<hbm>> -> memref<1x4096xi32, #tpu.memory_space<hbm>>
      %dma_start3A_1246 = arith.constant 0 : i32
      %dma_start3A_1247 = tpu.memref_slice %arg3[%div3A_407, %dma_start3A_1246] : memref<26x4096xi32, #tpu.memory_space<hbm>> -> memref<1x4096xi32, #tpu.memory_space<hbm>>
      tpu.enqueue_dma source(%dma_start3A_1247 : memref<1x4096xi32, #tpu.memory_space<hbm>>) target(%arg6 : memref<1x4096xi32, #tpu.memory_space<vmem>>) target_semaphore(%run_scoped3A : memref<!tpu.dma_semaphore, #tpu.memory_space<semaphore_mem>>)
      %dma_wait3A_1248 = arith.constant 0 : i32
      %dma_wait3A_1249 = tpu.memref_slice %arg3[%div3A_407, %dma_wait3A_1248] : memref<26x4096xi32, #tpu.memory_space<hbm>> -> memref<1x4096xi32, #tpu.memory_space<hbm>>
      %dma_wait3A_1250 = arith.constant 0 : i32
      %dma_wait3A_1251 = tpu.memref_slice %arg3[%div3A_407, %dma_wait3A_1250] : memref<26x4096xi32, #tpu.memory_space<hbm>> -> memref<1x4096xi32, #tpu.memory_space<hbm>>
      tpu.wait_dma2 semaphore(%run_scoped3A : memref<!tpu.dma_semaphore, #tpu.memory_space<semaphore_mem>>) src(%dma_wait3A_1251 : memref<1x4096xi32, #tpu.memory_space<hbm>>) dst(%arg6 : memref<1x4096xi32, #tpu.memory_space<vmem>>)
      tpu.yield
    }) : () -> ()
    %dma_wait3A_412 = arith.constant 0 : i32
    %dma_wait3A_413 = tpu.memref_slice %arg2[%add3A_405, %dma_wait3A_412] : memref<832x100000xf32, #tpu.memory_space<hbm>> -> memref<1x100000xf32, #tpu.memory_space<hbm>>
    %dma_wait3A_414 = arith.constant 0 : i32
    %dma_wait3A_415 = tpu.memref_slice %arg2[%add3A_405, %dma_wait3A_414] : memref<832x100000xf32, #tpu.memory_space<hbm>> -> memref<1x100000xf32, #tpu.memory_space<hbm>>
    tpu.wait_dma2 semaphore(%arg8 : memref<!tpu.dma_semaphore, #tpu.memory_space<semaphore_mem>>) src(%dma_wait3A_415 : memref<1x100000xf32, #tpu.memory_space<hbm>>) dst(%arg5 : memref<1x100000xf32, #tpu.memory_space<vmem>>)
    %broadcast_in_dim3A_416 = arith.constant 0 : i32
    %broadcast_in_dim3A_417 = vector.broadcast %broadcast_in_dim3A_416 : i32 to vector<16xi32>
    %scan3A_418 = arith.constant 1 : i32
    %scan3A_419 = arith.constant 0 : i32
    %scan3A_420 = arith.constant 256 : i32
    %scan3A_421 = arith.addi %scan3A_419, %scan3A_420 : i32
    %scan3A_422 = arith.constant 1 : i32
    scf.for %scan3A_1244 = %scan3A_419 to %scan3A_421 step %scan3A_422  : i32 {
      %mul3A_1245 = arith.constant 1 : i32
      %mul3A_1246 = arith.muli %scan3A_1244, %mul3A_1245 : i32
      %add3A_1247 = arith.constant 0 : i32
      %add3A_1248 = arith.addi %add3A_1247, %mul3A_1246 : i32
      %mul3A_1249 = arith.constant 16 : i32
      %mul3A_1250 = arith.muli %add3A_1248, %mul3A_1249 : i32
      %get3A = arith.constant 0 : i32
      %get3A_1251 = arith.index_cast %get3A : i32 to index
      %get3A_1252 = arith.index_cast %mul3A_1250 : i32 to index
      %get3A_1253 = tpu.vector_load %arg6[%get3A_1251, %get3A_1252] {strides = array<i32>} : memref<1x4096xi32, #tpu.memory_space<vmem>>, vector<16xi32>,
      %gather3A = tpu.vector_load_idx %arg5[%broadcast_in_dim3A_417, %get3A_1253] : memref<1x100000xf32, #tpu.memory_space<vmem>>[vector<16xi32>, vector<16xi32>], vector<16xf32>,
      %mul3A_1254 = arith.constant 16 : i32
      %mul3A_1255 = arith.muli %add3A_1248, %mul3A_1254 : i32
      %swap3A = arith.constant 0 : i32
      %swap3A_1256 = arith.constant 0 : i32
      %swap3A_1257 = arith.constant 0 : i32
      %swap3A_1258 = tpu.memref_slice %arg7[%scan3A_418, %swap3A_1256, %swap3A_1257] : memref<2x1x4096xf32, #tpu.memory_space<vmem>> -> memref<1x1x4096xf32, #tpu.memory_space<vmem>>
      %swap3A_1259 = tpu.memref_squeeze %swap3A_1258 : memref<1x1x4096xf32, #tpu.memory_space<vmem>> -> memref<1x4096xf32, #tpu.memory_space<vmem>>
      %swap3A_1260 = arith.index_cast %swap3A : i32 to index
      %swap3A_1261 = arith.index_cast %mul3A_1255 : i32 to index
      %swap3A_1262 = tpu.vector_load %swap3A_1259[%swap3A_1260, %swap3A_1261] {strides = array<i32>} : memref<1x4096xf32, #tpu.memory_space<vmem>>, vector<16xf32>,
      tpu.vector_store %swap3A_1259[%swap3A_1260, %swap3A_1261], %gather3A {strides = array<i32>} : memref<1x4096xf32, #tpu.memory_space<vmem>>, vector<16xf32>,
    }
    %scan3A_423 = arith.constant 256 : i32
    %dma_wait3A_424 = arith.constant 1 : i32
    %dma_wait3A_425 = arith.constant 0 : i32
    %dma_wait3A_426 = arith.constant 0 : i32
    %dma_wait3A_427 = tpu.memref_slice %arg7[%dma_wait3A_424, %dma_wait3A_425, %dma_wait3A_426] : memref<2x1x4096xf32, #tpu.memory_space<vmem>> -> memref<1x1x4096xf32, #tpu.memory_space<vmem>>
    %dma_wait3A_428 = tpu.memref_squeeze %dma_wait3A_427 : memref<1x1x4096xf32, #tpu.memory_space<vmem>> -> memref<1x4096xf32, #tpu.memory_space<vmem>>
    %dma_wait3A_429 = arith.constant 0 : i32
    %dma_wait3A_430 = tpu.memref_slice %arg4[%add3A_309, %dma_wait3A_429] : memref<832x4096xf32, #tpu.memory_space<hbm>> -> memref<1x4096xf32, #tpu.memory_space<hbm>>
    %dma_wait3A_431 = arith.constant 0 : i32
    %dma_wait3A_432 = tpu.memref_slice %arg4[%add3A_309, %dma_wait3A_431] : memref<832x4096xf32, #tpu.memory_space<hbm>> -> memref<1x4096xf32, #tpu.memory_space<hbm>>
    %dma_wait3A_433 = arith.constant 0 : i32
    %dma_wait3A_434 = arith.constant 0 : i32
    %dma_wait3A_435 = tpu.memref_slice %arg7[%dma_wait3A_424, %dma_wait3A_433, %dma_wait3A_434] : memref<2x1x4096xf32, #tpu.memory_space<vmem>> -> memref<1x1x4096xf32, #tpu.memory_space<vmem>>
    %dma_wait3A_436 = tpu.memref_squeeze %dma_wait3A_435 : memref<1x1x4096xf32, #tpu.memory_space<vmem>> -> memref<1x4096xf32, #tpu.memory_space<vmem>>
    tpu.wait_dma2 semaphore(%arg9 : memref<!tpu.dma_semaphore, #tpu.memory_space<semaphore_mem>>) src(%dma_wait3A_436 : memref<1x4096xf32, #tpu.memory_space<vmem>>) dst(%dma_wait3A_432 : memref<1x4096xf32, #tpu.memory_space<hbm>>)
    %dma_start3A_437 = arith.constant 1 : i32
    %dma_start3A_438 = arith.constant 0 : i32
    %dma_start3A_439 = arith.constant 0 : i32
    %dma_start3A_440 = tpu.memref_slice %arg7[%dma_start3A_437, %dma_start3A_438, %dma_start3A_439] : memref<2x1x4096xf32, #tpu.memory_space<vmem>> -> memref<1x1x4096xf32, #tpu.memory_space<vmem>>
    %dma_start3A_441 = tpu.memref_squeeze %dma_start3A_440 : memref<1x1x4096xf32, #tpu.memory_space<vmem>> -> memref<1x4096xf32, #tpu.memory_space<vmem>>
    %dma_start3A_442 = arith.constant 0 : i32
    %dma_start3A_443 = tpu.memref_slice %arg4[%add3A_405, %dma_start3A_442] : memref<832x4096xf32, #tpu.memory_space<hbm>> -> memref<1x4096xf32, #tpu.memory_space<hbm>>
    %dma_start3A_444 = arith.constant 0 : i32
    %dma_start3A_445 = tpu.memref_slice %arg4[%add3A_405, %dma_start3A_444] : memref<832x4096xf32, #tpu.memory_space<hbm>> -> memref<1x4096xf32, #tpu.memory_space<hbm>>
    %dma_start3A_446 = arith.constant 0 : i32
    %dma_start3A_447 = arith.constant 0 : i32
    %dma_start3A_448 = tpu.memref_slice %arg7[%dma_start3A_437, %dma_start3A_446, %dma_start3A_447] : memref<2x1x4096xf32, #tpu.memory_space<vmem>> -> memref<1x1x4096xf32, #tpu.memory_space<vmem>>
    %dma_start3A_449 = tpu.memref_squeeze %dma_start3A_448 : memref<1x1x4096xf32, #tpu.memory_space<vmem>> -> memref<1x4096xf32, #tpu.memory_space<vmem>>
    tpu.enqueue_dma source(%dma_start3A_449 : memref<1x4096xf32, #tpu.memory_space<vmem>>) target(%dma_start3A_445 : memref<1x4096xf32, #tpu.memory_space<hbm>>) target_semaphore(%arg9 : memref<!tpu.dma_semaphore, #tpu.memory_space<semaphore_mem>>)
    %mul3A_450 = arith.constant 26 : i32
    %mul3A_451 = arith.muli %add3A, %mul3A_450 : i32
    %add3A_452 = arith.constant 10 : i32
    %add3A_453 = arith.addi %mul3A_451, %add3A_452 : i32
    %div3A_454 = arith.constant 32 : i32
    %div3A_455 = arith.divsi %add3A_453, %div3A_454 : i32
    %dma_start3A_456 = arith.constant 0 : i32
    %dma_start3A_457 = tpu.memref_slice %arg2[%add3A_453, %dma_start3A_456] : memref<832x100000xf32, #tpu.memory_space<hbm>> -> memref<1x100000xf32, #tpu.memory_space<hbm>>
    %dma_start3A_458 = arith.constant 0 : i32
    %dma_start3A_459 = tpu.memref_slice %arg2[%add3A_453, %dma_start3A_458] : memref<832x100000xf32, #tpu.memory_space<hbm>> -> memref<1x100000xf32, #tpu.memory_space<hbm>>
    tpu.enqueue_dma source(%dma_start3A_459 : memref<1x100000xf32, #tpu.memory_space<hbm>>) target(%arg5 : memref<1x100000xf32, #tpu.memory_space<vmem>>) target_semaphore(%arg8 : memref<!tpu.dma_semaphore, #tpu.memory_space<semaphore_mem>>)
    "tpu.region"() ({
      %run_scoped3A = tpu.sem_alloc : memref<!tpu.dma_semaphore, #tpu.memory_space<semaphore_mem>>
      %dma_start3A_1244 = arith.constant 0 : i32
      %dma_start3A_1245 = tpu.memref_slice %arg3[%div3A_455, %dma_start3A_1244] : memref<26x4096xi32, #tpu.memory_space<hbm>> -> memref<1x4096xi32, #tpu.memory_space<hbm>>
      %dma_start3A_1246 = arith.constant 0 : i32
      %dma_start3A_1247 = tpu.memref_slice %arg3[%div3A_455, %dma_start3A_1246] : memref<26x4096xi32, #tpu.memory_space<hbm>> -> memref<1x4096xi32, #tpu.memory_space<hbm>>
      tpu.enqueue_dma source(%dma_start3A_1247 : memref<1x4096xi32, #tpu.memory_space<hbm>>) target(%arg6 : memref<1x4096xi32, #tpu.memory_space<vmem>>) target_semaphore(%run_scoped3A : memref<!tpu.dma_semaphore, #tpu.memory_space<semaphore_mem>>)
      %dma_wait3A_1248 = arith.constant 0 : i32
      %dma_wait3A_1249 = tpu.memref_slice %arg3[%div3A_455, %dma_wait3A_1248] : memref<26x4096xi32, #tpu.memory_space<hbm>> -> memref<1x4096xi32, #tpu.memory_space<hbm>>
      %dma_wait3A_1250 = arith.constant 0 : i32
      %dma_wait3A_1251 = tpu.memref_slice %arg3[%div3A_455, %dma_wait3A_1250] : memref<26x4096xi32, #tpu.memory_space<hbm>> -> memref<1x4096xi32, #tpu.memory_space<hbm>>
      tpu.wait_dma2 semaphore(%run_scoped3A : memref<!tpu.dma_semaphore, #tpu.memory_space<semaphore_mem>>) src(%dma_wait3A_1251 : memref<1x4096xi32, #tpu.memory_space<hbm>>) dst(%arg6 : memref<1x4096xi32, #tpu.memory_space<vmem>>)
      tpu.yield
    }) : () -> ()
    %dma_wait3A_460 = arith.constant 0 : i32
    %dma_wait3A_461 = tpu.memref_slice %arg2[%add3A_453, %dma_wait3A_460] : memref<832x100000xf32, #tpu.memory_space<hbm>> -> memref<1x100000xf32, #tpu.memory_space<hbm>>
    %dma_wait3A_462 = arith.constant 0 : i32
    %dma_wait3A_463 = tpu.memref_slice %arg2[%add3A_453, %dma_wait3A_462] : memref<832x100000xf32, #tpu.memory_space<hbm>> -> memref<1x100000xf32, #tpu.memory_space<hbm>>
    tpu.wait_dma2 semaphore(%arg8 : memref<!tpu.dma_semaphore, #tpu.memory_space<semaphore_mem>>) src(%dma_wait3A_463 : memref<1x100000xf32, #tpu.memory_space<hbm>>) dst(%arg5 : memref<1x100000xf32, #tpu.memory_space<vmem>>)
    %broadcast_in_dim3A_464 = arith.constant 0 : i32
    %broadcast_in_dim3A_465 = vector.broadcast %broadcast_in_dim3A_464 : i32 to vector<16xi32>
    %scan3A_466 = arith.constant 0 : i32
    %scan3A_467 = arith.constant 0 : i32
    %scan3A_468 = arith.constant 256 : i32
    %scan3A_469 = arith.addi %scan3A_467, %scan3A_468 : i32
    %scan3A_470 = arith.constant 1 : i32
    scf.for %scan3A_1244 = %scan3A_467 to %scan3A_469 step %scan3A_470  : i32 {
      %mul3A_1245 = arith.constant 1 : i32
      %mul3A_1246 = arith.muli %scan3A_1244, %mul3A_1245 : i32
      %add3A_1247 = arith.constant 0 : i32
      %add3A_1248 = arith.addi %add3A_1247, %mul3A_1246 : i32
      %mul3A_1249 = arith.constant 16 : i32
      %mul3A_1250 = arith.muli %add3A_1248, %mul3A_1249 : i32
      %get3A = arith.constant 0 : i32
      %get3A_1251 = arith.index_cast %get3A : i32 to index
      %get3A_1252 = arith.index_cast %mul3A_1250 : i32 to index
      %get3A_1253 = tpu.vector_load %arg6[%get3A_1251, %get3A_1252] {strides = array<i32>} : memref<1x4096xi32, #tpu.memory_space<vmem>>, vector<16xi32>,
      %gather3A = tpu.vector_load_idx %arg5[%broadcast_in_dim3A_465, %get3A_1253] : memref<1x100000xf32, #tpu.memory_space<vmem>>[vector<16xi32>, vector<16xi32>], vector<16xf32>,
      %mul3A_1254 = arith.constant 16 : i32
      %mul3A_1255 = arith.muli %add3A_1248, %mul3A_1254 : i32
      %swap3A = arith.constant 0 : i32
      %swap3A_1256 = arith.constant 0 : i32
      %swap3A_1257 = arith.constant 0 : i32
      %swap3A_1258 = tpu.memref_slice %arg7[%scan3A_466, %swap3A_1256, %swap3A_1257] : memref<2x1x4096xf32, #tpu.memory_space<vmem>> -> memref<1x1x4096xf32, #tpu.memory_space<vmem>>
      %swap3A_1259 = tpu.memref_squeeze %swap3A_1258 : memref<1x1x4096xf32, #tpu.memory_space<vmem>> -> memref<1x4096xf32, #tpu.memory_space<vmem>>
      %swap3A_1260 = arith.index_cast %swap3A : i32 to index
      %swap3A_1261 = arith.index_cast %mul3A_1255 : i32 to index
      %swap3A_1262 = tpu.vector_load %swap3A_1259[%swap3A_1260, %swap3A_1261] {strides = array<i32>} : memref<1x4096xf32, #tpu.memory_space<vmem>>, vector<16xf32>,
      tpu.vector_store %swap3A_1259[%swap3A_1260, %swap3A_1261], %gather3A {strides = array<i32>} : memref<1x4096xf32, #tpu.memory_space<vmem>>, vector<16xf32>,
    }
    %scan3A_471 = arith.constant 256 : i32
    %dma_wait3A_472 = arith.constant 0 : i32
    %dma_wait3A_473 = arith.constant 0 : i32
    %dma_wait3A_474 = arith.constant 0 : i32
    %dma_wait3A_475 = tpu.memref_slice %arg7[%dma_wait3A_472, %dma_wait3A_473, %dma_wait3A_474] : memref<2x1x4096xf32, #tpu.memory_space<vmem>> -> memref<1x1x4096xf32, #tpu.memory_space<vmem>>
    %dma_wait3A_476 = tpu.memref_squeeze %dma_wait3A_475 : memref<1x1x4096xf32, #tpu.memory_space<vmem>> -> memref<1x4096xf32, #tpu.memory_space<vmem>>
    %dma_wait3A_477 = arith.constant 0 : i32
    %dma_wait3A_478 = tpu.memref_slice %arg4[%add3A_357, %dma_wait3A_477] : memref<832x4096xf32, #tpu.memory_space<hbm>> -> memref<1x4096xf32, #tpu.memory_space<hbm>>
    %dma_wait3A_479 = arith.constant 0 : i32
    %dma_wait3A_480 = tpu.memref_slice %arg4[%add3A_357, %dma_wait3A_479] : memref<832x4096xf32, #tpu.memory_space<hbm>> -> memref<1x4096xf32, #tpu.memory_space<hbm>>
    %dma_wait3A_481 = arith.constant 0 : i32
    %dma_wait3A_482 = arith.constant 0 : i32
    %dma_wait3A_483 = tpu.memref_slice %arg7[%dma_wait3A_472, %dma_wait3A_481, %dma_wait3A_482] : memref<2x1x4096xf32, #tpu.memory_space<vmem>> -> memref<1x1x4096xf32, #tpu.memory_space<vmem>>
    %dma_wait3A_484 = tpu.memref_squeeze %dma_wait3A_483 : memref<1x1x4096xf32, #tpu.memory_space<vmem>> -> memref<1x4096xf32, #tpu.memory_space<vmem>>
    tpu.wait_dma2 semaphore(%arg9 : memref<!tpu.dma_semaphore, #tpu.memory_space<semaphore_mem>>) src(%dma_wait3A_484 : memref<1x4096xf32, #tpu.memory_space<vmem>>) dst(%dma_wait3A_480 : memref<1x4096xf32, #tpu.memory_space<hbm>>)
    %dma_start3A_485 = arith.constant 0 : i32
    %dma_start3A_486 = arith.constant 0 : i32
    %dma_start3A_487 = arith.constant 0 : i32
    %dma_start3A_488 = tpu.memref_slice %arg7[%dma_start3A_485, %dma_start3A_486, %dma_start3A_487] : memref<2x1x4096xf32, #tpu.memory_space<vmem>> -> memref<1x1x4096xf32, #tpu.memory_space<vmem>>
    %dma_start3A_489 = tpu.memref_squeeze %dma_start3A_488 : memref<1x1x4096xf32, #tpu.memory_space<vmem>> -> memref<1x4096xf32, #tpu.memory_space<vmem>>
    %dma_start3A_490 = arith.constant 0 : i32
    %dma_start3A_491 = tpu.memref_slice %arg4[%add3A_453, %dma_start3A_490] : memref<832x4096xf32, #tpu.memory_space<hbm>> -> memref<1x4096xf32, #tpu.memory_space<hbm>>
    %dma_start3A_492 = arith.constant 0 : i32
    %dma_start3A_493 = tpu.memref_slice %arg4[%add3A_453, %dma_start3A_492] : memref<832x4096xf32, #tpu.memory_space<hbm>> -> memref<1x4096xf32, #tpu.memory_space<hbm>>
    %dma_start3A_494 = arith.constant 0 : i32
    %dma_start3A_495 = arith.constant 0 : i32
    %dma_start3A_496 = tpu.memref_slice %arg7[%dma_start3A_485, %dma_start3A_494, %dma_start3A_495] : memref<2x1x4096xf32, #tpu.memory_space<vmem>> -> memref<1x1x4096xf32, #tpu.memory_space<vmem>>
    %dma_start3A_497 = tpu.memref_squeeze %dma_start3A_496 : memref<1x1x4096xf32, #tpu.memory_space<vmem>> -> memref<1x4096xf32, #tpu.memory_space<vmem>>
    tpu.enqueue_dma source(%dma_start3A_497 : memref<1x4096xf32, #tpu.memory_space<vmem>>) target(%dma_start3A_493 : memref<1x4096xf32, #tpu.memory_space<hbm>>) target_semaphore(%arg9 : memref<!tpu.dma_semaphore, #tpu.memory_space<semaphore_mem>>)
    %mul3A_498 = arith.constant 26 : i32
    %mul3A_499 = arith.muli %add3A, %mul3A_498 : i32
    %add3A_500 = arith.constant 11 : i32
    %add3A_501 = arith.addi %mul3A_499, %add3A_500 : i32
    %div3A_502 = arith.constant 32 : i32
    %div3A_503 = arith.divsi %add3A_501, %div3A_502 : i32
    %dma_start3A_504 = arith.constant 0 : i32
    %dma_start3A_505 = tpu.memref_slice %arg2[%add3A_501, %dma_start3A_504] : memref<832x100000xf32, #tpu.memory_space<hbm>> -> memref<1x100000xf32, #tpu.memory_space<hbm>>
    %dma_start3A_506 = arith.constant 0 : i32
    %dma_start3A_507 = tpu.memref_slice %arg2[%add3A_501, %dma_start3A_506] : memref<832x100000xf32, #tpu.memory_space<hbm>> -> memref<1x100000xf32, #tpu.memory_space<hbm>>
    tpu.enqueue_dma source(%dma_start3A_507 : memref<1x100000xf32, #tpu.memory_space<hbm>>) target(%arg5 : memref<1x100000xf32, #tpu.memory_space<vmem>>) target_semaphore(%arg8 : memref<!tpu.dma_semaphore, #tpu.memory_space<semaphore_mem>>)
    "tpu.region"() ({
      %run_scoped3A = tpu.sem_alloc : memref<!tpu.dma_semaphore, #tpu.memory_space<semaphore_mem>>
      %dma_start3A_1244 = arith.constant 0 : i32
      %dma_start3A_1245 = tpu.memref_slice %arg3[%div3A_503, %dma_start3A_1244] : memref<26x4096xi32, #tpu.memory_space<hbm>> -> memref<1x4096xi32, #tpu.memory_space<hbm>>
      %dma_start3A_1246 = arith.constant 0 : i32
      %dma_start3A_1247 = tpu.memref_slice %arg3[%div3A_503, %dma_start3A_1246] : memref<26x4096xi32, #tpu.memory_space<hbm>> -> memref<1x4096xi32, #tpu.memory_space<hbm>>
      tpu.enqueue_dma source(%dma_start3A_1247 : memref<1x4096xi32, #tpu.memory_space<hbm>>) target(%arg6 : memref<1x4096xi32, #tpu.memory_space<vmem>>) target_semaphore(%run_scoped3A : memref<!tpu.dma_semaphore, #tpu.memory_space<semaphore_mem>>)
      %dma_wait3A_1248 = arith.constant 0 : i32
      %dma_wait3A_1249 = tpu.memref_slice %arg3[%div3A_503, %dma_wait3A_1248] : memref<26x4096xi32, #tpu.memory_space<hbm>> -> memref<1x4096xi32, #tpu.memory_space<hbm>>
      %dma_wait3A_1250 = arith.constant 0 : i32
      %dma_wait3A_1251 = tpu.memref_slice %arg3[%div3A_503, %dma_wait3A_1250] : memref<26x4096xi32, #tpu.memory_space<hbm>> -> memref<1x4096xi32, #tpu.memory_space<hbm>>
      tpu.wait_dma2 semaphore(%run_scoped3A : memref<!tpu.dma_semaphore, #tpu.memory_space<semaphore_mem>>) src(%dma_wait3A_1251 : memref<1x4096xi32, #tpu.memory_space<hbm>>) dst(%arg6 : memref<1x4096xi32, #tpu.memory_space<vmem>>)
      tpu.yield
    }) : () -> ()
    %dma_wait3A_508 = arith.constant 0 : i32
    %dma_wait3A_509 = tpu.memref_slice %arg2[%add3A_501, %dma_wait3A_508] : memref<832x100000xf32, #tpu.memory_space<hbm>> -> memref<1x100000xf32, #tpu.memory_space<hbm>>
    %dma_wait3A_510 = arith.constant 0 : i32
    %dma_wait3A_511 = tpu.memref_slice %arg2[%add3A_501, %dma_wait3A_510] : memref<832x100000xf32, #tpu.memory_space<hbm>> -> memref<1x100000xf32, #tpu.memory_space<hbm>>
    tpu.wait_dma2 semaphore(%arg8 : memref<!tpu.dma_semaphore, #tpu.memory_space<semaphore_mem>>) src(%dma_wait3A_511 : memref<1x100000xf32, #tpu.memory_space<hbm>>) dst(%arg5 : memref<1x100000xf32, #tpu.memory_space<vmem>>)
    %broadcast_in_dim3A_512 = arith.constant 0 : i32
    %broadcast_in_dim3A_513 = vector.broadcast %broadcast_in_dim3A_512 : i32 to vector<16xi32>
    %scan3A_514 = arith.constant 1 : i32
    %scan3A_515 = arith.constant 0 : i32
    %scan3A_516 = arith.constant 256 : i32
    %scan3A_517 = arith.addi %scan3A_515, %scan3A_516 : i32
    %scan3A_518 = arith.constant 1 : i32
    scf.for %scan3A_1244 = %scan3A_515 to %scan3A_517 step %scan3A_518  : i32 {
      %mul3A_1245 = arith.constant 1 : i32
      %mul3A_1246 = arith.muli %scan3A_1244, %mul3A_1245 : i32
      %add3A_1247 = arith.constant 0 : i32
      %add3A_1248 = arith.addi %add3A_1247, %mul3A_1246 : i32
      %mul3A_1249 = arith.constant 16 : i32
      %mul3A_1250 = arith.muli %add3A_1248, %mul3A_1249 : i32
      %get3A = arith.constant 0 : i32
      %get3A_1251 = arith.index_cast %get3A : i32 to index
      %get3A_1252 = arith.index_cast %mul3A_1250 : i32 to index
      %get3A_1253 = tpu.vector_load %arg6[%get3A_1251, %get3A_1252] {strides = array<i32>} : memref<1x4096xi32, #tpu.memory_space<vmem>>, vector<16xi32>,
      %gather3A = tpu.vector_load_idx %arg5[%broadcast_in_dim3A_513, %get3A_1253] : memref<1x100000xf32, #tpu.memory_space<vmem>>[vector<16xi32>, vector<16xi32>], vector<16xf32>,
      %mul3A_1254 = arith.constant 16 : i32
      %mul3A_1255 = arith.muli %add3A_1248, %mul3A_1254 : i32
      %swap3A = arith.constant 0 : i32
      %swap3A_1256 = arith.constant 0 : i32
      %swap3A_1257 = arith.constant 0 : i32
      %swap3A_1258 = tpu.memref_slice %arg7[%scan3A_514, %swap3A_1256, %swap3A_1257] : memref<2x1x4096xf32, #tpu.memory_space<vmem>> -> memref<1x1x4096xf32, #tpu.memory_space<vmem>>
      %swap3A_1259 = tpu.memref_squeeze %swap3A_1258 : memref<1x1x4096xf32, #tpu.memory_space<vmem>> -> memref<1x4096xf32, #tpu.memory_space<vmem>>
      %swap3A_1260 = arith.index_cast %swap3A : i32 to index
      %swap3A_1261 = arith.index_cast %mul3A_1255 : i32 to index
      %swap3A_1262 = tpu.vector_load %swap3A_1259[%swap3A_1260, %swap3A_1261] {strides = array<i32>} : memref<1x4096xf32, #tpu.memory_space<vmem>>, vector<16xf32>,
      tpu.vector_store %swap3A_1259[%swap3A_1260, %swap3A_1261], %gather3A {strides = array<i32>} : memref<1x4096xf32, #tpu.memory_space<vmem>>, vector<16xf32>,
    }
    %scan3A_519 = arith.constant 256 : i32
    %dma_wait3A_520 = arith.constant 1 : i32
    %dma_wait3A_521 = arith.constant 0 : i32
    %dma_wait3A_522 = arith.constant 0 : i32
    %dma_wait3A_523 = tpu.memref_slice %arg7[%dma_wait3A_520, %dma_wait3A_521, %dma_wait3A_522] : memref<2x1x4096xf32, #tpu.memory_space<vmem>> -> memref<1x1x4096xf32, #tpu.memory_space<vmem>>
    %dma_wait3A_524 = tpu.memref_squeeze %dma_wait3A_523 : memref<1x1x4096xf32, #tpu.memory_space<vmem>> -> memref<1x4096xf32, #tpu.memory_space<vmem>>
    %dma_wait3A_525 = arith.constant 0 : i32
    %dma_wait3A_526 = tpu.memref_slice %arg4[%add3A_405, %dma_wait3A_525] : memref<832x4096xf32, #tpu.memory_space<hbm>> -> memref<1x4096xf32, #tpu.memory_space<hbm>>
    %dma_wait3A_527 = arith.constant 0 : i32
    %dma_wait3A_528 = tpu.memref_slice %arg4[%add3A_405, %dma_wait3A_527] : memref<832x4096xf32, #tpu.memory_space<hbm>> -> memref<1x4096xf32, #tpu.memory_space<hbm>>
    %dma_wait3A_529 = arith.constant 0 : i32
    %dma_wait3A_530 = arith.constant 0 : i32
    %dma_wait3A_531 = tpu.memref_slice %arg7[%dma_wait3A_520, %dma_wait3A_529, %dma_wait3A_530] : memref<2x1x4096xf32, #tpu.memory_space<vmem>> -> memref<1x1x4096xf32, #tpu.memory_space<vmem>>
    %dma_wait3A_532 = tpu.memref_squeeze %dma_wait3A_531 : memref<1x1x4096xf32, #tpu.memory_space<vmem>> -> memref<1x4096xf32, #tpu.memory_space<vmem>>
    tpu.wait_dma2 semaphore(%arg9 : memref<!tpu.dma_semaphore, #tpu.memory_space<semaphore_mem>>) src(%dma_wait3A_532 : memref<1x4096xf32, #tpu.memory_space<vmem>>) dst(%dma_wait3A_528 : memref<1x4096xf32, #tpu.memory_space<hbm>>)
    %dma_start3A_533 = arith.constant 1 : i32
    %dma_start3A_534 = arith.constant 0 : i32
    %dma_start3A_535 = arith.constant 0 : i32
    %dma_start3A_536 = tpu.memref_slice %arg7[%dma_start3A_533, %dma_start3A_534, %dma_start3A_535] : memref<2x1x4096xf32, #tpu.memory_space<vmem>> -> memref<1x1x4096xf32, #tpu.memory_space<vmem>>
    %dma_start3A_537 = tpu.memref_squeeze %dma_start3A_536 : memref<1x1x4096xf32, #tpu.memory_space<vmem>> -> memref<1x4096xf32, #tpu.memory_space<vmem>>
    %dma_start3A_538 = arith.constant 0 : i32
    %dma_start3A_539 = tpu.memref_slice %arg4[%add3A_501, %dma_start3A_538] : memref<832x4096xf32, #tpu.memory_space<hbm>> -> memref<1x4096xf32, #tpu.memory_space<hbm>>
    %dma_start3A_540 = arith.constant 0 : i32
    %dma_start3A_541 = tpu.memref_slice %arg4[%add3A_501, %dma_start3A_540] : memref<832x4096xf32, #tpu.memory_space<hbm>> -> memref<1x4096xf32, #tpu.memory_space<hbm>>
    %dma_start3A_542 = arith.constant 0 : i32
    %dma_start3A_543 = arith.constant 0 : i32
    %dma_start3A_544 = tpu.memref_slice %arg7[%dma_start3A_533, %dma_start3A_542, %dma_start3A_543] : memref<2x1x4096xf32, #tpu.memory_space<vmem>> -> memref<1x1x4096xf32, #tpu.memory_space<vmem>>
    %dma_start3A_545 = tpu.memref_squeeze %dma_start3A_544 : memref<1x1x4096xf32, #tpu.memory_space<vmem>> -> memref<1x4096xf32, #tpu.memory_space<vmem>>
    tpu.enqueue_dma source(%dma_start3A_545 : memref<1x4096xf32, #tpu.memory_space<vmem>>) target(%dma_start3A_541 : memref<1x4096xf32, #tpu.memory_space<hbm>>) target_semaphore(%arg9 : memref<!tpu.dma_semaphore, #tpu.memory_space<semaphore_mem>>)
    %mul3A_546 = arith.constant 26 : i32
    %mul3A_547 = arith.muli %add3A, %mul3A_546 : i32
    %add3A_548 = arith.constant 12 : i32
    %add3A_549 = arith.addi %mul3A_547, %add3A_548 : i32
    %div3A_550 = arith.constant 32 : i32
    %div3A_551 = arith.divsi %add3A_549, %div3A_550 : i32
    %dma_start3A_552 = arith.constant 0 : i32
    %dma_start3A_553 = tpu.memref_slice %arg2[%add3A_549, %dma_start3A_552] : memref<832x100000xf32, #tpu.memory_space<hbm>> -> memref<1x100000xf32, #tpu.memory_space<hbm>>
    %dma_start3A_554 = arith.constant 0 : i32
    %dma_start3A_555 = tpu.memref_slice %arg2[%add3A_549, %dma_start3A_554] : memref<832x100000xf32, #tpu.memory_space<hbm>> -> memref<1x100000xf32, #tpu.memory_space<hbm>>
    tpu.enqueue_dma source(%dma_start3A_555 : memref<1x100000xf32, #tpu.memory_space<hbm>>) target(%arg5 : memref<1x100000xf32, #tpu.memory_space<vmem>>) target_semaphore(%arg8 : memref<!tpu.dma_semaphore, #tpu.memory_space<semaphore_mem>>)
    "tpu.region"() ({
      %run_scoped3A = tpu.sem_alloc : memref<!tpu.dma_semaphore, #tpu.memory_space<semaphore_mem>>
      %dma_start3A_1244 = arith.constant 0 : i32
      %dma_start3A_1245 = tpu.memref_slice %arg3[%div3A_551, %dma_start3A_1244] : memref<26x4096xi32, #tpu.memory_space<hbm>> -> memref<1x4096xi32, #tpu.memory_space<hbm>>
      %dma_start3A_1246 = arith.constant 0 : i32
      %dma_start3A_1247 = tpu.memref_slice %arg3[%div3A_551, %dma_start3A_1246] : memref<26x4096xi32, #tpu.memory_space<hbm>> -> memref<1x4096xi32, #tpu.memory_space<hbm>>
      tpu.enqueue_dma source(%dma_start3A_1247 : memref<1x4096xi32, #tpu.memory_space<hbm>>) target(%arg6 : memref<1x4096xi32, #tpu.memory_space<vmem>>) target_semaphore(%run_scoped3A : memref<!tpu.dma_semaphore, #tpu.memory_space<semaphore_mem>>)
      %dma_wait3A_1248 = arith.constant 0 : i32
      %dma_wait3A_1249 = tpu.memref_slice %arg3[%div3A_551, %dma_wait3A_1248] : memref<26x4096xi32, #tpu.memory_space<hbm>> -> memref<1x4096xi32, #tpu.memory_space<hbm>>
      %dma_wait3A_1250 = arith.constant 0 : i32
      %dma_wait3A_1251 = tpu.memref_slice %arg3[%div3A_551, %dma_wait3A_1250] : memref<26x4096xi32, #tpu.memory_space<hbm>> -> memref<1x4096xi32, #tpu.memory_space<hbm>>
      tpu.wait_dma2 semaphore(%run_scoped3A : memref<!tpu.dma_semaphore, #tpu.memory_space<semaphore_mem>>) src(%dma_wait3A_1251 : memref<1x4096xi32, #tpu.memory_space<hbm>>) dst(%arg6 : memref<1x4096xi32, #tpu.memory_space<vmem>>)
      tpu.yield
    }) : () -> ()
    %dma_wait3A_556 = arith.constant 0 : i32
    %dma_wait3A_557 = tpu.memref_slice %arg2[%add3A_549, %dma_wait3A_556] : memref<832x100000xf32, #tpu.memory_space<hbm>> -> memref<1x100000xf32, #tpu.memory_space<hbm>>
    %dma_wait3A_558 = arith.constant 0 : i32
    %dma_wait3A_559 = tpu.memref_slice %arg2[%add3A_549, %dma_wait3A_558] : memref<832x100000xf32, #tpu.memory_space<hbm>> -> memref<1x100000xf32, #tpu.memory_space<hbm>>
    tpu.wait_dma2 semaphore(%arg8 : memref<!tpu.dma_semaphore, #tpu.memory_space<semaphore_mem>>) src(%dma_wait3A_559 : memref<1x100000xf32, #tpu.memory_space<hbm>>) dst(%arg5 : memref<1x100000xf32, #tpu.memory_space<vmem>>)
    %broadcast_in_dim3A_560 = arith.constant 0 : i32
    %broadcast_in_dim3A_561 = vector.broadcast %broadcast_in_dim3A_560 : i32 to vector<16xi32>
    %scan3A_562 = arith.constant 0 : i32
    %scan3A_563 = arith.constant 0 : i32
    %scan3A_564 = arith.constant 256 : i32
    %scan3A_565 = arith.addi %scan3A_563, %scan3A_564 : i32
    %scan3A_566 = arith.constant 1 : i32
    scf.for %scan3A_1244 = %scan3A_563 to %scan3A_565 step %scan3A_566  : i32 {
      %mul3A_1245 = arith.constant 1 : i32
      %mul3A_1246 = arith.muli %scan3A_1244, %mul3A_1245 : i32
      %add3A_1247 = arith.constant 0 : i32
      %add3A_1248 = arith.addi %add3A_1247, %mul3A_1246 : i32
      %mul3A_1249 = arith.constant 16 : i32
      %mul3A_1250 = arith.muli %add3A_1248, %mul3A_1249 : i32
      %get3A = arith.constant 0 : i32
      %get3A_1251 = arith.index_cast %get3A : i32 to index
      %get3A_1252 = arith.index_cast %mul3A_1250 : i32 to index
      %get3A_1253 = tpu.vector_load %arg6[%get3A_1251, %get3A_1252] {strides = array<i32>} : memref<1x4096xi32, #tpu.memory_space<vmem>>, vector<16xi32>,
      %gather3A = tpu.vector_load_idx %arg5[%broadcast_in_dim3A_561, %get3A_1253] : memref<1x100000xf32, #tpu.memory_space<vmem>>[vector<16xi32>, vector<16xi32>], vector<16xf32>,
      %mul3A_1254 = arith.constant 16 : i32
      %mul3A_1255 = arith.muli %add3A_1248, %mul3A_1254 : i32
      %swap3A = arith.constant 0 : i32
      %swap3A_1256 = arith.constant 0 : i32
      %swap3A_1257 = arith.constant 0 : i32
      %swap3A_1258 = tpu.memref_slice %arg7[%scan3A_562, %swap3A_1256, %swap3A_1257] : memref<2x1x4096xf32, #tpu.memory_space<vmem>> -> memref<1x1x4096xf32, #tpu.memory_space<vmem>>
      %swap3A_1259 = tpu.memref_squeeze %swap3A_1258 : memref<1x1x4096xf32, #tpu.memory_space<vmem>> -> memref<1x4096xf32, #tpu.memory_space<vmem>>
      %swap3A_1260 = arith.index_cast %swap3A : i32 to index
      %swap3A_1261 = arith.index_cast %mul3A_1255 : i32 to index
      %swap3A_1262 = tpu.vector_load %swap3A_1259[%swap3A_1260, %swap3A_1261] {strides = array<i32>} : memref<1x4096xf32, #tpu.memory_space<vmem>>, vector<16xf32>,
      tpu.vector_store %swap3A_1259[%swap3A_1260, %swap3A_1261], %gather3A {strides = array<i32>} : memref<1x4096xf32, #tpu.memory_space<vmem>>, vector<16xf32>,
    }
    %scan3A_567 = arith.constant 256 : i32
    %dma_wait3A_568 = arith.constant 0 : i32
    %dma_wait3A_569 = arith.constant 0 : i32
    %dma_wait3A_570 = arith.constant 0 : i32
    %dma_wait3A_571 = tpu.memref_slice %arg7[%dma_wait3A_568, %dma_wait3A_569, %dma_wait3A_570] : memref<2x1x4096xf32, #tpu.memory_space<vmem>> -> memref<1x1x4096xf32, #tpu.memory_space<vmem>>
    %dma_wait3A_572 = tpu.memref_squeeze %dma_wait3A_571 : memref<1x1x4096xf32, #tpu.memory_space<vmem>> -> memref<1x4096xf32, #tpu.memory_space<vmem>>
    %dma_wait3A_573 = arith.constant 0 : i32
    %dma_wait3A_574 = tpu.memref_slice %arg4[%add3A_453, %dma_wait3A_573] : memref<832x4096xf32, #tpu.memory_space<hbm>> -> memref<1x4096xf32, #tpu.memory_space<hbm>>
    %dma_wait3A_575 = arith.constant 0 : i32
    %dma_wait3A_576 = tpu.memref_slice %arg4[%add3A_453, %dma_wait3A_575] : memref<832x4096xf32, #tpu.memory_space<hbm>> -> memref<1x4096xf32, #tpu.memory_space<hbm>>
    %dma_wait3A_577 = arith.constant 0 : i32
    %dma_wait3A_578 = arith.constant 0 : i32
    %dma_wait3A_579 = tpu.memref_slice %arg7[%dma_wait3A_568, %dma_wait3A_577, %dma_wait3A_578] : memref<2x1x4096xf32, #tpu.memory_space<vmem>> -> memref<1x1x4096xf32, #tpu.memory_space<vmem>>
    %dma_wait3A_580 = tpu.memref_squeeze %dma_wait3A_579 : memref<1x1x4096xf32, #tpu.memory_space<vmem>> -> memref<1x4096xf32, #tpu.memory_space<vmem>>
    tpu.wait_dma2 semaphore(%arg9 : memref<!tpu.dma_semaphore, #tpu.memory_space<semaphore_mem>>) src(%dma_wait3A_580 : memref<1x4096xf32, #tpu.memory_space<vmem>>) dst(%dma_wait3A_576 : memref<1x4096xf32, #tpu.memory_space<hbm>>)
    %dma_start3A_581 = arith.constant 0 : i32
    %dma_start3A_582 = arith.constant 0 : i32
    %dma_start3A_583 = arith.constant 0 : i32
    %dma_start3A_584 = tpu.memref_slice %arg7[%dma_start3A_581, %dma_start3A_582, %dma_start3A_583] : memref<2x1x4096xf32, #tpu.memory_space<vmem>> -> memref<1x1x4096xf32, #tpu.memory_space<vmem>>
    %dma_start3A_585 = tpu.memref_squeeze %dma_start3A_584 : memref<1x1x4096xf32, #tpu.memory_space<vmem>> -> memref<1x4096xf32, #tpu.memory_space<vmem>>
    %dma_start3A_586 = arith.constant 0 : i32
    %dma_start3A_587 = tpu.memref_slice %arg4[%add3A_549, %dma_start3A_586] : memref<832x4096xf32, #tpu.memory_space<hbm>> -> memref<1x4096xf32, #tpu.memory_space<hbm>>
    %dma_start3A_588 = arith.constant 0 : i32
    %dma_start3A_589 = tpu.memref_slice %arg4[%add3A_549, %dma_start3A_588] : memref<832x4096xf32, #tpu.memory_space<hbm>> -> memref<1x4096xf32, #tpu.memory_space<hbm>>
    %dma_start3A_590 = arith.constant 0 : i32
    %dma_start3A_591 = arith.constant 0 : i32
    %dma_start3A_592 = tpu.memref_slice %arg7[%dma_start3A_581, %dma_start3A_590, %dma_start3A_591] : memref<2x1x4096xf32, #tpu.memory_space<vmem>> -> memref<1x1x4096xf32, #tpu.memory_space<vmem>>
    %dma_start3A_593 = tpu.memref_squeeze %dma_start3A_592 : memref<1x1x4096xf32, #tpu.memory_space<vmem>> -> memref<1x4096xf32, #tpu.memory_space<vmem>>
    tpu.enqueue_dma source(%dma_start3A_593 : memref<1x4096xf32, #tpu.memory_space<vmem>>) target(%dma_start3A_589 : memref<1x4096xf32, #tpu.memory_space<hbm>>) target_semaphore(%arg9 : memref<!tpu.dma_semaphore, #tpu.memory_space<semaphore_mem>>)
    %mul3A_594 = arith.constant 26 : i32
    %mul3A_595 = arith.muli %add3A, %mul3A_594 : i32
    %add3A_596 = arith.constant 13 : i32
    %add3A_597 = arith.addi %mul3A_595, %add3A_596 : i32
    %div3A_598 = arith.constant 32 : i32
    %div3A_599 = arith.divsi %add3A_597, %div3A_598 : i32
    %dma_start3A_600 = arith.constant 0 : i32
    %dma_start3A_601 = tpu.memref_slice %arg2[%add3A_597, %dma_start3A_600] : memref<832x100000xf32, #tpu.memory_space<hbm>> -> memref<1x100000xf32, #tpu.memory_space<hbm>>
    %dma_start3A_602 = arith.constant 0 : i32
    %dma_start3A_603 = tpu.memref_slice %arg2[%add3A_597, %dma_start3A_602] : memref<832x100000xf32, #tpu.memory_space<hbm>> -> memref<1x100000xf32, #tpu.memory_space<hbm>>
    tpu.enqueue_dma source(%dma_start3A_603 : memref<1x100000xf32, #tpu.memory_space<hbm>>) target(%arg5 : memref<1x100000xf32, #tpu.memory_space<vmem>>) target_semaphore(%arg8 : memref<!tpu.dma_semaphore, #tpu.memory_space<semaphore_mem>>)
    "tpu.region"() ({
      %run_scoped3A = tpu.sem_alloc : memref<!tpu.dma_semaphore, #tpu.memory_space<semaphore_mem>>
      %dma_start3A_1244 = arith.constant 0 : i32
      %dma_start3A_1245 = tpu.memref_slice %arg3[%div3A_599, %dma_start3A_1244] : memref<26x4096xi32, #tpu.memory_space<hbm>> -> memref<1x4096xi32, #tpu.memory_space<hbm>>
      %dma_start3A_1246 = arith.constant 0 : i32
      %dma_start3A_1247 = tpu.memref_slice %arg3[%div3A_599, %dma_start3A_1246] : memref<26x4096xi32, #tpu.memory_space<hbm>> -> memref<1x4096xi32, #tpu.memory_space<hbm>>
      tpu.enqueue_dma source(%dma_start3A_1247 : memref<1x4096xi32, #tpu.memory_space<hbm>>) target(%arg6 : memref<1x4096xi32, #tpu.memory_space<vmem>>) target_semaphore(%run_scoped3A : memref<!tpu.dma_semaphore, #tpu.memory_space<semaphore_mem>>)
      %dma_wait3A_1248 = arith.constant 0 : i32
      %dma_wait3A_1249 = tpu.memref_slice %arg3[%div3A_599, %dma_wait3A_1248] : memref<26x4096xi32, #tpu.memory_space<hbm>> -> memref<1x4096xi32, #tpu.memory_space<hbm>>
      %dma_wait3A_1250 = arith.constant 0 : i32
      %dma_wait3A_1251 = tpu.memref_slice %arg3[%div3A_599, %dma_wait3A_1250] : memref<26x4096xi32, #tpu.memory_space<hbm>> -> memref<1x4096xi32, #tpu.memory_space<hbm>>
      tpu.wait_dma2 semaphore(%run_scoped3A : memref<!tpu.dma_semaphore, #tpu.memory_space<semaphore_mem>>) src(%dma_wait3A_1251 : memref<1x4096xi32, #tpu.memory_space<hbm>>) dst(%arg6 : memref<1x4096xi32, #tpu.memory_space<vmem>>)
      tpu.yield
    }) : () -> ()
    %dma_wait3A_604 = arith.constant 0 : i32
    %dma_wait3A_605 = tpu.memref_slice %arg2[%add3A_597, %dma_wait3A_604] : memref<832x100000xf32, #tpu.memory_space<hbm>> -> memref<1x100000xf32, #tpu.memory_space<hbm>>
    %dma_wait3A_606 = arith.constant 0 : i32
    %dma_wait3A_607 = tpu.memref_slice %arg2[%add3A_597, %dma_wait3A_606] : memref<832x100000xf32, #tpu.memory_space<hbm>> -> memref<1x100000xf32, #tpu.memory_space<hbm>>
    tpu.wait_dma2 semaphore(%arg8 : memref<!tpu.dma_semaphore, #tpu.memory_space<semaphore_mem>>) src(%dma_wait3A_607 : memref<1x100000xf32, #tpu.memory_space<hbm>>) dst(%arg5 : memref<1x100000xf32, #tpu.memory_space<vmem>>)
    %broadcast_in_dim3A_608 = arith.constant 0 : i32
    %broadcast_in_dim3A_609 = vector.broadcast %broadcast_in_dim3A_608 : i32 to vector<16xi32>
    %scan3A_610 = arith.constant 1 : i32
    %scan3A_611 = arith.constant 0 : i32
    %scan3A_612 = arith.constant 256 : i32
    %scan3A_613 = arith.addi %scan3A_611, %scan3A_612 : i32
    %scan3A_614 = arith.constant 1 : i32
    scf.for %scan3A_1244 = %scan3A_611 to %scan3A_613 step %scan3A_614  : i32 {
      %mul3A_1245 = arith.constant 1 : i32
      %mul3A_1246 = arith.muli %scan3A_1244, %mul3A_1245 : i32
      %add3A_1247 = arith.constant 0 : i32
      %add3A_1248 = arith.addi %add3A_1247, %mul3A_1246 : i32
      %mul3A_1249 = arith.constant 16 : i32
      %mul3A_1250 = arith.muli %add3A_1248, %mul3A_1249 : i32
      %get3A = arith.constant 0 : i32
      %get3A_1251 = arith.index_cast %get3A : i32 to index
      %get3A_1252 = arith.index_cast %mul3A_1250 : i32 to index
      %get3A_1253 = tpu.vector_load %arg6[%get3A_1251, %get3A_1252] {strides = array<i32>} : memref<1x4096xi32, #tpu.memory_space<vmem>>, vector<16xi32>,
      %gather3A = tpu.vector_load_idx %arg5[%broadcast_in_dim3A_609, %get3A_1253] : memref<1x100000xf32, #tpu.memory_space<vmem>>[vector<16xi32>, vector<16xi32>], vector<16xf32>,
      %mul3A_1254 = arith.constant 16 : i32
      %mul3A_1255 = arith.muli %add3A_1248, %mul3A_1254 : i32
      %swap3A = arith.constant 0 : i32
      %swap3A_1256 = arith.constant 0 : i32
      %swap3A_1257 = arith.constant 0 : i32
      %swap3A_1258 = tpu.memref_slice %arg7[%scan3A_610, %swap3A_1256, %swap3A_1257] : memref<2x1x4096xf32, #tpu.memory_space<vmem>> -> memref<1x1x4096xf32, #tpu.memory_space<vmem>>
      %swap3A_1259 = tpu.memref_squeeze %swap3A_1258 : memref<1x1x4096xf32, #tpu.memory_space<vmem>> -> memref<1x4096xf32, #tpu.memory_space<vmem>>
      %swap3A_1260 = arith.index_cast %swap3A : i32 to index
      %swap3A_1261 = arith.index_cast %mul3A_1255 : i32 to index
      %swap3A_1262 = tpu.vector_load %swap3A_1259[%swap3A_1260, %swap3A_1261] {strides = array<i32>} : memref<1x4096xf32, #tpu.memory_space<vmem>>, vector<16xf32>,
      tpu.vector_store %swap3A_1259[%swap3A_1260, %swap3A_1261], %gather3A {strides = array<i32>} : memref<1x4096xf32, #tpu.memory_space<vmem>>, vector<16xf32>,
    }
    %scan3A_615 = arith.constant 256 : i32
    %dma_wait3A_616 = arith.constant 1 : i32
    %dma_wait3A_617 = arith.constant 0 : i32
    %dma_wait3A_618 = arith.constant 0 : i32
    %dma_wait3A_619 = tpu.memref_slice %arg7[%dma_wait3A_616, %dma_wait3A_617, %dma_wait3A_618] : memref<2x1x4096xf32, #tpu.memory_space<vmem>> -> memref<1x1x4096xf32, #tpu.memory_space<vmem>>
    %dma_wait3A_620 = tpu.memref_squeeze %dma_wait3A_619 : memref<1x1x4096xf32, #tpu.memory_space<vmem>> -> memref<1x4096xf32, #tpu.memory_space<vmem>>
    %dma_wait3A_621 = arith.constant 0 : i32
    %dma_wait3A_622 = tpu.memref_slice %arg4[%add3A_501, %dma_wait3A_621] : memref<832x4096xf32, #tpu.memory_space<hbm>> -> memref<1x4096xf32, #tpu.memory_space<hbm>>
    %dma_wait3A_623 = arith.constant 0 : i32
    %dma_wait3A_624 = tpu.memref_slice %arg4[%add3A_501, %dma_wait3A_623] : memref<832x4096xf32, #tpu.memory_space<hbm>> -> memref<1x4096xf32, #tpu.memory_space<hbm>>
    %dma_wait3A_625 = arith.constant 0 : i32
    %dma_wait3A_626 = arith.constant 0 : i32
    %dma_wait3A_627 = tpu.memref_slice %arg7[%dma_wait3A_616, %dma_wait3A_625, %dma_wait3A_626] : memref<2x1x4096xf32, #tpu.memory_space<vmem>> -> memref<1x1x4096xf32, #tpu.memory_space<vmem>>
    %dma_wait3A_628 = tpu.memref_squeeze %dma_wait3A_627 : memref<1x1x4096xf32, #tpu.memory_space<vmem>> -> memref<1x4096xf32, #tpu.memory_space<vmem>>
    tpu.wait_dma2 semaphore(%arg9 : memref<!tpu.dma_semaphore, #tpu.memory_space<semaphore_mem>>) src(%dma_wait3A_628 : memref<1x4096xf32, #tpu.memory_space<vmem>>) dst(%dma_wait3A_624 : memref<1x4096xf32, #tpu.memory_space<hbm>>)
    %dma_start3A_629 = arith.constant 1 : i32
    %dma_start3A_630 = arith.constant 0 : i32
    %dma_start3A_631 = arith.constant 0 : i32
    %dma_start3A_632 = tpu.memref_slice %arg7[%dma_start3A_629, %dma_start3A_630, %dma_start3A_631] : memref<2x1x4096xf32, #tpu.memory_space<vmem>> -> memref<1x1x4096xf32, #tpu.memory_space<vmem>>
    %dma_start3A_633 = tpu.memref_squeeze %dma_start3A_632 : memref<1x1x4096xf32, #tpu.memory_space<vmem>> -> memref<1x4096xf32, #tpu.memory_space<vmem>>
    %dma_start3A_634 = arith.constant 0 : i32
    %dma_start3A_635 = tpu.memref_slice %arg4[%add3A_597, %dma_start3A_634] : memref<832x4096xf32, #tpu.memory_space<hbm>> -> memref<1x4096xf32, #tpu.memory_space<hbm>>
    %dma_start3A_636 = arith.constant 0 : i32
    %dma_start3A_637 = tpu.memref_slice %arg4[%add3A_597, %dma_start3A_636] : memref<832x4096xf32, #tpu.memory_space<hbm>> -> memref<1x4096xf32, #tpu.memory_space<hbm>>
    %dma_start3A_638 = arith.constant 0 : i32
    %dma_start3A_639 = arith.constant 0 : i32
    %dma_start3A_640 = tpu.memref_slice %arg7[%dma_start3A_629, %dma_start3A_638, %dma_start3A_639] : memref<2x1x4096xf32, #tpu.memory_space<vmem>> -> memref<1x1x4096xf32, #tpu.memory_space<vmem>>
    %dma_start3A_641 = tpu.memref_squeeze %dma_start3A_640 : memref<1x1x4096xf32, #tpu.memory_space<vmem>> -> memref<1x4096xf32, #tpu.memory_space<vmem>>
    tpu.enqueue_dma source(%dma_start3A_641 : memref<1x4096xf32, #tpu.memory_space<vmem>>) target(%dma_start3A_637 : memref<1x4096xf32, #tpu.memory_space<hbm>>) target_semaphore(%arg9 : memref<!tpu.dma_semaphore, #tpu.memory_space<semaphore_mem>>)
    %mul3A_642 = arith.constant 26 : i32
    %mul3A_643 = arith.muli %add3A, %mul3A_642 : i32
    %add3A_644 = arith.constant 14 : i32
    %add3A_645 = arith.addi %mul3A_643, %add3A_644 : i32
    %div3A_646 = arith.constant 32 : i32
    %div3A_647 = arith.divsi %add3A_645, %div3A_646 : i32
    %dma_start3A_648 = arith.constant 0 : i32
    %dma_start3A_649 = tpu.memref_slice %arg2[%add3A_645, %dma_start3A_648] : memref<832x100000xf32, #tpu.memory_space<hbm>> -> memref<1x100000xf32, #tpu.memory_space<hbm>>
    %dma_start3A_650 = arith.constant 0 : i32
    %dma_start3A_651 = tpu.memref_slice %arg2[%add3A_645, %dma_start3A_650] : memref<832x100000xf32, #tpu.memory_space<hbm>> -> memref<1x100000xf32, #tpu.memory_space<hbm>>
    tpu.enqueue_dma source(%dma_start3A_651 : memref<1x100000xf32, #tpu.memory_space<hbm>>) target(%arg5 : memref<1x100000xf32, #tpu.memory_space<vmem>>) target_semaphore(%arg8 : memref<!tpu.dma_semaphore, #tpu.memory_space<semaphore_mem>>)
    "tpu.region"() ({
      %run_scoped3A = tpu.sem_alloc : memref<!tpu.dma_semaphore, #tpu.memory_space<semaphore_mem>>
      %dma_start3A_1244 = arith.constant 0 : i32
      %dma_start3A_1245 = tpu.memref_slice %arg3[%div3A_647, %dma_start3A_1244] : memref<26x4096xi32, #tpu.memory_space<hbm>> -> memref<1x4096xi32, #tpu.memory_space<hbm>>
      %dma_start3A_1246 = arith.constant 0 : i32
      %dma_start3A_1247 = tpu.memref_slice %arg3[%div3A_647, %dma_start3A_1246] : memref<26x4096xi32, #tpu.memory_space<hbm>> -> memref<1x4096xi32, #tpu.memory_space<hbm>>
      tpu.enqueue_dma source(%dma_start3A_1247 : memref<1x4096xi32, #tpu.memory_space<hbm>>) target(%arg6 : memref<1x4096xi32, #tpu.memory_space<vmem>>) target_semaphore(%run_scoped3A : memref<!tpu.dma_semaphore, #tpu.memory_space<semaphore_mem>>)
      %dma_wait3A_1248 = arith.constant 0 : i32
      %dma_wait3A_1249 = tpu.memref_slice %arg3[%div3A_647, %dma_wait3A_1248] : memref<26x4096xi32, #tpu.memory_space<hbm>> -> memref<1x4096xi32, #tpu.memory_space<hbm>>
      %dma_wait3A_1250 = arith.constant 0 : i32
      %dma_wait3A_1251 = tpu.memref_slice %arg3[%div3A_647, %dma_wait3A_1250] : memref<26x4096xi32, #tpu.memory_space<hbm>> -> memref<1x4096xi32, #tpu.memory_space<hbm>>
      tpu.wait_dma2 semaphore(%run_scoped3A : memref<!tpu.dma_semaphore, #tpu.memory_space<semaphore_mem>>) src(%dma_wait3A_1251 : memref<1x4096xi32, #tpu.memory_space<hbm>>) dst(%arg6 : memref<1x4096xi32, #tpu.memory_space<vmem>>)
      tpu.yield
    }) : () -> ()
    %dma_wait3A_652 = arith.constant 0 : i32
    %dma_wait3A_653 = tpu.memref_slice %arg2[%add3A_645, %dma_wait3A_652] : memref<832x100000xf32, #tpu.memory_space<hbm>> -> memref<1x100000xf32, #tpu.memory_space<hbm>>
    %dma_wait3A_654 = arith.constant 0 : i32
    %dma_wait3A_655 = tpu.memref_slice %arg2[%add3A_645, %dma_wait3A_654] : memref<832x100000xf32, #tpu.memory_space<hbm>> -> memref<1x100000xf32, #tpu.memory_space<hbm>>
    tpu.wait_dma2 semaphore(%arg8 : memref<!tpu.dma_semaphore, #tpu.memory_space<semaphore_mem>>) src(%dma_wait3A_655 : memref<1x100000xf32, #tpu.memory_space<hbm>>) dst(%arg5 : memref<1x100000xf32, #tpu.memory_space<vmem>>)
    %broadcast_in_dim3A_656 = arith.constant 0 : i32
    %broadcast_in_dim3A_657 = vector.broadcast %broadcast_in_dim3A_656 : i32 to vector<16xi32>
    %scan3A_658 = arith.constant 0 : i32
    %scan3A_659 = arith.constant 0 : i32
    %scan3A_660 = arith.constant 256 : i32
    %scan3A_661 = arith.addi %scan3A_659, %scan3A_660 : i32
    %scan3A_662 = arith.constant 1 : i32
    scf.for %scan3A_1244 = %scan3A_659 to %scan3A_661 step %scan3A_662  : i32 {
      %mul3A_1245 = arith.constant 1 : i32
      %mul3A_1246 = arith.muli %scan3A_1244, %mul3A_1245 : i32
      %add3A_1247 = arith.constant 0 : i32
      %add3A_1248 = arith.addi %add3A_1247, %mul3A_1246 : i32
      %mul3A_1249 = arith.constant 16 : i32
      %mul3A_1250 = arith.muli %add3A_1248, %mul3A_1249 : i32
      %get3A = arith.constant 0 : i32
      %get3A_1251 = arith.index_cast %get3A : i32 to index
      %get3A_1252 = arith.index_cast %mul3A_1250 : i32 to index
      %get3A_1253 = tpu.vector_load %arg6[%get3A_1251, %get3A_1252] {strides = array<i32>} : memref<1x4096xi32, #tpu.memory_space<vmem>>, vector<16xi32>,
      %gather3A = tpu.vector_load_idx %arg5[%broadcast_in_dim3A_657, %get3A_1253] : memref<1x100000xf32, #tpu.memory_space<vmem>>[vector<16xi32>, vector<16xi32>], vector<16xf32>,
      %mul3A_1254 = arith.constant 16 : i32
      %mul3A_1255 = arith.muli %add3A_1248, %mul3A_1254 : i32
      %swap3A = arith.constant 0 : i32
      %swap3A_1256 = arith.constant 0 : i32
      %swap3A_1257 = arith.constant 0 : i32
      %swap3A_1258 = tpu.memref_slice %arg7[%scan3A_658, %swap3A_1256, %swap3A_1257] : memref<2x1x4096xf32, #tpu.memory_space<vmem>> -> memref<1x1x4096xf32, #tpu.memory_space<vmem>>
      %swap3A_1259 = tpu.memref_squeeze %swap3A_1258 : memref<1x1x4096xf32, #tpu.memory_space<vmem>> -> memref<1x4096xf32, #tpu.memory_space<vmem>>
      %swap3A_1260 = arith.index_cast %swap3A : i32 to index
      %swap3A_1261 = arith.index_cast %mul3A_1255 : i32 to index
      %swap3A_1262 = tpu.vector_load %swap3A_1259[%swap3A_1260, %swap3A_1261] {strides = array<i32>} : memref<1x4096xf32, #tpu.memory_space<vmem>>, vector<16xf32>,
      tpu.vector_store %swap3A_1259[%swap3A_1260, %swap3A_1261], %gather3A {strides = array<i32>} : memref<1x4096xf32, #tpu.memory_space<vmem>>, vector<16xf32>,
    }
    %scan3A_663 = arith.constant 256 : i32
    %dma_wait3A_664 = arith.constant 0 : i32
    %dma_wait3A_665 = arith.constant 0 : i32
    %dma_wait3A_666 = arith.constant 0 : i32
    %dma_wait3A_667 = tpu.memref_slice %arg7[%dma_wait3A_664, %dma_wait3A_665, %dma_wait3A_666] : memref<2x1x4096xf32, #tpu.memory_space<vmem>> -> memref<1x1x4096xf32, #tpu.memory_space<vmem>>
    %dma_wait3A_668 = tpu.memref_squeeze %dma_wait3A_667 : memref<1x1x4096xf32, #tpu.memory_space<vmem>> -> memref<1x4096xf32, #tpu.memory_space<vmem>>
    %dma_wait3A_669 = arith.constant 0 : i32
    %dma_wait3A_670 = tpu.memref_slice %arg4[%add3A_549, %dma_wait3A_669] : memref<832x4096xf32, #tpu.memory_space<hbm>> -> memref<1x4096xf32, #tpu.memory_space<hbm>>
    %dma_wait3A_671 = arith.constant 0 : i32
    %dma_wait3A_672 = tpu.memref_slice %arg4[%add3A_549, %dma_wait3A_671] : memref<832x4096xf32, #tpu.memory_space<hbm>> -> memref<1x4096xf32, #tpu.memory_space<hbm>>
    %dma_wait3A_673 = arith.constant 0 : i32
    %dma_wait3A_674 = arith.constant 0 : i32
    %dma_wait3A_675 = tpu.memref_slice %arg7[%dma_wait3A_664, %dma_wait3A_673, %dma_wait3A_674] : memref<2x1x4096xf32, #tpu.memory_space<vmem>> -> memref<1x1x4096xf32, #tpu.memory_space<vmem>>
    %dma_wait3A_676 = tpu.memref_squeeze %dma_wait3A_675 : memref<1x1x4096xf32, #tpu.memory_space<vmem>> -> memref<1x4096xf32, #tpu.memory_space<vmem>>
    tpu.wait_dma2 semaphore(%arg9 : memref<!tpu.dma_semaphore, #tpu.memory_space<semaphore_mem>>) src(%dma_wait3A_676 : memref<1x4096xf32, #tpu.memory_space<vmem>>) dst(%dma_wait3A_672 : memref<1x4096xf32, #tpu.memory_space<hbm>>)
    %dma_start3A_677 = arith.constant 0 : i32
    %dma_start3A_678 = arith.constant 0 : i32
    %dma_start3A_679 = arith.constant 0 : i32
    %dma_start3A_680 = tpu.memref_slice %arg7[%dma_start3A_677, %dma_start3A_678, %dma_start3A_679] : memref<2x1x4096xf32, #tpu.memory_space<vmem>> -> memref<1x1x4096xf32, #tpu.memory_space<vmem>>
    %dma_start3A_681 = tpu.memref_squeeze %dma_start3A_680 : memref<1x1x4096xf32, #tpu.memory_space<vmem>> -> memref<1x4096xf32, #tpu.memory_space<vmem>>
    %dma_start3A_682 = arith.constant 0 : i32
    %dma_start3A_683 = tpu.memref_slice %arg4[%add3A_645, %dma_start3A_682] : memref<832x4096xf32, #tpu.memory_space<hbm>> -> memref<1x4096xf32, #tpu.memory_space<hbm>>
    %dma_start3A_684 = arith.constant 0 : i32
    %dma_start3A_685 = tpu.memref_slice %arg4[%add3A_645, %dma_start3A_684] : memref<832x4096xf32, #tpu.memory_space<hbm>> -> memref<1x4096xf32, #tpu.memory_space<hbm>>
    %dma_start3A_686 = arith.constant 0 : i32
    %dma_start3A_687 = arith.constant 0 : i32
    %dma_start3A_688 = tpu.memref_slice %arg7[%dma_start3A_677, %dma_start3A_686, %dma_start3A_687] : memref<2x1x4096xf32, #tpu.memory_space<vmem>> -> memref<1x1x4096xf32, #tpu.memory_space<vmem>>
    %dma_start3A_689 = tpu.memref_squeeze %dma_start3A_688 : memref<1x1x4096xf32, #tpu.memory_space<vmem>> -> memref<1x4096xf32, #tpu.memory_space<vmem>>
    tpu.enqueue_dma source(%dma_start3A_689 : memref<1x4096xf32, #tpu.memory_space<vmem>>) target(%dma_start3A_685 : memref<1x4096xf32, #tpu.memory_space<hbm>>) target_semaphore(%arg9 : memref<!tpu.dma_semaphore, #tpu.memory_space<semaphore_mem>>)
    %mul3A_690 = arith.constant 26 : i32
    %mul3A_691 = arith.muli %add3A, %mul3A_690 : i32
    %add3A_692 = arith.constant 15 : i32
    %add3A_693 = arith.addi %mul3A_691, %add3A_692 : i32
    %div3A_694 = arith.constant 32 : i32
    %div3A_695 = arith.divsi %add3A_693, %div3A_694 : i32
    %dma_start3A_696 = arith.constant 0 : i32
    %dma_start3A_697 = tpu.memref_slice %arg2[%add3A_693, %dma_start3A_696] : memref<832x100000xf32, #tpu.memory_space<hbm>> -> memref<1x100000xf32, #tpu.memory_space<hbm>>
    %dma_start3A_698 = arith.constant 0 : i32
    %dma_start3A_699 = tpu.memref_slice %arg2[%add3A_693, %dma_start3A_698] : memref<832x100000xf32, #tpu.memory_space<hbm>> -> memref<1x100000xf32, #tpu.memory_space<hbm>>
    tpu.enqueue_dma source(%dma_start3A_699 : memref<1x100000xf32, #tpu.memory_space<hbm>>) target(%arg5 : memref<1x100000xf32, #tpu.memory_space<vmem>>) target_semaphore(%arg8 : memref<!tpu.dma_semaphore, #tpu.memory_space<semaphore_mem>>)
    "tpu.region"() ({
      %run_scoped3A = tpu.sem_alloc : memref<!tpu.dma_semaphore, #tpu.memory_space<semaphore_mem>>
      %dma_start3A_1244 = arith.constant 0 : i32
      %dma_start3A_1245 = tpu.memref_slice %arg3[%div3A_695, %dma_start3A_1244] : memref<26x4096xi32, #tpu.memory_space<hbm>> -> memref<1x4096xi32, #tpu.memory_space<hbm>>
      %dma_start3A_1246 = arith.constant 0 : i32
      %dma_start3A_1247 = tpu.memref_slice %arg3[%div3A_695, %dma_start3A_1246] : memref<26x4096xi32, #tpu.memory_space<hbm>> -> memref<1x4096xi32, #tpu.memory_space<hbm>>
      tpu.enqueue_dma source(%dma_start3A_1247 : memref<1x4096xi32, #tpu.memory_space<hbm>>) target(%arg6 : memref<1x4096xi32, #tpu.memory_space<vmem>>) target_semaphore(%run_scoped3A : memref<!tpu.dma_semaphore, #tpu.memory_space<semaphore_mem>>)
      %dma_wait3A_1248 = arith.constant 0 : i32
      %dma_wait3A_1249 = tpu.memref_slice %arg3[%div3A_695, %dma_wait3A_1248] : memref<26x4096xi32, #tpu.memory_space<hbm>> -> memref<1x4096xi32, #tpu.memory_space<hbm>>
      %dma_wait3A_1250 = arith.constant 0 : i32
      %dma_wait3A_1251 = tpu.memref_slice %arg3[%div3A_695, %dma_wait3A_1250] : memref<26x4096xi32, #tpu.memory_space<hbm>> -> memref<1x4096xi32, #tpu.memory_space<hbm>>
      tpu.wait_dma2 semaphore(%run_scoped3A : memref<!tpu.dma_semaphore, #tpu.memory_space<semaphore_mem>>) src(%dma_wait3A_1251 : memref<1x4096xi32, #tpu.memory_space<hbm>>) dst(%arg6 : memref<1x4096xi32, #tpu.memory_space<vmem>>)
      tpu.yield
    }) : () -> ()
    %dma_wait3A_700 = arith.constant 0 : i32
    %dma_wait3A_701 = tpu.memref_slice %arg2[%add3A_693, %dma_wait3A_700] : memref<832x100000xf32, #tpu.memory_space<hbm>> -> memref<1x100000xf32, #tpu.memory_space<hbm>>
    %dma_wait3A_702 = arith.constant 0 : i32
    %dma_wait3A_703 = tpu.memref_slice %arg2[%add3A_693, %dma_wait3A_702] : memref<832x100000xf32, #tpu.memory_space<hbm>> -> memref<1x100000xf32, #tpu.memory_space<hbm>>
    tpu.wait_dma2 semaphore(%arg8 : memref<!tpu.dma_semaphore, #tpu.memory_space<semaphore_mem>>) src(%dma_wait3A_703 : memref<1x100000xf32, #tpu.memory_space<hbm>>) dst(%arg5 : memref<1x100000xf32, #tpu.memory_space<vmem>>)
    %broadcast_in_dim3A_704 = arith.constant 0 : i32
    %broadcast_in_dim3A_705 = vector.broadcast %broadcast_in_dim3A_704 : i32 to vector<16xi32>
    %scan3A_706 = arith.constant 1 : i32
    %scan3A_707 = arith.constant 0 : i32
    %scan3A_708 = arith.constant 256 : i32
    %scan3A_709 = arith.addi %scan3A_707, %scan3A_708 : i32
    %scan3A_710 = arith.constant 1 : i32
    scf.for %scan3A_1244 = %scan3A_707 to %scan3A_709 step %scan3A_710  : i32 {
      %mul3A_1245 = arith.constant 1 : i32
      %mul3A_1246 = arith.muli %scan3A_1244, %mul3A_1245 : i32
      %add3A_1247 = arith.constant 0 : i32
      %add3A_1248 = arith.addi %add3A_1247, %mul3A_1246 : i32
      %mul3A_1249 = arith.constant 16 : i32
      %mul3A_1250 = arith.muli %add3A_1248, %mul3A_1249 : i32
      %get3A = arith.constant 0 : i32
      %get3A_1251 = arith.index_cast %get3A : i32 to index
      %get3A_1252 = arith.index_cast %mul3A_1250 : i32 to index
      %get3A_1253 = tpu.vector_load %arg6[%get3A_1251, %get3A_1252] {strides = array<i32>} : memref<1x4096xi32, #tpu.memory_space<vmem>>, vector<16xi32>,
      %gather3A = tpu.vector_load_idx %arg5[%broadcast_in_dim3A_705, %get3A_1253] : memref<1x100000xf32, #tpu.memory_space<vmem>>[vector<16xi32>, vector<16xi32>], vector<16xf32>,
      %mul3A_1254 = arith.constant 16 : i32
      %mul3A_1255 = arith.muli %add3A_1248, %mul3A_1254 : i32
      %swap3A = arith.constant 0 : i32
      %swap3A_1256 = arith.constant 0 : i32
      %swap3A_1257 = arith.constant 0 : i32
      %swap3A_1258 = tpu.memref_slice %arg7[%scan3A_706, %swap3A_1256, %swap3A_1257] : memref<2x1x4096xf32, #tpu.memory_space<vmem>> -> memref<1x1x4096xf32, #tpu.memory_space<vmem>>
      %swap3A_1259 = tpu.memref_squeeze %swap3A_1258 : memref<1x1x4096xf32, #tpu.memory_space<vmem>> -> memref<1x4096xf32, #tpu.memory_space<vmem>>
      %swap3A_1260 = arith.index_cast %swap3A : i32 to index
      %swap3A_1261 = arith.index_cast %mul3A_1255 : i32 to index
      %swap3A_1262 = tpu.vector_load %swap3A_1259[%swap3A_1260, %swap3A_1261] {strides = array<i32>} : memref<1x4096xf32, #tpu.memory_space<vmem>>, vector<16xf32>,
      tpu.vector_store %swap3A_1259[%swap3A_1260, %swap3A_1261], %gather3A {strides = array<i32>} : memref<1x4096xf32, #tpu.memory_space<vmem>>, vector<16xf32>,
    }
    %scan3A_711 = arith.constant 256 : i32
    %dma_wait3A_712 = arith.constant 1 : i32
    %dma_wait3A_713 = arith.constant 0 : i32
    %dma_wait3A_714 = arith.constant 0 : i32
    %dma_wait3A_715 = tpu.memref_slice %arg7[%dma_wait3A_712, %dma_wait3A_713, %dma_wait3A_714] : memref<2x1x4096xf32, #tpu.memory_space<vmem>> -> memref<1x1x4096xf32, #tpu.memory_space<vmem>>
    %dma_wait3A_716 = tpu.memref_squeeze %dma_wait3A_715 : memref<1x1x4096xf32, #tpu.memory_space<vmem>> -> memref<1x4096xf32, #tpu.memory_space<vmem>>
    %dma_wait3A_717 = arith.constant 0 : i32
    %dma_wait3A_718 = tpu.memref_slice %arg4[%add3A_597, %dma_wait3A_717] : memref<832x4096xf32, #tpu.memory_space<hbm>> -> memref<1x4096xf32, #tpu.memory_space<hbm>>
    %dma_wait3A_719 = arith.constant 0 : i32
    %dma_wait3A_720 = tpu.memref_slice %arg4[%add3A_597, %dma_wait3A_719] : memref<832x4096xf32, #tpu.memory_space<hbm>> -> memref<1x4096xf32, #tpu.memory_space<hbm>>
    %dma_wait3A_721 = arith.constant 0 : i32
    %dma_wait3A_722 = arith.constant 0 : i32
    %dma_wait3A_723 = tpu.memref_slice %arg7[%dma_wait3A_712, %dma_wait3A_721, %dma_wait3A_722] : memref<2x1x4096xf32, #tpu.memory_space<vmem>> -> memref<1x1x4096xf32, #tpu.memory_space<vmem>>
    %dma_wait3A_724 = tpu.memref_squeeze %dma_wait3A_723 : memref<1x1x4096xf32, #tpu.memory_space<vmem>> -> memref<1x4096xf32, #tpu.memory_space<vmem>>
    tpu.wait_dma2 semaphore(%arg9 : memref<!tpu.dma_semaphore, #tpu.memory_space<semaphore_mem>>) src(%dma_wait3A_724 : memref<1x4096xf32, #tpu.memory_space<vmem>>) dst(%dma_wait3A_720 : memref<1x4096xf32, #tpu.memory_space<hbm>>)
    %dma_start3A_725 = arith.constant 1 : i32
    %dma_start3A_726 = arith.constant 0 : i32
    %dma_start3A_727 = arith.constant 0 : i32
    %dma_start3A_728 = tpu.memref_slice %arg7[%dma_start3A_725, %dma_start3A_726, %dma_start3A_727] : memref<2x1x4096xf32, #tpu.memory_space<vmem>> -> memref<1x1x4096xf32, #tpu.memory_space<vmem>>
    %dma_start3A_729 = tpu.memref_squeeze %dma_start3A_728 : memref<1x1x4096xf32, #tpu.memory_space<vmem>> -> memref<1x4096xf32, #tpu.memory_space<vmem>>
    %dma_start3A_730 = arith.constant 0 : i32
    %dma_start3A_731 = tpu.memref_slice %arg4[%add3A_693, %dma_start3A_730] : memref<832x4096xf32, #tpu.memory_space<hbm>> -> memref<1x4096xf32, #tpu.memory_space<hbm>>
    %dma_start3A_732 = arith.constant 0 : i32
    %dma_start3A_733 = tpu.memref_slice %arg4[%add3A_693, %dma_start3A_732] : memref<832x4096xf32, #tpu.memory_space<hbm>> -> memref<1x4096xf32, #tpu.memory_space<hbm>>
    %dma_start3A_734 = arith.constant 0 : i32
    %dma_start3A_735 = arith.constant 0 : i32
    %dma_start3A_736 = tpu.memref_slice %arg7[%dma_start3A_725, %dma_start3A_734, %dma_start3A_735] : memref<2x1x4096xf32, #tpu.memory_space<vmem>> -> memref<1x1x4096xf32, #tpu.memory_space<vmem>>
    %dma_start3A_737 = tpu.memref_squeeze %dma_start3A_736 : memref<1x1x4096xf32, #tpu.memory_space<vmem>> -> memref<1x4096xf32, #tpu.memory_space<vmem>>
    tpu.enqueue_dma source(%dma_start3A_737 : memref<1x4096xf32, #tpu.memory_space<vmem>>) target(%dma_start3A_733 : memref<1x4096xf32, #tpu.memory_space<hbm>>) target_semaphore(%arg9 : memref<!tpu.dma_semaphore, #tpu.memory_space<semaphore_mem>>)
    %mul3A_738 = arith.constant 26 : i32
    %mul3A_739 = arith.muli %add3A, %mul3A_738 : i32
    %add3A_740 = arith.constant 16 : i32
    %add3A_741 = arith.addi %mul3A_739, %add3A_740 : i32
    %div3A_742 = arith.constant 32 : i32
    %div3A_743 = arith.divsi %add3A_741, %div3A_742 : i32
    %dma_start3A_744 = arith.constant 0 : i32
    %dma_start3A_745 = tpu.memref_slice %arg2[%add3A_741, %dma_start3A_744] : memref<832x100000xf32, #tpu.memory_space<hbm>> -> memref<1x100000xf32, #tpu.memory_space<hbm>>
    %dma_start3A_746 = arith.constant 0 : i32
    %dma_start3A_747 = tpu.memref_slice %arg2[%add3A_741, %dma_start3A_746] : memref<832x100000xf32, #tpu.memory_space<hbm>> -> memref<1x100000xf32, #tpu.memory_space<hbm>>
    tpu.enqueue_dma source(%dma_start3A_747 : memref<1x100000xf32, #tpu.memory_space<hbm>>) target(%arg5 : memref<1x100000xf32, #tpu.memory_space<vmem>>) target_semaphore(%arg8 : memref<!tpu.dma_semaphore, #tpu.memory_space<semaphore_mem>>)
    "tpu.region"() ({
      %run_scoped3A = tpu.sem_alloc : memref<!tpu.dma_semaphore, #tpu.memory_space<semaphore_mem>>
      %dma_start3A_1244 = arith.constant 0 : i32
      %dma_start3A_1245 = tpu.memref_slice %arg3[%div3A_743, %dma_start3A_1244] : memref<26x4096xi32, #tpu.memory_space<hbm>> -> memref<1x4096xi32, #tpu.memory_space<hbm>>
      %dma_start3A_1246 = arith.constant 0 : i32
      %dma_start3A_1247 = tpu.memref_slice %arg3[%div3A_743, %dma_start3A_1246] : memref<26x4096xi32, #tpu.memory_space<hbm>> -> memref<1x4096xi32, #tpu.memory_space<hbm>>
      tpu.enqueue_dma source(%dma_start3A_1247 : memref<1x4096xi32, #tpu.memory_space<hbm>>) target(%arg6 : memref<1x4096xi32, #tpu.memory_space<vmem>>) target_semaphore(%run_scoped3A : memref<!tpu.dma_semaphore, #tpu.memory_space<semaphore_mem>>)
      %dma_wait3A_1248 = arith.constant 0 : i32
      %dma_wait3A_1249 = tpu.memref_slice %arg3[%div3A_743, %dma_wait3A_1248] : memref<26x4096xi32, #tpu.memory_space<hbm>> -> memref<1x4096xi32, #tpu.memory_space<hbm>>
      %dma_wait3A_1250 = arith.constant 0 : i32
      %dma_wait3A_1251 = tpu.memref_slice %arg3[%div3A_743, %dma_wait3A_1250] : memref<26x4096xi32, #tpu.memory_space<hbm>> -> memref<1x4096xi32, #tpu.memory_space<hbm>>
      tpu.wait_dma2 semaphore(%run_scoped3A : memref<!tpu.dma_semaphore, #tpu.memory_space<semaphore_mem>>) src(%dma_wait3A_1251 : memref<1x4096xi32, #tpu.memory_space<hbm>>) dst(%arg6 : memref<1x4096xi32, #tpu.memory_space<vmem>>)
      tpu.yield
    }) : () -> ()
    %dma_wait3A_748 = arith.constant 0 : i32
    %dma_wait3A_749 = tpu.memref_slice %arg2[%add3A_741, %dma_wait3A_748] : memref<832x100000xf32, #tpu.memory_space<hbm>> -> memref<1x100000xf32, #tpu.memory_space<hbm>>
    %dma_wait3A_750 = arith.constant 0 : i32
    %dma_wait3A_751 = tpu.memref_slice %arg2[%add3A_741, %dma_wait3A_750] : memref<832x100000xf32, #tpu.memory_space<hbm>> -> memref<1x100000xf32, #tpu.memory_space<hbm>>
    tpu.wait_dma2 semaphore(%arg8 : memref<!tpu.dma_semaphore, #tpu.memory_space<semaphore_mem>>) src(%dma_wait3A_751 : memref<1x100000xf32, #tpu.memory_space<hbm>>) dst(%arg5 : memref<1x100000xf32, #tpu.memory_space<vmem>>)
    %broadcast_in_dim3A_752 = arith.constant 0 : i32
    %broadcast_in_dim3A_753 = vector.broadcast %broadcast_in_dim3A_752 : i32 to vector<16xi32>
    %scan3A_754 = arith.constant 0 : i32
    %scan3A_755 = arith.constant 0 : i32
    %scan3A_756 = arith.constant 256 : i32
    %scan3A_757 = arith.addi %scan3A_755, %scan3A_756 : i32
    %scan3A_758 = arith.constant 1 : i32
    scf.for %scan3A_1244 = %scan3A_755 to %scan3A_757 step %scan3A_758  : i32 {
      %mul3A_1245 = arith.constant 1 : i32
      %mul3A_1246 = arith.muli %scan3A_1244, %mul3A_1245 : i32
      %add3A_1247 = arith.constant 0 : i32
      %add3A_1248 = arith.addi %add3A_1247, %mul3A_1246 : i32
      %mul3A_1249 = arith.constant 16 : i32
      %mul3A_1250 = arith.muli %add3A_1248, %mul3A_1249 : i32
      %get3A = arith.constant 0 : i32
      %get3A_1251 = arith.index_cast %get3A : i32 to index
      %get3A_1252 = arith.index_cast %mul3A_1250 : i32 to index
      %get3A_1253 = tpu.vector_load %arg6[%get3A_1251, %get3A_1252] {strides = array<i32>} : memref<1x4096xi32, #tpu.memory_space<vmem>>, vector<16xi32>,
      %gather3A = tpu.vector_load_idx %arg5[%broadcast_in_dim3A_753, %get3A_1253] : memref<1x100000xf32, #tpu.memory_space<vmem>>[vector<16xi32>, vector<16xi32>], vector<16xf32>,
      %mul3A_1254 = arith.constant 16 : i32
      %mul3A_1255 = arith.muli %add3A_1248, %mul3A_1254 : i32
      %swap3A = arith.constant 0 : i32
      %swap3A_1256 = arith.constant 0 : i32
      %swap3A_1257 = arith.constant 0 : i32
      %swap3A_1258 = tpu.memref_slice %arg7[%scan3A_754, %swap3A_1256, %swap3A_1257] : memref<2x1x4096xf32, #tpu.memory_space<vmem>> -> memref<1x1x4096xf32, #tpu.memory_space<vmem>>
      %swap3A_1259 = tpu.memref_squeeze %swap3A_1258 : memref<1x1x4096xf32, #tpu.memory_space<vmem>> -> memref<1x4096xf32, #tpu.memory_space<vmem>>
      %swap3A_1260 = arith.index_cast %swap3A : i32 to index
      %swap3A_1261 = arith.index_cast %mul3A_1255 : i32 to index
      %swap3A_1262 = tpu.vector_load %swap3A_1259[%swap3A_1260, %swap3A_1261] {strides = array<i32>} : memref<1x4096xf32, #tpu.memory_space<vmem>>, vector<16xf32>,
      tpu.vector_store %swap3A_1259[%swap3A_1260, %swap3A_1261], %gather3A {strides = array<i32>} : memref<1x4096xf32, #tpu.memory_space<vmem>>, vector<16xf32>,
    }
    %scan3A_759 = arith.constant 256 : i32
    %dma_wait3A_760 = arith.constant 0 : i32
    %dma_wait3A_761 = arith.constant 0 : i32
    %dma_wait3A_762 = arith.constant 0 : i32
    %dma_wait3A_763 = tpu.memref_slice %arg7[%dma_wait3A_760, %dma_wait3A_761, %dma_wait3A_762] : memref<2x1x4096xf32, #tpu.memory_space<vmem>> -> memref<1x1x4096xf32, #tpu.memory_space<vmem>>
    %dma_wait3A_764 = tpu.memref_squeeze %dma_wait3A_763 : memref<1x1x4096xf32, #tpu.memory_space<vmem>> -> memref<1x4096xf32, #tpu.memory_space<vmem>>
    %dma_wait3A_765 = arith.constant 0 : i32
    %dma_wait3A_766 = tpu.memref_slice %arg4[%add3A_645, %dma_wait3A_765] : memref<832x4096xf32, #tpu.memory_space<hbm>> -> memref<1x4096xf32, #tpu.memory_space<hbm>>
    %dma_wait3A_767 = arith.constant 0 : i32
    %dma_wait3A_768 = tpu.memref_slice %arg4[%add3A_645, %dma_wait3A_767] : memref<832x4096xf32, #tpu.memory_space<hbm>> -> memref<1x4096xf32, #tpu.memory_space<hbm>>
    %dma_wait3A_769 = arith.constant 0 : i32
    %dma_wait3A_770 = arith.constant 0 : i32
    %dma_wait3A_771 = tpu.memref_slice %arg7[%dma_wait3A_760, %dma_wait3A_769, %dma_wait3A_770] : memref<2x1x4096xf32, #tpu.memory_space<vmem>> -> memref<1x1x4096xf32, #tpu.memory_space<vmem>>
    %dma_wait3A_772 = tpu.memref_squeeze %dma_wait3A_771 : memref<1x1x4096xf32, #tpu.memory_space<vmem>> -> memref<1x4096xf32, #tpu.memory_space<vmem>>
    tpu.wait_dma2 semaphore(%arg9 : memref<!tpu.dma_semaphore, #tpu.memory_space<semaphore_mem>>) src(%dma_wait3A_772 : memref<1x4096xf32, #tpu.memory_space<vmem>>) dst(%dma_wait3A_768 : memref<1x4096xf32, #tpu.memory_space<hbm>>)
    %dma_start3A_773 = arith.constant 0 : i32
    %dma_start3A_774 = arith.constant 0 : i32
    %dma_start3A_775 = arith.constant 0 : i32
    %dma_start3A_776 = tpu.memref_slice %arg7[%dma_start3A_773, %dma_start3A_774, %dma_start3A_775] : memref<2x1x4096xf32, #tpu.memory_space<vmem>> -> memref<1x1x4096xf32, #tpu.memory_space<vmem>>
    %dma_start3A_777 = tpu.memref_squeeze %dma_start3A_776 : memref<1x1x4096xf32, #tpu.memory_space<vmem>> -> memref<1x4096xf32, #tpu.memory_space<vmem>>
    %dma_start3A_778 = arith.constant 0 : i32
    %dma_start3A_779 = tpu.memref_slice %arg4[%add3A_741, %dma_start3A_778] : memref<832x4096xf32, #tpu.memory_space<hbm>> -> memref<1x4096xf32, #tpu.memory_space<hbm>>
    %dma_start3A_780 = arith.constant 0 : i32
    %dma_start3A_781 = tpu.memref_slice %arg4[%add3A_741, %dma_start3A_780] : memref<832x4096xf32, #tpu.memory_space<hbm>> -> memref<1x4096xf32, #tpu.memory_space<hbm>>
    %dma_start3A_782 = arith.constant 0 : i32
    %dma_start3A_783 = arith.constant 0 : i32
    %dma_start3A_784 = tpu.memref_slice %arg7[%dma_start3A_773, %dma_start3A_782, %dma_start3A_783] : memref<2x1x4096xf32, #tpu.memory_space<vmem>> -> memref<1x1x4096xf32, #tpu.memory_space<vmem>>
    %dma_start3A_785 = tpu.memref_squeeze %dma_start3A_784 : memref<1x1x4096xf32, #tpu.memory_space<vmem>> -> memref<1x4096xf32, #tpu.memory_space<vmem>>
    tpu.enqueue_dma source(%dma_start3A_785 : memref<1x4096xf32, #tpu.memory_space<vmem>>) target(%dma_start3A_781 : memref<1x4096xf32, #tpu.memory_space<hbm>>) target_semaphore(%arg9 : memref<!tpu.dma_semaphore, #tpu.memory_space<semaphore_mem>>)
    %mul3A_786 = arith.constant 26 : i32
    %mul3A_787 = arith.muli %add3A, %mul3A_786 : i32
    %add3A_788 = arith.constant 17 : i32
    %add3A_789 = arith.addi %mul3A_787, %add3A_788 : i32
    %div3A_790 = arith.constant 32 : i32
    %div3A_791 = arith.divsi %add3A_789, %div3A_790 : i32
    %dma_start3A_792 = arith.constant 0 : i32
    %dma_start3A_793 = tpu.memref_slice %arg2[%add3A_789, %dma_start3A_792] : memref<832x100000xf32, #tpu.memory_space<hbm>> -> memref<1x100000xf32, #tpu.memory_space<hbm>>
    %dma_start3A_794 = arith.constant 0 : i32
    %dma_start3A_795 = tpu.memref_slice %arg2[%add3A_789, %dma_start3A_794] : memref<832x100000xf32, #tpu.memory_space<hbm>> -> memref<1x100000xf32, #tpu.memory_space<hbm>>
    tpu.enqueue_dma source(%dma_start3A_795 : memref<1x100000xf32, #tpu.memory_space<hbm>>) target(%arg5 : memref<1x100000xf32, #tpu.memory_space<vmem>>) target_semaphore(%arg8 : memref<!tpu.dma_semaphore, #tpu.memory_space<semaphore_mem>>)
    "tpu.region"() ({
      %run_scoped3A = tpu.sem_alloc : memref<!tpu.dma_semaphore, #tpu.memory_space<semaphore_mem>>
      %dma_start3A_1244 = arith.constant 0 : i32
      %dma_start3A_1245 = tpu.memref_slice %arg3[%div3A_791, %dma_start3A_1244] : memref<26x4096xi32, #tpu.memory_space<hbm>> -> memref<1x4096xi32, #tpu.memory_space<hbm>>
      %dma_start3A_1246 = arith.constant 0 : i32
      %dma_start3A_1247 = tpu.memref_slice %arg3[%div3A_791, %dma_start3A_1246] : memref<26x4096xi32, #tpu.memory_space<hbm>> -> memref<1x4096xi32, #tpu.memory_space<hbm>>
      tpu.enqueue_dma source(%dma_start3A_1247 : memref<1x4096xi32, #tpu.memory_space<hbm>>) target(%arg6 : memref<1x4096xi32, #tpu.memory_space<vmem>>) target_semaphore(%run_scoped3A : memref<!tpu.dma_semaphore, #tpu.memory_space<semaphore_mem>>)
      %dma_wait3A_1248 = arith.constant 0 : i32
      %dma_wait3A_1249 = tpu.memref_slice %arg3[%div3A_791, %dma_wait3A_1248] : memref<26x4096xi32, #tpu.memory_space<hbm>> -> memref<1x4096xi32, #tpu.memory_space<hbm>>
      %dma_wait3A_1250 = arith.constant 0 : i32
      %dma_wait3A_1251 = tpu.memref_slice %arg3[%div3A_791, %dma_wait3A_1250] : memref<26x4096xi32, #tpu.memory_space<hbm>> -> memref<1x4096xi32, #tpu.memory_space<hbm>>
      tpu.wait_dma2 semaphore(%run_scoped3A : memref<!tpu.dma_semaphore, #tpu.memory_space<semaphore_mem>>) src(%dma_wait3A_1251 : memref<1x4096xi32, #tpu.memory_space<hbm>>) dst(%arg6 : memref<1x4096xi32, #tpu.memory_space<vmem>>)
      tpu.yield
    }) : () -> ()
    %dma_wait3A_796 = arith.constant 0 : i32
    %dma_wait3A_797 = tpu.memref_slice %arg2[%add3A_789, %dma_wait3A_796] : memref<832x100000xf32, #tpu.memory_space<hbm>> -> memref<1x100000xf32, #tpu.memory_space<hbm>>
    %dma_wait3A_798 = arith.constant 0 : i32
    %dma_wait3A_799 = tpu.memref_slice %arg2[%add3A_789, %dma_wait3A_798] : memref<832x100000xf32, #tpu.memory_space<hbm>> -> memref<1x100000xf32, #tpu.memory_space<hbm>>
    tpu.wait_dma2 semaphore(%arg8 : memref<!tpu.dma_semaphore, #tpu.memory_space<semaphore_mem>>) src(%dma_wait3A_799 : memref<1x100000xf32, #tpu.memory_space<hbm>>) dst(%arg5 : memref<1x100000xf32, #tpu.memory_space<vmem>>)
    %broadcast_in_dim3A_800 = arith.constant 0 : i32
    %broadcast_in_dim3A_801 = vector.broadcast %broadcast_in_dim3A_800 : i32 to vector<16xi32>
    %scan3A_802 = arith.constant 1 : i32
    %scan3A_803 = arith.constant 0 : i32
    %scan3A_804 = arith.constant 256 : i32
    %scan3A_805 = arith.addi %scan3A_803, %scan3A_804 : i32
    %scan3A_806 = arith.constant 1 : i32
    scf.for %scan3A_1244 = %scan3A_803 to %scan3A_805 step %scan3A_806  : i32 {
      %mul3A_1245 = arith.constant 1 : i32
      %mul3A_1246 = arith.muli %scan3A_1244, %mul3A_1245 : i32
      %add3A_1247 = arith.constant 0 : i32
      %add3A_1248 = arith.addi %add3A_1247, %mul3A_1246 : i32
      %mul3A_1249 = arith.constant 16 : i32
      %mul3A_1250 = arith.muli %add3A_1248, %mul3A_1249 : i32
      %get3A = arith.constant 0 : i32
      %get3A_1251 = arith.index_cast %get3A : i32 to index
      %get3A_1252 = arith.index_cast %mul3A_1250 : i32 to index
      %get3A_1253 = tpu.vector_load %arg6[%get3A_1251, %get3A_1252] {strides = array<i32>} : memref<1x4096xi32, #tpu.memory_space<vmem>>, vector<16xi32>,
      %gather3A = tpu.vector_load_idx %arg5[%broadcast_in_dim3A_801, %get3A_1253] : memref<1x100000xf32, #tpu.memory_space<vmem>>[vector<16xi32>, vector<16xi32>], vector<16xf32>,
      %mul3A_1254 = arith.constant 16 : i32
      %mul3A_1255 = arith.muli %add3A_1248, %mul3A_1254 : i32
      %swap3A = arith.constant 0 : i32
      %swap3A_1256 = arith.constant 0 : i32
      %swap3A_1257 = arith.constant 0 : i32
      %swap3A_1258 = tpu.memref_slice %arg7[%scan3A_802, %swap3A_1256, %swap3A_1257] : memref<2x1x4096xf32, #tpu.memory_space<vmem>> -> memref<1x1x4096xf32, #tpu.memory_space<vmem>>
      %swap3A_1259 = tpu.memref_squeeze %swap3A_1258 : memref<1x1x4096xf32, #tpu.memory_space<vmem>> -> memref<1x4096xf32, #tpu.memory_space<vmem>>
      %swap3A_1260 = arith.index_cast %swap3A : i32 to index
      %swap3A_1261 = arith.index_cast %mul3A_1255 : i32 to index
      %swap3A_1262 = tpu.vector_load %swap3A_1259[%swap3A_1260, %swap3A_1261] {strides = array<i32>} : memref<1x4096xf32, #tpu.memory_space<vmem>>, vector<16xf32>,
      tpu.vector_store %swap3A_1259[%swap3A_1260, %swap3A_1261], %gather3A {strides = array<i32>} : memref<1x4096xf32, #tpu.memory_space<vmem>>, vector<16xf32>,
    }
    %scan3A_807 = arith.constant 256 : i32
    %dma_wait3A_808 = arith.constant 1 : i32
    %dma_wait3A_809 = arith.constant 0 : i32
    %dma_wait3A_810 = arith.constant 0 : i32
    %dma_wait3A_811 = tpu.memref_slice %arg7[%dma_wait3A_808, %dma_wait3A_809, %dma_wait3A_810] : memref<2x1x4096xf32, #tpu.memory_space<vmem>> -> memref<1x1x4096xf32, #tpu.memory_space<vmem>>
    %dma_wait3A_812 = tpu.memref_squeeze %dma_wait3A_811 : memref<1x1x4096xf32, #tpu.memory_space<vmem>> -> memref<1x4096xf32, #tpu.memory_space<vmem>>
    %dma_wait3A_813 = arith.constant 0 : i32
    %dma_wait3A_814 = tpu.memref_slice %arg4[%add3A_693, %dma_wait3A_813] : memref<832x4096xf32, #tpu.memory_space<hbm>> -> memref<1x4096xf32, #tpu.memory_space<hbm>>
    %dma_wait3A_815 = arith.constant 0 : i32
    %dma_wait3A_816 = tpu.memref_slice %arg4[%add3A_693, %dma_wait3A_815] : memref<832x4096xf32, #tpu.memory_space<hbm>> -> memref<1x4096xf32, #tpu.memory_space<hbm>>
    %dma_wait3A_817 = arith.constant 0 : i32
    %dma_wait3A_818 = arith.constant 0 : i32
    %dma_wait3A_819 = tpu.memref_slice %arg7[%dma_wait3A_808, %dma_wait3A_817, %dma_wait3A_818] : memref<2x1x4096xf32, #tpu.memory_space<vmem>> -> memref<1x1x4096xf32, #tpu.memory_space<vmem>>
    %dma_wait3A_820 = tpu.memref_squeeze %dma_wait3A_819 : memref<1x1x4096xf32, #tpu.memory_space<vmem>> -> memref<1x4096xf32, #tpu.memory_space<vmem>>
    tpu.wait_dma2 semaphore(%arg9 : memref<!tpu.dma_semaphore, #tpu.memory_space<semaphore_mem>>) src(%dma_wait3A_820 : memref<1x4096xf32, #tpu.memory_space<vmem>>) dst(%dma_wait3A_816 : memref<1x4096xf32, #tpu.memory_space<hbm>>)
    %dma_start3A_821 = arith.constant 1 : i32
    %dma_start3A_822 = arith.constant 0 : i32
    %dma_start3A_823 = arith.constant 0 : i32
    %dma_start3A_824 = tpu.memref_slice %arg7[%dma_start3A_821, %dma_start3A_822, %dma_start3A_823] : memref<2x1x4096xf32, #tpu.memory_space<vmem>> -> memref<1x1x4096xf32, #tpu.memory_space<vmem>>
    %dma_start3A_825 = tpu.memref_squeeze %dma_start3A_824 : memref<1x1x4096xf32, #tpu.memory_space<vmem>> -> memref<1x4096xf32, #tpu.memory_space<vmem>>
    %dma_start3A_826 = arith.constant 0 : i32
    %dma_start3A_827 = tpu.memref_slice %arg4[%add3A_789, %dma_start3A_826] : memref<832x4096xf32, #tpu.memory_space<hbm>> -> memref<1x4096xf32, #tpu.memory_space<hbm>>
    %dma_start3A_828 = arith.constant 0 : i32
    %dma_start3A_829 = tpu.memref_slice %arg4[%add3A_789, %dma_start3A_828] : memref<832x4096xf32, #tpu.memory_space<hbm>> -> memref<1x4096xf32, #tpu.memory_space<hbm>>
    %dma_start3A_830 = arith.constant 0 : i32
    %dma_start3A_831 = arith.constant 0 : i32
    %dma_start3A_832 = tpu.memref_slice %arg7[%dma_start3A_821, %dma_start3A_830, %dma_start3A_831] : memref<2x1x4096xf32, #tpu.memory_space<vmem>> -> memref<1x1x4096xf32, #tpu.memory_space<vmem>>
    %dma_start3A_833 = tpu.memref_squeeze %dma_start3A_832 : memref<1x1x4096xf32, #tpu.memory_space<vmem>> -> memref<1x4096xf32, #tpu.memory_space<vmem>>
    tpu.enqueue_dma source(%dma_start3A_833 : memref<1x4096xf32, #tpu.memory_space<vmem>>) target(%dma_start3A_829 : memref<1x4096xf32, #tpu.memory_space<hbm>>) target_semaphore(%arg9 : memref<!tpu.dma_semaphore, #tpu.memory_space<semaphore_mem>>)
    %mul3A_834 = arith.constant 26 : i32
    %mul3A_835 = arith.muli %add3A, %mul3A_834 : i32
    %add3A_836 = arith.constant 18 : i32
    %add3A_837 = arith.addi %mul3A_835, %add3A_836 : i32
    %div3A_838 = arith.constant 32 : i32
    %div3A_839 = arith.divsi %add3A_837, %div3A_838 : i32
    %dma_start3A_840 = arith.constant 0 : i32
    %dma_start3A_841 = tpu.memref_slice %arg2[%add3A_837, %dma_start3A_840] : memref<832x100000xf32, #tpu.memory_space<hbm>> -> memref<1x100000xf32, #tpu.memory_space<hbm>>
    %dma_start3A_842 = arith.constant 0 : i32
    %dma_start3A_843 = tpu.memref_slice %arg2[%add3A_837, %dma_start3A_842] : memref<832x100000xf32, #tpu.memory_space<hbm>> -> memref<1x100000xf32, #tpu.memory_space<hbm>>
    tpu.enqueue_dma source(%dma_start3A_843 : memref<1x100000xf32, #tpu.memory_space<hbm>>) target(%arg5 : memref<1x100000xf32, #tpu.memory_space<vmem>>) target_semaphore(%arg8 : memref<!tpu.dma_semaphore, #tpu.memory_space<semaphore_mem>>)
    "tpu.region"() ({
      %run_scoped3A = tpu.sem_alloc : memref<!tpu.dma_semaphore, #tpu.memory_space<semaphore_mem>>
      %dma_start3A_1244 = arith.constant 0 : i32
      %dma_start3A_1245 = tpu.memref_slice %arg3[%div3A_839, %dma_start3A_1244] : memref<26x4096xi32, #tpu.memory_space<hbm>> -> memref<1x4096xi32, #tpu.memory_space<hbm>>
      %dma_start3A_1246 = arith.constant 0 : i32
      %dma_start3A_1247 = tpu.memref_slice %arg3[%div3A_839, %dma_start3A_1246] : memref<26x4096xi32, #tpu.memory_space<hbm>> -> memref<1x4096xi32, #tpu.memory_space<hbm>>
      tpu.enqueue_dma source(%dma_start3A_1247 : memref<1x4096xi32, #tpu.memory_space<hbm>>) target(%arg6 : memref<1x4096xi32, #tpu.memory_space<vmem>>) target_semaphore(%run_scoped3A : memref<!tpu.dma_semaphore, #tpu.memory_space<semaphore_mem>>)
      %dma_wait3A_1248 = arith.constant 0 : i32
      %dma_wait3A_1249 = tpu.memref_slice %arg3[%div3A_839, %dma_wait3A_1248] : memref<26x4096xi32, #tpu.memory_space<hbm>> -> memref<1x4096xi32, #tpu.memory_space<hbm>>
      %dma_wait3A_1250 = arith.constant 0 : i32
      %dma_wait3A_1251 = tpu.memref_slice %arg3[%div3A_839, %dma_wait3A_1250] : memref<26x4096xi32, #tpu.memory_space<hbm>> -> memref<1x4096xi32, #tpu.memory_space<hbm>>
      tpu.wait_dma2 semaphore(%run_scoped3A : memref<!tpu.dma_semaphore, #tpu.memory_space<semaphore_mem>>) src(%dma_wait3A_1251 : memref<1x4096xi32, #tpu.memory_space<hbm>>) dst(%arg6 : memref<1x4096xi32, #tpu.memory_space<vmem>>)
      tpu.yield
    }) : () -> ()
    %dma_wait3A_844 = arith.constant 0 : i32
    %dma_wait3A_845 = tpu.memref_slice %arg2[%add3A_837, %dma_wait3A_844] : memref<832x100000xf32, #tpu.memory_space<hbm>> -> memref<1x100000xf32, #tpu.memory_space<hbm>>
    %dma_wait3A_846 = arith.constant 0 : i32
    %dma_wait3A_847 = tpu.memref_slice %arg2[%add3A_837, %dma_wait3A_846] : memref<832x100000xf32, #tpu.memory_space<hbm>> -> memref<1x100000xf32, #tpu.memory_space<hbm>>
    tpu.wait_dma2 semaphore(%arg8 : memref<!tpu.dma_semaphore, #tpu.memory_space<semaphore_mem>>) src(%dma_wait3A_847 : memref<1x100000xf32, #tpu.memory_space<hbm>>) dst(%arg5 : memref<1x100000xf32, #tpu.memory_space<vmem>>)
    %broadcast_in_dim3A_848 = arith.constant 0 : i32
    %broadcast_in_dim3A_849 = vector.broadcast %broadcast_in_dim3A_848 : i32 to vector<16xi32>
    %scan3A_850 = arith.constant 0 : i32
    %scan3A_851 = arith.constant 0 : i32
    %scan3A_852 = arith.constant 256 : i32
    %scan3A_853 = arith.addi %scan3A_851, %scan3A_852 : i32
    %scan3A_854 = arith.constant 1 : i32
    scf.for %scan3A_1244 = %scan3A_851 to %scan3A_853 step %scan3A_854  : i32 {
      %mul3A_1245 = arith.constant 1 : i32
      %mul3A_1246 = arith.muli %scan3A_1244, %mul3A_1245 : i32
      %add3A_1247 = arith.constant 0 : i32
      %add3A_1248 = arith.addi %add3A_1247, %mul3A_1246 : i32
      %mul3A_1249 = arith.constant 16 : i32
      %mul3A_1250 = arith.muli %add3A_1248, %mul3A_1249 : i32
      %get3A = arith.constant 0 : i32
      %get3A_1251 = arith.index_cast %get3A : i32 to index
      %get3A_1252 = arith.index_cast %mul3A_1250 : i32 to index
      %get3A_1253 = tpu.vector_load %arg6[%get3A_1251, %get3A_1252] {strides = array<i32>} : memref<1x4096xi32, #tpu.memory_space<vmem>>, vector<16xi32>,
      %gather3A = tpu.vector_load_idx %arg5[%broadcast_in_dim3A_849, %get3A_1253] : memref<1x100000xf32, #tpu.memory_space<vmem>>[vector<16xi32>, vector<16xi32>], vector<16xf32>,
      %mul3A_1254 = arith.constant 16 : i32
      %mul3A_1255 = arith.muli %add3A_1248, %mul3A_1254 : i32
      %swap3A = arith.constant 0 : i32
      %swap3A_1256 = arith.constant 0 : i32
      %swap3A_1257 = arith.constant 0 : i32
      %swap3A_1258 = tpu.memref_slice %arg7[%scan3A_850, %swap3A_1256, %swap3A_1257] : memref<2x1x4096xf32, #tpu.memory_space<vmem>> -> memref<1x1x4096xf32, #tpu.memory_space<vmem>>
      %swap3A_1259 = tpu.memref_squeeze %swap3A_1258 : memref<1x1x4096xf32, #tpu.memory_space<vmem>> -> memref<1x4096xf32, #tpu.memory_space<vmem>>
      %swap3A_1260 = arith.index_cast %swap3A : i32 to index
      %swap3A_1261 = arith.index_cast %mul3A_1255 : i32 to index
      %swap3A_1262 = tpu.vector_load %swap3A_1259[%swap3A_1260, %swap3A_1261] {strides = array<i32>} : memref<1x4096xf32, #tpu.memory_space<vmem>>, vector<16xf32>,
      tpu.vector_store %swap3A_1259[%swap3A_1260, %swap3A_1261], %gather3A {strides = array<i32>} : memref<1x4096xf32, #tpu.memory_space<vmem>>, vector<16xf32>,
    }
    %scan3A_855 = arith.constant 256 : i32
    %dma_wait3A_856 = arith.constant 0 : i32
    %dma_wait3A_857 = arith.constant 0 : i32
    %dma_wait3A_858 = arith.constant 0 : i32
    %dma_wait3A_859 = tpu.memref_slice %arg7[%dma_wait3A_856, %dma_wait3A_857, %dma_wait3A_858] : memref<2x1x4096xf32, #tpu.memory_space<vmem>> -> memref<1x1x4096xf32, #tpu.memory_space<vmem>>
    %dma_wait3A_860 = tpu.memref_squeeze %dma_wait3A_859 : memref<1x1x4096xf32, #tpu.memory_space<vmem>> -> memref<1x4096xf32, #tpu.memory_space<vmem>>
    %dma_wait3A_861 = arith.constant 0 : i32
    %dma_wait3A_862 = tpu.memref_slice %arg4[%add3A_741, %dma_wait3A_861] : memref<832x4096xf32, #tpu.memory_space<hbm>> -> memref<1x4096xf32, #tpu.memory_space<hbm>>
    %dma_wait3A_863 = arith.constant 0 : i32
    %dma_wait3A_864 = tpu.memref_slice %arg4[%add3A_741, %dma_wait3A_863] : memref<832x4096xf32, #tpu.memory_space<hbm>> -> memref<1x4096xf32, #tpu.memory_space<hbm>>
    %dma_wait3A_865 = arith.constant 0 : i32
    %dma_wait3A_866 = arith.constant 0 : i32
    %dma_wait3A_867 = tpu.memref_slice %arg7[%dma_wait3A_856, %dma_wait3A_865, %dma_wait3A_866] : memref<2x1x4096xf32, #tpu.memory_space<vmem>> -> memref<1x1x4096xf32, #tpu.memory_space<vmem>>
    %dma_wait3A_868 = tpu.memref_squeeze %dma_wait3A_867 : memref<1x1x4096xf32, #tpu.memory_space<vmem>> -> memref<1x4096xf32, #tpu.memory_space<vmem>>
    tpu.wait_dma2 semaphore(%arg9 : memref<!tpu.dma_semaphore, #tpu.memory_space<semaphore_mem>>) src(%dma_wait3A_868 : memref<1x4096xf32, #tpu.memory_space<vmem>>) dst(%dma_wait3A_864 : memref<1x4096xf32, #tpu.memory_space<hbm>>)
    %dma_start3A_869 = arith.constant 0 : i32
    %dma_start3A_870 = arith.constant 0 : i32
    %dma_start3A_871 = arith.constant 0 : i32
    %dma_start3A_872 = tpu.memref_slice %arg7[%dma_start3A_869, %dma_start3A_870, %dma_start3A_871] : memref<2x1x4096xf32, #tpu.memory_space<vmem>> -> memref<1x1x4096xf32, #tpu.memory_space<vmem>>
    %dma_start3A_873 = tpu.memref_squeeze %dma_start3A_872 : memref<1x1x4096xf32, #tpu.memory_space<vmem>> -> memref<1x4096xf32, #tpu.memory_space<vmem>>
    %dma_start3A_874 = arith.constant 0 : i32
    %dma_start3A_875 = tpu.memref_slice %arg4[%add3A_837, %dma_start3A_874] : memref<832x4096xf32, #tpu.memory_space<hbm>> -> memref<1x4096xf32, #tpu.memory_space<hbm>>
    %dma_start3A_876 = arith.constant 0 : i32
    %dma_start3A_877 = tpu.memref_slice %arg4[%add3A_837, %dma_start3A_876] : memref<832x4096xf32, #tpu.memory_space<hbm>> -> memref<1x4096xf32, #tpu.memory_space<hbm>>
    %dma_start3A_878 = arith.constant 0 : i32
    %dma_start3A_879 = arith.constant 0 : i32
    %dma_start3A_880 = tpu.memref_slice %arg7[%dma_start3A_869, %dma_start3A_878, %dma_start3A_879] : memref<2x1x4096xf32, #tpu.memory_space<vmem>> -> memref<1x1x4096xf32, #tpu.memory_space<vmem>>
    %dma_start3A_881 = tpu.memref_squeeze %dma_start3A_880 : memref<1x1x4096xf32, #tpu.memory_space<vmem>> -> memref<1x4096xf32, #tpu.memory_space<vmem>>
    tpu.enqueue_dma source(%dma_start3A_881 : memref<1x4096xf32, #tpu.memory_space<vmem>>) target(%dma_start3A_877 : memref<1x4096xf32, #tpu.memory_space<hbm>>) target_semaphore(%arg9 : memref<!tpu.dma_semaphore, #tpu.memory_space<semaphore_mem>>)
    %mul3A_882 = arith.constant 26 : i32
    %mul3A_883 = arith.muli %add3A, %mul3A_882 : i32
    %add3A_884 = arith.constant 19 : i32
    %add3A_885 = arith.addi %mul3A_883, %add3A_884 : i32
    %div3A_886 = arith.constant 32 : i32
    %div3A_887 = arith.divsi %add3A_885, %div3A_886 : i32
    %dma_start3A_888 = arith.constant 0 : i32
    %dma_start3A_889 = tpu.memref_slice %arg2[%add3A_885, %dma_start3A_888] : memref<832x100000xf32, #tpu.memory_space<hbm>> -> memref<1x100000xf32, #tpu.memory_space<hbm>>
    %dma_start3A_890 = arith.constant 0 : i32
    %dma_start3A_891 = tpu.memref_slice %arg2[%add3A_885, %dma_start3A_890] : memref<832x100000xf32, #tpu.memory_space<hbm>> -> memref<1x100000xf32, #tpu.memory_space<hbm>>
    tpu.enqueue_dma source(%dma_start3A_891 : memref<1x100000xf32, #tpu.memory_space<hbm>>) target(%arg5 : memref<1x100000xf32, #tpu.memory_space<vmem>>) target_semaphore(%arg8 : memref<!tpu.dma_semaphore, #tpu.memory_space<semaphore_mem>>)
    "tpu.region"() ({
      %run_scoped3A = tpu.sem_alloc : memref<!tpu.dma_semaphore, #tpu.memory_space<semaphore_mem>>
      %dma_start3A_1244 = arith.constant 0 : i32
      %dma_start3A_1245 = tpu.memref_slice %arg3[%div3A_887, %dma_start3A_1244] : memref<26x4096xi32, #tpu.memory_space<hbm>> -> memref<1x4096xi32, #tpu.memory_space<hbm>>
      %dma_start3A_1246 = arith.constant 0 : i32
      %dma_start3A_1247 = tpu.memref_slice %arg3[%div3A_887, %dma_start3A_1246] : memref<26x4096xi32, #tpu.memory_space<hbm>> -> memref<1x4096xi32, #tpu.memory_space<hbm>>
      tpu.enqueue_dma source(%dma_start3A_1247 : memref<1x4096xi32, #tpu.memory_space<hbm>>) target(%arg6 : memref<1x4096xi32, #tpu.memory_space<vmem>>) target_semaphore(%run_scoped3A : memref<!tpu.dma_semaphore, #tpu.memory_space<semaphore_mem>>)
      %dma_wait3A_1248 = arith.constant 0 : i32
      %dma_wait3A_1249 = tpu.memref_slice %arg3[%div3A_887, %dma_wait3A_1248] : memref<26x4096xi32, #tpu.memory_space<hbm>> -> memref<1x4096xi32, #tpu.memory_space<hbm>>
      %dma_wait3A_1250 = arith.constant 0 : i32
      %dma_wait3A_1251 = tpu.memref_slice %arg3[%div3A_887, %dma_wait3A_1250] : memref<26x4096xi32, #tpu.memory_space<hbm>> -> memref<1x4096xi32, #tpu.memory_space<hbm>>
      tpu.wait_dma2 semaphore(%run_scoped3A : memref<!tpu.dma_semaphore, #tpu.memory_space<semaphore_mem>>) src(%dma_wait3A_1251 : memref<1x4096xi32, #tpu.memory_space<hbm>>) dst(%arg6 : memref<1x4096xi32, #tpu.memory_space<vmem>>)
      tpu.yield
    }) : () -> ()
    %dma_wait3A_892 = arith.constant 0 : i32
    %dma_wait3A_893 = tpu.memref_slice %arg2[%add3A_885, %dma_wait3A_892] : memref<832x100000xf32, #tpu.memory_space<hbm>> -> memref<1x100000xf32, #tpu.memory_space<hbm>>
    %dma_wait3A_894 = arith.constant 0 : i32
    %dma_wait3A_895 = tpu.memref_slice %arg2[%add3A_885, %dma_wait3A_894] : memref<832x100000xf32, #tpu.memory_space<hbm>> -> memref<1x100000xf32, #tpu.memory_space<hbm>>
    tpu.wait_dma2 semaphore(%arg8 : memref<!tpu.dma_semaphore, #tpu.memory_space<semaphore_mem>>) src(%dma_wait3A_895 : memref<1x100000xf32, #tpu.memory_space<hbm>>) dst(%arg5 : memref<1x100000xf32, #tpu.memory_space<vmem>>)
    %broadcast_in_dim3A_896 = arith.constant 0 : i32
    %broadcast_in_dim3A_897 = vector.broadcast %broadcast_in_dim3A_896 : i32 to vector<16xi32>
    %scan3A_898 = arith.constant 1 : i32
    %scan3A_899 = arith.constant 0 : i32
    %scan3A_900 = arith.constant 256 : i32
    %scan3A_901 = arith.addi %scan3A_899, %scan3A_900 : i32
    %scan3A_902 = arith.constant 1 : i32
    scf.for %scan3A_1244 = %scan3A_899 to %scan3A_901 step %scan3A_902  : i32 {
      %mul3A_1245 = arith.constant 1 : i32
      %mul3A_1246 = arith.muli %scan3A_1244, %mul3A_1245 : i32
      %add3A_1247 = arith.constant 0 : i32
      %add3A_1248 = arith.addi %add3A_1247, %mul3A_1246 : i32
      %mul3A_1249 = arith.constant 16 : i32
      %mul3A_1250 = arith.muli %add3A_1248, %mul3A_1249 : i32
      %get3A = arith.constant 0 : i32
      %get3A_1251 = arith.index_cast %get3A : i32 to index
      %get3A_1252 = arith.index_cast %mul3A_1250 : i32 to index
      %get3A_1253 = tpu.vector_load %arg6[%get3A_1251, %get3A_1252] {strides = array<i32>} : memref<1x4096xi32, #tpu.memory_space<vmem>>, vector<16xi32>,
      %gather3A = tpu.vector_load_idx %arg5[%broadcast_in_dim3A_897, %get3A_1253] : memref<1x100000xf32, #tpu.memory_space<vmem>>[vector<16xi32>, vector<16xi32>], vector<16xf32>,
      %mul3A_1254 = arith.constant 16 : i32
      %mul3A_1255 = arith.muli %add3A_1248, %mul3A_1254 : i32
      %swap3A = arith.constant 0 : i32
      %swap3A_1256 = arith.constant 0 : i32
      %swap3A_1257 = arith.constant 0 : i32
      %swap3A_1258 = tpu.memref_slice %arg7[%scan3A_898, %swap3A_1256, %swap3A_1257] : memref<2x1x4096xf32, #tpu.memory_space<vmem>> -> memref<1x1x4096xf32, #tpu.memory_space<vmem>>
      %swap3A_1259 = tpu.memref_squeeze %swap3A_1258 : memref<1x1x4096xf32, #tpu.memory_space<vmem>> -> memref<1x4096xf32, #tpu.memory_space<vmem>>
      %swap3A_1260 = arith.index_cast %swap3A : i32 to index
      %swap3A_1261 = arith.index_cast %mul3A_1255 : i32 to index
      %swap3A_1262 = tpu.vector_load %swap3A_1259[%swap3A_1260, %swap3A_1261] {strides = array<i32>} : memref<1x4096xf32, #tpu.memory_space<vmem>>, vector<16xf32>,
      tpu.vector_store %swap3A_1259[%swap3A_1260, %swap3A_1261], %gather3A {strides = array<i32>} : memref<1x4096xf32, #tpu.memory_space<vmem>>, vector<16xf32>,
    }
    %scan3A_903 = arith.constant 256 : i32
    %dma_wait3A_904 = arith.constant 1 : i32
    %dma_wait3A_905 = arith.constant 0 : i32
    %dma_wait3A_906 = arith.constant 0 : i32
    %dma_wait3A_907 = tpu.memref_slice %arg7[%dma_wait3A_904, %dma_wait3A_905, %dma_wait3A_906] : memref<2x1x4096xf32, #tpu.memory_space<vmem>> -> memref<1x1x4096xf32, #tpu.memory_space<vmem>>
    %dma_wait3A_908 = tpu.memref_squeeze %dma_wait3A_907 : memref<1x1x4096xf32, #tpu.memory_space<vmem>> -> memref<1x4096xf32, #tpu.memory_space<vmem>>
    %dma_wait3A_909 = arith.constant 0 : i32
    %dma_wait3A_910 = tpu.memref_slice %arg4[%add3A_789, %dma_wait3A_909] : memref<832x4096xf32, #tpu.memory_space<hbm>> -> memref<1x4096xf32, #tpu.memory_space<hbm>>
    %dma_wait3A_911 = arith.constant 0 : i32
    %dma_wait3A_912 = tpu.memref_slice %arg4[%add3A_789, %dma_wait3A_911] : memref<832x4096xf32, #tpu.memory_space<hbm>> -> memref<1x4096xf32, #tpu.memory_space<hbm>>
    %dma_wait3A_913 = arith.constant 0 : i32
    %dma_wait3A_914 = arith.constant 0 : i32
    %dma_wait3A_915 = tpu.memref_slice %arg7[%dma_wait3A_904, %dma_wait3A_913, %dma_wait3A_914] : memref<2x1x4096xf32, #tpu.memory_space<vmem>> -> memref<1x1x4096xf32, #tpu.memory_space<vmem>>
    %dma_wait3A_916 = tpu.memref_squeeze %dma_wait3A_915 : memref<1x1x4096xf32, #tpu.memory_space<vmem>> -> memref<1x4096xf32, #tpu.memory_space<vmem>>
    tpu.wait_dma2 semaphore(%arg9 : memref<!tpu.dma_semaphore, #tpu.memory_space<semaphore_mem>>) src(%dma_wait3A_916 : memref<1x4096xf32, #tpu.memory_space<vmem>>) dst(%dma_wait3A_912 : memref<1x4096xf32, #tpu.memory_space<hbm>>)
    %dma_start3A_917 = arith.constant 1 : i32
    %dma_start3A_918 = arith.constant 0 : i32
    %dma_start3A_919 = arith.constant 0 : i32
    %dma_start3A_920 = tpu.memref_slice %arg7[%dma_start3A_917, %dma_start3A_918, %dma_start3A_919] : memref<2x1x4096xf32, #tpu.memory_space<vmem>> -> memref<1x1x4096xf32, #tpu.memory_space<vmem>>
    %dma_start3A_921 = tpu.memref_squeeze %dma_start3A_920 : memref<1x1x4096xf32, #tpu.memory_space<vmem>> -> memref<1x4096xf32, #tpu.memory_space<vmem>>
    %dma_start3A_922 = arith.constant 0 : i32
    %dma_start3A_923 = tpu.memref_slice %arg4[%add3A_885, %dma_start3A_922] : memref<832x4096xf32, #tpu.memory_space<hbm>> -> memref<1x4096xf32, #tpu.memory_space<hbm>>
    %dma_start3A_924 = arith.constant 0 : i32
    %dma_start3A_925 = tpu.memref_slice %arg4[%add3A_885, %dma_start3A_924] : memref<832x4096xf32, #tpu.memory_space<hbm>> -> memref<1x4096xf32, #tpu.memory_space<hbm>>
    %dma_start3A_926 = arith.constant 0 : i32
    %dma_start3A_927 = arith.constant 0 : i32
    %dma_start3A_928 = tpu.memref_slice %arg7[%dma_start3A_917, %dma_start3A_926, %dma_start3A_927] : memref<2x1x4096xf32, #tpu.memory_space<vmem>> -> memref<1x1x4096xf32, #tpu.memory_space<vmem>>
    %dma_start3A_929 = tpu.memref_squeeze %dma_start3A_928 : memref<1x1x4096xf32, #tpu.memory_space<vmem>> -> memref<1x4096xf32, #tpu.memory_space<vmem>>
    tpu.enqueue_dma source(%dma_start3A_929 : memref<1x4096xf32, #tpu.memory_space<vmem>>) target(%dma_start3A_925 : memref<1x4096xf32, #tpu.memory_space<hbm>>) target_semaphore(%arg9 : memref<!tpu.dma_semaphore, #tpu.memory_space<semaphore_mem>>)
    %mul3A_930 = arith.constant 26 : i32
    %mul3A_931 = arith.muli %add3A, %mul3A_930 : i32
    %add3A_932 = arith.constant 20 : i32
    %add3A_933 = arith.addi %mul3A_931, %add3A_932 : i32
    %div3A_934 = arith.constant 32 : i32
    %div3A_935 = arith.divsi %add3A_933, %div3A_934 : i32
    %dma_start3A_936 = arith.constant 0 : i32
    %dma_start3A_937 = tpu.memref_slice %arg2[%add3A_933, %dma_start3A_936] : memref<832x100000xf32, #tpu.memory_space<hbm>> -> memref<1x100000xf32, #tpu.memory_space<hbm>>
    %dma_start3A_938 = arith.constant 0 : i32
    %dma_start3A_939 = tpu.memref_slice %arg2[%add3A_933, %dma_start3A_938] : memref<832x100000xf32, #tpu.memory_space<hbm>> -> memref<1x100000xf32, #tpu.memory_space<hbm>>
    tpu.enqueue_dma source(%dma_start3A_939 : memref<1x100000xf32, #tpu.memory_space<hbm>>) target(%arg5 : memref<1x100000xf32, #tpu.memory_space<vmem>>) target_semaphore(%arg8 : memref<!tpu.dma_semaphore, #tpu.memory_space<semaphore_mem>>)
    "tpu.region"() ({
      %run_scoped3A = tpu.sem_alloc : memref<!tpu.dma_semaphore, #tpu.memory_space<semaphore_mem>>
      %dma_start3A_1244 = arith.constant 0 : i32
      %dma_start3A_1245 = tpu.memref_slice %arg3[%div3A_935, %dma_start3A_1244] : memref<26x4096xi32, #tpu.memory_space<hbm>> -> memref<1x4096xi32, #tpu.memory_space<hbm>>
      %dma_start3A_1246 = arith.constant 0 : i32
      %dma_start3A_1247 = tpu.memref_slice %arg3[%div3A_935, %dma_start3A_1246] : memref<26x4096xi32, #tpu.memory_space<hbm>> -> memref<1x4096xi32, #tpu.memory_space<hbm>>
      tpu.enqueue_dma source(%dma_start3A_1247 : memref<1x4096xi32, #tpu.memory_space<hbm>>) target(%arg6 : memref<1x4096xi32, #tpu.memory_space<vmem>>) target_semaphore(%run_scoped3A : memref<!tpu.dma_semaphore, #tpu.memory_space<semaphore_mem>>)
      %dma_wait3A_1248 = arith.constant 0 : i32
      %dma_wait3A_1249 = tpu.memref_slice %arg3[%div3A_935, %dma_wait3A_1248] : memref<26x4096xi32, #tpu.memory_space<hbm>> -> memref<1x4096xi32, #tpu.memory_space<hbm>>
      %dma_wait3A_1250 = arith.constant 0 : i32
      %dma_wait3A_1251 = tpu.memref_slice %arg3[%div3A_935, %dma_wait3A_1250] : memref<26x4096xi32, #tpu.memory_space<hbm>> -> memref<1x4096xi32, #tpu.memory_space<hbm>>
      tpu.wait_dma2 semaphore(%run_scoped3A : memref<!tpu.dma_semaphore, #tpu.memory_space<semaphore_mem>>) src(%dma_wait3A_1251 : memref<1x4096xi32, #tpu.memory_space<hbm>>) dst(%arg6 : memref<1x4096xi32, #tpu.memory_space<vmem>>)
      tpu.yield
    }) : () -> ()
    %dma_wait3A_940 = arith.constant 0 : i32
    %dma_wait3A_941 = tpu.memref_slice %arg2[%add3A_933, %dma_wait3A_940] : memref<832x100000xf32, #tpu.memory_space<hbm>> -> memref<1x100000xf32, #tpu.memory_space<hbm>>
    %dma_wait3A_942 = arith.constant 0 : i32
    %dma_wait3A_943 = tpu.memref_slice %arg2[%add3A_933, %dma_wait3A_942] : memref<832x100000xf32, #tpu.memory_space<hbm>> -> memref<1x100000xf32, #tpu.memory_space<hbm>>
    tpu.wait_dma2 semaphore(%arg8 : memref<!tpu.dma_semaphore, #tpu.memory_space<semaphore_mem>>) src(%dma_wait3A_943 : memref<1x100000xf32, #tpu.memory_space<hbm>>) dst(%arg5 : memref<1x100000xf32, #tpu.memory_space<vmem>>)
    %broadcast_in_dim3A_944 = arith.constant 0 : i32
    %broadcast_in_dim3A_945 = vector.broadcast %broadcast_in_dim3A_944 : i32 to vector<16xi32>
    %scan3A_946 = arith.constant 0 : i32
    %scan3A_947 = arith.constant 0 : i32
    %scan3A_948 = arith.constant 256 : i32
    %scan3A_949 = arith.addi %scan3A_947, %scan3A_948 : i32
    %scan3A_950 = arith.constant 1 : i32
    scf.for %scan3A_1244 = %scan3A_947 to %scan3A_949 step %scan3A_950  : i32 {
      %mul3A_1245 = arith.constant 1 : i32
      %mul3A_1246 = arith.muli %scan3A_1244, %mul3A_1245 : i32
      %add3A_1247 = arith.constant 0 : i32
      %add3A_1248 = arith.addi %add3A_1247, %mul3A_1246 : i32
      %mul3A_1249 = arith.constant 16 : i32
      %mul3A_1250 = arith.muli %add3A_1248, %mul3A_1249 : i32
      %get3A = arith.constant 0 : i32
      %get3A_1251 = arith.index_cast %get3A : i32 to index
      %get3A_1252 = arith.index_cast %mul3A_1250 : i32 to index
      %get3A_1253 = tpu.vector_load %arg6[%get3A_1251, %get3A_1252] {strides = array<i32>} : memref<1x4096xi32, #tpu.memory_space<vmem>>, vector<16xi32>,
      %gather3A = tpu.vector_load_idx %arg5[%broadcast_in_dim3A_945, %get3A_1253] : memref<1x100000xf32, #tpu.memory_space<vmem>>[vector<16xi32>, vector<16xi32>], vector<16xf32>,
      %mul3A_1254 = arith.constant 16 : i32
      %mul3A_1255 = arith.muli %add3A_1248, %mul3A_1254 : i32
      %swap3A = arith.constant 0 : i32
      %swap3A_1256 = arith.constant 0 : i32
      %swap3A_1257 = arith.constant 0 : i32
      %swap3A_1258 = tpu.memref_slice %arg7[%scan3A_946, %swap3A_1256, %swap3A_1257] : memref<2x1x4096xf32, #tpu.memory_space<vmem>> -> memref<1x1x4096xf32, #tpu.memory_space<vmem>>
      %swap3A_1259 = tpu.memref_squeeze %swap3A_1258 : memref<1x1x4096xf32, #tpu.memory_space<vmem>> -> memref<1x4096xf32, #tpu.memory_space<vmem>>
      %swap3A_1260 = arith.index_cast %swap3A : i32 to index
      %swap3A_1261 = arith.index_cast %mul3A_1255 : i32 to index
      %swap3A_1262 = tpu.vector_load %swap3A_1259[%swap3A_1260, %swap3A_1261] {strides = array<i32>} : memref<1x4096xf32, #tpu.memory_space<vmem>>, vector<16xf32>,
      tpu.vector_store %swap3A_1259[%swap3A_1260, %swap3A_1261], %gather3A {strides = array<i32>} : memref<1x4096xf32, #tpu.memory_space<vmem>>, vector<16xf32>,
    }
    %scan3A_951 = arith.constant 256 : i32
    %dma_wait3A_952 = arith.constant 0 : i32
    %dma_wait3A_953 = arith.constant 0 : i32
    %dma_wait3A_954 = arith.constant 0 : i32
    %dma_wait3A_955 = tpu.memref_slice %arg7[%dma_wait3A_952, %dma_wait3A_953, %dma_wait3A_954] : memref<2x1x4096xf32, #tpu.memory_space<vmem>> -> memref<1x1x4096xf32, #tpu.memory_space<vmem>>
    %dma_wait3A_956 = tpu.memref_squeeze %dma_wait3A_955 : memref<1x1x4096xf32, #tpu.memory_space<vmem>> -> memref<1x4096xf32, #tpu.memory_space<vmem>>
    %dma_wait3A_957 = arith.constant 0 : i32
    %dma_wait3A_958 = tpu.memref_slice %arg4[%add3A_837, %dma_wait3A_957] : memref<832x4096xf32, #tpu.memory_space<hbm>> -> memref<1x4096xf32, #tpu.memory_space<hbm>>
    %dma_wait3A_959 = arith.constant 0 : i32
    %dma_wait3A_960 = tpu.memref_slice %arg4[%add3A_837, %dma_wait3A_959] : memref<832x4096xf32, #tpu.memory_space<hbm>> -> memref<1x4096xf32, #tpu.memory_space<hbm>>
    %dma_wait3A_961 = arith.constant 0 : i32
    %dma_wait3A_962 = arith.constant 0 : i32
    %dma_wait3A_963 = tpu.memref_slice %arg7[%dma_wait3A_952, %dma_wait3A_961, %dma_wait3A_962] : memref<2x1x4096xf32, #tpu.memory_space<vmem>> -> memref<1x1x4096xf32, #tpu.memory_space<vmem>>
    %dma_wait3A_964 = tpu.memref_squeeze %dma_wait3A_963 : memref<1x1x4096xf32, #tpu.memory_space<vmem>> -> memref<1x4096xf32, #tpu.memory_space<vmem>>
    tpu.wait_dma2 semaphore(%arg9 : memref<!tpu.dma_semaphore, #tpu.memory_space<semaphore_mem>>) src(%dma_wait3A_964 : memref<1x4096xf32, #tpu.memory_space<vmem>>) dst(%dma_wait3A_960 : memref<1x4096xf32, #tpu.memory_space<hbm>>)
    %dma_start3A_965 = arith.constant 0 : i32
    %dma_start3A_966 = arith.constant 0 : i32
    %dma_start3A_967 = arith.constant 0 : i32
    %dma_start3A_968 = tpu.memref_slice %arg7[%dma_start3A_965, %dma_start3A_966, %dma_start3A_967] : memref<2x1x4096xf32, #tpu.memory_space<vmem>> -> memref<1x1x4096xf32, #tpu.memory_space<vmem>>
    %dma_start3A_969 = tpu.memref_squeeze %dma_start3A_968 : memref<1x1x4096xf32, #tpu.memory_space<vmem>> -> memref<1x4096xf32, #tpu.memory_space<vmem>>
    %dma_start3A_970 = arith.constant 0 : i32
    %dma_start3A_971 = tpu.memref_slice %arg4[%add3A_933, %dma_start3A_970] : memref<832x4096xf32, #tpu.memory_space<hbm>> -> memref<1x4096xf32, #tpu.memory_space<hbm>>
    %dma_start3A_972 = arith.constant 0 : i32
    %dma_start3A_973 = tpu.memref_slice %arg4[%add3A_933, %dma_start3A_972] : memref<832x4096xf32, #tpu.memory_space<hbm>> -> memref<1x4096xf32, #tpu.memory_space<hbm>>
    %dma_start3A_974 = arith.constant 0 : i32
    %dma_start3A_975 = arith.constant 0 : i32
    %dma_start3A_976 = tpu.memref_slice %arg7[%dma_start3A_965, %dma_start3A_974, %dma_start3A_975] : memref<2x1x4096xf32, #tpu.memory_space<vmem>> -> memref<1x1x4096xf32, #tpu.memory_space<vmem>>
    %dma_start3A_977 = tpu.memref_squeeze %dma_start3A_976 : memref<1x1x4096xf32, #tpu.memory_space<vmem>> -> memref<1x4096xf32, #tpu.memory_space<vmem>>
    tpu.enqueue_dma source(%dma_start3A_977 : memref<1x4096xf32, #tpu.memory_space<vmem>>) target(%dma_start3A_973 : memref<1x4096xf32, #tpu.memory_space<hbm>>) target_semaphore(%arg9 : memref<!tpu.dma_semaphore, #tpu.memory_space<semaphore_mem>>)
    %mul3A_978 = arith.constant 26 : i32
    %mul3A_979 = arith.muli %add3A, %mul3A_978 : i32
    %add3A_980 = arith.constant 21 : i32
    %add3A_981 = arith.addi %mul3A_979, %add3A_980 : i32
    %div3A_982 = arith.constant 32 : i32
    %div3A_983 = arith.divsi %add3A_981, %div3A_982 : i32
    %dma_start3A_984 = arith.constant 0 : i32
    %dma_start3A_985 = tpu.memref_slice %arg2[%add3A_981, %dma_start3A_984] : memref<832x100000xf32, #tpu.memory_space<hbm>> -> memref<1x100000xf32, #tpu.memory_space<hbm>>
    %dma_start3A_986 = arith.constant 0 : i32
    %dma_start3A_987 = tpu.memref_slice %arg2[%add3A_981, %dma_start3A_986] : memref<832x100000xf32, #tpu.memory_space<hbm>> -> memref<1x100000xf32, #tpu.memory_space<hbm>>
    tpu.enqueue_dma source(%dma_start3A_987 : memref<1x100000xf32, #tpu.memory_space<hbm>>) target(%arg5 : memref<1x100000xf32, #tpu.memory_space<vmem>>) target_semaphore(%arg8 : memref<!tpu.dma_semaphore, #tpu.memory_space<semaphore_mem>>)
    "tpu.region"() ({
      %run_scoped3A = tpu.sem_alloc : memref<!tpu.dma_semaphore, #tpu.memory_space<semaphore_mem>>
      %dma_start3A_1244 = arith.constant 0 : i32
      %dma_start3A_1245 = tpu.memref_slice %arg3[%div3A_983, %dma_start3A_1244] : memref<26x4096xi32, #tpu.memory_space<hbm>> -> memref<1x4096xi32, #tpu.memory_space<hbm>>
      %dma_start3A_1246 = arith.constant 0 : i32
      %dma_start3A_1247 = tpu.memref_slice %arg3[%div3A_983, %dma_start3A_1246] : memref<26x4096xi32, #tpu.memory_space<hbm>> -> memref<1x4096xi32, #tpu.memory_space<hbm>>
      tpu.enqueue_dma source(%dma_start3A_1247 : memref<1x4096xi32, #tpu.memory_space<hbm>>) target(%arg6 : memref<1x4096xi32, #tpu.memory_space<vmem>>) target_semaphore(%run_scoped3A : memref<!tpu.dma_semaphore, #tpu.memory_space<semaphore_mem>>)
      %dma_wait3A_1248 = arith.constant 0 : i32
      %dma_wait3A_1249 = tpu.memref_slice %arg3[%div3A_983, %dma_wait3A_1248] : memref<26x4096xi32, #tpu.memory_space<hbm>> -> memref<1x4096xi32, #tpu.memory_space<hbm>>
      %dma_wait3A_1250 = arith.constant 0 : i32
      %dma_wait3A_1251 = tpu.memref_slice %arg3[%div3A_983, %dma_wait3A_1250] : memref<26x4096xi32, #tpu.memory_space<hbm>> -> memref<1x4096xi32, #tpu.memory_space<hbm>>
      tpu.wait_dma2 semaphore(%run_scoped3A : memref<!tpu.dma_semaphore, #tpu.memory_space<semaphore_mem>>) src(%dma_wait3A_1251 : memref<1x4096xi32, #tpu.memory_space<hbm>>) dst(%arg6 : memref<1x4096xi32, #tpu.memory_space<vmem>>)
      tpu.yield
    }) : () -> ()
    %dma_wait3A_988 = arith.constant 0 : i32
    %dma_wait3A_989 = tpu.memref_slice %arg2[%add3A_981, %dma_wait3A_988] : memref<832x100000xf32, #tpu.memory_space<hbm>> -> memref<1x100000xf32, #tpu.memory_space<hbm>>
    %dma_wait3A_990 = arith.constant 0 : i32
    %dma_wait3A_991 = tpu.memref_slice %arg2[%add3A_981, %dma_wait3A_990] : memref<832x100000xf32, #tpu.memory_space<hbm>> -> memref<1x100000xf32, #tpu.memory_space<hbm>>
    tpu.wait_dma2 semaphore(%arg8 : memref<!tpu.dma_semaphore, #tpu.memory_space<semaphore_mem>>) src(%dma_wait3A_991 : memref<1x100000xf32, #tpu.memory_space<hbm>>) dst(%arg5 : memref<1x100000xf32, #tpu.memory_space<vmem>>)
    %broadcast_in_dim3A_992 = arith.constant 0 : i32
    %broadcast_in_dim3A_993 = vector.broadcast %broadcast_in_dim3A_992 : i32 to vector<16xi32>
    %scan3A_994 = arith.constant 1 : i32
    %scan3A_995 = arith.constant 0 : i32
    %scan3A_996 = arith.constant 256 : i32
    %scan3A_997 = arith.addi %scan3A_995, %scan3A_996 : i32
    %scan3A_998 = arith.constant 1 : i32
    scf.for %scan3A_1244 = %scan3A_995 to %scan3A_997 step %scan3A_998  : i32 {
      %mul3A_1245 = arith.constant 1 : i32
      %mul3A_1246 = arith.muli %scan3A_1244, %mul3A_1245 : i32
      %add3A_1247 = arith.constant 0 : i32
      %add3A_1248 = arith.addi %add3A_1247, %mul3A_1246 : i32
      %mul3A_1249 = arith.constant 16 : i32
      %mul3A_1250 = arith.muli %add3A_1248, %mul3A_1249 : i32
      %get3A = arith.constant 0 : i32
      %get3A_1251 = arith.index_cast %get3A : i32 to index
      %get3A_1252 = arith.index_cast %mul3A_1250 : i32 to index
      %get3A_1253 = tpu.vector_load %arg6[%get3A_1251, %get3A_1252] {strides = array<i32>} : memref<1x4096xi32, #tpu.memory_space<vmem>>, vector<16xi32>,
      %gather3A = tpu.vector_load_idx %arg5[%broadcast_in_dim3A_993, %get3A_1253] : memref<1x100000xf32, #tpu.memory_space<vmem>>[vector<16xi32>, vector<16xi32>], vector<16xf32>,
      %mul3A_1254 = arith.constant 16 : i32
      %mul3A_1255 = arith.muli %add3A_1248, %mul3A_1254 : i32
      %swap3A = arith.constant 0 : i32
      %swap3A_1256 = arith.constant 0 : i32
      %swap3A_1257 = arith.constant 0 : i32
      %swap3A_1258 = tpu.memref_slice %arg7[%scan3A_994, %swap3A_1256, %swap3A_1257] : memref<2x1x4096xf32, #tpu.memory_space<vmem>> -> memref<1x1x4096xf32, #tpu.memory_space<vmem>>
      %swap3A_1259 = tpu.memref_squeeze %swap3A_1258 : memref<1x1x4096xf32, #tpu.memory_space<vmem>> -> memref<1x4096xf32, #tpu.memory_space<vmem>>
      %swap3A_1260 = arith.index_cast %swap3A : i32 to index
      %swap3A_1261 = arith.index_cast %mul3A_1255 : i32 to index
      %swap3A_1262 = tpu.vector_load %swap3A_1259[%swap3A_1260, %swap3A_1261] {strides = array<i32>} : memref<1x4096xf32, #tpu.memory_space<vmem>>, vector<16xf32>,
      tpu.vector_store %swap3A_1259[%swap3A_1260, %swap3A_1261], %gather3A {strides = array<i32>} : memref<1x4096xf32, #tpu.memory_space<vmem>>, vector<16xf32>,
    }
    %scan3A_999 = arith.constant 256 : i32
    %dma_wait3A_1000 = arith.constant 1 : i32
    %dma_wait3A_1001 = arith.constant 0 : i32
    %dma_wait3A_1002 = arith.constant 0 : i32
    %dma_wait3A_1003 = tpu.memref_slice %arg7[%dma_wait3A_1000, %dma_wait3A_1001, %dma_wait3A_1002] : memref<2x1x4096xf32, #tpu.memory_space<vmem>> -> memref<1x1x4096xf32, #tpu.memory_space<vmem>>
    %dma_wait3A_1004 = tpu.memref_squeeze %dma_wait3A_1003 : memref<1x1x4096xf32, #tpu.memory_space<vmem>> -> memref<1x4096xf32, #tpu.memory_space<vmem>>
    %dma_wait3A_1005 = arith.constant 0 : i32
    %dma_wait3A_1006 = tpu.memref_slice %arg4[%add3A_885, %dma_wait3A_1005] : memref<832x4096xf32, #tpu.memory_space<hbm>> -> memref<1x4096xf32, #tpu.memory_space<hbm>>
    %dma_wait3A_1007 = arith.constant 0 : i32
    %dma_wait3A_1008 = tpu.memref_slice %arg4[%add3A_885, %dma_wait3A_1007] : memref<832x4096xf32, #tpu.memory_space<hbm>> -> memref<1x4096xf32, #tpu.memory_space<hbm>>
    %dma_wait3A_1009 = arith.constant 0 : i32
    %dma_wait3A_1010 = arith.constant 0 : i32
    %dma_wait3A_1011 = tpu.memref_slice %arg7[%dma_wait3A_1000, %dma_wait3A_1009, %dma_wait3A_1010] : memref<2x1x4096xf32, #tpu.memory_space<vmem>> -> memref<1x1x4096xf32, #tpu.memory_space<vmem>>
    %dma_wait3A_1012 = tpu.memref_squeeze %dma_wait3A_1011 : memref<1x1x4096xf32, #tpu.memory_space<vmem>> -> memref<1x4096xf32, #tpu.memory_space<vmem>>
    tpu.wait_dma2 semaphore(%arg9 : memref<!tpu.dma_semaphore, #tpu.memory_space<semaphore_mem>>) src(%dma_wait3A_1012 : memref<1x4096xf32, #tpu.memory_space<vmem>>) dst(%dma_wait3A_1008 : memref<1x4096xf32, #tpu.memory_space<hbm>>)
    %dma_start3A_1013 = arith.constant 1 : i32
    %dma_start3A_1014 = arith.constant 0 : i32
    %dma_start3A_1015 = arith.constant 0 : i32
    %dma_start3A_1016 = tpu.memref_slice %arg7[%dma_start3A_1013, %dma_start3A_1014, %dma_start3A_1015] : memref<2x1x4096xf32, #tpu.memory_space<vmem>> -> memref<1x1x4096xf32, #tpu.memory_space<vmem>>
    %dma_start3A_1017 = tpu.memref_squeeze %dma_start3A_1016 : memref<1x1x4096xf32, #tpu.memory_space<vmem>> -> memref<1x4096xf32, #tpu.memory_space<vmem>>
    %dma_start3A_1018 = arith.constant 0 : i32
    %dma_start3A_1019 = tpu.memref_slice %arg4[%add3A_981, %dma_start3A_1018] : memref<832x4096xf32, #tpu.memory_space<hbm>> -> memref<1x4096xf32, #tpu.memory_space<hbm>>
    %dma_start3A_1020 = arith.constant 0 : i32
    %dma_start3A_1021 = tpu.memref_slice %arg4[%add3A_981, %dma_start3A_1020] : memref<832x4096xf32, #tpu.memory_space<hbm>> -> memref<1x4096xf32, #tpu.memory_space<hbm>>
    %dma_start3A_1022 = arith.constant 0 : i32
    %dma_start3A_1023 = arith.constant 0 : i32
    %dma_start3A_1024 = tpu.memref_slice %arg7[%dma_start3A_1013, %dma_start3A_1022, %dma_start3A_1023] : memref<2x1x4096xf32, #tpu.memory_space<vmem>> -> memref<1x1x4096xf32, #tpu.memory_space<vmem>>
    %dma_start3A_1025 = tpu.memref_squeeze %dma_start3A_1024 : memref<1x1x4096xf32, #tpu.memory_space<vmem>> -> memref<1x4096xf32, #tpu.memory_space<vmem>>
    tpu.enqueue_dma source(%dma_start3A_1025 : memref<1x4096xf32, #tpu.memory_space<vmem>>) target(%dma_start3A_1021 : memref<1x4096xf32, #tpu.memory_space<hbm>>) target_semaphore(%arg9 : memref<!tpu.dma_semaphore, #tpu.memory_space<semaphore_mem>>)
    %mul3A_1026 = arith.constant 26 : i32
    %mul3A_1027 = arith.muli %add3A, %mul3A_1026 : i32
    %add3A_1028 = arith.constant 22 : i32
    %add3A_1029 = arith.addi %mul3A_1027, %add3A_1028 : i32
    %div3A_1030 = arith.constant 32 : i32
    %div3A_1031 = arith.divsi %add3A_1029, %div3A_1030 : i32
    %dma_start3A_1032 = arith.constant 0 : i32
    %dma_start3A_1033 = tpu.memref_slice %arg2[%add3A_1029, %dma_start3A_1032] : memref<832x100000xf32, #tpu.memory_space<hbm>> -> memref<1x100000xf32, #tpu.memory_space<hbm>>
    %dma_start3A_1034 = arith.constant 0 : i32
    %dma_start3A_1035 = tpu.memref_slice %arg2[%add3A_1029, %dma_start3A_1034] : memref<832x100000xf32, #tpu.memory_space<hbm>> -> memref<1x100000xf32, #tpu.memory_space<hbm>>
    tpu.enqueue_dma source(%dma_start3A_1035 : memref<1x100000xf32, #tpu.memory_space<hbm>>) target(%arg5 : memref<1x100000xf32, #tpu.memory_space<vmem>>) target_semaphore(%arg8 : memref<!tpu.dma_semaphore, #tpu.memory_space<semaphore_mem>>)
    "tpu.region"() ({
      %run_scoped3A = tpu.sem_alloc : memref<!tpu.dma_semaphore, #tpu.memory_space<semaphore_mem>>
      %dma_start3A_1244 = arith.constant 0 : i32
      %dma_start3A_1245 = tpu.memref_slice %arg3[%div3A_1031, %dma_start3A_1244] : memref<26x4096xi32, #tpu.memory_space<hbm>> -> memref<1x4096xi32, #tpu.memory_space<hbm>>
      %dma_start3A_1246 = arith.constant 0 : i32
      %dma_start3A_1247 = tpu.memref_slice %arg3[%div3A_1031, %dma_start3A_1246] : memref<26x4096xi32, #tpu.memory_space<hbm>> -> memref<1x4096xi32, #tpu.memory_space<hbm>>
      tpu.enqueue_dma source(%dma_start3A_1247 : memref<1x4096xi32, #tpu.memory_space<hbm>>) target(%arg6 : memref<1x4096xi32, #tpu.memory_space<vmem>>) target_semaphore(%run_scoped3A : memref<!tpu.dma_semaphore, #tpu.memory_space<semaphore_mem>>)
      %dma_wait3A_1248 = arith.constant 0 : i32
      %dma_wait3A_1249 = tpu.memref_slice %arg3[%div3A_1031, %dma_wait3A_1248] : memref<26x4096xi32, #tpu.memory_space<hbm>> -> memref<1x4096xi32, #tpu.memory_space<hbm>>
      %dma_wait3A_1250 = arith.constant 0 : i32
      %dma_wait3A_1251 = tpu.memref_slice %arg3[%div3A_1031, %dma_wait3A_1250] : memref<26x4096xi32, #tpu.memory_space<hbm>> -> memref<1x4096xi32, #tpu.memory_space<hbm>>
      tpu.wait_dma2 semaphore(%run_scoped3A : memref<!tpu.dma_semaphore, #tpu.memory_space<semaphore_mem>>) src(%dma_wait3A_1251 : memref<1x4096xi32, #tpu.memory_space<hbm>>) dst(%arg6 : memref<1x4096xi32, #tpu.memory_space<vmem>>)
      tpu.yield
    }) : () -> ()
    %dma_wait3A_1036 = arith.constant 0 : i32
    %dma_wait3A_1037 = tpu.memref_slice %arg2[%add3A_1029, %dma_wait3A_1036] : memref<832x100000xf32, #tpu.memory_space<hbm>> -> memref<1x100000xf32, #tpu.memory_space<hbm>>
    %dma_wait3A_1038 = arith.constant 0 : i32
    %dma_wait3A_1039 = tpu.memref_slice %arg2[%add3A_1029, %dma_wait3A_1038] : memref<832x100000xf32, #tpu.memory_space<hbm>> -> memref<1x100000xf32, #tpu.memory_space<hbm>>
    tpu.wait_dma2 semaphore(%arg8 : memref<!tpu.dma_semaphore, #tpu.memory_space<semaphore_mem>>) src(%dma_wait3A_1039 : memref<1x100000xf32, #tpu.memory_space<hbm>>) dst(%arg5 : memref<1x100000xf32, #tpu.memory_space<vmem>>)
    %broadcast_in_dim3A_1040 = arith.constant 0 : i32
    %broadcast_in_dim3A_1041 = vector.broadcast %broadcast_in_dim3A_1040 : i32 to vector<16xi32>
    %scan3A_1042 = arith.constant 0 : i32
    %scan3A_1043 = arith.constant 0 : i32
    %scan3A_1044 = arith.constant 256 : i32
    %scan3A_1045 = arith.addi %scan3A_1043, %scan3A_1044 : i32
    %scan3A_1046 = arith.constant 1 : i32
    scf.for %scan3A_1244 = %scan3A_1043 to %scan3A_1045 step %scan3A_1046  : i32 {
      %mul3A_1245 = arith.constant 1 : i32
      %mul3A_1246 = arith.muli %scan3A_1244, %mul3A_1245 : i32
      %add3A_1247 = arith.constant 0 : i32
      %add3A_1248 = arith.addi %add3A_1247, %mul3A_1246 : i32
      %mul3A_1249 = arith.constant 16 : i32
      %mul3A_1250 = arith.muli %add3A_1248, %mul3A_1249 : i32
      %get3A = arith.constant 0 : i32
      %get3A_1251 = arith.index_cast %get3A : i32 to index
      %get3A_1252 = arith.index_cast %mul3A_1250 : i32 to index
      %get3A_1253 = tpu.vector_load %arg6[%get3A_1251, %get3A_1252] {strides = array<i32>} : memref<1x4096xi32, #tpu.memory_space<vmem>>, vector<16xi32>,
      %gather3A = tpu.vector_load_idx %arg5[%broadcast_in_dim3A_1041, %get3A_1253] : memref<1x100000xf32, #tpu.memory_space<vmem>>[vector<16xi32>, vector<16xi32>], vector<16xf32>,
      %mul3A_1254 = arith.constant 16 : i32
      %mul3A_1255 = arith.muli %add3A_1248, %mul3A_1254 : i32
      %swap3A = arith.constant 0 : i32
      %swap3A_1256 = arith.constant 0 : i32
      %swap3A_1257 = arith.constant 0 : i32
      %swap3A_1258 = tpu.memref_slice %arg7[%scan3A_1042, %swap3A_1256, %swap3A_1257] : memref<2x1x4096xf32, #tpu.memory_space<vmem>> -> memref<1x1x4096xf32, #tpu.memory_space<vmem>>
      %swap3A_1259 = tpu.memref_squeeze %swap3A_1258 : memref<1x1x4096xf32, #tpu.memory_space<vmem>> -> memref<1x4096xf32, #tpu.memory_space<vmem>>
      %swap3A_1260 = arith.index_cast %swap3A : i32 to index
      %swap3A_1261 = arith.index_cast %mul3A_1255 : i32 to index
      %swap3A_1262 = tpu.vector_load %swap3A_1259[%swap3A_1260, %swap3A_1261] {strides = array<i32>} : memref<1x4096xf32, #tpu.memory_space<vmem>>, vector<16xf32>,
      tpu.vector_store %swap3A_1259[%swap3A_1260, %swap3A_1261], %gather3A {strides = array<i32>} : memref<1x4096xf32, #tpu.memory_space<vmem>>, vector<16xf32>,
    }
    %scan3A_1047 = arith.constant 256 : i32
    %dma_wait3A_1048 = arith.constant 0 : i32
    %dma_wait3A_1049 = arith.constant 0 : i32
    %dma_wait3A_1050 = arith.constant 0 : i32
    %dma_wait3A_1051 = tpu.memref_slice %arg7[%dma_wait3A_1048, %dma_wait3A_1049, %dma_wait3A_1050] : memref<2x1x4096xf32, #tpu.memory_space<vmem>> -> memref<1x1x4096xf32, #tpu.memory_space<vmem>>
    %dma_wait3A_1052 = tpu.memref_squeeze %dma_wait3A_1051 : memref<1x1x4096xf32, #tpu.memory_space<vmem>> -> memref<1x4096xf32, #tpu.memory_space<vmem>>
    %dma_wait3A_1053 = arith.constant 0 : i32
    %dma_wait3A_1054 = tpu.memref_slice %arg4[%add3A_933, %dma_wait3A_1053] : memref<832x4096xf32, #tpu.memory_space<hbm>> -> memref<1x4096xf32, #tpu.memory_space<hbm>>
    %dma_wait3A_1055 = arith.constant 0 : i32
    %dma_wait3A_1056 = tpu.memref_slice %arg4[%add3A_933, %dma_wait3A_1055] : memref<832x4096xf32, #tpu.memory_space<hbm>> -> memref<1x4096xf32, #tpu.memory_space<hbm>>
    %dma_wait3A_1057 = arith.constant 0 : i32
    %dma_wait3A_1058 = arith.constant 0 : i32
    %dma_wait3A_1059 = tpu.memref_slice %arg7[%dma_wait3A_1048, %dma_wait3A_1057, %dma_wait3A_1058] : memref<2x1x4096xf32, #tpu.memory_space<vmem>> -> memref<1x1x4096xf32, #tpu.memory_space<vmem>>
    %dma_wait3A_1060 = tpu.memref_squeeze %dma_wait3A_1059 : memref<1x1x4096xf32, #tpu.memory_space<vmem>> -> memref<1x4096xf32, #tpu.memory_space<vmem>>
    tpu.wait_dma2 semaphore(%arg9 : memref<!tpu.dma_semaphore, #tpu.memory_space<semaphore_mem>>) src(%dma_wait3A_1060 : memref<1x4096xf32, #tpu.memory_space<vmem>>) dst(%dma_wait3A_1056 : memref<1x4096xf32, #tpu.memory_space<hbm>>)
    %dma_start3A_1061 = arith.constant 0 : i32
    %dma_start3A_1062 = arith.constant 0 : i32
    %dma_start3A_1063 = arith.constant 0 : i32
    %dma_start3A_1064 = tpu.memref_slice %arg7[%dma_start3A_1061, %dma_start3A_1062, %dma_start3A_1063] : memref<2x1x4096xf32, #tpu.memory_space<vmem>> -> memref<1x1x4096xf32, #tpu.memory_space<vmem>>
    %dma_start3A_1065 = tpu.memref_squeeze %dma_start3A_1064 : memref<1x1x4096xf32, #tpu.memory_space<vmem>> -> memref<1x4096xf32, #tpu.memory_space<vmem>>
    %dma_start3A_1066 = arith.constant 0 : i32
    %dma_start3A_1067 = tpu.memref_slice %arg4[%add3A_1029, %dma_start3A_1066] : memref<832x4096xf32, #tpu.memory_space<hbm>> -> memref<1x4096xf32, #tpu.memory_space<hbm>>
    %dma_start3A_1068 = arith.constant 0 : i32
    %dma_start3A_1069 = tpu.memref_slice %arg4[%add3A_1029, %dma_start3A_1068] : memref<832x4096xf32, #tpu.memory_space<hbm>> -> memref<1x4096xf32, #tpu.memory_space<hbm>>
    %dma_start3A_1070 = arith.constant 0 : i32
    %dma_start3A_1071 = arith.constant 0 : i32
    %dma_start3A_1072 = tpu.memref_slice %arg7[%dma_start3A_1061, %dma_start3A_1070, %dma_start3A_1071] : memref<2x1x4096xf32, #tpu.memory_space<vmem>> -> memref<1x1x4096xf32, #tpu.memory_space<vmem>>
    %dma_start3A_1073 = tpu.memref_squeeze %dma_start3A_1072 : memref<1x1x4096xf32, #tpu.memory_space<vmem>> -> memref<1x4096xf32, #tpu.memory_space<vmem>>
    tpu.enqueue_dma source(%dma_start3A_1073 : memref<1x4096xf32, #tpu.memory_space<vmem>>) target(%dma_start3A_1069 : memref<1x4096xf32, #tpu.memory_space<hbm>>) target_semaphore(%arg9 : memref<!tpu.dma_semaphore, #tpu.memory_space<semaphore_mem>>)
    %mul3A_1074 = arith.constant 26 : i32
    %mul3A_1075 = arith.muli %add3A, %mul3A_1074 : i32
    %add3A_1076 = arith.constant 23 : i32
    %add3A_1077 = arith.addi %mul3A_1075, %add3A_1076 : i32
    %div3A_1078 = arith.constant 32 : i32
    %div3A_1079 = arith.divsi %add3A_1077, %div3A_1078 : i32
    %dma_start3A_1080 = arith.constant 0 : i32
    %dma_start3A_1081 = tpu.memref_slice %arg2[%add3A_1077, %dma_start3A_1080] : memref<832x100000xf32, #tpu.memory_space<hbm>> -> memref<1x100000xf32, #tpu.memory_space<hbm>>
    %dma_start3A_1082 = arith.constant 0 : i32
    %dma_start3A_1083 = tpu.memref_slice %arg2[%add3A_1077, %dma_start3A_1082] : memref<832x100000xf32, #tpu.memory_space<hbm>> -> memref<1x100000xf32, #tpu.memory_space<hbm>>
    tpu.enqueue_dma source(%dma_start3A_1083 : memref<1x100000xf32, #tpu.memory_space<hbm>>) target(%arg5 : memref<1x100000xf32, #tpu.memory_space<vmem>>) target_semaphore(%arg8 : memref<!tpu.dma_semaphore, #tpu.memory_space<semaphore_mem>>)
    "tpu.region"() ({
      %run_scoped3A = tpu.sem_alloc : memref<!tpu.dma_semaphore, #tpu.memory_space<semaphore_mem>>
      %dma_start3A_1244 = arith.constant 0 : i32
      %dma_start3A_1245 = tpu.memref_slice %arg3[%div3A_1079, %dma_start3A_1244] : memref<26x4096xi32, #tpu.memory_space<hbm>> -> memref<1x4096xi32, #tpu.memory_space<hbm>>
      %dma_start3A_1246 = arith.constant 0 : i32
      %dma_start3A_1247 = tpu.memref_slice %arg3[%div3A_1079, %dma_start3A_1246] : memref<26x4096xi32, #tpu.memory_space<hbm>> -> memref<1x4096xi32, #tpu.memory_space<hbm>>
      tpu.enqueue_dma source(%dma_start3A_1247 : memref<1x4096xi32, #tpu.memory_space<hbm>>) target(%arg6 : memref<1x4096xi32, #tpu.memory_space<vmem>>) target_semaphore(%run_scoped3A : memref<!tpu.dma_semaphore, #tpu.memory_space<semaphore_mem>>)
      %dma_wait3A_1248 = arith.constant 0 : i32
      %dma_wait3A_1249 = tpu.memref_slice %arg3[%div3A_1079, %dma_wait3A_1248] : memref<26x4096xi32, #tpu.memory_space<hbm>> -> memref<1x4096xi32, #tpu.memory_space<hbm>>
      %dma_wait3A_1250 = arith.constant 0 : i32
      %dma_wait3A_1251 = tpu.memref_slice %arg3[%div3A_1079, %dma_wait3A_1250] : memref<26x4096xi32, #tpu.memory_space<hbm>> -> memref<1x4096xi32, #tpu.memory_space<hbm>>
      tpu.wait_dma2 semaphore(%run_scoped3A : memref<!tpu.dma_semaphore, #tpu.memory_space<semaphore_mem>>) src(%dma_wait3A_1251 : memref<1x4096xi32, #tpu.memory_space<hbm>>) dst(%arg6 : memref<1x4096xi32, #tpu.memory_space<vmem>>)
      tpu.yield
    }) : () -> ()
    %dma_wait3A_1084 = arith.constant 0 : i32
    %dma_wait3A_1085 = tpu.memref_slice %arg2[%add3A_1077, %dma_wait3A_1084] : memref<832x100000xf32, #tpu.memory_space<hbm>> -> memref<1x100000xf32, #tpu.memory_space<hbm>>
    %dma_wait3A_1086 = arith.constant 0 : i32
    %dma_wait3A_1087 = tpu.memref_slice %arg2[%add3A_1077, %dma_wait3A_1086] : memref<832x100000xf32, #tpu.memory_space<hbm>> -> memref<1x100000xf32, #tpu.memory_space<hbm>>
    tpu.wait_dma2 semaphore(%arg8 : memref<!tpu.dma_semaphore, #tpu.memory_space<semaphore_mem>>) src(%dma_wait3A_1087 : memref<1x100000xf32, #tpu.memory_space<hbm>>) dst(%arg5 : memref<1x100000xf32, #tpu.memory_space<vmem>>)
    %broadcast_in_dim3A_1088 = arith.constant 0 : i32
    %broadcast_in_dim3A_1089 = vector.broadcast %broadcast_in_dim3A_1088 : i32 to vector<16xi32>
    %scan3A_1090 = arith.constant 1 : i32
    %scan3A_1091 = arith.constant 0 : i32
    %scan3A_1092 = arith.constant 256 : i32
    %scan3A_1093 = arith.addi %scan3A_1091, %scan3A_1092 : i32
    %scan3A_1094 = arith.constant 1 : i32
    scf.for %scan3A_1244 = %scan3A_1091 to %scan3A_1093 step %scan3A_1094  : i32 {
      %mul3A_1245 = arith.constant 1 : i32
      %mul3A_1246 = arith.muli %scan3A_1244, %mul3A_1245 : i32
      %add3A_1247 = arith.constant 0 : i32
      %add3A_1248 = arith.addi %add3A_1247, %mul3A_1246 : i32
      %mul3A_1249 = arith.constant 16 : i32
      %mul3A_1250 = arith.muli %add3A_1248, %mul3A_1249 : i32
      %get3A = arith.constant 0 : i32
      %get3A_1251 = arith.index_cast %get3A : i32 to index
      %get3A_1252 = arith.index_cast %mul3A_1250 : i32 to index
      %get3A_1253 = tpu.vector_load %arg6[%get3A_1251, %get3A_1252] {strides = array<i32>} : memref<1x4096xi32, #tpu.memory_space<vmem>>, vector<16xi32>,
      %gather3A = tpu.vector_load_idx %arg5[%broadcast_in_dim3A_1089, %get3A_1253] : memref<1x100000xf32, #tpu.memory_space<vmem>>[vector<16xi32>, vector<16xi32>], vector<16xf32>,
      %mul3A_1254 = arith.constant 16 : i32
      %mul3A_1255 = arith.muli %add3A_1248, %mul3A_1254 : i32
      %swap3A = arith.constant 0 : i32
      %swap3A_1256 = arith.constant 0 : i32
      %swap3A_1257 = arith.constant 0 : i32
      %swap3A_1258 = tpu.memref_slice %arg7[%scan3A_1090, %swap3A_1256, %swap3A_1257] : memref<2x1x4096xf32, #tpu.memory_space<vmem>> -> memref<1x1x4096xf32, #tpu.memory_space<vmem>>
      %swap3A_1259 = tpu.memref_squeeze %swap3A_1258 : memref<1x1x4096xf32, #tpu.memory_space<vmem>> -> memref<1x4096xf32, #tpu.memory_space<vmem>>
      %swap3A_1260 = arith.index_cast %swap3A : i32 to index
      %swap3A_1261 = arith.index_cast %mul3A_1255 : i32 to index
      %swap3A_1262 = tpu.vector_load %swap3A_1259[%swap3A_1260, %swap3A_1261] {strides = array<i32>} : memref<1x4096xf32, #tpu.memory_space<vmem>>, vector<16xf32>,
      tpu.vector_store %swap3A_1259[%swap3A_1260, %swap3A_1261], %gather3A {strides = array<i32>} : memref<1x4096xf32, #tpu.memory_space<vmem>>, vector<16xf32>,
    }
    %scan3A_1095 = arith.constant 256 : i32
    %dma_wait3A_1096 = arith.constant 1 : i32
    %dma_wait3A_1097 = arith.constant 0 : i32
    %dma_wait3A_1098 = arith.constant 0 : i32
    %dma_wait3A_1099 = tpu.memref_slice %arg7[%dma_wait3A_1096, %dma_wait3A_1097, %dma_wait3A_1098] : memref<2x1x4096xf32, #tpu.memory_space<vmem>> -> memref<1x1x4096xf32, #tpu.memory_space<vmem>>
    %dma_wait3A_1100 = tpu.memref_squeeze %dma_wait3A_1099 : memref<1x1x4096xf32, #tpu.memory_space<vmem>> -> memref<1x4096xf32, #tpu.memory_space<vmem>>
    %dma_wait3A_1101 = arith.constant 0 : i32
    %dma_wait3A_1102 = tpu.memref_slice %arg4[%add3A_981, %dma_wait3A_1101] : memref<832x4096xf32, #tpu.memory_space<hbm>> -> memref<1x4096xf32, #tpu.memory_space<hbm>>
    %dma_wait3A_1103 = arith.constant 0 : i32
    %dma_wait3A_1104 = tpu.memref_slice %arg4[%add3A_981, %dma_wait3A_1103] : memref<832x4096xf32, #tpu.memory_space<hbm>> -> memref<1x4096xf32, #tpu.memory_space<hbm>>
    %dma_wait3A_1105 = arith.constant 0 : i32
    %dma_wait3A_1106 = arith.constant 0 : i32
    %dma_wait3A_1107 = tpu.memref_slice %arg7[%dma_wait3A_1096, %dma_wait3A_1105, %dma_wait3A_1106] : memref<2x1x4096xf32, #tpu.memory_space<vmem>> -> memref<1x1x4096xf32, #tpu.memory_space<vmem>>
    %dma_wait3A_1108 = tpu.memref_squeeze %dma_wait3A_1107 : memref<1x1x4096xf32, #tpu.memory_space<vmem>> -> memref<1x4096xf32, #tpu.memory_space<vmem>>
    tpu.wait_dma2 semaphore(%arg9 : memref<!tpu.dma_semaphore, #tpu.memory_space<semaphore_mem>>) src(%dma_wait3A_1108 : memref<1x4096xf32, #tpu.memory_space<vmem>>) dst(%dma_wait3A_1104 : memref<1x4096xf32, #tpu.memory_space<hbm>>)
    %dma_start3A_1109 = arith.constant 1 : i32
    %dma_start3A_1110 = arith.constant 0 : i32
    %dma_start3A_1111 = arith.constant 0 : i32
    %dma_start3A_1112 = tpu.memref_slice %arg7[%dma_start3A_1109, %dma_start3A_1110, %dma_start3A_1111] : memref<2x1x4096xf32, #tpu.memory_space<vmem>> -> memref<1x1x4096xf32, #tpu.memory_space<vmem>>
    %dma_start3A_1113 = tpu.memref_squeeze %dma_start3A_1112 : memref<1x1x4096xf32, #tpu.memory_space<vmem>> -> memref<1x4096xf32, #tpu.memory_space<vmem>>
    %dma_start3A_1114 = arith.constant 0 : i32
    %dma_start3A_1115 = tpu.memref_slice %arg4[%add3A_1077, %dma_start3A_1114] : memref<832x4096xf32, #tpu.memory_space<hbm>> -> memref<1x4096xf32, #tpu.memory_space<hbm>>
    %dma_start3A_1116 = arith.constant 0 : i32
    %dma_start3A_1117 = tpu.memref_slice %arg4[%add3A_1077, %dma_start3A_1116] : memref<832x4096xf32, #tpu.memory_space<hbm>> -> memref<1x4096xf32, #tpu.memory_space<hbm>>
    %dma_start3A_1118 = arith.constant 0 : i32
    %dma_start3A_1119 = arith.constant 0 : i32
    %dma_start3A_1120 = tpu.memref_slice %arg7[%dma_start3A_1109, %dma_start3A_1118, %dma_start3A_1119] : memref<2x1x4096xf32, #tpu.memory_space<vmem>> -> memref<1x1x4096xf32, #tpu.memory_space<vmem>>
    %dma_start3A_1121 = tpu.memref_squeeze %dma_start3A_1120 : memref<1x1x4096xf32, #tpu.memory_space<vmem>> -> memref<1x4096xf32, #tpu.memory_space<vmem>>
    tpu.enqueue_dma source(%dma_start3A_1121 : memref<1x4096xf32, #tpu.memory_space<vmem>>) target(%dma_start3A_1117 : memref<1x4096xf32, #tpu.memory_space<hbm>>) target_semaphore(%arg9 : memref<!tpu.dma_semaphore, #tpu.memory_space<semaphore_mem>>)
    %mul3A_1122 = arith.constant 26 : i32
    %mul3A_1123 = arith.muli %add3A, %mul3A_1122 : i32
    %add3A_1124 = arith.constant 24 : i32
    %add3A_1125 = arith.addi %mul3A_1123, %add3A_1124 : i32
    %div3A_1126 = arith.constant 32 : i32
    %div3A_1127 = arith.divsi %add3A_1125, %div3A_1126 : i32
    %dma_start3A_1128 = arith.constant 0 : i32
    %dma_start3A_1129 = tpu.memref_slice %arg2[%add3A_1125, %dma_start3A_1128] : memref<832x100000xf32, #tpu.memory_space<hbm>> -> memref<1x100000xf32, #tpu.memory_space<hbm>>
    %dma_start3A_1130 = arith.constant 0 : i32
    %dma_start3A_1131 = tpu.memref_slice %arg2[%add3A_1125, %dma_start3A_1130] : memref<832x100000xf32, #tpu.memory_space<hbm>> -> memref<1x100000xf32, #tpu.memory_space<hbm>>
    tpu.enqueue_dma source(%dma_start3A_1131 : memref<1x100000xf32, #tpu.memory_space<hbm>>) target(%arg5 : memref<1x100000xf32, #tpu.memory_space<vmem>>) target_semaphore(%arg8 : memref<!tpu.dma_semaphore, #tpu.memory_space<semaphore_mem>>)
    "tpu.region"() ({
      %run_scoped3A = tpu.sem_alloc : memref<!tpu.dma_semaphore, #tpu.memory_space<semaphore_mem>>
      %dma_start3A_1244 = arith.constant 0 : i32
      %dma_start3A_1245 = tpu.memref_slice %arg3[%div3A_1127, %dma_start3A_1244] : memref<26x4096xi32, #tpu.memory_space<hbm>> -> memref<1x4096xi32, #tpu.memory_space<hbm>>
      %dma_start3A_1246 = arith.constant 0 : i32
      %dma_start3A_1247 = tpu.memref_slice %arg3[%div3A_1127, %dma_start3A_1246] : memref<26x4096xi32, #tpu.memory_space<hbm>> -> memref<1x4096xi32, #tpu.memory_space<hbm>>
      tpu.enqueue_dma source(%dma_start3A_1247 : memref<1x4096xi32, #tpu.memory_space<hbm>>) target(%arg6 : memref<1x4096xi32, #tpu.memory_space<vmem>>) target_semaphore(%run_scoped3A : memref<!tpu.dma_semaphore, #tpu.memory_space<semaphore_mem>>)
      %dma_wait3A_1248 = arith.constant 0 : i32
      %dma_wait3A_1249 = tpu.memref_slice %arg3[%div3A_1127, %dma_wait3A_1248] : memref<26x4096xi32, #tpu.memory_space<hbm>> -> memref<1x4096xi32, #tpu.memory_space<hbm>>
      %dma_wait3A_1250 = arith.constant 0 : i32
      %dma_wait3A_1251 = tpu.memref_slice %arg3[%div3A_1127, %dma_wait3A_1250] : memref<26x4096xi32, #tpu.memory_space<hbm>> -> memref<1x4096xi32, #tpu.memory_space<hbm>>
      tpu.wait_dma2 semaphore(%run_scoped3A : memref<!tpu.dma_semaphore, #tpu.memory_space<semaphore_mem>>) src(%dma_wait3A_1251 : memref<1x4096xi32, #tpu.memory_space<hbm>>) dst(%arg6 : memref<1x4096xi32, #tpu.memory_space<vmem>>)
      tpu.yield
    }) : () -> ()
    %dma_wait3A_1132 = arith.constant 0 : i32
    %dma_wait3A_1133 = tpu.memref_slice %arg2[%add3A_1125, %dma_wait3A_1132] : memref<832x100000xf32, #tpu.memory_space<hbm>> -> memref<1x100000xf32, #tpu.memory_space<hbm>>
    %dma_wait3A_1134 = arith.constant 0 : i32
    %dma_wait3A_1135 = tpu.memref_slice %arg2[%add3A_1125, %dma_wait3A_1134] : memref<832x100000xf32, #tpu.memory_space<hbm>> -> memref<1x100000xf32, #tpu.memory_space<hbm>>
    tpu.wait_dma2 semaphore(%arg8 : memref<!tpu.dma_semaphore, #tpu.memory_space<semaphore_mem>>) src(%dma_wait3A_1135 : memref<1x100000xf32, #tpu.memory_space<hbm>>) dst(%arg5 : memref<1x100000xf32, #tpu.memory_space<vmem>>)
    %broadcast_in_dim3A_1136 = arith.constant 0 : i32
    %broadcast_in_dim3A_1137 = vector.broadcast %broadcast_in_dim3A_1136 : i32 to vector<16xi32>
    %scan3A_1138 = arith.constant 0 : i32
    %scan3A_1139 = arith.constant 0 : i32
    %scan3A_1140 = arith.constant 256 : i32
    %scan3A_1141 = arith.addi %scan3A_1139, %scan3A_1140 : i32
    %scan3A_1142 = arith.constant 1 : i32
    scf.for %scan3A_1244 = %scan3A_1139 to %scan3A_1141 step %scan3A_1142  : i32 {
      %mul3A_1245 = arith.constant 1 : i32
      %mul3A_1246 = arith.muli %scan3A_1244, %mul3A_1245 : i32
      %add3A_1247 = arith.constant 0 : i32
      %add3A_1248 = arith.addi %add3A_1247, %mul3A_1246 : i32
      %mul3A_1249 = arith.constant 16 : i32
      %mul3A_1250 = arith.muli %add3A_1248, %mul3A_1249 : i32
      %get3A = arith.constant 0 : i32
      %get3A_1251 = arith.index_cast %get3A : i32 to index
      %get3A_1252 = arith.index_cast %mul3A_1250 : i32 to index
      %get3A_1253 = tpu.vector_load %arg6[%get3A_1251, %get3A_1252] {strides = array<i32>} : memref<1x4096xi32, #tpu.memory_space<vmem>>, vector<16xi32>,
      %gather3A = tpu.vector_load_idx %arg5[%broadcast_in_dim3A_1137, %get3A_1253] : memref<1x100000xf32, #tpu.memory_space<vmem>>[vector<16xi32>, vector<16xi32>], vector<16xf32>,
      %mul3A_1254 = arith.constant 16 : i32
      %mul3A_1255 = arith.muli %add3A_1248, %mul3A_1254 : i32
      %swap3A = arith.constant 0 : i32
      %swap3A_1256 = arith.constant 0 : i32
      %swap3A_1257 = arith.constant 0 : i32
      %swap3A_1258 = tpu.memref_slice %arg7[%scan3A_1138, %swap3A_1256, %swap3A_1257] : memref<2x1x4096xf32, #tpu.memory_space<vmem>> -> memref<1x1x4096xf32, #tpu.memory_space<vmem>>
      %swap3A_1259 = tpu.memref_squeeze %swap3A_1258 : memref<1x1x4096xf32, #tpu.memory_space<vmem>> -> memref<1x4096xf32, #tpu.memory_space<vmem>>
      %swap3A_1260 = arith.index_cast %swap3A : i32 to index
      %swap3A_1261 = arith.index_cast %mul3A_1255 : i32 to index
      %swap3A_1262 = tpu.vector_load %swap3A_1259[%swap3A_1260, %swap3A_1261] {strides = array<i32>} : memref<1x4096xf32, #tpu.memory_space<vmem>>, vector<16xf32>,
      tpu.vector_store %swap3A_1259[%swap3A_1260, %swap3A_1261], %gather3A {strides = array<i32>} : memref<1x4096xf32, #tpu.memory_space<vmem>>, vector<16xf32>,
    }
    %scan3A_1143 = arith.constant 256 : i32
    %dma_wait3A_1144 = arith.constant 0 : i32
    %dma_wait3A_1145 = arith.constant 0 : i32
    %dma_wait3A_1146 = arith.constant 0 : i32
    %dma_wait3A_1147 = tpu.memref_slice %arg7[%dma_wait3A_1144, %dma_wait3A_1145, %dma_wait3A_1146] : memref<2x1x4096xf32, #tpu.memory_space<vmem>> -> memref<1x1x4096xf32, #tpu.memory_space<vmem>>
    %dma_wait3A_1148 = tpu.memref_squeeze %dma_wait3A_1147 : memref<1x1x4096xf32, #tpu.memory_space<vmem>> -> memref<1x4096xf32, #tpu.memory_space<vmem>>
    %dma_wait3A_1149 = arith.constant 0 : i32
    %dma_wait3A_1150 = tpu.memref_slice %arg4[%add3A_1029, %dma_wait3A_1149] : memref<832x4096xf32, #tpu.memory_space<hbm>> -> memref<1x4096xf32, #tpu.memory_space<hbm>>
    %dma_wait3A_1151 = arith.constant 0 : i32
    %dma_wait3A_1152 = tpu.memref_slice %arg4[%add3A_1029, %dma_wait3A_1151] : memref<832x4096xf32, #tpu.memory_space<hbm>> -> memref<1x4096xf32, #tpu.memory_space<hbm>>
    %dma_wait3A_1153 = arith.constant 0 : i32
    %dma_wait3A_1154 = arith.constant 0 : i32
    %dma_wait3A_1155 = tpu.memref_slice %arg7[%dma_wait3A_1144, %dma_wait3A_1153, %dma_wait3A_1154] : memref<2x1x4096xf32, #tpu.memory_space<vmem>> -> memref<1x1x4096xf32, #tpu.memory_space<vmem>>
    %dma_wait3A_1156 = tpu.memref_squeeze %dma_wait3A_1155 : memref<1x1x4096xf32, #tpu.memory_space<vmem>> -> memref<1x4096xf32, #tpu.memory_space<vmem>>
    tpu.wait_dma2 semaphore(%arg9 : memref<!tpu.dma_semaphore, #tpu.memory_space<semaphore_mem>>) src(%dma_wait3A_1156 : memref<1x4096xf32, #tpu.memory_space<vmem>>) dst(%dma_wait3A_1152 : memref<1x4096xf32, #tpu.memory_space<hbm>>)
    %dma_start3A_1157 = arith.constant 0 : i32
    %dma_start3A_1158 = arith.constant 0 : i32
    %dma_start3A_1159 = arith.constant 0 : i32
    %dma_start3A_1160 = tpu.memref_slice %arg7[%dma_start3A_1157, %dma_start3A_1158, %dma_start3A_1159] : memref<2x1x4096xf32, #tpu.memory_space<vmem>> -> memref<1x1x4096xf32, #tpu.memory_space<vmem>>
    %dma_start3A_1161 = tpu.memref_squeeze %dma_start3A_1160 : memref<1x1x4096xf32, #tpu.memory_space<vmem>> -> memref<1x4096xf32, #tpu.memory_space<vmem>>
    %dma_start3A_1162 = arith.constant 0 : i32
    %dma_start3A_1163 = tpu.memref_slice %arg4[%add3A_1125, %dma_start3A_1162] : memref<832x4096xf32, #tpu.memory_space<hbm>> -> memref<1x4096xf32, #tpu.memory_space<hbm>>
    %dma_start3A_1164 = arith.constant 0 : i32
    %dma_start3A_1165 = tpu.memref_slice %arg4[%add3A_1125, %dma_start3A_1164] : memref<832x4096xf32, #tpu.memory_space<hbm>> -> memref<1x4096xf32, #tpu.memory_space<hbm>>
    %dma_start3A_1166 = arith.constant 0 : i32
    %dma_start3A_1167 = arith.constant 0 : i32
    %dma_start3A_1168 = tpu.memref_slice %arg7[%dma_start3A_1157, %dma_start3A_1166, %dma_start3A_1167] : memref<2x1x4096xf32, #tpu.memory_space<vmem>> -> memref<1x1x4096xf32, #tpu.memory_space<vmem>>
    %dma_start3A_1169 = tpu.memref_squeeze %dma_start3A_1168 : memref<1x1x4096xf32, #tpu.memory_space<vmem>> -> memref<1x4096xf32, #tpu.memory_space<vmem>>
    tpu.enqueue_dma source(%dma_start3A_1169 : memref<1x4096xf32, #tpu.memory_space<vmem>>) target(%dma_start3A_1165 : memref<1x4096xf32, #tpu.memory_space<hbm>>) target_semaphore(%arg9 : memref<!tpu.dma_semaphore, #tpu.memory_space<semaphore_mem>>)
    %mul3A_1170 = arith.constant 26 : i32
    %mul3A_1171 = arith.muli %add3A, %mul3A_1170 : i32
    %add3A_1172 = arith.constant 25 : i32
    %add3A_1173 = arith.addi %mul3A_1171, %add3A_1172 : i32
    %div3A_1174 = arith.constant 32 : i32
    %div3A_1175 = arith.divsi %add3A_1173, %div3A_1174 : i32
    %dma_start3A_1176 = arith.constant 0 : i32
    %dma_start3A_1177 = tpu.memref_slice %arg2[%add3A_1173, %dma_start3A_1176] : memref<832x100000xf32, #tpu.memory_space<hbm>> -> memref<1x100000xf32, #tpu.memory_space<hbm>>
    %dma_start3A_1178 = arith.constant 0 : i32
    %dma_start3A_1179 = tpu.memref_slice %arg2[%add3A_1173, %dma_start3A_1178] : memref<832x100000xf32, #tpu.memory_space<hbm>> -> memref<1x100000xf32, #tpu.memory_space<hbm>>
    tpu.enqueue_dma source(%dma_start3A_1179 : memref<1x100000xf32, #tpu.memory_space<hbm>>) target(%arg5 : memref<1x100000xf32, #tpu.memory_space<vmem>>) target_semaphore(%arg8 : memref<!tpu.dma_semaphore, #tpu.memory_space<semaphore_mem>>)
    "tpu.region"() ({
      %run_scoped3A = tpu.sem_alloc : memref<!tpu.dma_semaphore, #tpu.memory_space<semaphore_mem>>
      %dma_start3A_1244 = arith.constant 0 : i32
      %dma_start3A_1245 = tpu.memref_slice %arg3[%div3A_1175, %dma_start3A_1244] : memref<26x4096xi32, #tpu.memory_space<hbm>> -> memref<1x4096xi32, #tpu.memory_space<hbm>>
      %dma_start3A_1246 = arith.constant 0 : i32
      %dma_start3A_1247 = tpu.memref_slice %arg3[%div3A_1175, %dma_start3A_1246] : memref<26x4096xi32, #tpu.memory_space<hbm>> -> memref<1x4096xi32, #tpu.memory_space<hbm>>
      tpu.enqueue_dma source(%dma_start3A_1247 : memref<1x4096xi32, #tpu.memory_space<hbm>>) target(%arg6 : memref<1x4096xi32, #tpu.memory_space<vmem>>) target_semaphore(%run_scoped3A : memref<!tpu.dma_semaphore, #tpu.memory_space<semaphore_mem>>)
      %dma_wait3A_1248 = arith.constant 0 : i32
      %dma_wait3A_1249 = tpu.memref_slice %arg3[%div3A_1175, %dma_wait3A_1248] : memref<26x4096xi32, #tpu.memory_space<hbm>> -> memref<1x4096xi32, #tpu.memory_space<hbm>>
      %dma_wait3A_1250 = arith.constant 0 : i32
      %dma_wait3A_1251 = tpu.memref_slice %arg3[%div3A_1175, %dma_wait3A_1250] : memref<26x4096xi32, #tpu.memory_space<hbm>> -> memref<1x4096xi32, #tpu.memory_space<hbm>>
      tpu.wait_dma2 semaphore(%run_scoped3A : memref<!tpu.dma_semaphore, #tpu.memory_space<semaphore_mem>>) src(%dma_wait3A_1251 : memref<1x4096xi32, #tpu.memory_space<hbm>>) dst(%arg6 : memref<1x4096xi32, #tpu.memory_space<vmem>>)
      tpu.yield
    }) : () -> ()
    %dma_wait3A_1180 = arith.constant 0 : i32
    %dma_wait3A_1181 = tpu.memref_slice %arg2[%add3A_1173, %dma_wait3A_1180] : memref<832x100000xf32, #tpu.memory_space<hbm>> -> memref<1x100000xf32, #tpu.memory_space<hbm>>
    %dma_wait3A_1182 = arith.constant 0 : i32
    %dma_wait3A_1183 = tpu.memref_slice %arg2[%add3A_1173, %dma_wait3A_1182] : memref<832x100000xf32, #tpu.memory_space<hbm>> -> memref<1x100000xf32, #tpu.memory_space<hbm>>
    tpu.wait_dma2 semaphore(%arg8 : memref<!tpu.dma_semaphore, #tpu.memory_space<semaphore_mem>>) src(%dma_wait3A_1183 : memref<1x100000xf32, #tpu.memory_space<hbm>>) dst(%arg5 : memref<1x100000xf32, #tpu.memory_space<vmem>>)
    %broadcast_in_dim3A_1184 = arith.constant 0 : i32
    %broadcast_in_dim3A_1185 = vector.broadcast %broadcast_in_dim3A_1184 : i32 to vector<16xi32>
    %scan3A_1186 = arith.constant 1 : i32
    %scan3A_1187 = arith.constant 0 : i32
    %scan3A_1188 = arith.constant 256 : i32
    %scan3A_1189 = arith.addi %scan3A_1187, %scan3A_1188 : i32
    %scan3A_1190 = arith.constant 1 : i32
    scf.for %scan3A_1244 = %scan3A_1187 to %scan3A_1189 step %scan3A_1190  : i32 {
      %mul3A_1245 = arith.constant 1 : i32
      %mul3A_1246 = arith.muli %scan3A_1244, %mul3A_1245 : i32
      %add3A_1247 = arith.constant 0 : i32
      %add3A_1248 = arith.addi %add3A_1247, %mul3A_1246 : i32
      %mul3A_1249 = arith.constant 16 : i32
      %mul3A_1250 = arith.muli %add3A_1248, %mul3A_1249 : i32
      %get3A = arith.constant 0 : i32
      %get3A_1251 = arith.index_cast %get3A : i32 to index
      %get3A_1252 = arith.index_cast %mul3A_1250 : i32 to index
      %get3A_1253 = tpu.vector_load %arg6[%get3A_1251, %get3A_1252] {strides = array<i32>} : memref<1x4096xi32, #tpu.memory_space<vmem>>, vector<16xi32>,
      %gather3A = tpu.vector_load_idx %arg5[%broadcast_in_dim3A_1185, %get3A_1253] : memref<1x100000xf32, #tpu.memory_space<vmem>>[vector<16xi32>, vector<16xi32>], vector<16xf32>,
      %mul3A_1254 = arith.constant 16 : i32
      %mul3A_1255 = arith.muli %add3A_1248, %mul3A_1254 : i32
      %swap3A = arith.constant 0 : i32
      %swap3A_1256 = arith.constant 0 : i32
      %swap3A_1257 = arith.constant 0 : i32
      %swap3A_1258 = tpu.memref_slice %arg7[%scan3A_1186, %swap3A_1256, %swap3A_1257] : memref<2x1x4096xf32, #tpu.memory_space<vmem>> -> memref<1x1x4096xf32, #tpu.memory_space<vmem>>
      %swap3A_1259 = tpu.memref_squeeze %swap3A_1258 : memref<1x1x4096xf32, #tpu.memory_space<vmem>> -> memref<1x4096xf32, #tpu.memory_space<vmem>>
      %swap3A_1260 = arith.index_cast %swap3A : i32 to index
      %swap3A_1261 = arith.index_cast %mul3A_1255 : i32 to index
      %swap3A_1262 = tpu.vector_load %swap3A_1259[%swap3A_1260, %swap3A_1261] {strides = array<i32>} : memref<1x4096xf32, #tpu.memory_space<vmem>>, vector<16xf32>,
      tpu.vector_store %swap3A_1259[%swap3A_1260, %swap3A_1261], %gather3A {strides = array<i32>} : memref<1x4096xf32, #tpu.memory_space<vmem>>, vector<16xf32>,
    }
    %scan3A_1191 = arith.constant 256 : i32
    %dma_wait3A_1192 = arith.constant 1 : i32
    %dma_wait3A_1193 = arith.constant 0 : i32
    %dma_wait3A_1194 = arith.constant 0 : i32
    %dma_wait3A_1195 = tpu.memref_slice %arg7[%dma_wait3A_1192, %dma_wait3A_1193, %dma_wait3A_1194] : memref<2x1x4096xf32, #tpu.memory_space<vmem>> -> memref<1x1x4096xf32, #tpu.memory_space<vmem>>
    %dma_wait3A_1196 = tpu.memref_squeeze %dma_wait3A_1195 : memref<1x1x4096xf32, #tpu.memory_space<vmem>> -> memref<1x4096xf32, #tpu.memory_space<vmem>>
    %dma_wait3A_1197 = arith.constant 0 : i32
    %dma_wait3A_1198 = tpu.memref_slice %arg4[%add3A_1077, %dma_wait3A_1197] : memref<832x4096xf32, #tpu.memory_space<hbm>> -> memref<1x4096xf32, #tpu.memory_space<hbm>>
    %dma_wait3A_1199 = arith.constant 0 : i32
    %dma_wait3A_1200 = tpu.memref_slice %arg4[%add3A_1077, %dma_wait3A_1199] : memref<832x4096xf32, #tpu.memory_space<hbm>> -> memref<1x4096xf32, #tpu.memory_space<hbm>>
    %dma_wait3A_1201 = arith.constant 0 : i32
    %dma_wait3A_1202 = arith.constant 0 : i32
    %dma_wait3A_1203 = tpu.memref_slice %arg7[%dma_wait3A_1192, %dma_wait3A_1201, %dma_wait3A_1202] : memref<2x1x4096xf32, #tpu.memory_space<vmem>> -> memref<1x1x4096xf32, #tpu.memory_space<vmem>>
    %dma_wait3A_1204 = tpu.memref_squeeze %dma_wait3A_1203 : memref<1x1x4096xf32, #tpu.memory_space<vmem>> -> memref<1x4096xf32, #tpu.memory_space<vmem>>
    tpu.wait_dma2 semaphore(%arg9 : memref<!tpu.dma_semaphore, #tpu.memory_space<semaphore_mem>>) src(%dma_wait3A_1204 : memref<1x4096xf32, #tpu.memory_space<vmem>>) dst(%dma_wait3A_1200 : memref<1x4096xf32, #tpu.memory_space<hbm>>)
    %dma_start3A_1205 = arith.constant 1 : i32
    %dma_start3A_1206 = arith.constant 0 : i32
    %dma_start3A_1207 = arith.constant 0 : i32
    %dma_start3A_1208 = tpu.memref_slice %arg7[%dma_start3A_1205, %dma_start3A_1206, %dma_start3A_1207] : memref<2x1x4096xf32, #tpu.memory_space<vmem>> -> memref<1x1x4096xf32, #tpu.memory_space<vmem>>
    %dma_start3A_1209 = tpu.memref_squeeze %dma_start3A_1208 : memref<1x1x4096xf32, #tpu.memory_space<vmem>> -> memref<1x4096xf32, #tpu.memory_space<vmem>>
    %dma_start3A_1210 = arith.constant 0 : i32
    %dma_start3A_1211 = tpu.memref_slice %arg4[%add3A_1173, %dma_start3A_1210] : memref<832x4096xf32, #tpu.memory_space<hbm>> -> memref<1x4096xf32, #tpu.memory_space<hbm>>
    %dma_start3A_1212 = arith.constant 0 : i32
    %dma_start3A_1213 = tpu.memref_slice %arg4[%add3A_1173, %dma_start3A_1212] : memref<832x4096xf32, #tpu.memory_space<hbm>> -> memref<1x4096xf32, #tpu.memory_space<hbm>>
    %dma_start3A_1214 = arith.constant 0 : i32
    %dma_start3A_1215 = arith.constant 0 : i32
    %dma_start3A_1216 = tpu.memref_slice %arg7[%dma_start3A_1205, %dma_start3A_1214, %dma_start3A_1215] : memref<2x1x4096xf32, #tpu.memory_space<vmem>> -> memref<1x1x4096xf32, #tpu.memory_space<vmem>>
    %dma_start3A_1217 = tpu.memref_squeeze %dma_start3A_1216 : memref<1x1x4096xf32, #tpu.memory_space<vmem>> -> memref<1x4096xf32, #tpu.memory_space<vmem>>
    tpu.enqueue_dma source(%dma_start3A_1217 : memref<1x4096xf32, #tpu.memory_space<vmem>>) target(%dma_start3A_1213 : memref<1x4096xf32, #tpu.memory_space<hbm>>) target_semaphore(%arg9 : memref<!tpu.dma_semaphore, #tpu.memory_space<semaphore_mem>>)
    %dma_wait3A_1218 = arith.constant 0 : i32
    %dma_wait3A_1219 = arith.constant 0 : i32
    %dma_wait3A_1220 = arith.constant 0 : i32
    %dma_wait3A_1221 = tpu.memref_slice %arg7[%dma_wait3A_1218, %dma_wait3A_1219, %dma_wait3A_1220] : memref<2x1x4096xf32, #tpu.memory_space<vmem>> -> memref<1x1x4096xf32, #tpu.memory_space<vmem>>
    %dma_wait3A_1222 = tpu.memref_squeeze %dma_wait3A_1221 : memref<1x1x4096xf32, #tpu.memory_space<vmem>> -> memref<1x4096xf32, #tpu.memory_space<vmem>>
    %dma_wait3A_1223 = arith.constant 0 : i32
    %dma_wait3A_1224 = tpu.memref_slice %arg4[%add3A_1125, %dma_wait3A_1223] : memref<832x4096xf32, #tpu.memory_space<hbm>> -> memref<1x4096xf32, #tpu.memory_space<hbm>>
    %dma_wait3A_1225 = arith.constant 0 : i32
    %dma_wait3A_1226 = tpu.memref_slice %arg4[%add3A_1125, %dma_wait3A_1225] : memref<832x4096xf32, #tpu.memory_space<hbm>> -> memref<1x4096xf32, #tpu.memory_space<hbm>>
    %dma_wait3A_1227 = arith.constant 0 : i32
    %dma_wait3A_1228 = arith.constant 0 : i32
    %dma_wait3A_1229 = tpu.memref_slice %arg7[%dma_wait3A_1218, %dma_wait3A_1227, %dma_wait3A_1228] : memref<2x1x4096xf32, #tpu.memory_space<vmem>> -> memref<1x1x4096xf32, #tpu.memory_space<vmem>>
    %dma_wait3A_1230 = tpu.memref_squeeze %dma_wait3A_1229 : memref<1x1x4096xf32, #tpu.memory_space<vmem>> -> memref<1x4096xf32, #tpu.memory_space<vmem>>
    tpu.wait_dma2 semaphore(%arg9 : memref<!tpu.dma_semaphore, #tpu.memory_space<semaphore_mem>>) src(%dma_wait3A_1230 : memref<1x4096xf32, #tpu.memory_space<vmem>>) dst(%dma_wait3A_1226 : memref<1x4096xf32, #tpu.memory_space<hbm>>)
    %dma_wait3A_1231 = arith.constant 1 : i32
    %dma_wait3A_1232 = arith.constant 0 : i32
    %dma_wait3A_1233 = arith.constant 0 : i32
    %dma_wait3A_1234 = tpu.memref_slice %arg7[%dma_wait3A_1231, %dma_wait3A_1232, %dma_wait3A_1233] : memref<2x1x4096xf32, #tpu.memory_space<vmem>> -> memref<1x1x4096xf32, #tpu.memory_space<vmem>>
    %dma_wait3A_1235 = tpu.memref_squeeze %dma_wait3A_1234 : memref<1x1x4096xf32, #tpu.memory_space<vmem>> -> memref<1x4096xf32, #tpu.memory_space<vmem>>
    %dma_wait3A_1236 = arith.constant 0 : i32
    %dma_wait3A_1237 = tpu.memref_slice %arg4[%add3A_1173, %dma_wait3A_1236] : memref<832x4096xf32, #tpu.memory_space<hbm>> -> memref<1x4096xf32, #tpu.memory_space<hbm>>
    %dma_wait3A_1238 = arith.constant 0 : i32
    %dma_wait3A_1239 = tpu.memref_slice %arg4[%add3A_1173, %dma_wait3A_1238] : memref<832x4096xf32, #tpu.memory_space<hbm>> -> memref<1x4096xf32, #tpu.memory_space<hbm>>
    %dma_wait3A_1240 = arith.constant 0 : i32
    %dma_wait3A_1241 = arith.constant 0 : i32
    %dma_wait3A_1242 = tpu.memref_slice %arg7[%dma_wait3A_1231, %dma_wait3A_1240, %dma_wait3A_1241] : memref<2x1x4096xf32, #tpu.memory_space<vmem>> -> memref<1x1x4096xf32, #tpu.memory_space<vmem>>
    %dma_wait3A_1243 = tpu.memref_squeeze %dma_wait3A_1242 : memref<1x1x4096xf32, #tpu.memory_space<vmem>> -> memref<1x4096xf32, #tpu.memory_space<vmem>>
    tpu.wait_dma2 semaphore(%arg9 : memref<!tpu.dma_semaphore, #tpu.memory_space<semaphore_mem>>) src(%dma_wait3A_1243 : memref<1x4096xf32, #tpu.memory_space<vmem>>) dst(%dma_wait3A_1239 : memref<1x4096xf32, #tpu.memory_space<hbm>>)
    return
  }
}

module attributes {stable_mosaic.version = 14 : i64} {
  func.func @_tc_body(%arg0: i32, %arg1: memref<512x13xf32, #tpu.memory_space<vmem>>, %arg2: memref<832x512xf32, #tpu.memory_space<vmem>>, %arg3: memref<13x512xf32, #tpu.memory_space<vmem>>, %arg4: memref<1x512xf32, #tpu.memory_space<vmem>>, %arg5: memref<512x256xf32, #tpu.memory_space<vmem>>, %arg6: memref<1x256xf32, #tpu.memory_space<vmem>>, %arg7: memref<256x32xf32, #tpu.memory_space<vmem>>, %arg8: memref<1x32xf32, #tpu.memory_space<vmem>>, %arg9: memref<32x512xf32, #tpu.memory_space<vmem>>, %arg10: memref<729x512xf32, #tpu.memory_space<vmem>>, %arg11: memref<1x512xf32, #tpu.memory_space<vmem>>, %arg12: memref<512x256xf32, #tpu.memory_space<vmem>>, %arg13: memref<1x256xf32, #tpu.memory_space<vmem>>, %arg14: memref<256x1xf32, #tpu.memory_space<vmem>>, %arg15: memref<1x1xf32, #tpu.memory_space<vmem>>, %arg16: memref<512x1xf32, #tpu.memory_space<vmem>>) attributes {dimension_semantics = [#tpu.dimension_semantics<arbitrary>], iteration_bounds = array<i64: 8>, scalar_prefetch = 0 : i64, scratch_operands = 0 : i64, tpu.core_type = #tpu.core_type<tc>, window_params = [{transform_indices = @transform_0, window_bounds = array<i64: 512, 13>}, {transform_indices = @transform_1, window_bounds = array<i64: 832, 512>}, {pipeline_mode = #tpu.pipeline_mode<synchronous>, transform_indices = @transform_2, window_bounds = array<i64: 13, 512>}, {pipeline_mode = #tpu.pipeline_mode<synchronous>, transform_indices = @transform_3, window_bounds = array<i64: 1, 512>}, {pipeline_mode = #tpu.pipeline_mode<synchronous>, transform_indices = @transform_4, window_bounds = array<i64: 512, 256>}, {pipeline_mode = #tpu.pipeline_mode<synchronous>, transform_indices = @transform_5, window_bounds = array<i64: 1, 256>}, {pipeline_mode = #tpu.pipeline_mode<synchronous>, transform_indices = @transform_6, window_bounds = array<i64: 256, 32>}, {pipeline_mode = #tpu.pipeline_mode<synchronous>, transform_indices = @transform_7, window_bounds = array<i64: 1, 32>}, {pipeline_mode = #tpu.pipeline_mode<synchronous>, transform_indices = @transform_8, window_bounds = array<i64: 32, 512>}, {pipeline_mode = #tpu.pipeline_mode<synchronous>, transform_indices = @transform_9, window_bounds = array<i64: 729, 512>}, {pipeline_mode = #tpu.pipeline_mode<synchronous>, transform_indices = @transform_10, window_bounds = array<i64: 1, 512>}, {pipeline_mode = #tpu.pipeline_mode<synchronous>, transform_indices = @transform_11, window_bounds = array<i64: 512, 256>}, {pipeline_mode = #tpu.pipeline_mode<synchronous>, transform_indices = @transform_12, window_bounds = array<i64: 1, 256>}, {pipeline_mode = #tpu.pipeline_mode<synchronous>, transform_indices = @transform_13, window_bounds = array<i64: 256, 1>}, {pipeline_mode = #tpu.pipeline_mode<synchronous>, transform_indices = @transform_14, window_bounds = array<i64: 1, 1>}, {transform_indices = @transform_15, window_bounds = array<i64: 512, 1>}]} {
    %get3A = arith.constant 0 : index
    %get3A_0 = arith.constant 0 : index
    %get3A_1 = vector.load %arg1[%get3A, %get3A_0] : memref<512x13xf32, #tpu.memory_space<vmem>>, vector<512x13xf32>
    %get3A_2 = arith.constant 0 : index
    %get3A_3 = arith.constant 0 : index
    %get3A_4 = vector.load %arg3[%get3A_2, %get3A_3] : memref<13x512xf32, #tpu.memory_space<vmem>>, vector<13x512xf32>
    %dot_general3A = arith.constant dense<0.000000e+00> : vector<512x512xf32>
    %dot_general3A_5 = tpu.matmul %get3A_1, %get3A_4, %dot_general3A {dimension_numbers = #tpu.dot_dimension_numbers<[1], [0], [0], [1], [0, 0, 1, 1], [], []>, transpose_lhs_hint = false} : vector<512x13xf32>, vector<13x512xf32>, vector<512x512xf32> -> vector<512x512xf32>
    %get3A_6 = arith.constant 0 : index
    %get3A_7 = arith.constant 0 : index
    %get3A_8 = vector.load %arg4[%get3A_6, %get3A_7] : memref<1x512xf32, #tpu.memory_space<vmem>>, vector<1x512xf32>
    %add3A = vector.broadcast %get3A_8 : vector<1x512xf32> to vector<512x512xf32>
    %add3A_9 = arith.addf %dot_general3A_5, %add3A : vector<512x512xf32>
    %max3A = arith.constant 0.000000e+00 : f32
    %max3A_10 = vector.broadcast %max3A : f32 to vector<512x512xf32>
    %max3A_11 = arith.maximumf %add3A_9, %max3A_10 : vector<512x512xf32>
    %get3A_12 = arith.constant 0 : index
    %get3A_13 = arith.constant 0 : index
    %get3A_14 = vector.load %arg5[%get3A_12, %get3A_13] : memref<512x256xf32, #tpu.memory_space<vmem>>, vector<512x256xf32>
    %dot_general3A_15 = arith.constant dense<0.000000e+00> : vector<512x256xf32>
    %dot_general3A_16 = tpu.matmul %max3A_11, %get3A_14, %dot_general3A_15 {dimension_numbers = #tpu.dot_dimension_numbers<[1], [0], [0], [1], [0, 0, 1, 1], [], []>, transpose_lhs_hint = false} : vector<512x512xf32>, vector<512x256xf32>, vector<512x256xf32> -> vector<512x256xf32>
    %get3A_17 = arith.constant 0 : index
    %get3A_18 = arith.constant 0 : index
    %get3A_19 = vector.load %arg6[%get3A_17, %get3A_18] : memref<1x256xf32, #tpu.memory_space<vmem>>, vector<1x256xf32>
    %add3A_20 = vector.broadcast %get3A_19 : vector<1x256xf32> to vector<512x256xf32>
    %add3A_21 = arith.addf %dot_general3A_16, %add3A_20 : vector<512x256xf32>
    %max3A_22 = arith.constant 0.000000e+00 : f32
    %max3A_23 = vector.broadcast %max3A_22 : f32 to vector<512x256xf32>
    %max3A_24 = arith.maximumf %add3A_21, %max3A_23 : vector<512x256xf32>
    %get3A_25 = arith.constant 0 : index
    %get3A_26 = arith.constant 0 : index
    %get3A_27 = vector.load %arg7[%get3A_25, %get3A_26] : memref<256x32xf32, #tpu.memory_space<vmem>>, vector<256x32xf32>
    %dot_general3A_28 = arith.constant dense<0.000000e+00> : vector<512x32xf32>
    %dot_general3A_29 = tpu.matmul %max3A_24, %get3A_27, %dot_general3A_28 {dimension_numbers = #tpu.dot_dimension_numbers<[1], [0], [0], [1], [0, 0, 1, 1], [], []>, transpose_lhs_hint = false} : vector<512x256xf32>, vector<256x32xf32>, vector<512x32xf32> -> vector<512x32xf32>
    %get3A_30 = arith.constant 0 : index
    %get3A_31 = arith.constant 0 : index
    %get3A_32 = vector.load %arg8[%get3A_30, %get3A_31] : memref<1x32xf32, #tpu.memory_space<vmem>>, vector<1x32xf32>
    %add3A_33 = vector.broadcast %get3A_32 : vector<1x32xf32> to vector<512x32xf32>
    %add3A_34 = arith.addf %dot_general3A_29, %add3A_33 : vector<512x32xf32>
    %max3A_35 = arith.constant 0.000000e+00 : f32
    %max3A_36 = vector.broadcast %max3A_35 : f32 to vector<512x32xf32>
    %max3A_37 = arith.maximumf %add3A_34, %max3A_36 : vector<512x32xf32>
    %get3A_38 = arith.constant 0 : index
    %get3A_39 = arith.constant 0 : index
    %get3A_40 = vector.load %arg2[%get3A_38, %get3A_39] : memref<832x512xf32, #tpu.memory_space<vmem>>, vector<832x512xf32>
    %transpose3A = tpu.transpose %get3A_40, [1, 0] : vector<832x512xf32> -> vector<512x832xf32>
    %broadcast_in_dim3A = vector.shape_cast %max3A_37 : vector<512x32xf32> to vector<512x1x32xf32>
    %reshape3A = vector.shape_cast %transpose3A : vector<512x832xf32> to vector<512x26x32xf32>
    %concatenate3A = tpu.concatenate %broadcast_in_dim3A, %reshape3A in 1 : vector<512x1x32xf32>, vector<512x26x32xf32> -> vector<512x27x32xf32>
    %dot_general3A_41 = arith.constant dense<0.000000e+00> : vector<512x27x27xf32>
    %dot_general3A_42 = tpu.matmul %concatenate3A, %concatenate3A, %dot_general3A_41 {dimension_numbers = #tpu.dot_dimension_numbers<[2], [2], [1], [1], [0, 0, 0, 1, 1, 1], [0], [0]>, transpose_lhs_hint = false} : vector<512x27x32xf32>, vector<512x27x32xf32>, vector<512x27x27xf32> -> vector<512x27x27xf32>
    %reshape3A_43 = vector.shape_cast %dot_general3A_42 : vector<512x27x27xf32> to vector<512x729xf32>
    %get3A_44 = arith.constant 0 : index
    %get3A_45 = arith.constant 0 : index
    %get3A_46 = vector.load %arg9[%get3A_44, %get3A_45] : memref<32x512xf32, #tpu.memory_space<vmem>>, vector<32x512xf32>
    %dot_general3A_47 = arith.constant dense<0.000000e+00> : vector<512x512xf32>
    %dot_general3A_48 = tpu.matmul %max3A_37, %get3A_46, %dot_general3A_47 {dimension_numbers = #tpu.dot_dimension_numbers<[1], [0], [0], [1], [0, 0, 1, 1], [], []>, transpose_lhs_hint = false} : vector<512x32xf32>, vector<32x512xf32>, vector<512x512xf32> -> vector<512x512xf32>
    %get3A_49 = arith.constant 0 : index
    %get3A_50 = arith.constant 0 : index
    %get3A_51 = vector.load %arg10[%get3A_49, %get3A_50] : memref<729x512xf32, #tpu.memory_space<vmem>>, vector<729x512xf32>
    %dot_general3A_52 = arith.constant dense<0.000000e+00> : vector<512x512xf32>
    %dot_general3A_53 = tpu.matmul %reshape3A_43, %get3A_51, %dot_general3A_52 {dimension_numbers = #tpu.dot_dimension_numbers<[1], [0], [0], [1], [0, 0, 1, 1], [], []>, transpose_lhs_hint = false} : vector<512x729xf32>, vector<729x512xf32>, vector<512x512xf32> -> vector<512x512xf32>
    %add3A_54 = arith.addf %dot_general3A_48, %dot_general3A_53 : vector<512x512xf32>
    %get3A_55 = arith.constant 0 : index
    %get3A_56 = arith.constant 0 : index
    %get3A_57 = vector.load %arg11[%get3A_55, %get3A_56] : memref<1x512xf32, #tpu.memory_space<vmem>>, vector<1x512xf32>
    %add3A_58 = vector.broadcast %get3A_57 : vector<1x512xf32> to vector<512x512xf32>
    %add3A_59 = arith.addf %add3A_54, %add3A_58 : vector<512x512xf32>
    %max3A_60 = arith.constant 0.000000e+00 : f32
    %max3A_61 = vector.broadcast %max3A_60 : f32 to vector<512x512xf32>
    %max3A_62 = arith.maximumf %add3A_59, %max3A_61 : vector<512x512xf32>
    %get3A_63 = arith.constant 0 : index
    %get3A_64 = arith.constant 0 : index
    %get3A_65 = vector.load %arg12[%get3A_63, %get3A_64] : memref<512x256xf32, #tpu.memory_space<vmem>>, vector<512x256xf32>
    %dot_general3A_66 = arith.constant dense<0.000000e+00> : vector<512x256xf32>
    %dot_general3A_67 = tpu.matmul %max3A_62, %get3A_65, %dot_general3A_66 {dimension_numbers = #tpu.dot_dimension_numbers<[1], [0], [0], [1], [0, 0, 1, 1], [], []>, transpose_lhs_hint = false} : vector<512x512xf32>, vector<512x256xf32>, vector<512x256xf32> -> vector<512x256xf32>
    %get3A_68 = arith.constant 0 : index
    %get3A_69 = arith.constant 0 : index
    %get3A_70 = vector.load %arg13[%get3A_68, %get3A_69] : memref<1x256xf32, #tpu.memory_space<vmem>>, vector<1x256xf32>
    %add3A_71 = vector.broadcast %get3A_70 : vector<1x256xf32> to vector<512x256xf32>
    %add3A_72 = arith.addf %dot_general3A_67, %add3A_71 : vector<512x256xf32>
    %max3A_73 = arith.constant 0.000000e+00 : f32
    %max3A_74 = vector.broadcast %max3A_73 : f32 to vector<512x256xf32>
    %max3A_75 = arith.maximumf %add3A_72, %max3A_74 : vector<512x256xf32>
    %get3A_76 = arith.constant 0 : index
    %get3A_77 = arith.constant 0 : index
    %get3A_78 = vector.load %arg14[%get3A_76, %get3A_77] : memref<256x1xf32, #tpu.memory_space<vmem>>, vector<256x1xf32>
    %dot_general3A_79 = arith.constant dense<0.000000e+00> : vector<512x1xf32>
    %dot_general3A_80 = tpu.matmul %max3A_75, %get3A_78, %dot_general3A_79 {dimension_numbers = #tpu.dot_dimension_numbers<[1], [0], [0], [1], [0, 0, 1, 1], [], []>, transpose_lhs_hint = false} : vector<512x256xf32>, vector<256x1xf32>, vector<512x1xf32> -> vector<512x1xf32>
    %get3A_81 = arith.constant 0 : index
    %get3A_82 = arith.constant 0 : index
    %get3A_83 = vector.load %arg15[%get3A_81, %get3A_82] : memref<1x1xf32, #tpu.memory_space<vmem>>, vector<1x1xf32>
    %add3A_84 = vector.broadcast %get3A_83 : vector<1x1xf32> to vector<512x1xf32>
    %add3A_85 = arith.addf %dot_general3A_80, %add3A_84 : vector<512x1xf32>
    %neg3A = arith.constant 0.000000e+00 : f32
    %neg3A_86 = vector.broadcast %neg3A : f32 to vector<512x1xf32>
    %neg3A_87 = arith.subf %neg3A_86, %add3A_85 : vector<512x1xf32>
    %exp3A = math.exp %neg3A_87 : vector<512x1xf32>
    %add3A_88 = arith.constant 1.000000e+00 : f32
    %add3A_89 = vector.broadcast %add3A_88 : f32 to vector<512x1xf32>
    %add3A_90 = arith.addf %add3A_89, %exp3A : vector<512x1xf32>
    %div3A = arith.constant 1.000000e+00 : f32
    %div3A_91 = vector.broadcast %div3A : f32 to vector<512x1xf32>
    %div3A_92 = arith.divf %div3A_91, %add3A_90 : vector<512x1xf32>
    %swap3A = arith.constant 0 : index
    %swap3A_93 = arith.constant 0 : index
    %swap3A_94 = vector.load %arg16[%swap3A, %swap3A_93] : memref<512x1xf32, #tpu.memory_space<vmem>>, vector<512x1xf32>
    tpu.vector_store %arg16[%swap3A, %swap3A_93], %div3A_92 {strides = array<i32>} : memref<512x1xf32, #tpu.memory_space<vmem>>, vector<512x1xf32>,
    return
  }
  func.func @transform_0(%arg0: i32) -> (i32, i32) {
    %c0_i32 = arith.constant 0 : i32
    %c0_i32_0 = arith.constant 0 : i32
    return %arg0, %c0_i32 : i32, i32
  }
  func.func @transform_1(%arg0: i32) -> (i32, i32) {
    %c0_i32 = arith.constant 0 : i32
    %c0_i32_0 = arith.constant 0 : i32
    return %c0_i32, %arg0 : i32, i32
  }
  func.func @transform_2(%arg0: i32) -> (i32, i32) {
    %c0_i32 = arith.constant 0 : i32
    %c0_i32_0 = arith.constant 0 : i32
    %c0_i32_1 = arith.constant 0 : i32
    return %c0_i32, %c0_i32_0 : i32, i32
  }
  func.func @transform_3(%arg0: i32) -> (i32, i32) {
    %c0_i32 = arith.constant 0 : i32
    %c0_i32_0 = arith.constant 0 : i32
    %c0_i32_1 = arith.constant 0 : i32
    return %c0_i32, %c0_i32_0 : i32, i32
  }
  func.func @transform_4(%arg0: i32) -> (i32, i32) {
    %c0_i32 = arith.constant 0 : i32
    %c0_i32_0 = arith.constant 0 : i32
    %c0_i32_1 = arith.constant 0 : i32
    return %c0_i32, %c0_i32_0 : i32, i32
  }
  func.func @transform_5(%arg0: i32) -> (i32, i32) {
    %c0_i32 = arith.constant 0 : i32
    %c0_i32_0 = arith.constant 0 : i32
    %c0_i32_1 = arith.constant 0 : i32
    return %c0_i32, %c0_i32_0 : i32, i32
  }
  func.func @transform_6(%arg0: i32) -> (i32, i32) {
    %c0_i32 = arith.constant 0 : i32
    %c0_i32_0 = arith.constant 0 : i32
    %c0_i32_1 = arith.constant 0 : i32
    return %c0_i32, %c0_i32_0 : i32, i32
  }
  func.func @transform_7(%arg0: i32) -> (i32, i32) {
    %c0_i32 = arith.constant 0 : i32
    %c0_i32_0 = arith.constant 0 : i32
    %c0_i32_1 = arith.constant 0 : i32
    return %c0_i32, %c0_i32_0 : i32, i32
  }
  func.func @transform_8(%arg0: i32) -> (i32, i32) {
    %c0_i32 = arith.constant 0 : i32
    %c0_i32_0 = arith.constant 0 : i32
    %c0_i32_1 = arith.constant 0 : i32
    return %c0_i32, %c0_i32_0 : i32, i32
  }
  func.func @transform_9(%arg0: i32) -> (i32, i32) {
    %c0_i32 = arith.constant 0 : i32
    %c0_i32_0 = arith.constant 0 : i32
    %c0_i32_1 = arith.constant 0 : i32
    return %c0_i32, %c0_i32_0 : i32, i32
  }
  func.func @transform_10(%arg0: i32) -> (i32, i32) {
    %c0_i32 = arith.constant 0 : i32
    %c0_i32_0 = arith.constant 0 : i32
    %c0_i32_1 = arith.constant 0 : i32
    return %c0_i32, %c0_i32_0 : i32, i32
  }
  func.func @transform_11(%arg0: i32) -> (i32, i32) {
    %c0_i32 = arith.constant 0 : i32
    %c0_i32_0 = arith.constant 0 : i32
    %c0_i32_1 = arith.constant 0 : i32
    return %c0_i32, %c0_i32_0 : i32, i32
  }
  func.func @transform_12(%arg0: i32) -> (i32, i32) {
    %c0_i32 = arith.constant 0 : i32
    %c0_i32_0 = arith.constant 0 : i32
    %c0_i32_1 = arith.constant 0 : i32
    return %c0_i32, %c0_i32_0 : i32, i32
  }
  func.func @transform_13(%arg0: i32) -> (i32, i32) {
    %c0_i32 = arith.constant 0 : i32
    %c0_i32_0 = arith.constant 0 : i32
    %c0_i32_1 = arith.constant 0 : i32
    return %c0_i32, %c0_i32_0 : i32, i32
  }
  func.func @transform_14(%arg0: i32) -> (i32, i32) {
    %c0_i32 = arith.constant 0 : i32
    %c0_i32_0 = arith.constant 0 : i32
    %c0_i32_1 = arith.constant 0 : i32
    return %c0_i32, %c0_i32_0 : i32, i32
  }
  func.func @transform_15(%arg0: i32) -> (i32, i32) {
    %c0_i32 = arith.constant 0 : i32
    %c0_i32_0 = arith.constant 0 : i32
    return %arg0, %c0_i32 : i32, i32
  }
}

</mosaic_0001>

<sc_bundles>
// kernel: kernel.4.cloned.1.call-start
scs
__scs_entry_jumppad:
0x0: {  	(pc) =	sbr.rel $0x88, $3  }
0x1: {  	(tag) =	ssettag $0x0;
	lr =	simm.s32 $0x1  }
0x2: {  	[smem:$0x3F92] =	sst lr;
	_ =	strace $0xD0000000  }
0x3: {  	_ = 	snop  }
0x4: {  	_ = 	snop  }
0x5: {  	_ = 	snop  }
0x6: {  	_ = 	snop  }
0x7: {  	_ = 	snop  }
__scs_overlays_trampoline_lowered:
0x8: {  	[smem:$0x3FA1] =	sst s0  }
0x9: {  	[smem:$0x3FA2] =	sst s1  }
0xa: {  	[smem:$0x3FA3] =	sst s2  }
0xb: {  	[smem:$0x3FA4] =	sst s3  }
0xc: {  	[smem:$0x3FA5] =	sst s4  }
0xd: {  	[smem:$0x3FA6] =	sst s5  }
0xe: {  	[smem:$0x3FA7] =	sst s6  }
0xf: {  	[smem:$0x3FA8] =	sst s7  }
0x10: {  	[smem:$0x3FA9] =	sst s8  }
0x11: {  	[smem:$0x3FAA] =	sst s9;
	s0 =	simm.s32 @!p0 $0x0  }
0x12: {  	s1 =	sld [smem:$0x3F90];
	s0 =	simm.s32 @p0 $0x1  }
0x13: {  	[smem:$0x3FAB] =	sst s0;
	s0 =	simm.s32 @!p1 $0x0  }
0x14: {  	s2 =	sld [smem:$0x3F8F];
	s0 =	simm.s32 @p1 $0x1  }
0x15: {  	[smem:$0x3FAC] =	sst s0;
	s0 =	simm.s32 @!p2 $0x0  }
0x16: {  	s3 =	sld [smem:$0x3FDB];
	s0 =	simm.s32 @p2 $0x1  }
0x17: {  	s4 =	simm.s32 $0x1BF5;
	[smem:$0x3FAE] =	sst s0  }
0x18: {  	s0 =	sld [smem:$0x3F91];
	_ =	swait.ge [sflag:s4], $0x0  }
0x19: {  	s7 =	sld [smem:$0x3F92]  }
0x1a: {  	s8 =	sadd.s32 $0xFFFFE003, lr  }
0x1b: {  	s9 =	sadd.s32 $0xFFFFFEF7, lr;
	s5 =	simm.s32 $0xFFFFFFFF;
	p2 =	slt.u32 s8, $0xFFFFF086  }
0x1c: {  	p1 =	slt.u32 s9, $0xF7A;
	s5 =	simm.s32 @!p2 $0x0  }
0x1d: {  	s5 =	simm.s32 @p1 $0x1;
	p0 =	seq.s32 s7, s2  }
0x1e: {  	s7 =	smul.u32 @!p0 $0xF7A, s2;
	p2 =	seq.s32 @!p0 s5, $0x0  }
0x1f: {  	s9 =	smul.u32 $0xF7A, s1;
	s8 =	simm.s32 @!p0 $0x1BF5;
	p2 =	por !p2, p0  }
0x20: {  	[sflag:s8] =	ssyncset.s32 @!p0 $0xFFFFF086;
	s6 =	sadd.s32 @!p0 s3, s7;
	s7 =	simm.s32 @!p0 $0x108  }
0x21: {  	s3 =	sadd.s32 s3, s9;
	s6 =	sadd.s32 @!p0 $0x88, s6;
	s7 =	simm.s32 @p2 $0x1082  }
0x22: {  	[simem:s7], [sflag:s8] =	dma.local @!p0 [hbm:s6], $0xF7A  }
0x23: {  	s9 =	sor.u32 $0xD0000000, s2;
	s6 =	simm.s32 $0x108;
	_ =	swait.ge @!p0 [sflag:s8], $0x0  }
0x24: {  	s3 =	sadd.s32 $0x88, s3;
	s6 =	simm.s32 @!p1 $0x1082;
	[sflag:s4] =	ssyncset.s32 $0xFFFFF086  }
0x25: {  	[simem:s6], [sflag:s4] =	dma.local [hbm:s3], $0xF7A  }
0x26: {  	[smem:$0x3F92] =	sst s1;
	(tag) =	ssettag s2;
	_ =	strace s9  }
0x27: {  	s1 =	sld [smem:$0x3FA2]  }
0x28: {  	s2 =	sld [smem:$0x3FA3]  }
0x29: {  	s4 =	sld [smem:$0x3FA5]  }
0x2a: {  	p0 =	seq.s32 s5, $0x0;
	s5 =	sld [smem:$0x3FA6]  }
0x2b: {  	s6 =	sld [smem:$0x3FA7]  }
0x2c: {  	s7 =	sld [smem:$0x3FA8]  }
0x2d: {  	s3 =	simm.s32 $0x108;
	s8 =	sld [smem:$0x3FA9]  }
0x2e: {  	s3 =	simm.s32 @!p0 $0x1082;
	s9 =	sld [smem:$0x3FAA]  }
0x2f: {  	lr =	sadd.s32 s0, s3;
	s0 =	sld [smem:$0x3FA1]  }
0x30: {  	s3 =	sld [smem:$0x3FA4]  }
0x31: {  	[smem:$0x3FAD] =	sst s10  }
0x32: {  	s10 =	sld [smem:$0x3FAB];
	_ =	sdelay $0x3  }
0x33: {  	p0 =	seq.s32 s10, $0x1;
	s10 =	sld [smem:$0x3FAD];
	_ =	sdelay $0x3  }
0x34: {  	[smem:$0x3FAD] =	sst s10  }
0x35: {  	s10 =	sld [smem:$0x3FAC];
	_ =	sdelay $0x3  }
0x36: {  	p1 =	seq.s32 s10, $0x1;
	s10 =	sld [smem:$0x3FAD];
	_ =	sdelay $0x3  }
0x37: {  	[smem:$0x3FAD] =	sst s10  }
0x38: {  	s10 =	sld [smem:$0x3FAE]  }
0x39: {  	_ = 	snop;
	(pc) =	sbr.ind lr, $3  }
0x3a: {  	_ = 	snop  }
0x3b: {  	_ = 	snop  }
0x3c: {  	p2 =	seq.s32 s10, $0x1;
	s10 =	sld [smem:$0x3FAD]  }
0x3d: {  	_ =	shalt  }
0x3e: {  	_ =	shalt  }
0x3f: {  	_ =	shalt  }
0x40: {  	_ =	shalt  }
0x41: {  	_ =	shalt  }
0x42: {  	_ =	shalt  }
0x43: {  	_ =	shalt  }
0x44: {  	_ =	shalt  }
0x45: {  	_ =	shalt  }
0x46: {  	_ =	shalt  }
0x47: {  	_ =	shalt  }
0x48: {  	_ =	shalt  }
0x49: {  	_ =	shalt  }
0x4a: {  	_ =	shalt  }
0x4b: {  	_ =	shalt  }
0x4c: {  	_ =	shalt  }
0x4d: {  	_ =	shalt  }
0x4e: {  	_ =	shalt  }
0x4f: {  	_ =	shalt  }
0x50: {  	_ =	shalt  }
0x51: {  	_ =	shalt  }
0x52: {  	_ =	shalt  }
0x53: {  	_ =	shalt  }
0x54: {  	_ =	shalt  }
0x55: {  	_ =	shalt  }
0x56: {  	_ =	shalt  }
0x57: {  	_ =	shalt  }
0x58: {  	_ =	shalt  }
0x59: {  	_ =	shalt  }
0x5a: {  	_ =	shalt  }
0x5b: {  	_ =	shalt  }
0x5c: {  	_ =	shalt  }
0x5d: {  	_ =	shalt  }
0x5e: {  	_ =	shalt  }
0x5f: {  	_ =	shalt  }
0x60: {  	_ =	shalt  }
0x61: {  	_ =	shalt  }
0x62: {  	_ =	shalt  }
0x63: {  	_ =	shalt  }
0x64: {  	_ =	shalt  }
0x65: {  	_ =	shalt  }
0x66: {  	_ =	shalt  }
0x67: {  	_ =	shalt  }
0x68: {  	_ =	shalt  }
0x69: {  	_ =	shalt  }
0x6a: {  	_ =	shalt  }
0x6b: {  	_ =	shalt  }
0x6c: {  	_ =	shalt  }
0x6d: {  	_ =	shalt  }
0x6e: {  	_ =	shalt  }
0x6f: {  	_ =	shalt  }
0x70: {  	_ =	shalt  }
0x71: {  	_ =	shalt  }
0x72: {  	_ =	shalt  }
0x73: {  	_ =	shalt  }
0x74: {  	_ =	shalt  }
0x75: {  	_ =	shalt  }
0x76: {  	_ =	shalt  }
0x77: {  	_ =	shalt  }
0x78: {  	_ =	shalt  }
0x79: {  	_ =	shalt  }
0x7a: {  	_ =	shalt  }
0x7b: {  	_ =	shalt  }
0x7c: {  	_ =	shalt  }
0x7d: {  	_ =	shalt  }
0x7e: {  	_ =	shalt  }
0x7f: {  	_ =	shalt  }
0x80: {  	_ =	shalt  }
0x81: {  	_ =	shalt  }
0x82: {  	_ =	shalt  }
0x83: {  	_ =	shalt  }
0x84: {  	_ =	shalt  }
0x85: {  	_ =	shalt  }
0x86: {  	_ =	shalt  }
0x87: {  	_ =	shalt  }
.Lfunc_end0:
.L_simem_size_0:
called_computation_lowered:
.L_overlay_start_0:
0x88: {  	s2 =	sld [smem:$0x3FD9]  }
0x89: {  	s3 =	sld [smem:$0x3FFE];
	_ =	sdelay $0x1  }
0x8a: {  	s1 =	srdreg.scid  }
0x8b: {  	s0 =	sand.u32 $0x1, s1  }
0x8c: {  	s17 =	sshll.u32 s0, $0xA;
	s2 =	sadd.s32 s3, s2  }
0x8d: {  	s2 =	sadd.s32 s2, s17  }
0x8e: {  	[smem:$0x3FB9] =	sst s2  }
0x8f: {  	_ = 	snop  }
0x90: {  	s2 =	sld [smem:$0x3FC8]  }
0x91: {  	s18 =	sld [smem:$0x3FC7];
	(tm) =	ssettm $0x1  }
0x92: {  	s4 =	sld [smem:$0x3FFB];
	_ =	sdelay $0x3  }
0x93: {  	_ =	strace s4  }
0x94: {  	s4 =	sld [smem:$0x3FFC];
	_ =	sdelay $0x3  }
0x95: {  	_ =	strace s4  }
0x96: {  	s4 =	sld [smem:$0x3FFD];
	_ =	sdelay $0x3  }
0x97: {  	_ =	strace s4  }
0x98: {  	_ =	strace $0x8FFFFFFF  }
0x99: {  	s19 =	sld [smem:$0x3FDB];
	_ =	sdelay $0x1  }
0x9a: {  	s5 =	simm.s32 $_scs_section_size  }
0x9b: {  	s6 =	simm.s32 $_size__tile_overlayer_lowered;
	s7 =	simm.s32 $_tile_overlayer_lowered  }
0x9c: {  	s22 =	simm.s32 $0x1BFF;
	s21 =	sshll.u32 s7, $0x1;
	s4 =	sadd.s32 s5, s19  }
0x9d: {  	s8 =	simm.s32 $0x0;
	s20 =	sshll.u32 s6, $0x1;
	s6 =	sadd.s32 s21, s4  }
0x9e: {  	[timem:s8], [sflag:s22] =	dma.local [hbm:s6], s20  }
0x9f: {  	_ =	swait.ge [sflag:s22], s20  }
0xa0: {  	s5 =	ssub.s32 $0x0, s20;
	[sflag:s22] =	ssyncset.done $0x0  }
0xa1: {  	[sflag:s22] =	ssyncadd.s32 s5;
	_ =	sdelay $0x1  }
0xa2: {  	s23 =	simm.s32 $0x1B8B  }
0xa3: {  	_ =	swait.ge [sflag:s23], $0x1  }
0xa4: {  	[sflag:s23] =	ssyncset.done $0x0  }
0xa5: {  	s25 =	simm.s32 $0x1B8E;
	s24 =	sld [smem:$0x3FFE];
	[sflag:s23] =	ssyncadd.s32 $0xFFFFFFFF  }
0xa6: {  	s26 =	simm.s32 $execute0_lowered;
	[smem:$0x3FD2] =	sst s25  }
0xa7: {  	s6 =	sshll.u32 s26, $0x1;
	_ =	strace $0x80000046;
	[dreg:$0x1] =	wrdreg $0xFFFFFFFF  }
0xa8: {  	s28 =	simm.s32 $_size_execute0_lowered;
	s4 =	sadd.s32 s4, s6;
	[dreg:$0x0] =	wrdreg $0x0  }
0xa9: {  	s6 =	sshll.u32 s28, $0x1;
	[dreg:$0x2] =	wrdreg s4  }
0xaa: {  	[dreg:$0x3] =	wrdreg s6  }
0xab: {  	[dreg:$0x4] =	wrdreg $0xC0  }
0xac: {  	_ =	task [dreg:s8], $0x5FFFF  }
0xad: {  	[dreg:$0x1] =	wrdreg $0xFFFFFFFF  }
0xae: {  	[dreg:$0x0] =	wrdreg $0x60  }
0xaf: {  	[dreg:$0x2] =	wrdreg s18  }
0xb0: {  	[dreg:$0x3] =	wrdreg s2  }
0xb1: {  	[dreg:$0x4] =	wrdreg s24  }
0xb2: {  	[dreg:$0x5] =	wrdreg $0x9  }
0xb3: {  	_ =	task.clear_ibuf [dreg:s8], $0x6FFFF;
	_ =	strace $0x90000046  }
0xb4: {  	s29 =	simm.s32 $0x9;
	_ =	strace $0x80000048  }
0xb5: {  	_ =	swait.ge [sflag:s29], $0x1  }
0xb6: {  	[sflag:s29] =	ssyncadd.s32 $0xFFFFFFFF  }
0xb7: {  	_ =	strace $0x90000048  }
0xb8: {  	_ =	sfence  }
0xb9: {  	s30 =	sld [smem:$0x0];
	_ =	sdelay $0x2  }
0xba: {  	s31 =	sshll.u32 s1, $0xD;
	s1 =	sshrl.u32 s1, $0x2  }
0xbb: {  	s3 =	sand.u32 $0x4000, s31;
	s1 =	sadd.s32 s1, s30  }
0xbc: {  	s0 =	sor.u32 s3, s0;
	s1 =	sshll.u32 s1, $0x11  }
0xbd: {  	s0 =	sor.u32 s1, s0  }
0xbe: {  	s0 =	sadd.s32 $0x8F2B, s0  }
0xbf: {  	[sflag:s0] =	ssyncadd.remote.s32 $0x1  }
0xc0: {  	_ =	sfence.sel $0xFFFF  }
0xc1: {  	[dreg:$0x0] =	wrdreg $0xFFFFFFFF;
	(pc) =	sbr.abs _section_cstart, $3  }
0xc2: {  	[dreg:$0x1] =	wrdreg $0xFFFFFFFF  }
0xc3: {  	_ =	task.clear_ibuf [dreg:s8], $0x2FFFF;
	_ =	strace $0x9FFFFFFF  }
0xc4: {  	(tm) =	ssettm $0x7FFFFFFF  }
0xc5: {  	_ =	shalt  }
tec
execute0_lowered:
.L_overlay_start_1:
0x0: {  	(tag) =	ssettag $0x1  }
0x1: {  	s0 =	srdreg.scid;
	s1 =	stileid.u32  }
0x2: {  	s0 =	sand.u32 $0x1, s0;
	s1 =	sshll.u32 s1, $0x1  }
0x3: {  	s20 =	sor.u32 s0, s1;
	s0 =	ssub.s32 $0x2, s0  }
0x4: {  	s7 =	smul.u32 $0x1A, s20;
	s2 =	sshrl.u32 s0, $0x1  }
0x5: {  	s6 =	rddreg [dreg:$0x1];
	s0 =	ssub.s32 s0, s2  }
0x6: {  	s17 =	sshrl.u32 s7, $0x1;
	s3 =	sshll.u32 s7, $0x4;
	s4 =	sadd.s32 $0x2, s7  }
0x7: {  	[smem:$0x7FD] =	sst s0;
	s8 =	sadd.s32 $0x3, s7;
	s12 =	sadd.s32 $0x4, s7  }
0x8: {  	s1 =	sand.u32 $0x70, s17;
	s3 =	sand.u32 $0x3000, s3;
	s18 =	sshll.u32 s4, $0x7  }
0x9: {  	s19 =	sshrl.u32 s4, $0x3;
	s21 =	sshrl.u32 s4, $0x1;
	s4 =	sshll.u32 s4, $0x4  }
0xa: {  	s24 =	sshrl.u32 s8, $0x3;
	s25 =	sshll.u32 s8, $0x7;
	s9 =	sshrl.u32 s8, $0x1  }
0xb: {  	s11 =	sshll.u32 s8, $0x4;
	s15 =	sshrl.u32 s12, $0x3;
	s17 =	sshll.u32 s12, $0x7  }
0xc: {  	s1 =	sadd.s32 s6, s1;
	s0 =	sand.u32 $0x300, s18;
	s5 =	smul.u32 $0xC3800, s19  }
0xd: {  	s4 =	sand.u32 $0x7000, s4;
	s2 =	sshll.u32 s19, $0xF;
	s26 =	smul.u32 $0xC3800, s24  }
0xe: {  	s31 =	sand.u32 $0x380, s25;
	s14 =	sshll.u32 s24, $0xF;
	s18 =	smul.u32 $0xC3800, s15  }
0xf: {  	s24 =	sadd.s32 $0x5, s7;
	s16 =	sadd.s32 s3, s1;
	s3 =	sand.u32 $0x70, s21  }
0x10: {  	s19 =	sshll.u32 s12, $0x4;
	s8 =	sshrl.u32 s24, $0x1;
	s3 =	sadd.s32 s6, s3  }
0x11: {  	s22 =	sor.u32 s0, s5;
	s0 =	sor.u32 s0, s2;
	s10 =	sor.u32 s31, s26  }
0x12: {  	s2 =	sand.u32 $0x70, s9;
	s5 =	sshrl.u32 s12, $0x1;
	[smem:$0x7C5] =	sst s22  }
0x13: {  	s26 =	sshll.u32 s24, $0x7;
	s23 =	sadd.s32 s4, s3;
	[smem:$0x7E6] =	sst s0  }
0x14: {  	[smem:$0x7C6] =	sst s10;
	s4 =	sand.u32 $0x7000, s11;
	s2 =	sadd.s32 s6, s2  }
0x15: {  	s0 =	sor.u32 s31, s14;
	s22 =	sand.u32 $0x7000, s19;
	s3 =	sshll.u32 s15, $0xF  }
0x16: {  	s31 =	sshrl.u32 s24, $0x3;
	s10 =	sadd.s32 $0x6, s7;
	[dreg:$0x4] =	wrdreg s23  }
0x17: {  	s13 =	sadd.s32 s4, s2;
	[smem:$0x7E9] =	sst s0;
	s0 =	sand.u32 $0x300, s17  }
0x18: {  	s23 =	sand.u32 $0x70, s5;
	s9 =	smul.u32 $0xC3800, s31;
	s5 =	sshll.u32 s24, $0x4  }
0x19: {  	s2 =	sshll.u32 s31, $0xF;
	s14 =	sshll.u32 s10, $0x7;
	[dreg:$0x5] =	wrdreg s13  }
0x1a: {  	s21 =	sor.u32 s0, s18;
	s4 =	sadd.s32 s6, s23;
	s0 =	sor.u32 s0, s3  }
0x1b: {  	s3 =	sand.u32 $0x70, s8;
	s5 =	sand.u32 $0x7000, s5;
	s13 =	sshrl.u32 s10, $0x3  }
0x1c: {  	s17 =	sand.u32 $0x300, s14;
	s18 =	sshrl.u32 s10, $0x1;
	[smem:$0x7C7] =	sst s21  }
0x1d: {  	s23 =	sadd.s32 $0x7, s7;
	s25 =	sadd.s32 s22, s4;
	[smem:$0x7EB] =	sst s0  }
0x1e: {  	s0 =	sand.u32 $0x380, s26;
	s3 =	sadd.s32 s6, s3;
	s15 =	smul.u32 $0xC3800, s13  }
0x1f: {  	s21 =	sshll.u32 s10, $0x4;
	s24 =	sshrl.u32 s23, $0x3;
	s31 =	sshrl.u32 s23, $0x1  }
0x20: {  	s26 =	sadd.s32 $0x8, s7;
	[dreg:$0x6] =	wrdreg s25;
	s11 =	sor.u32 s0, s9  }
0x21: {  	s12 =	sadd.s32 s5, s3;
	s0 =	sor.u32 s0, s2;
	s2 =	sand.u32 $0x70, s18  }
0x22: {  	s4 =	sand.u32 $0x7000, s21;
	s3 =	sshll.u32 s13, $0xF;
	s25 =	sshll.u32 s23, $0x7  }
0x23: {  	s1 =	smul.u32 $0xC3800, s24;
	s9 =	sshrl.u32 s26, $0x1;
	[smem:$0x7C8] =	sst s11  }
0x24: {  	s13 =	sadd.s32 $0x9, s7;
	s21 =	sadd.s32 $0xA, s7;
	[dreg:$0x7] =	wrdreg s12  }
0x25: {  	[smem:$0x7EC] =	sst s0;
	s19 =	sor.u32 s17, s15;
	s2 =	sadd.s32 s6, s2  }
0x26: {  	s0 =	sor.u32 s17, s3;
	s8 =	sand.u32 $0x380, s25;
	s3 =	sand.u32 $0x70, s9  }
0x27: {  	s11 =	sshll.u32 s26, $0x4;
	s14 =	sshrl.u32 s13, $0x3;
	s15 =	sshll.u32 s13, $0x7  }
0x28: {  	s17 =	sshrl.u32 s13, $0x1;
	s26 =	sshrl.u32 s26, $0x3;
	[smem:$0x7CA] =	sst s19  }
0x29: {  	s22 =	sadd.s32 s4, s2;
	[smem:$0x7EF] =	sst s0;
	s0 =	sshll.u32 s23, $0x4  }
0x2a: {  	s4 =	sand.u32 $0x70, s31;
	s10 =	sor.u32 s8, s1;
	s2 =	sshll.u32 s24, $0xF  }
0x2b: {  	s3 =	sadd.s32 s6, s3;
	s18 =	smul.u32 $0xC3800, s14;
	s23 =	sshrl.u32 s21, $0x1  }
0x2c: {  	s24 =	sshll.u32 s21, $0x7;
	[dreg:$0x8] =	wrdreg s22;
	s0 =	sand.u32 $0x7000, s0  }
0x2d: {  	s4 =	sadd.s32 s6, s4;
	[smem:$0x7CC] =	sst s10;
	s22 =	sshrl.u32 s21, $0x3  }
0x2e: {  	s5 =	sand.u32 $0x70, s23;
	s31 =	sand.u32 $0x300, s24;
	s0 =	sadd.s32 s0, s4  }
0x2f: {  	s4 =	sand.u32 $0x7000, s11;
	s5 =	sadd.s32 s6, s5;
	s9 =	smul.u32 $0xC3800, s22  }
0x30: {  	[dreg:$0x9] =	wrdreg s0;
	s0 =	sor.u32 s8, s2;
	s12 =	sadd.s32 s4, s3  }
0x31: {  	s4 =	sand.u32 $0x70, s17;
	s3 =	sand.u32 $0x380, s15;
	[smem:$0x7F1] =	sst s0  }
0x32: {  	s2 =	sshll.u32 s14, $0xF;
	s14 =	sadd.s32 $0xC, s7;
	[dreg:$0xa] =	wrdreg s12  }
0x33: {  	s0 =	sshll.u32 s13, $0x4;
	s4 =	sadd.s32 s6, s4;
	s19 =	sor.u32 s3, s18  }
0x34: {  	s25 =	sor.u32 s3, s2;
	s2 =	sor.u32 s31, s9;
	s3 =	sshll.u32 s22, $0xF  }
0x35: {  	s15 =	sshrl.u32 s14, $0x3;
	s17 =	sshll.u32 s14, $0x7;
	[smem:$0x7CF] =	sst s19  }
0x36: {  	s18 =	sshrl.u32 s14, $0x1;
	s22 =	sadd.s32 $0xD, s7;
	[smem:$0x7F4] =	sst s25  }
0x37: {  	s0 =	sand.u32 $0x7000, s0;
	[smem:$0x7D1] =	sst s2;
	s19 =	smul.u32 $0xC3800, s15  }
0x38: {  	s23 =	sshrl.u32 s22, $0x3;
	s24 =	sshrl.u32 s22, $0x1;
	s0 =	sadd.s32 s0, s4  }
0x39: {  	s25 =	sshll.u32 s22, $0x7;
	s4 =	sadd.s32 $0xB, s7;
	[dreg:$0xb] =	wrdreg s0  }
0x3a: {  	s0 =	sshll.u32 s21, $0x4;
	s8 =	sshrl.u32 s4, $0x1;
	s9 =	sshll.u32 s4, $0x7  }
0x3b: {  	s0 =	sand.u32 $0x7000, s0;
	s2 =	sand.u32 $0x70, s8;
	s12 =	sand.u32 $0x380, s9  }
0x3c: {  	s8 =	sand.u32 $0x380, s25;
	s9 =	sshll.u32 s23, $0xF;
	s0 =	sadd.s32 s0, s5  }
0x3d: {  	s5 =	sshrl.u32 s4, $0x3;
	s2 =	sadd.s32 s6, s2;
	[dreg:$0xc] =	wrdreg s0  }
0x3e: {  	s0 =	sor.u32 s31, s3;
	s3 =	sshll.u32 s4, $0x4;
	s10 =	smul.u32 $0xC3800, s5  }
0x3f: {  	s4 =	sand.u32 $0x70, s18;
	s31 =	smul.u32 $0xC3800, s23;
	s18 =	sadd.s32 $0xF, s7  }
0x40: {  	[smem:$0x7F6] =	sst s0;
	s3 =	sand.u32 $0x7000, s3;
	s0 =	sshll.u32 s5, $0xF  }
0x41: {  	s4 =	sadd.s32 s6, s4;
	s5 =	sand.u32 $0x70, s24;
	s23 =	sshll.u32 s18, $0x7  }
0x42: {  	s11 =	sadd.s32 s3, s2;
	s13 =	sor.u32 s12, s10;
	s0 =	sor.u32 s12, s0  }
0x43: {  	s3 =	sand.u32 $0x300, s17;
	s2 =	sshll.u32 s15, $0xF;
	[dreg:$0xd] =	wrdreg s11  }
0x44: {  	s5 =	sadd.s32 s6, s5;
	s30 =	sor.u32 s8, s31;
	[smem:$0x7D2] =	sst s13  }
0x45: {  	s10 =	sadd.s32 $0xE, s7;
	s31 =	sand.u32 $0x380, s23;
	[smem:$0x7F7] =	sst s0  }
0x46: {  	s0 =	sshll.u32 s14, $0x4;
	s21 =	sor.u32 s3, s19;
	s3 =	sor.u32 s3, s2  }
0x47: {  	s11 =	sshrl.u32 s10, $0x3;
	s12 =	sshrl.u32 s10, $0x1;
	s13 =	sshll.u32 s10, $0x7  }
0x48: {  	s19 =	sshrl.u32 s18, $0x3;
	s0 =	sand.u32 $0x7000, s0;
	[smem:$0x7D5] =	sst s21  }
0x49: {  	[smem:$0x7F8] =	sst s3;
	s3 =	sshll.u32 s10, $0x4;
	s2 =	sand.u32 $0x70, s12  }
0x4a: {  	s14 =	smul.u32 $0xC3800, s11;
	s17 =	sand.u32 $0x300, s13;
	s21 =	sshll.u32 s18, $0x4  }
0x4b: {  	s25 =	smul.u32 $0xC3800, s19;
	s12 =	sadd.s32 $0x10, s7;
	s0 =	sadd.s32 s0, s4  }
0x4c: {  	s3 =	sand.u32 $0x7000, s3;
	s2 =	sadd.s32 s6, s2;
	s1 =	sshll.u32 s12, $0x4  }
0x4d: {  	[dreg:$0xe] =	wrdreg s0;
	s0 =	sshll.u32 s22, $0x4;
	s15 =	sadd.s32 s3, s2  }
0x4e: {  	s28 =	sor.u32 s17, s14;
	s22 =	sshrl.u32 s18, $0x1;
	s3 =	sand.u32 $0x7000, s21  }
0x4f: {  	s2 =	sshll.u32 s19, $0xF;
	s0 =	sand.u32 $0x7000, s0;
	[dreg:$0x10] =	wrdreg s15  }
0x50: {  	s24 =	sand.u32 $0x70, s22;
	s22 =	sor.u32 s31, s25;
	s15 =	sadd.s32 $0x12, s7  }
0x51: {  	s0 =	sadd.s32 s0, s5;
	s4 =	sadd.s32 s6, s24;
	s5 =	sand.u32 $0x7000, s1  }
0x52: {  	s18 =	sshrl.u32 s15, $0x1;
	s19 =	sshll.u32 s15, $0x7;
	[dreg:$0xf] =	wrdreg s0  }
0x53: {  	s0 =	sor.u32 s8, s9;
	s8 =	sadd.s32 $0x11, s7;
	s25 =	sand.u32 $0x300, s19  }
0x54: {  	[smem:$0x7F9] =	sst s0;
	s0 =	sshll.u32 s11, $0xF;
	s9 =	sshrl.u32 s8, $0x3  }
0x55: {  	s10 =	sshll.u32 s8, $0x7;
	s11 =	sshrl.u32 s8, $0x1;
	s0 =	sor.u32 s17, s0  }
0x56: {  	s13 =	smul.u32 $0xC3800, s9;
	s17 =	sshrl.u32 s15, $0x3;
	[smem:$0x7FA] =	sst s0  }
0x57: {  	s0 =	sadd.s32 s3, s4;
	s3 =	sor.u32 s31, s2;
	s2 =	sshll.u32 s8, $0x4  }
0x58: {  	s8 =	sand.u32 $0x70, s18;
	s31 =	sshll.u32 s17, $0xF;
	[dreg:$0x11] =	wrdreg s0  }
0x59: {  	s0 =	sshrl.u32 s12, $0x1;
	[smem:$0x7FB] =	sst s3;
	s2 =	sand.u32 $0x7000, s2  }
0x5a: {  	s3 =	sshll.u32 s9, $0xF;
	s8 =	sadd.s32 s6, s8;
	s31 =	sor.u32 s25, s31  }
0x5b: {  	s12 =	sshrl.u32 s12, $0x3;
	s4 =	sand.u32 $0x70, s0;
	s0 =	sadd.s32 $0x13, s7  }
0x5c: {  	s4 =	sadd.s32 s6, s4;
	s1 =	sshrl.u32 s0, $0x3;
	s9 =	sshll.u32 s0, $0x7  }
0x5d: {  	s5 =	sadd.s32 s5, s4;
	s4 =	sand.u32 $0x380, s10;
	s10 =	smul.u32 $0xC3800, s17  }
0x5e: {  	[dreg:$0x12] =	wrdreg s5;
	s5 =	sand.u32 $0x70, s11;
	s21 =	sor.u32 s4, s13  }
0x5f: {  	s23 =	sor.u32 s4, s3;
	s4 =	sshll.u32 s0, $0x4;
	s13 =	sand.u32 $0x380, s9  }
0x60: {  	s5 =	sadd.s32 s6, s5;
	[smem:$0x7FC] =	sst s23;
	s19 =	sor.u32 s25, s10  }
0x61: {  	s10 =	smul.u32 $0xC3800, s1;
	s14 =	sadd.s32 s2, s5;
	s2 =	sshll.u32 s15, $0x4  }
0x62: {  	s4 =	sand.u32 $0x7000, s4;
	[dreg:$0x13] =	wrdreg s14;
	s2 =	sand.u32 $0x7000, s2  }
0x63: {  	s18 =	sor.u32 s13, s10;
	s14 =	sadd.s32 $0x14, s7;
	s24 =	sadd.s32 s2, s8  }
0x64: {  	s8 =	sshrl.u32 s0, $0x1;
	s2 =	sshll.u32 s1, $0xF;
	s15 =	sshrl.u32 s14, $0x3  }
0x65: {  	s17 =	sshll.u32 s14, $0x7;
	s23 =	sshrl.u32 s14, $0x1;
	s0 =	sadd.s32 $0x15, s7  }
0x66: {  	[dreg:$0x14] =	wrdreg s24;
	s3 =	sand.u32 $0x70, s8;
	s29 =	sor.u32 s13, s2  }
0x67: {  	s2 =	sshll.u32 s14, $0x4;
	s5 =	sand.u32 $0x70, s23;
	s24 =	smul.u32 $0xC3800, s15  }
0x68: {  	s1 =	sshrl.u32 s0, $0x3;
	s9 =	sshrl.u32 s0, $0x1;
	s14 =	sshll.u32 s0, $0x7  }
0x69: {  	s3 =	sadd.s32 s6, s3;
	s2 =	sand.u32 $0x7000, s2;
	s5 =	sadd.s32 s6, s5  }
0x6a: {  	s8 =	sand.u32 $0x70, s9;
	s13 =	sshll.u32 s1, $0xF;
	s11 =	sadd.s32 s4, s3  }
0x6b: {  	s4 =	sand.u32 $0x300, s17;
	s25 =	sadd.s32 s2, s5;
	s3 =	sshll.u32 s15, $0xF  }
0x6c: {  	s2 =	sshll.u32 s0, $0x4;
	s8 =	sadd.s32 s6, s8;
	[dreg:$0x15] =	wrdreg s11  }
0x6d: {  	s15 =	smul.u32 $0xC3800, s1;
	[dreg:$0x16] =	wrdreg s25;
	s17 =	sor.u32 s4, s24  }
0x6e: {  	s2 =	sand.u32 $0x7000, s2;
	s25 =	sor.u32 s4, s3;
	s11 =	sand.u32 $0x380, s14  }
0x6f: {  	s10 =	sadd.s32 s2, s8;
	s14 =	sor.u32 s11, s15;
	s15 =	sadd.s32 $0x16, s7  }
0x70: {  	s24 =	sor.u32 s11, s13;
	s11 =	sadd.s32 $0x17, s7;
	[dreg:$0x17] =	wrdreg s10  }
0x71: {  	s23 =	sshrl.u32 s15, $0x3;
	s0 =	sshrl.u32 s15, $0x1;
	s1 =	sshll.u32 s15, $0x7  }
0x72: {  	s4 =	sshll.u32 s15, $0x4;
	s13 =	sshrl.u32 s11, $0x1;
	s3 =	sand.u32 $0x70, s0  }
0x73: {  	s4 =	sand.u32 $0x7000, s4;
	s8 =	smul.u32 $0xC3800, s23;
	s10 =	sand.u32 $0x300, s1  }
0x74: {  	s2 =	sshll.u32 s23, $0xF;
	s15 =	sand.u32 $0x70, s13;
	s0 =	sshll.u32 s11, $0x4  }
0x75: {  	s1 =	sshrl.u32 s11, $0x3;
	s13 =	sshrl.u32 s7, $0x3;
	s3 =	sadd.s32 s6, s3  }
0x76: {  	s23 =	sor.u32 s10, s2;
	s2 =	sadd.s32 s6, s15;
	s5 =	smul.u32 $0xC3800, s1  }
0x77: {  	s15 =	sshll.u32 s1, $0xF;
	s1 =	sshll.u32 s13, $0xF;
	s9 =	sadd.s32 s4, s3  }
0x78: {  	s3 =	sand.u32 $0x7000, s0;
	s4 =	sshll.u32 s11, $0x7;
	s0 =	sadd.s32 $0x18, s7  }
0x79: {  	s7 =	sadd.s32 $0x19, s7;
	[dreg:$0x18] =	wrdreg s9;
	s9 =	sor.u32 s10, s8  }
0x7a: {  	s3 =	sadd.s32 s3, s2;
	s4 =	sand.u32 $0x380, s4;
	s8 =	sshrl.u32 s0, $0x1  }
0x7b: {  	s10 =	sshll.u32 s20, $0x8;
	s11 =	sshll.u32 s0, $0x4;
	[dreg:$0x19] =	wrdreg s3  }
0x7c: {  	s5 =	sor.u32 s4, s5;
	s15 =	sor.u32 s4, s15;
	s3 =	sand.u32 $0x70, s8  }
0x7d: {  	s20 =	sand.u32 $0x7000, s11;
	s4 =	sand.u32 $0x300, s10;
	s10 =	smul.u32 $0xC3800, s13  }
0x7e: {  	s11 =	smul.u32 $0xC3800, s26;
	s26 =	sshll.u32 s26, $0xF;
	s3 =	sadd.s32 s6, s3  }
0x7f: {  	s13 =	sor.u32 $0x80, s4;
	s8 =	sadd.s32 s20, s3;
	s2 =	sor.u32 s4, s10  }
0x80: {  	s3 =	sor.u32 s13, s10;
	s20 =	sor.u32 s4, s1;
	s11 =	sor.u32 s4, s11  }
0x81: {  	s10 =	sshll.u32 s12, $0xF;
	[dreg:$0x1a] =	wrdreg s8;
	s8 =	sor.u32 s13, s1  }
0x82: {  	s13 =	smul.u32 $0xC3800, s12;
	s1 =	sor.u32 s4, s26;
	s26 =	sshrl.u32 s0, $0x3  }
0x83: {  	s10 =	sor.u32 s4, s10;
	s0 =	sshrl.u32 s7, $0x1;
	s2 =	sshrl.u32 s2, $0x3  }
0x84: {  	s12 =	smul.u32 $0xC3800, s26;
	s26 =	sshll.u32 s26, $0xF;
	s0 =	sand.u32 $0x70, s0  }
0x85: {  	s13 =	sor.u32 s4, s13;
	s0 =	sadd.s32 s6, s0;
	s6 =	sld [smem:$0x7C5]  }
0x86: {  	s26 =	sor.u32 s4, s26;
	s12 =	sor.u32 s4, s12;
	s4 =	rddreg [dreg:$0x0]  }
0x87: {  	s2 =	sadd.s32 s4, s2  }
0x88: {  	[dreg:$0x1b] =	wrdreg s2;
	s2 =	sshrl.u32 s3, $0x3  }
0x89: {  	s3 =	sshrl.u32 s6, $0x3;
	s6 =	sld [smem:$0x7C6];
	s2 =	sadd.s32 s4, s2  }
0x8a: {  	s3 =	sadd.s32 s4, s3;
	[dreg:$0x1c] =	wrdreg s2  }
0x8b: {  	[dreg:$0x1d] =	wrdreg s3  }
0x8c: {  	s3 =	sld [smem:$0x7C7]  }
0x8d: {  	s2 =	sshrl.u32 s6, $0x3;
	s6 =	sld [smem:$0x7C8]  }
0x8e: {  	s2 =	sadd.s32 s4, s2  }
0x8f: {  	[dreg:$0x1e] =	wrdreg s2  }
0x90: {  	s2 =	sshrl.u32 s3, $0x3;
	s3 =	sshrl.u32 s6, $0x3;
	s6 =	sld [smem:$0x7CA]  }
0x91: {  	s2 =	sadd.s32 s4, s2  }
0x92: {  	[dreg:$0x1f] =	wrdreg s2;
	s3 =	sadd.s32 s4, s3  }
0x93: {  	[smem:$0x7C9] =	sst s3;
	s2 =	sshrl.u32 s6, $0x3  }
0x94: {  	s3 =	sld [smem:$0x7CC];
	s6 =	sshrl.u32 s11, $0x3;
	s2 =	sadd.s32 s4, s2  }
0x95: {  	s11 =	sadd.s32 s4, s6;
	[smem:$0x7CB] =	sst s2  }
0x96: {  	[smem:$0x7CE] =	sst s11  }
0x97: {  	s2 =	sshrl.u32 s3, $0x3;
	s3 =	sld [smem:$0x7CF]  }
0x98: {  	s11 =	sld [smem:$0x7D2]  }
0x99: {  	s6 =	sld [smem:$0x7D1];
	s2 =	sadd.s32 s4, s2  }
0x9a: {  	[smem:$0x7CD] =	sst s2;
	s2 =	sshrl.u32 s3, $0x3  }
0x9b: {  	s3 =	sshrl.u32 s11, $0x3;
	s11 =	sld [smem:$0x7D5];
	s2 =	sadd.s32 s4, s2  }
0x9c: {  	s5 =	sshrl.u32 s5, $0x3;
	[smem:$0x7D0] =	sst s2  }
0x9d: {  	s2 =	sshrl.u32 s6, $0x3;
	s6 =	sadd.s32 s4, s3;
	s3 =	sshrl.u32 s30, $0x3  }
0x9e: {  	s2 =	sadd.s32 s4, s2;
	[smem:$0x7D4] =	sst s6;
	s6 =	sshrl.u32 s28, $0x3  }
0x9f: {  	[smem:$0x7D3] =	sst s2;
	s2 =	sshrl.u32 s11, $0x3;
	s11 =	sadd.s32 s4, s6  }
0xa0: {  	s6 =	sshrl.u32 s13, $0x3;
	s2 =	sadd.s32 s4, s2;
	[smem:$0x7D8] =	sst s11  }
0xa1: {  	s11 =	sshrl.u32 s21, $0x3;
	[smem:$0x7D6] =	sst s2;
	s2 =	sadd.s32 s4, s3  }
0xa2: {  	s3 =	sshrl.u32 s22, $0x3;
	s13 =	sadd.s32 s4, s11;
	[smem:$0x7D7] =	sst s2  }
0xa3: {  	s22 =	sshrl.u32 s17, $0x3;
	s17 =	sadd.s32 s4, s5;
	[smem:$0x7DB] =	sst s13  }
0xa4: {  	[smem:$0x7E1] =	sst s17  }
0xa5: {  	s2 =	sadd.s32 s4, s3;
	s17 =	sld [smem:$0x7EB]  }
0xa6: {  	s11 =	sshrl.u32 s7, $0x3;
	s3 =	sadd.s32 s4, s22;
	[smem:$0x7D9] =	sst s2  }
0xa7: {  	s13 =	sshll.u32 s7, $0x7;
	s7 =	sshll.u32 s7, $0x4;
	[smem:$0x7DE] =	sst s3  }
0xa8: {  	s2 =	sadd.s32 s4, s6;
	s22 =	sand.u32 $0x7000, s7;
	s7 =	rddreg [dreg:$0x2]  }
0xa9: {  	s19 =	sshrl.u32 s19, $0x3;
	[smem:$0x7DA] =	sst s2  }
0xaa: {  	s2 =	sadd.s32 s4, s19;
	s19 =	sshrl.u32 s12, $0x3;
	s12 =	sld [smem:$0x7E6]  }
0xab: {  	s0 =	sadd.s32 s22, s0;
	[smem:$0x7DC] =	sst s2  }
0xac: {  	s21 =	sshrl.u32 s18, $0x3;
	s22 =	simm.s32 $0x0;
	[smem:$0x7E4] =	sst s0  }
0xad: {  	s6 =	sshrl.u32 s14, $0x3;
	s2 =	sadd.s32 s4, s21;
	[smem:$0x7FF] =	sst s22  }
0xae: {  	s14 =	smul.u32 $0xC3800, s11;
	s5 =	sadd.s32 s4, s19;
	[smem:$0x7DD] =	sst s2  }
0xaf: {  	s18 =	sand.u32 $0x380, s13;
	[smem:$0x7E2] =	sst s5  }
0xb0: {  	s2 =	sadd.s32 s4, s6;
	s6 =	sor.u32 s18, s14;
	s14 =	sld [smem:$0x7E9]  }
0xb1: {  	s9 =	sshrl.u32 s9, $0x3;
	s5 =	sld [smem:$0x7F7]  }
0xb2: {  	[smem:$0x7DF] =	sst s2;
	s2 =	sadd.s32 s4, s9  }
0xb3: {  	s21 =	sshrl.u32 s6, $0x3;
	s9 =	sshrl.u32 s20, $0x3;
	s20 =	sld [smem:$0x7EF]  }
0xb4: {  	s6 =	sshll.u32 s11, $0xF;
	s11 =	sshrl.u32 s8, $0x3;
	s8 =	sld [smem:$0x7F9]  }
0xb5: {  	[smem:$0x7E0] =	sst s2  }
0xb6: {  	s0 =	sor.u32 s18, s6;
	s18 =	sld [smem:$0x7EC]  }
0xb7: {  	s4 =	sadd.s32 s4, s21;
	s21 =	sld [smem:$0x7F1]  }
0xb8: {  	s2 =	sadd.s32 $0x2000, s7;
	s7 =	sld [smem:$0x7F8]  }
0xb9: {  	s1 =	sshrl.u32 s1, $0x3;
	s26 =	sshrl.u32 s26, $0x3;
	[smem:$0x7E3] =	sst s4  }
0xba: {  	s30 =	simm.s32 $0x0;
	s3 =	sadd.s32 s2, s9;
	s9 =	sld [smem:$0x7FA]  }
0xbb: {  	s28 =	simm.s32 $0x1A700;
	s4 =	sshrl.u32 s12, $0x3;
	s12 =	sld [smem:$0x7FB]  }
0xbc: {  	s1 =	sadd.s32 s2, s1;
	s6 =	sshrl.u32 s5, $0x3;
	[smem:$0x7E5] =	sst s3  }
0xbd: {  	s0 =	sshrl.u32 s0, $0x3;
	s3 =	sadd.s32 s2, s11;
	[smem:$0x7F3] =	sst s1  }
0xbe: {  	s13 =	sadd.s32 s2, s4;
	[smem:$0x7E7] =	sst s3;
	s3 =	sshrl.u32 s14, $0x3  }
0xbf: {  	[smem:$0x7E8] =	sst s13;
	s4 =	sshrl.u32 s18, $0x3;
	s3 =	sadd.s32 s2, s3  }
0xc0: {  	s13 =	sshrl.u32 s10, $0x3;
	[smem:$0x7EA] =	sst s3;
	s3 =	sshrl.u32 s17, $0x3  }
0xc1: {  	s14 =	sld [smem:$0x7FC];
	s18 =	sshrl.u32 s31, $0x3;
	s3 =	sadd.s32 s2, s3  }
0xc2: {  	s19 =	sadd.s32 s2, s4;
	[smem:$0x7ED] =	sst s3;
	s3 =	sshrl.u32 s20, $0x3  }
0xc3: {  	s4 =	sld [smem:$0x7F6];
	s11 =	sshrl.u32 s9, $0x3;
	s3 =	sadd.s32 s2, s3  }
0xc4: {  	s9 =	sadd.s32 s2, s13;
	[smem:$0x7F0] =	sst s3;
	s3 =	sshrl.u32 s21, $0x3  }
0xc5: {  	[smem:$0x7EE] =	sst s19;
	s19 =	sshrl.u32 s29, $0x3;
	s3 =	sadd.s32 s2, s3  }
0xc6: {  	s29 =	simm.s32 $0x2;
	s17 =	sshrl.u32 s14, $0x3;
	[smem:$0x7F2] =	sst s3  }
0xc7: {  	s10 =	sadd.s32 s2, s17;
	s20 =	sshrl.u32 s25, $0x3;
	s3 =	sld [smem:$0x7F4]  }
0xc8: {  	s25 =	sshrl.u32 s15, $0x3;
	s17 =	sadd.s32 s2, s26;
	s26 =	simm.s32 $0x19700  }
0xc9: {  	s13 =	sadd.s32 s2, s25;
	s25 =	simm.s32 $0x1;
	s21 =	sshrl.u32 s24, $0x3  }
0xca: {  	s24 =	sshrl.u32 s23, $0x3;
	s23 =	simm.s32 $0x18700;
	s1 =	sshrl.u32 s3, $0x3  }
0xcb: {  	s14 =	sadd.s32 s2, s21;
	s15 =	sadd.s32 s2, s24;
	s1 =	sadd.s32 s2, s1  }
0xcc: {  	s21 =	simm.s32 $0x400;
	[smem:$0x7F5] =	sst s1;
	s1 =	sshrl.u32 s4, $0x3  }
0xcd: {  	s24 =	simm.s32 $0x3;
	s4 =	sadd.s32 s2, s6;
	s3 =	sadd.s32 s2, s1  }
0xce: {  	s1 =	sshrl.u32 s7, $0x3;
	s7 =	sadd.s32 s2, s11;
	_ =	strace $0x80000047  }
0xcf: {  	s5 =	sadd.s32 s2, s1;
	s1 =	sshrl.u32 s8, $0x3;
	s31 =	sld [smem:$0x7FD]  }
0xd0: {  	s11 =	sadd.s32 s2, s20;
	s6 =	sadd.s32 s2, s1;
	s1 =	sshrl.u32 s12, $0x3  }
0xd1: {  	s20 =	simm.s32 $0x80;
	s12 =	sadd.s32 s2, s19;
	s8 =	sadd.s32 s2, s1  }
0xd2: {  	s1 =	sadd.s32 s2, s18;
	s18 =	sadd.s32 s2, s0;
	s19 =	smax.u32 s31, $0x1  }
.LBB2_1:
0xd3: {  	s0 =	rddreg [dreg:$0x1b]  }
0xd4: {  	[tilespmem:s22], [sflag:$0x1] =	stream.strided.gather [hbm4b:s0+s20], $0x18700, s21, s20, $0x38;
	[tilespmem:$0x1B700] =	vst v63  }
0xd5: {  	_ = 	snop  }
0xd6: {  	[tilespmem:s23], [sflag:$0x3] =	stream.strided.gather [hbm4b:s16+s20], $0x1000, s21, s20, $0x38;
	[tilespmem:$0x1B700] =	vst v63  }
0xd7: {  	_ =	swait.ge [sflag:s24], $0x1000  }
0xd8: {  	[sflag:s24] =	ssyncset.done $0x0  }
0xd9: {  	[sflag:s24] =	ssyncadd.s32 $0xFFFFF000  }
0xda: {  	_ =	swait.ge [sflag:s25], $0x18700  }
0xdb: {  	[sflag:s25] =	ssyncset.done $0x0  }
0xdc: {  	s31 =	simm.s32 $0x0;
	[sflag:s25] =	ssyncadd.s32 $0xFFFE7900  }
0xdd: {  	v0 =	vld [tilespmem:s31+$0x18700];
	_ =	sdelay $0x7  }
0xde: {  	s2 =	simm.s32 $0x80;
	s0 =	simm.s32 $0x10;
	v0 =	vld.idx.msk [tilespmem:v0+s22+$0x0], $0xffff  }
.LBB2_2:
0xdf: {  	p0 =	sne.s32 s2, $0x3FC0;
	v1 =	vld [tilespmem:s0+$0x18700];
	_ =	sdelay $0x3  }
.Ltmp0:
0xe0: {  	(pc) =	sbr.rel @p0 .LBB2_2-.Ltmp0, $2  }
0xe1: {  	[tilespmem:s31+$0x19700] =	vst v0;
	s31 =	smov.u32 s0;
	_ =	sdelay $0x2  }
0xe2: {  	s0 =	sshra.s32 s2, $0x2;
	s2 =	sadd.s32 $0x40, s2;
	v0 =	vld.idx.msk [tilespmem:v1+s22+$0x0], $0xffff  }
0xe3: {  	v1 =	vld [tilespmem:s0+$0x18700];
	_ =	sdelay $0x6  }
0xe4: {  	[tilespmem:s31+$0x19700] =	vst v0  }
0xe5: {  	v0 =	vld.idx.msk [tilespmem:v1+s22+$0x0], $0xffff;
	_ =	sdelay $0x2  }
0xe6: {  	s2 =	sld [smem:$0x7E5];
	_ =	sdelay $0x1  }
0xe7: {  	[tilespmem:s0+$0x19700] =	vst v0  }
0xe8: {  	[hbm4b:s2+s20] =	stream.strided.scatter [tilespmem:s26], [sflag:$0x2], $0x1000, s21, s20, $0x38;
	[tilespmem:$0x1B700] =	vst v63  }
0xe9: {  	s0 =	simm.s32 $0x0;
	s2 =	rddreg [dreg:$0x1c]  }
0xea: {  	[tilespmem:s0], [sflag:$0x1] =	stream.strided.gather [hbm4b:s2+s20], $0x18700, s21, s20, $0x38;
	[tilespmem:$0x1B700] =	vst v63  }
0xeb: {  	_ = 	snop  }
0xec: {  	[tilespmem:s23], [sflag:$0x3] =	stream.strided.gather [hbm4b:s16+s20], $0x1000, s21, s20, $0x38;
	[tilespmem:$0x1B700] =	vst v63  }
0xed: {  	_ =	swait.ge [sflag:s24], $0x1000  }
0xee: {  	[sflag:s24] =	ssyncset.done $0x0  }
0xef: {  	[sflag:s24] =	ssyncadd.s32 $0xFFFFF000  }
0xf0: {  	_ =	swait.ge [sflag:s25], $0x18700  }
0xf1: {  	[sflag:s25] =	ssyncset.done $0x0  }
0xf2: {  	s31 =	simm.s32 $0x0;
	[sflag:s25] =	ssyncadd.s32 $0xFFFE7900  }
0xf3: {  	v0 =	vld [tilespmem:s31+$0x18700];
	_ =	sdelay $0x7  }
0xf4: {  	s0 =	simm.s32 $0x10;
	s2 =	simm.s32 $0x80;
	v0 =	vld.idx.msk [tilespmem:v0+s22+$0x0], $0xffff  }
.LBB2_4:
0xf5: {  	p0 =	sne.s32 s2, $0x3FC0;
	v1 =	vld [tilespmem:s0+$0x18700];
	_ =	sdelay $0x3  }
.Ltmp1:
0xf6: {  	(pc) =	sbr.rel @p0 .LBB2_4-.Ltmp1, $2  }
0xf7: {  	[tilespmem:s31+$0x1A700] =	vst v0;
	s31 =	smov.u32 s0;
	_ =	sdelay $0x2  }
0xf8: {  	s0 =	sshra.s32 s2, $0x2;
	s2 =	sadd.s32 $0x40, s2;
	v0 =	vld.idx.msk [tilespmem:v1+s22+$0x0], $0xffff  }
0xf9: {  	v1 =	vld [tilespmem:s0+$0x18700];
	_ =	sdelay $0x6  }
0xfa: {  	[tilespmem:s31+$0x1A700] =	vst v0  }
0xfb: {  	v0 =	vld.idx.msk [tilespmem:v1+s22+$0x0], $0xffff;
	_ =	sdelay $0x2  }
0xfc: {  	s2 =	sld [smem:$0x7E7];
	_ =	sdelay $0x1  }
0xfd: {  	[tilespmem:s0+$0x1A700] =	vst v0  }
0xfe: {  	[hbm4b:s2+s20] =	stream.strided.scatter [tilespmem:s28], [sflag:$0x2], $0x1000, s21, s20, $0x38;
	[tilespmem:$0x1B700] =	vst v63  }
0xff: {  	s0 =	simm.s32 $0x0;
	s2 =	rddreg [dreg:$0x1d]  }
0x100: {  	[tilespmem:s0], [sflag:$0x1] =	stream.strided.gather [hbm4b:s2+s20], $0x18700, s21, s20, $0x38;
	[tilespmem:$0x1B700] =	vst v63  }
0x101: {  	s2 =	rddreg [dreg:$0x4]  }
0x102: {  	[tilespmem:s23], [sflag:$0x3] =	stream.strided.gather [hbm4b:s2+s20], $0x1000, s21, s20, $0x38;
	[tilespmem:$0x1B700] =	vst v63  }
0x103: {  	_ =	swait.ge [sflag:s24], $0x1000  }
0x104: {  	[sflag:s24] =	ssyncset.done $0x0  }
0x105: {  	[sflag:s24] =	ssyncadd.s32 $0xFFFFF000  }
0x106: {  	_ =	swait.ge [sflag:s25], $0x18700  }
0x107: {  	[sflag:s25] =	ssyncset.done $0x0  }
0x108: {  	s31 =	simm.s32 $0x0;
	[sflag:s25] =	ssyncadd.s32 $0xFFFE7900  }
0x109: {  	v0 =	vld [tilespmem:s31+$0x18700];
	_ =	sdelay $0x7  }
0x10a: {  	s0 =	simm.s32 $0x10;
	s2 =	simm.s32 $0x80;
	v0 =	vld.idx.msk [tilespmem:v0+s22+$0x0], $0xffff  }
.LBB2_6:
0x10b: {  	p0 =	sne.s32 s2, $0x3FC0;
	v1 =	vld [tilespmem:s0+$0x18700];
	_ =	sdelay $0x3  }
.Ltmp2:
0x10c: {  	(pc) =	sbr.rel @p0 .LBB2_6-.Ltmp2, $2  }
0x10d: {  	[tilespmem:s31+$0x19700] =	vst v0;
	s31 =	smov.u32 s0;
	_ =	sdelay $0x2  }
0x10e: {  	s0 =	sshra.s32 s2, $0x2;
	s2 =	sadd.s32 $0x40, s2;
	v0 =	vld.idx.msk [tilespmem:v1+s22+$0x0], $0xffff  }
0x10f: {  	v1 =	vld [tilespmem:s0+$0x18700];
	_ =	sdelay $0x6  }
0x110: {  	[tilespmem:s31+$0x19700] =	vst v0  }
0x111: {  	v0 =	vld.idx.msk [tilespmem:v1+s22+$0x0], $0xffff;
	_ =	sdelay $0x4  }
0x112: {  	[tilespmem:s0+$0x19700] =	vst v0  }
0x113: {  	_ =	swait.ge [sflag:s29], $0x1000  }
0x114: {  	s2 =	sld [smem:$0x7E8]  }
0x115: {  	[sflag:s29] =	ssyncset.done $0x0  }
0x116: {  	[sflag:s29] =	ssyncadd.s32 $0xFFFFF000  }
0x117: {  	[hbm4b:s2+s20] =	stream.strided.scatter [tilespmem:s26], [sflag:$0x2], $0x1000, s21, s20, $0x38;
	[tilespmem:$0x1B700] =	vst v63  }
0x118: {  	s0 =	simm.s32 $0x0;
	s2 =	rddreg [dreg:$0x1e]  }
0x119: {  	[tilespmem:s0], [sflag:$0x1] =	stream.strided.gather [hbm4b:s2+s20], $0x18700, s21, s20, $0x38;
	[tilespmem:$0x1B700] =	vst v63  }
0x11a: {  	s2 =	rddreg [dreg:$0x5]  }
0x11b: {  	[tilespmem:s23], [sflag:$0x3] =	stream.strided.gather [hbm4b:s2+s20], $0x1000, s21, s20, $0x38;
	[tilespmem:$0x1B700] =	vst v63  }
0x11c: {  	_ =	swait.ge [sflag:s24], $0x1000  }
0x11d: {  	[sflag:s24] =	ssyncset.done $0x0  }
0x11e: {  	[sflag:s24] =	ssyncadd.s32 $0xFFFFF000  }
0x11f: {  	_ =	swait.ge [sflag:s25], $0x18700  }
0x120: {  	[sflag:s25] =	ssyncset.done $0x0  }
0x121: {  	s31 =	simm.s32 $0x0;
	[sflag:s25] =	ssyncadd.s32 $0xFFFE7900  }
0x122: {  	v0 =	vld [tilespmem:s31+$0x18700];
	_ =	sdelay $0x7  }
0x123: {  	s0 =	simm.s32 $0x10;
	s2 =	simm.s32 $0x80;
	v0 =	vld.idx.msk [tilespmem:v0+s22+$0x0], $0xffff  }
.LBB2_8:
0x124: {  	p0 =	sne.s32 s2, $0x3FC0;
	v1 =	vld [tilespmem:s0+$0x18700];
	_ =	sdelay $0x3  }
.Ltmp3:
0x125: {  	(pc) =	sbr.rel @p0 .LBB2_8-.Ltmp3, $2  }
0x126: {  	[tilespmem:s31+$0x1A700] =	vst v0;
	s31 =	smov.u32 s0;
	_ =	sdelay $0x2  }
0x127: {  	s0 =	sshra.s32 s2, $0x2;
	s2 =	sadd.s32 $0x40, s2;
	v0 =	vld.idx.msk [tilespmem:v1+s22+$0x0], $0xffff  }
0x128: {  	v1 =	vld [tilespmem:s0+$0x18700];
	_ =	sdelay $0x6  }
0x129: {  	[tilespmem:s31+$0x1A700] =	vst v0  }
0x12a: {  	v0 =	vld.idx.msk [tilespmem:v1+s22+$0x0], $0xffff;
	_ =	sdelay $0x4  }
0x12b: {  	[tilespmem:s0+$0x1A700] =	vst v0  }
0x12c: {  	_ =	swait.ge [sflag:s29], $0x1000  }
0x12d: {  	s2 =	sld [smem:$0x7EA]  }
0x12e: {  	[sflag:s29] =	ssyncset.done $0x0  }
0x12f: {  	[sflag:s29] =	ssyncadd.s32 $0xFFFFF000  }
0x130: {  	[hbm4b:s2+s20] =	stream.strided.scatter [tilespmem:s28], [sflag:$0x2], $0x1000, s21, s20, $0x38;
	[tilespmem:$0x1B700] =	vst v63  }
0x131: {  	s0 =	simm.s32 $0x0;
	s2 =	rddreg [dreg:$0x1f]  }
0x132: {  	[tilespmem:s0], [sflag:$0x1] =	stream.strided.gather [hbm4b:s2+s20], $0x18700, s21, s20, $0x38;
	[tilespmem:$0x1B700] =	vst v63  }
0x133: {  	s2 =	rddreg [dreg:$0x6]  }
0x134: {  	[tilespmem:s23], [sflag:$0x3] =	stream.strided.gather [hbm4b:s2+s20], $0x1000, s21, s20, $0x38;
	[tilespmem:$0x1B700] =	vst v63  }
0x135: {  	_ =	swait.ge [sflag:s24], $0x1000  }
0x136: {  	[sflag:s24] =	ssyncset.done $0x0  }
0x137: {  	[sflag:s24] =	ssyncadd.s32 $0xFFFFF000  }
0x138: {  	_ =	swait.ge [sflag:s25], $0x18700  }
0x139: {  	[sflag:s25] =	ssyncset.done $0x0  }
0x13a: {  	s31 =	simm.s32 $0x0;
	[sflag:s25] =	ssyncadd.s32 $0xFFFE7900  }
0x13b: {  	v0 =	vld [tilespmem:s31+$0x18700];
	_ =	sdelay $0x7  }
0x13c: {  	s0 =	simm.s32 $0x10;
	s2 =	simm.s32 $0x80;
	v0 =	vld.idx.msk [tilespmem:v0+s22+$0x0], $0xffff  }
.LBB2_10:
0x13d: {  	p0 =	sne.s32 s2, $0x3FC0;
	v1 =	vld [tilespmem:s0+$0x18700];
	_ =	sdelay $0x3  }
.Ltmp4:
0x13e: {  	(pc) =	sbr.rel @p0 .LBB2_10-.Ltmp4, $2  }
0x13f: {  	[tilespmem:s31+$0x19700] =	vst v0;
	s31 =	smov.u32 s0;
	_ =	sdelay $0x2  }
0x140: {  	s0 =	sshra.s32 s2, $0x2;
	s2 =	sadd.s32 $0x40, s2;
	v0 =	vld.idx.msk [tilespmem:v1+s22+$0x0], $0xffff  }
0x141: {  	v1 =	vld [tilespmem:s0+$0x18700];
	_ =	sdelay $0x6  }
0x142: {  	[tilespmem:s31+$0x19700] =	vst v0  }
0x143: {  	v0 =	vld.idx.msk [tilespmem:v1+s22+$0x0], $0xffff;
	_ =	sdelay $0x4  }
0x144: {  	[tilespmem:s0+$0x19700] =	vst v0  }
0x145: {  	_ =	swait.ge [sflag:s29], $0x1000  }
0x146: {  	s2 =	sld [smem:$0x7ED]  }
0x147: {  	[sflag:s29] =	ssyncset.done $0x0  }
0x148: {  	[sflag:s29] =	ssyncadd.s32 $0xFFFFF000  }
0x149: {  	[hbm4b:s2+s20] =	stream.strided.scatter [tilespmem:s26], [sflag:$0x2], $0x1000, s21, s20, $0x38;
	[tilespmem:$0x1B700] =	vst v63  }
0x14a: {  	s2 =	sld [smem:$0x7C9];
	_ =	sdelay $0x1  }
0x14b: {  	s0 =	simm.s32 $0x0  }
0x14c: {  	[tilespmem:s0], [sflag:$0x1] =	stream.strided.gather [hbm4b:s2+s20], $0x18700, s21, s20, $0x38;
	[tilespmem:$0x1B700] =	vst v63  }
0x14d: {  	s2 =	rddreg [dreg:$0x7]  }
0x14e: {  	[tilespmem:s23], [sflag:$0x3] =	stream.strided.gather [hbm4b:s2+s20], $0x1000, s21, s20, $0x38;
	[tilespmem:$0x1B700] =	vst v63  }
0x14f: {  	_ =	swait.ge [sflag:s24], $0x1000  }
0x150: {  	[sflag:s24] =	ssyncset.done $0x0  }
0x151: {  	[sflag:s24] =	ssyncadd.s32 $0xFFFFF000  }
0x152: {  	_ =	swait.ge [sflag:s25], $0x18700  }
0x153: {  	[sflag:s25] =	ssyncset.done $0x0  }
0x154: {  	s31 =	simm.s32 $0x0;
	[sflag:s25] =	ssyncadd.s32 $0xFFFE7900  }
0x155: {  	v0 =	vld [tilespmem:s31+$0x18700];
	_ =	sdelay $0x7  }
0x156: {  	s0 =	simm.s32 $0x10;
	s2 =	simm.s32 $0x80;
	v0 =	vld.idx.msk [tilespmem:v0+s22+$0x0], $0xffff  }
.LBB2_12:
0x157: {  	p0 =	sne.s32 s2, $0x3FC0;
	v1 =	vld [tilespmem:s0+$0x18700];
	_ =	sdelay $0x3  }
.Ltmp5:
0x158: {  	(pc) =	sbr.rel @p0 .LBB2_12-.Ltmp5, $2  }
0x159: {  	[tilespmem:s31+$0x1A700] =	vst v0;
	s31 =	smov.u32 s0;
	_ =	sdelay $0x2  }
0x15a: {  	s0 =	sshra.s32 s2, $0x2;
	s2 =	sadd.s32 $0x40, s2;
	v0 =	vld.idx.msk [tilespmem:v1+s22+$0x0], $0xffff  }
0x15b: {  	v1 =	vld [tilespmem:s0+$0x18700];
	_ =	sdelay $0x6  }
0x15c: {  	[tilespmem:s31+$0x1A700] =	vst v0  }
0x15d: {  	v0 =	vld.idx.msk [tilespmem:v1+s22+$0x0], $0xffff;
	_ =	sdelay $0x4  }
0x15e: {  	[tilespmem:s0+$0x1A700] =	vst v0  }
0x15f: {  	_ =	swait.ge [sflag:s29], $0x1000  }
0x160: {  	s2 =	sld [smem:$0x7EE]  }
0x161: {  	[sflag:s29] =	ssyncset.done $0x0  }
0x162: {  	[sflag:s29] =	ssyncadd.s32 $0xFFFFF000  }
0x163: {  	[hbm4b:s2+s20] =	stream.strided.scatter [tilespmem:s28], [sflag:$0x2], $0x1000, s21, s20, $0x38;
	[tilespmem:$0x1B700] =	vst v63  }
0x164: {  	s2 =	sld [smem:$0x7CB];
	_ =	sdelay $0x1  }
0x165: {  	s0 =	simm.s32 $0x0  }
0x166: {  	[tilespmem:s0], [sflag:$0x1] =	stream.strided.gather [hbm4b:s2+s20], $0x18700, s21, s20, $0x38;
	[tilespmem:$0x1B700] =	vst v63  }
0x167: {  	s2 =	rddreg [dreg:$0x8]  }
0x168: {  	[tilespmem:s23], [sflag:$0x3] =	stream.strided.gather [hbm4b:s2+s20], $0x1000, s21, s20, $0x38;
	[tilespmem:$0x1B700] =	vst v63  }
0x169: {  	_ =	swait.ge [sflag:s24], $0x1000  }
0x16a: {  	[sflag:s24] =	ssyncset.done $0x0  }
0x16b: {  	[sflag:s24] =	ssyncadd.s32 $0xFFFFF000  }
0x16c: {  	_ =	swait.ge [sflag:s25], $0x18700  }
0x16d: {  	[sflag:s25] =	ssyncset.done $0x0  }
0x16e: {  	s31 =	simm.s32 $0x0;
	[sflag:s25] =	ssyncadd.s32 $0xFFFE7900  }
0x16f: {  	v0 =	vld [tilespmem:s31+$0x18700];
	_ =	sdelay $0x7  }
0x170: {  	s0 =	simm.s32 $0x10;
	s2 =	simm.s32 $0x80;
	v0 =	vld.idx.msk [tilespmem:v0+s22+$0x0], $0xffff  }
.LBB2_14:
0x171: {  	p0 =	sne.s32 s2, $0x3FC0;
	v1 =	vld [tilespmem:s0+$0x18700];
	_ =	sdelay $0x3  }
.Ltmp6:
0x172: {  	(pc) =	sbr.rel @p0 .LBB2_14-.Ltmp6, $2  }
0x173: {  	[tilespmem:s31+$0x19700] =	vst v0;
	s31 =	smov.u32 s0;
	_ =	sdelay $0x2  }
0x174: {  	s0 =	sshra.s32 s2, $0x2;
	s2 =	sadd.s32 $0x40, s2;
	v0 =	vld.idx.msk [tilespmem:v1+s22+$0x0], $0xffff  }
0x175: {  	v1 =	vld [tilespmem:s0+$0x18700];
	_ =	sdelay $0x6  }
0x176: {  	[tilespmem:s31+$0x19700] =	vst v0  }
0x177: {  	v0 =	vld.idx.msk [tilespmem:v1+s22+$0x0], $0xffff;
	_ =	sdelay $0x4  }
0x178: {  	[tilespmem:s0+$0x19700] =	vst v0  }
0x179: {  	_ =	swait.ge [sflag:s29], $0x1000  }
0x17a: {  	s2 =	sld [smem:$0x7F0]  }
0x17b: {  	[sflag:s29] =	ssyncset.done $0x0  }
0x17c: {  	[sflag:s29] =	ssyncadd.s32 $0xFFFFF000  }
0x17d: {  	[hbm4b:s2+s20] =	stream.strided.scatter [tilespmem:s26], [sflag:$0x2], $0x1000, s21, s20, $0x38;
	[tilespmem:$0x1B700] =	vst v63  }
0x17e: {  	s2 =	sld [smem:$0x7CD];
	_ =	sdelay $0x1  }
0x17f: {  	s0 =	simm.s32 $0x0  }
0x180: {  	[tilespmem:s0], [sflag:$0x1] =	stream.strided.gather [hbm4b:s2+s20], $0x18700, s21, s20, $0x38;
	[tilespmem:$0x1B700] =	vst v63  }
0x181: {  	s2 =	rddreg [dreg:$0x9]  }
0x182: {  	[tilespmem:s23], [sflag:$0x3] =	stream.strided.gather [hbm4b:s2+s20], $0x1000, s21, s20, $0x38;
	[tilespmem:$0x1B700] =	vst v63  }
0x183: {  	_ =	swait.ge [sflag:s24], $0x1000  }
0x184: {  	[sflag:s24] =	ssyncset.done $0x0  }
0x185: {  	[sflag:s24] =	ssyncadd.s32 $0xFFFFF000  }
0x186: {  	_ =	swait.ge [sflag:s25], $0x18700  }
0x187: {  	[sflag:s25] =	ssyncset.done $0x0  }
0x188: {  	s31 =	simm.s32 $0x0;
	[sflag:s25] =	ssyncadd.s32 $0xFFFE7900  }
0x189: {  	v0 =	vld [tilespmem:s31+$0x18700];
	_ =	sdelay $0x7  }
0x18a: {  	s0 =	simm.s32 $0x10;
	s2 =	simm.s32 $0x80;
	v0 =	vld.idx.msk [tilespmem:v0+s22+$0x0], $0xffff  }
.LBB2_16:
0x18b: {  	p0 =	sne.s32 s2, $0x3FC0;
	v1 =	vld [tilespmem:s0+$0x18700];
	_ =	sdelay $0x3  }
.Ltmp7:
0x18c: {  	(pc) =	sbr.rel @p0 .LBB2_16-.Ltmp7, $2  }
0x18d: {  	[tilespmem:s31+$0x1A700] =	vst v0;
	s31 =	smov.u32 s0;
	_ =	sdelay $0x2  }
0x18e: {  	s0 =	sshra.s32 s2, $0x2;
	s2 =	sadd.s32 $0x40, s2;
	v0 =	vld.idx.msk [tilespmem:v1+s22+$0x0], $0xffff  }
0x18f: {  	v1 =	vld [tilespmem:s0+$0x18700];
	_ =	sdelay $0x6  }
0x190: {  	[tilespmem:s31+$0x1A700] =	vst v0  }
0x191: {  	v0 =	vld.idx.msk [tilespmem:v1+s22+$0x0], $0xffff;
	_ =	sdelay $0x4  }
0x192: {  	[tilespmem:s0+$0x1A700] =	vst v0  }
0x193: {  	_ =	swait.ge [sflag:s29], $0x1000  }
0x194: {  	s2 =	sld [smem:$0x7F2]  }
0x195: {  	[sflag:s29] =	ssyncset.done $0x0  }
0x196: {  	[sflag:s29] =	ssyncadd.s32 $0xFFFFF000  }
0x197: {  	[hbm4b:s2+s20] =	stream.strided.scatter [tilespmem:s28], [sflag:$0x2], $0x1000, s21, s20, $0x38;
	[tilespmem:$0x1B700] =	vst v63  }
0x198: {  	s2 =	sld [smem:$0x7CE];
	_ =	sdelay $0x1  }
0x199: {  	s0 =	simm.s32 $0x0  }
0x19a: {  	[tilespmem:s0], [sflag:$0x1] =	stream.strided.gather [hbm4b:s2+s20], $0x18700, s21, s20, $0x38;
	[tilespmem:$0x1B700] =	vst v63  }
0x19b: {  	s2 =	rddreg [dreg:$0xa]  }
0x19c: {  	[tilespmem:s23], [sflag:$0x3] =	stream.strided.gather [hbm4b:s2+s20], $0x1000, s21, s20, $0x38;
	[tilespmem:$0x1B700] =	vst v63  }
0x19d: {  	_ =	swait.ge [sflag:s24], $0x1000  }
0x19e: {  	[sflag:s24] =	ssyncset.done $0x0  }
0x19f: {  	[sflag:s24] =	ssyncadd.s32 $0xFFFFF000  }
0x1a0: {  	_ =	swait.ge [sflag:s25], $0x18700  }
0x1a1: {  	[sflag:s25] =	ssyncset.done $0x0  }
0x1a2: {  	s31 =	simm.s32 $0x0;
	[sflag:s25] =	ssyncadd.s32 $0xFFFE7900  }
0x1a3: {  	v0 =	vld [tilespmem:s31+$0x18700];
	_ =	sdelay $0x7  }
0x1a4: {  	s0 =	simm.s32 $0x10;
	s2 =	simm.s32 $0x80;
	v0 =	vld.idx.msk [tilespmem:v0+s22+$0x0], $0xffff  }
.LBB2_18:
0x1a5: {  	p0 =	sne.s32 s2, $0x3FC0;
	v1 =	vld [tilespmem:s0+$0x18700];
	_ =	sdelay $0x3  }
.Ltmp8:
0x1a6: {  	(pc) =	sbr.rel @p0 .LBB2_18-.Ltmp8, $2  }
0x1a7: {  	[tilespmem:s31+$0x19700] =	vst v0;
	s31 =	smov.u32 s0;
	_ =	sdelay $0x2  }
0x1a8: {  	s0 =	sshra.s32 s2, $0x2;
	s2 =	sadd.s32 $0x40, s2;
	v0 =	vld.idx.msk [tilespmem:v1+s22+$0x0], $0xffff  }
0x1a9: {  	v1 =	vld [tilespmem:s0+$0x18700];
	_ =	sdelay $0x6  }
0x1aa: {  	[tilespmem:s31+$0x19700] =	vst v0  }
0x1ab: {  	v0 =	vld.idx.msk [tilespmem:v1+s22+$0x0], $0xffff;
	_ =	sdelay $0x4  }
0x1ac: {  	[tilespmem:s0+$0x19700] =	vst v0  }
0x1ad: {  	_ =	swait.ge [sflag:s29], $0x1000  }
0x1ae: {  	s2 =	sld [smem:$0x7F3]  }
0x1af: {  	[sflag:s29] =	ssyncset.done $0x0  }
0x1b0: {  	[sflag:s29] =	ssyncadd.s32 $0xFFFFF000  }
0x1b1: {  	[hbm4b:s2+s20] =	stream.strided.scatter [tilespmem:s26], [sflag:$0x2], $0x1000, s21, s20, $0x38;
	[tilespmem:$0x1B700] =	vst v63  }
0x1b2: {  	s2 =	sld [smem:$0x7D0];
	_ =	sdelay $0x1  }
0x1b3: {  	s0 =	simm.s32 $0x0  }
0x1b4: {  	[tilespmem:s0], [sflag:$0x1] =	stream.strided.gather [hbm4b:s2+s20], $0x18700, s21, s20, $0x38;
	[tilespmem:$0x1B700] =	vst v63  }
0x1b5: {  	s2 =	rddreg [dreg:$0xb]  }
0x1b6: {  	[tilespmem:s23], [sflag:$0x3] =	stream.strided.gather [hbm4b:s2+s20], $0x1000, s21, s20, $0x38;
	[tilespmem:$0x1B700] =	vst v63  }
0x1b7: {  	_ =	swait.ge [sflag:s24], $0x1000  }
0x1b8: {  	[sflag:s24] =	ssyncset.done $0x0  }
0x1b9: {  	[sflag:s24] =	ssyncadd.s32 $0xFFFFF000  }
0x1ba: {  	_ =	swait.ge [sflag:s25], $0x18700  }
0x1bb: {  	[sflag:s25] =	ssyncset.done $0x0  }
0x1bc: {  	s31 =	simm.s32 $0x0;
	[sflag:s25] =	ssyncadd.s32 $0xFFFE7900  }
0x1bd: {  	v0 =	vld [tilespmem:s31+$0x18700];
	_ =	sdelay $0x7  }
0x1be: {  	s0 =	simm.s32 $0x10;
	s2 =	simm.s32 $0x80;
	v0 =	vld.idx.msk [tilespmem:v0+s22+$0x0], $0xffff  }
.LBB2_20:
0x1bf: {  	p0 =	sne.s32 s2, $0x3FC0;
	v1 =	vld [tilespmem:s0+$0x18700];
	_ =	sdelay $0x3  }
.Ltmp9:
0x1c0: {  	(pc) =	sbr.rel @p0 .LBB2_20-.Ltmp9, $2  }
0x1c1: {  	[tilespmem:s31+$0x1A700] =	vst v0;
	s31 =	smov.u32 s0;
	_ =	sdelay $0x2  }
0x1c2: {  	s0 =	sshra.s32 s2, $0x2;
	s2 =	sadd.s32 $0x40, s2;
	v0 =	vld.idx.msk [tilespmem:v1+s22+$0x0], $0xffff  }
0x1c3: {  	v1 =	vld [tilespmem:s0+$0x18700];
	_ =	sdelay $0x6  }
0x1c4: {  	[tilespmem:s31+$0x1A700] =	vst v0  }
0x1c5: {  	v0 =	vld.idx.msk [tilespmem:v1+s22+$0x0], $0xffff;
	_ =	sdelay $0x4  }
0x1c6: {  	[tilespmem:s0+$0x1A700] =	vst v0  }
0x1c7: {  	_ =	swait.ge [sflag:s29], $0x1000  }
0x1c8: {  	s2 =	sld [smem:$0x7F5]  }
0x1c9: {  	[sflag:s29] =	ssyncset.done $0x0  }
0x1ca: {  	[sflag:s29] =	ssyncadd.s32 $0xFFFFF000  }
0x1cb: {  	[hbm4b:s2+s20] =	stream.strided.scatter [tilespmem:s28], [sflag:$0x2], $0x1000, s21, s20, $0x38;
	[tilespmem:$0x1B700] =	vst v63  }
0x1cc: {  	s2 =	sld [smem:$0x7D3];
	_ =	sdelay $0x1  }
0x1cd: {  	s0 =	simm.s32 $0x0  }
0x1ce: {  	[tilespmem:s0], [sflag:$0x1] =	stream.strided.gather [hbm4b:s2+s20], $0x18700, s21, s20, $0x38;
	[tilespmem:$0x1B700] =	vst v63  }
0x1cf: {  	s2 =	rddreg [dreg:$0xc]  }
0x1d0: {  	[tilespmem:s23], [sflag:$0x3] =	stream.strided.gather [hbm4b:s2+s20], $0x1000, s21, s20, $0x38;
	[tilespmem:$0x1B700] =	vst v63  }
0x1d1: {  	_ =	swait.ge [sflag:s24], $0x1000  }
0x1d2: {  	[sflag:s24] =	ssyncset.done $0x0  }
0x1d3: {  	[sflag:s24] =	ssyncadd.s32 $0xFFFFF000  }
0x1d4: {  	_ =	swait.ge [sflag:s25], $0x18700  }
0x1d5: {  	[sflag:s25] =	ssyncset.done $0x0  }
0x1d6: {  	s31 =	simm.s32 $0x0;
	[sflag:s25] =	ssyncadd.s32 $0xFFFE7900  }
0x1d7: {  	v0 =	vld [tilespmem:s31+$0x18700];
	_ =	sdelay $0x7  }
0x1d8: {  	s0 =	simm.s32 $0x10;
	s2 =	simm.s32 $0x80;
	v0 =	vld.idx.msk [tilespmem:v0+s22+$0x0], $0xffff  }
.LBB2_22:
0x1d9: {  	p0 =	sne.s32 s2, $0x3FC0;
	v1 =	vld [tilespmem:s0+$0x18700];
	_ =	sdelay $0x3  }
.Ltmp10:
0x1da: {  	(pc) =	sbr.rel @p0 .LBB2_22-.Ltmp10, $2  }
0x1db: {  	[tilespmem:s31+$0x19700] =	vst v0;
	s31 =	smov.u32 s0;
	_ =	sdelay $0x2  }
0x1dc: {  	s0 =	sshra.s32 s2, $0x2;
	s2 =	sadd.s32 $0x40, s2;
	v0 =	vld.idx.msk [tilespmem:v1+s22+$0x0], $0xffff  }
0x1dd: {  	v1 =	vld [tilespmem:s0+$0x18700];
	_ =	sdelay $0x6  }
0x1de: {  	[tilespmem:s31+$0x19700] =	vst v0  }
0x1df: {  	v0 =	vld.idx.msk [tilespmem:v1+s22+$0x0], $0xffff;
	_ =	sdelay $0x4  }
0x1e0: {  	[tilespmem:s0+$0x19700] =	vst v0  }
0x1e1: {  	_ =	swait.ge [sflag:s29], $0x1000  }
0x1e2: {  	[sflag:s29] =	ssyncset.done $0x0  }
0x1e3: {  	s2 =	sld [smem:$0x7D4];
	[sflag:s29] =	ssyncadd.s32 $0xFFFFF000  }
0x1e4: {  	[hbm4b:s3+s20] =	stream.strided.scatter [tilespmem:s26], [sflag:$0x2], $0x1000, s21, s20, $0x38;
	[tilespmem:$0x1B700] =	vst v63  }
0x1e5: {  	s0 =	simm.s32 $0x0  }
0x1e6: {  	[tilespmem:s0], [sflag:$0x1] =	stream.strided.gather [hbm4b:s2+s20], $0x18700, s21, s20, $0x38;
	[tilespmem:$0x1B700] =	vst v63  }
0x1e7: {  	s2 =	rddreg [dreg:$0xd]  }
0x1e8: {  	[tilespmem:s23], [sflag:$0x3] =	stream.strided.gather [hbm4b:s2+s20], $0x1000, s21, s20, $0x38;
	[tilespmem:$0x1B700] =	vst v63  }
0x1e9: {  	_ =	swait.ge [sflag:s24], $0x1000  }
0x1ea: {  	[sflag:s24] =	ssyncset.done $0x0  }
0x1eb: {  	[sflag:s24] =	ssyncadd.s32 $0xFFFFF000  }
0x1ec: {  	_ =	swait.ge [sflag:s25], $0x18700  }
0x1ed: {  	[sflag:s25] =	ssyncset.done $0x0  }
0x1ee: {  	s31 =	simm.s32 $0x0;
	[sflag:s25] =	ssyncadd.s32 $0xFFFE7900  }
0x1ef: {  	v0 =	vld [tilespmem:s31+$0x18700];
	_ =	sdelay $0x7  }
0x1f0: {  	s0 =	simm.s32 $0x10;
	s2 =	simm.s32 $0x80;
	v0 =	vld.idx.msk [tilespmem:v0+s22+$0x0], $0xffff  }
.LBB2_24:
0x1f1: {  	p0 =	sne.s32 s2, $0x3FC0;
	v1 =	vld [tilespmem:s0+$0x18700];
	_ =	sdelay $0x3  }
.Ltmp11:
0x1f2: {  	(pc) =	sbr.rel @p0 .LBB2_24-.Ltmp11, $2  }
0x1f3: {  	[tilespmem:s31+$0x1A700] =	vst v0;
	s31 =	smov.u32 s0;
	_ =	sdelay $0x2  }
0x1f4: {  	s0 =	sshra.s32 s2, $0x2;
	s2 =	sadd.s32 $0x40, s2;
	v0 =	vld.idx.msk [tilespmem:v1+s22+$0x0], $0xffff  }
0x1f5: {  	v1 =	vld [tilespmem:s0+$0x18700];
	_ =	sdelay $0x6  }
0x1f6: {  	[tilespmem:s31+$0x1A700] =	vst v0  }
0x1f7: {  	v0 =	vld.idx.msk [tilespmem:v1+s22+$0x0], $0xffff;
	_ =	sdelay $0x4  }
0x1f8: {  	[tilespmem:s0+$0x1A700] =	vst v0  }
0x1f9: {  	_ =	swait.ge [sflag:s29], $0x1000  }
0x1fa: {  	[sflag:s29] =	ssyncset.done $0x0  }
0x1fb: {  	s2 =	sld [smem:$0x7D6];
	[sflag:s29] =	ssyncadd.s32 $0xFFFFF000  }
0x1fc: {  	[hbm4b:s4+s20] =	stream.strided.scatter [tilespmem:s28], [sflag:$0x2], $0x1000, s21, s20, $0x38;
	[tilespmem:$0x1B700] =	vst v63  }
0x1fd: {  	s0 =	simm.s32 $0x0  }
0x1fe: {  	[tilespmem:s0], [sflag:$0x1] =	stream.strided.gather [hbm4b:s2+s20], $0x18700, s21, s20, $0x38;
	[tilespmem:$0x1B700] =	vst v63  }
0x1ff: {  	s2 =	rddreg [dreg:$0xe]  }
0x200: {  	[tilespmem:s23], [sflag:$0x3] =	stream.strided.gather [hbm4b:s2+s20], $0x1000, s21, s20, $0x38;
	[tilespmem:$0x1B700] =	vst v63  }
0x201: {  	_ =	swait.ge [sflag:s24], $0x1000  }
0x202: {  	[sflag:s24] =	ssyncset.done $0x0  }
0x203: {  	[sflag:s24] =	ssyncadd.s32 $0xFFFFF000  }
0x204: {  	_ =	swait.ge [sflag:s25], $0x18700  }
0x205: {  	[sflag:s25] =	ssyncset.done $0x0  }
0x206: {  	s31 =	simm.s32 $0x0;
	[sflag:s25] =	ssyncadd.s32 $0xFFFE7900  }
0x207: {  	v0 =	vld [tilespmem:s31+$0x18700];
	_ =	sdelay $0x7  }
0x208: {  	s0 =	simm.s32 $0x10;
	s2 =	simm.s32 $0x80;
	v0 =	vld.idx.msk [tilespmem:v0+s22+$0x0], $0xffff  }
.LBB2_26:
0x209: {  	p0 =	sne.s32 s2, $0x3FC0;
	v1 =	vld [tilespmem:s0+$0x18700];
	_ =	sdelay $0x3  }
.Ltmp12:
0x20a: {  	(pc) =	sbr.rel @p0 .LBB2_26-.Ltmp12, $2  }
0x20b: {  	[tilespmem:s31+$0x19700] =	vst v0;
	s31 =	smov.u32 s0;
	_ =	sdelay $0x2  }
0x20c: {  	s0 =	sshra.s32 s2, $0x2;
	s2 =	sadd.s32 $0x40, s2;
	v0 =	vld.idx.msk [tilespmem:v1+s22+$0x0], $0xffff  }
0x20d: {  	v1 =	vld [tilespmem:s0+$0x18700];
	_ =	sdelay $0x6  }
0x20e: {  	[tilespmem:s31+$0x19700] =	vst v0  }
0x20f: {  	v0 =	vld.idx.msk [tilespmem:v1+s22+$0x0], $0xffff;
	_ =	sdelay $0x4  }
0x210: {  	[tilespmem:s0+$0x19700] =	vst v0  }
0x211: {  	_ =	swait.ge [sflag:s29], $0x1000  }
0x212: {  	[sflag:s29] =	ssyncset.done $0x0  }
0x213: {  	s2 =	sld [smem:$0x7D7];
	[sflag:s29] =	ssyncadd.s32 $0xFFFFF000  }
0x214: {  	[hbm4b:s5+s20] =	stream.strided.scatter [tilespmem:s26], [sflag:$0x2], $0x1000, s21, s20, $0x38;
	[tilespmem:$0x1B700] =	vst v63  }
0x215: {  	s0 =	simm.s32 $0x0  }
0x216: {  	[tilespmem:s0], [sflag:$0x1] =	stream.strided.gather [hbm4b:s2+s20], $0x18700, s21, s20, $0x38;
	[tilespmem:$0x1B700] =	vst v63  }
0x217: {  	s2 =	rddreg [dreg:$0xf]  }
0x218: {  	[tilespmem:s23], [sflag:$0x3] =	stream.strided.gather [hbm4b:s2+s20], $0x1000, s21, s20, $0x38;
	[tilespmem:$0x1B700] =	vst v63  }
0x219: {  	_ =	swait.ge [sflag:s24], $0x1000  }
0x21a: {  	[sflag:s24] =	ssyncset.done $0x0  }
0x21b: {  	[sflag:s24] =	ssyncadd.s32 $0xFFFFF000  }
0x21c: {  	_ =	swait.ge [sflag:s25], $0x18700  }
0x21d: {  	[sflag:s25] =	ssyncset.done $0x0  }
0x21e: {  	s31 =	simm.s32 $0x0;
	[sflag:s25] =	ssyncadd.s32 $0xFFFE7900  }
0x21f: {  	v0 =	vld [tilespmem:s31+$0x18700];
	_ =	sdelay $0x7  }
0x220: {  	s0 =	simm.s32 $0x10;
	s2 =	simm.s32 $0x80;
	v0 =	vld.idx.msk [tilespmem:v0+s22+$0x0], $0xffff  }
.LBB2_28:
0x221: {  	p0 =	sne.s32 s2, $0x3FC0;
	v1 =	vld [tilespmem:s0+$0x18700];
	_ =	sdelay $0x3  }
.Ltmp13:
0x222: {  	(pc) =	sbr.rel @p0 .LBB2_28-.Ltmp13, $2  }
0x223: {  	[tilespmem:s31+$0x1A700] =	vst v0;
	s31 =	smov.u32 s0;
	_ =	sdelay $0x2  }
0x224: {  	s0 =	sshra.s32 s2, $0x2;
	s2 =	sadd.s32 $0x40, s2;
	v0 =	vld.idx.msk [tilespmem:v1+s22+$0x0], $0xffff  }
0x225: {  	v1 =	vld [tilespmem:s0+$0x18700];
	_ =	sdelay $0x6  }
0x226: {  	[tilespmem:s31+$0x1A700] =	vst v0  }
0x227: {  	v0 =	vld.idx.msk [tilespmem:v1+s22+$0x0], $0xffff;
	_ =	sdelay $0x4  }
0x228: {  	[tilespmem:s0+$0x1A700] =	vst v0  }
0x229: {  	_ =	swait.ge [sflag:s29], $0x1000  }
0x22a: {  	[sflag:s29] =	ssyncset.done $0x0  }
0x22b: {  	s2 =	sld [smem:$0x7D8];
	[sflag:s29] =	ssyncadd.s32 $0xFFFFF000  }
0x22c: {  	[hbm4b:s6+s20] =	stream.strided.scatter [tilespmem:s28], [sflag:$0x2], $0x1000, s21, s20, $0x38;
	[tilespmem:$0x1B700] =	vst v63  }
0x22d: {  	s0 =	simm.s32 $0x0  }
0x22e: {  	[tilespmem:s0], [sflag:$0x1] =	stream.strided.gather [hbm4b:s2+s20], $0x18700, s21, s20, $0x38;
	[tilespmem:$0x1B700] =	vst v63  }
0x22f: {  	s2 =	rddreg [dreg:$0x10]  }
0x230: {  	[tilespmem:s23], [sflag:$0x3] =	stream.strided.gather [hbm4b:s2+s20], $0x1000, s21, s20, $0x38;
	[tilespmem:$0x1B700] =	vst v63  }
0x231: {  	_ =	swait.ge [sflag:s24], $0x1000  }
0x232: {  	[sflag:s24] =	ssyncset.done $0x0  }
0x233: {  	[sflag:s24] =	ssyncadd.s32 $0xFFFFF000  }
0x234: {  	_ =	swait.ge [sflag:s25], $0x18700  }
0x235: {  	[sflag:s25] =	ssyncset.done $0x0  }
0x236: {  	s31 =	simm.s32 $0x0;
	[sflag:s25] =	ssyncadd.s32 $0xFFFE7900  }
0x237: {  	v0 =	vld [tilespmem:s31+$0x18700];
	_ =	sdelay $0x7  }
0x238: {  	s0 =	simm.s32 $0x10;
	s2 =	simm.s32 $0x80;
	v0 =	vld.idx.msk [tilespmem:v0+s22+$0x0], $0xffff  }
.LBB2_30:
0x239: {  	p0 =	sne.s32 s2, $0x3FC0;
	v1 =	vld [tilespmem:s0+$0x18700];
	_ =	sdelay $0x3  }
.Ltmp14:
0x23a: {  	(pc) =	sbr.rel @p0 .LBB2_30-.Ltmp14, $2  }
0x23b: {  	[tilespmem:s31+$0x19700] =	vst v0;
	s31 =	smov.u32 s0;
	_ =	sdelay $0x2  }
0x23c: {  	s0 =	sshra.s32 s2, $0x2;
	s2 =	sadd.s32 $0x40, s2;
	v0 =	vld.idx.msk [tilespmem:v1+s22+$0x0], $0xffff  }
0x23d: {  	v1 =	vld [tilespmem:s0+$0x18700];
	_ =	sdelay $0x6  }
0x23e: {  	[tilespmem:s31+$0x19700] =	vst v0  }
0x23f: {  	v0 =	vld.idx.msk [tilespmem:v1+s22+$0x0], $0xffff;
	_ =	sdelay $0x4  }
0x240: {  	[tilespmem:s0+$0x19700] =	vst v0  }
0x241: {  	_ =	swait.ge [sflag:s29], $0x1000  }
0x242: {  	[sflag:s29] =	ssyncset.done $0x0  }
0x243: {  	s2 =	sld [smem:$0x7D9];
	[sflag:s29] =	ssyncadd.s32 $0xFFFFF000  }
0x244: {  	[hbm4b:s7+s20] =	stream.strided.scatter [tilespmem:s26], [sflag:$0x2], $0x1000, s21, s20, $0x38;
	[tilespmem:$0x1B700] =	vst v63  }
0x245: {  	s0 =	simm.s32 $0x0  }
0x246: {  	[tilespmem:s0], [sflag:$0x1] =	stream.strided.gather [hbm4b:s2+s20], $0x18700, s21, s20, $0x38;
	[tilespmem:$0x1B700] =	vst v63  }
0x247: {  	s2 =	rddreg [dreg:$0x11]  }
0x248: {  	[tilespmem:s23], [sflag:$0x3] =	stream.strided.gather [hbm4b:s2+s20], $0x1000, s21, s20, $0x38;
	[tilespmem:$0x1B700] =	vst v63  }
0x249: {  	_ =	swait.ge [sflag:s24], $0x1000  }
0x24a: {  	[sflag:s24] =	ssyncset.done $0x0  }
0x24b: {  	[sflag:s24] =	ssyncadd.s32 $0xFFFFF000  }
0x24c: {  	_ =	swait.ge [sflag:s25], $0x18700  }
0x24d: {  	[sflag:s25] =	ssyncset.done $0x0  }
0x24e: {  	s31 =	simm.s32 $0x0;
	[sflag:s25] =	ssyncadd.s32 $0xFFFE7900  }
0x24f: {  	v0 =	vld [tilespmem:s31+$0x18700];
	_ =	sdelay $0x7  }
0x250: {  	s0 =	simm.s32 $0x10;
	s2 =	simm.s32 $0x80;
	v0 =	vld.idx.msk [tilespmem:v0+s22+$0x0], $0xffff  }
.LBB2_32:
0x251: {  	p0 =	sne.s32 s2, $0x3FC0;
	v1 =	vld [tilespmem:s0+$0x18700];
	_ =	sdelay $0x3  }
.Ltmp15:
0x252: {  	(pc) =	sbr.rel @p0 .LBB2_32-.Ltmp15, $2  }
0x253: {  	[tilespmem:s31+$0x1A700] =	vst v0;
	s31 =	smov.u32 s0;
	_ =	sdelay $0x2  }
0x254: {  	s0 =	sshra.s32 s2, $0x2;
	s2 =	sadd.s32 $0x40, s2;
	v0 =	vld.idx.msk [tilespmem:v1+s22+$0x0], $0xffff  }
0x255: {  	v1 =	vld [tilespmem:s0+$0x18700];
	_ =	sdelay $0x6  }
0x256: {  	[tilespmem:s31+$0x1A700] =	vst v0  }
0x257: {  	v0 =	vld.idx.msk [tilespmem:v1+s22+$0x0], $0xffff;
	_ =	sdelay $0x4  }
0x258: {  	[tilespmem:s0+$0x1A700] =	vst v0  }
0x259: {  	_ =	swait.ge [sflag:s29], $0x1000  }
0x25a: {  	[sflag:s29] =	ssyncset.done $0x0  }
0x25b: {  	s2 =	sld [smem:$0x7DA];
	[sflag:s29] =	ssyncadd.s32 $0xFFFFF000  }
0x25c: {  	[hbm4b:s8+s20] =	stream.strided.scatter [tilespmem:s28], [sflag:$0x2], $0x1000, s21, s20, $0x38;
	[tilespmem:$0x1B700] =	vst v63  }
0x25d: {  	s0 =	simm.s32 $0x0  }
0x25e: {  	[tilespmem:s0], [sflag:$0x1] =	stream.strided.gather [hbm4b:s2+s20], $0x18700, s21, s20, $0x38;
	[tilespmem:$0x1B700] =	vst v63  }
0x25f: {  	s2 =	rddreg [dreg:$0x12]  }
0x260: {  	[tilespmem:s23], [sflag:$0x3] =	stream.strided.gather [hbm4b:s2+s20], $0x1000, s21, s20, $0x38;
	[tilespmem:$0x1B700] =	vst v63  }
0x261: {  	_ =	swait.ge [sflag:s24], $0x1000  }
0x262: {  	[sflag:s24] =	ssyncset.done $0x0  }
0x263: {  	[sflag:s24] =	ssyncadd.s32 $0xFFFFF000  }
0x264: {  	_ =	swait.ge [sflag:s25], $0x18700  }
0x265: {  	[sflag:s25] =	ssyncset.done $0x0  }
0x266: {  	s31 =	simm.s32 $0x0;
	[sflag:s25] =	ssyncadd.s32 $0xFFFE7900  }
0x267: {  	v0 =	vld [tilespmem:s31+$0x18700];
	_ =	sdelay $0x7  }
0x268: {  	s0 =	simm.s32 $0x10;
	s2 =	simm.s32 $0x80;
	v0 =	vld.idx.msk [tilespmem:v0+s22+$0x0], $0xffff  }
.LBB2_34:
0x269: {  	p0 =	sne.s32 s2, $0x3FC0;
	v1 =	vld [tilespmem:s0+$0x18700];
	_ =	sdelay $0x3  }
.Ltmp16:
0x26a: {  	(pc) =	sbr.rel @p0 .LBB2_34-.Ltmp16, $2  }
0x26b: {  	[tilespmem:s31+$0x19700] =	vst v0;
	s31 =	smov.u32 s0;
	_ =	sdelay $0x2  }
0x26c: {  	s0 =	sshra.s32 s2, $0x2;
	s2 =	sadd.s32 $0x40, s2;
	v0 =	vld.idx.msk [tilespmem:v1+s22+$0x0], $0xffff  }
0x26d: {  	v1 =	vld [tilespmem:s0+$0x18700];
	_ =	sdelay $0x6  }
0x26e: {  	[tilespmem:s31+$0x19700] =	vst v0  }
0x26f: {  	v0 =	vld.idx.msk [tilespmem:v1+s22+$0x0], $0xffff;
	_ =	sdelay $0x4  }
0x270: {  	[tilespmem:s0+$0x19700] =	vst v0  }
0x271: {  	_ =	swait.ge [sflag:s29], $0x1000  }
0x272: {  	[sflag:s29] =	ssyncset.done $0x0  }
0x273: {  	s2 =	sld [smem:$0x7DB];
	[sflag:s29] =	ssyncadd.s32 $0xFFFFF000  }
0x274: {  	[hbm4b:s9+s20] =	stream.strided.scatter [tilespmem:s26], [sflag:$0x2], $0x1000, s21, s20, $0x38;
	[tilespmem:$0x1B700] =	vst v63  }
0x275: {  	s0 =	simm.s32 $0x0  }
0x276: {  	[tilespmem:s0], [sflag:$0x1] =	stream.strided.gather [hbm4b:s2+s20], $0x18700, s21, s20, $0x38;
	[tilespmem:$0x1B700] =	vst v63  }
0x277: {  	s2 =	rddreg [dreg:$0x13]  }
0x278: {  	[tilespmem:s23], [sflag:$0x3] =	stream.strided.gather [hbm4b:s2+s20], $0x1000, s21, s20, $0x38;
	[tilespmem:$0x1B700] =	vst v63  }
0x279: {  	_ =	swait.ge [sflag:s24], $0x1000  }
0x27a: {  	[sflag:s24] =	ssyncset.done $0x0  }
0x27b: {  	[sflag:s24] =	ssyncadd.s32 $0xFFFFF000  }
0x27c: {  	_ =	swait.ge [sflag:s25], $0x18700  }
0x27d: {  	[sflag:s25] =	ssyncset.done $0x0  }
0x27e: {  	s31 =	simm.s32 $0x0;
	[sflag:s25] =	ssyncadd.s32 $0xFFFE7900  }
0x27f: {  	v0 =	vld [tilespmem:s31+$0x18700];
	_ =	sdelay $0x7  }
0x280: {  	s0 =	simm.s32 $0x10;
	s2 =	simm.s32 $0x80;
	v0 =	vld.idx.msk [tilespmem:v0+s22+$0x0], $0xffff  }
.LBB2_36:
0x281: {  	p0 =	sne.s32 s2, $0x3FC0;
	v1 =	vld [tilespmem:s0+$0x18700];
	_ =	sdelay $0x3  }
.Ltmp17:
0x282: {  	(pc) =	sbr.rel @p0 .LBB2_36-.Ltmp17, $2  }
0x283: {  	[tilespmem:s31+$0x1A700] =	vst v0;
	s31 =	smov.u32 s0;
	_ =	sdelay $0x2  }
0x284: {  	s0 =	sshra.s32 s2, $0x2;
	s2 =	sadd.s32 $0x40, s2;
	v0 =	vld.idx.msk [tilespmem:v1+s22+$0x0], $0xffff  }
0x285: {  	v1 =	vld [tilespmem:s0+$0x18700];
	_ =	sdelay $0x6  }
0x286: {  	[tilespmem:s31+$0x1A700] =	vst v0  }
0x287: {  	v0 =	vld.idx.msk [tilespmem:v1+s22+$0x0], $0xffff;
	_ =	sdelay $0x4  }
0x288: {  	[tilespmem:s0+$0x1A700] =	vst v0  }
0x289: {  	_ =	swait.ge [sflag:s29], $0x1000  }
0x28a: {  	[sflag:s29] =	ssyncset.done $0x0  }
0x28b: {  	s2 =	sld [smem:$0x7DC];
	[sflag:s29] =	ssyncadd.s32 $0xFFFFF000  }
0x28c: {  	[hbm4b:s10+s20] =	stream.strided.scatter [tilespmem:s28], [sflag:$0x2], $0x1000, s21, s20, $0x38;
	[tilespmem:$0x1B700] =	vst v63  }
0x28d: {  	s0 =	simm.s32 $0x0  }
0x28e: {  	[tilespmem:s0], [sflag:$0x1] =	stream.strided.gather [hbm4b:s2+s20], $0x18700, s21, s20, $0x38;
	[tilespmem:$0x1B700] =	vst v63  }
0x28f: {  	s2 =	rddreg [dreg:$0x14]  }
0x290: {  	[tilespmem:s23], [sflag:$0x3] =	stream.strided.gather [hbm4b:s2+s20], $0x1000, s21, s20, $0x38;
	[tilespmem:$0x1B700] =	vst v63  }
0x291: {  	_ =	swait.ge [sflag:s24], $0x1000  }
0x292: {  	[sflag:s24] =	ssyncset.done $0x0  }
0x293: {  	[sflag:s24] =	ssyncadd.s32 $0xFFFFF000  }
0x294: {  	_ =	swait.ge [sflag:s25], $0x18700  }
0x295: {  	[sflag:s25] =	ssyncset.done $0x0  }
0x296: {  	s31 =	simm.s32 $0x0;
	[sflag:s25] =	ssyncadd.s32 $0xFFFE7900  }
0x297: {  	v0 =	vld [tilespmem:s31+$0x18700];
	_ =	sdelay $0x7  }
0x298: {  	s0 =	simm.s32 $0x10;
	s2 =	simm.s32 $0x80;
	v0 =	vld.idx.msk [tilespmem:v0+s22+$0x0], $0xffff  }
.LBB2_38:
0x299: {  	p0 =	sne.s32 s2, $0x3FC0;
	v1 =	vld [tilespmem:s0+$0x18700];
	_ =	sdelay $0x3  }
.Ltmp18:
0x29a: {  	(pc) =	sbr.rel @p0 .LBB2_38-.Ltmp18, $2  }
0x29b: {  	[tilespmem:s31+$0x19700] =	vst v0;
	s31 =	smov.u32 s0;
	_ =	sdelay $0x2  }
0x29c: {  	s0 =	sshra.s32 s2, $0x2;
	s2 =	sadd.s32 $0x40, s2;
	v0 =	vld.idx.msk [tilespmem:v1+s22+$0x0], $0xffff  }
0x29d: {  	v1 =	vld [tilespmem:s0+$0x18700];
	_ =	sdelay $0x6  }
0x29e: {  	[tilespmem:s31+$0x19700] =	vst v0  }
0x29f: {  	v0 =	vld.idx.msk [tilespmem:v1+s22+$0x0], $0xffff;
	_ =	sdelay $0x4  }
0x2a0: {  	[tilespmem:s0+$0x19700] =	vst v0  }
0x2a1: {  	_ =	swait.ge [sflag:s29], $0x1000  }
0x2a2: {  	[sflag:s29] =	ssyncset.done $0x0  }
0x2a3: {  	s2 =	sld [smem:$0x7DD];
	[sflag:s29] =	ssyncadd.s32 $0xFFFFF000  }
0x2a4: {  	[hbm4b:s1+s20] =	stream.strided.scatter [tilespmem:s26], [sflag:$0x2], $0x1000, s21, s20, $0x38;
	[tilespmem:$0x1B700] =	vst v63  }
0x2a5: {  	s0 =	simm.s32 $0x0  }
0x2a6: {  	[tilespmem:s0], [sflag:$0x1] =	stream.strided.gather [hbm4b:s2+s20], $0x18700, s21, s20, $0x38;
	[tilespmem:$0x1B700] =	vst v63  }
0x2a7: {  	s2 =	rddreg [dreg:$0x15]  }
0x2a8: {  	[tilespmem:s23], [sflag:$0x3] =	stream.strided.gather [hbm4b:s2+s20], $0x1000, s21, s20, $0x38;
	[tilespmem:$0x1B700] =	vst v63  }
0x2a9: {  	_ =	swait.ge [sflag:s24], $0x1000  }
0x2aa: {  	[sflag:s24] =	ssyncset.done $0x0  }
0x2ab: {  	[sflag:s24] =	ssyncadd.s32 $0xFFFFF000  }
0x2ac: {  	_ =	swait.ge [sflag:s25], $0x18700  }
0x2ad: {  	[sflag:s25] =	ssyncset.done $0x0  }
0x2ae: {  	s31 =	simm.s32 $0x0;
	[sflag:s25] =	ssyncadd.s32 $0xFFFE7900  }
0x2af: {  	v0 =	vld [tilespmem:s31+$0x18700];
	_ =	sdelay $0x7  }
0x2b0: {  	s0 =	simm.s32 $0x10;
	s2 =	simm.s32 $0x80;
	v0 =	vld.idx.msk [tilespmem:v0+s22+$0x0], $0xffff  }
.LBB2_40:
0x2b1: {  	p0 =	sne.s32 s2, $0x3FC0;
	v1 =	vld [tilespmem:s0+$0x18700];
	_ =	sdelay $0x3  }
.Ltmp19:
0x2b2: {  	(pc) =	sbr.rel @p0 .LBB2_40-.Ltmp19, $2  }
0x2b3: {  	[tilespmem:s31+$0x1A700] =	vst v0;
	s31 =	smov.u32 s0;
	_ =	sdelay $0x2  }
0x2b4: {  	s0 =	sshra.s32 s2, $0x2;
	s2 =	sadd.s32 $0x40, s2;
	v0 =	vld.idx.msk [tilespmem:v1+s22+$0x0], $0xffff  }
0x2b5: {  	v1 =	vld [tilespmem:s0+$0x18700];
	_ =	sdelay $0x6  }
0x2b6: {  	[tilespmem:s31+$0x1A700] =	vst v0  }
0x2b7: {  	v0 =	vld.idx.msk [tilespmem:v1+s22+$0x0], $0xffff;
	_ =	sdelay $0x4  }
0x2b8: {  	[tilespmem:s0+$0x1A700] =	vst v0  }
0x2b9: {  	_ =	swait.ge [sflag:s29], $0x1000  }
0x2ba: {  	[sflag:s29] =	ssyncset.done $0x0  }
0x2bb: {  	s2 =	sld [smem:$0x7DE];
	[sflag:s29] =	ssyncadd.s32 $0xFFFFF000  }
0x2bc: {  	[hbm4b:s12+s20] =	stream.strided.scatter [tilespmem:s28], [sflag:$0x2], $0x1000, s21, s20, $0x38;
	[tilespmem:$0x1B700] =	vst v63  }
0x2bd: {  	s0 =	simm.s32 $0x0  }
0x2be: {  	[tilespmem:s0], [sflag:$0x1] =	stream.strided.gather [hbm4b:s2+s20], $0x18700, s21, s20, $0x38;
	[tilespmem:$0x1B700] =	vst v63  }
0x2bf: {  	s2 =	rddreg [dreg:$0x16]  }
0x2c0: {  	[tilespmem:s23], [sflag:$0x3] =	stream.strided.gather [hbm4b:s2+s20], $0x1000, s21, s20, $0x38;
	[tilespmem:$0x1B700] =	vst v63  }
0x2c1: {  	_ =	swait.ge [sflag:s24], $0x1000  }
0x2c2: {  	[sflag:s24] =	ssyncset.done $0x0  }
0x2c3: {  	[sflag:s24] =	ssyncadd.s32 $0xFFFFF000  }
0x2c4: {  	_ =	swait.ge [sflag:s25], $0x18700  }
0x2c5: {  	[sflag:s25] =	ssyncset.done $0x0  }
0x2c6: {  	s31 =	simm.s32 $0x0;
	[sflag:s25] =	ssyncadd.s32 $0xFFFE7900  }
0x2c7: {  	v0 =	vld [tilespmem:s31+$0x18700];
	_ =	sdelay $0x7  }
0x2c8: {  	s0 =	simm.s32 $0x10;
	s2 =	simm.s32 $0x80;
	v0 =	vld.idx.msk [tilespmem:v0+s22+$0x0], $0xffff  }
.LBB2_42:
0x2c9: {  	p0 =	sne.s32 s2, $0x3FC0;
	v1 =	vld [tilespmem:s0+$0x18700];
	_ =	sdelay $0x3  }
.Ltmp20:
0x2ca: {  	(pc) =	sbr.rel @p0 .LBB2_42-.Ltmp20, $2  }
0x2cb: {  	[tilespmem:s31+$0x19700] =	vst v0;
	s31 =	smov.u32 s0;
	_ =	sdelay $0x2  }
0x2cc: {  	s0 =	sshra.s32 s2, $0x2;
	s2 =	sadd.s32 $0x40, s2;
	v0 =	vld.idx.msk [tilespmem:v1+s22+$0x0], $0xffff  }
0x2cd: {  	v1 =	vld [tilespmem:s0+$0x18700];
	_ =	sdelay $0x6  }
0x2ce: {  	[tilespmem:s31+$0x19700] =	vst v0  }
0x2cf: {  	v0 =	vld.idx.msk [tilespmem:v1+s22+$0x0], $0xffff;
	_ =	sdelay $0x4  }
0x2d0: {  	[tilespmem:s0+$0x19700] =	vst v0  }
0x2d1: {  	_ =	swait.ge [sflag:s29], $0x1000  }
0x2d2: {  	[sflag:s29] =	ssyncset.done $0x0  }
0x2d3: {  	s2 =	sld [smem:$0x7DF];
	[sflag:s29] =	ssyncadd.s32 $0xFFFFF000  }
0x2d4: {  	[hbm4b:s11+s20] =	stream.strided.scatter [tilespmem:s26], [sflag:$0x2], $0x1000, s21, s20, $0x38;
	[tilespmem:$0x1B700] =	vst v63  }
0x2d5: {  	s0 =	simm.s32 $0x0  }
0x2d6: {  	[tilespmem:s0], [sflag:$0x1] =	stream.strided.gather [hbm4b:s2+s20], $0x18700, s21, s20, $0x38;
	[tilespmem:$0x1B700] =	vst v63  }
0x2d7: {  	s2 =	rddreg [dreg:$0x17]  }
0x2d8: {  	[tilespmem:s23], [sflag:$0x3] =	stream.strided.gather [hbm4b:s2+s20], $0x1000, s21, s20, $0x38;
	[tilespmem:$0x1B700] =	vst v63  }
0x2d9: {  	_ =	swait.ge [sflag:s24], $0x1000  }
0x2da: {  	[sflag:s24] =	ssyncset.done $0x0  }
0x2db: {  	[sflag:s24] =	ssyncadd.s32 $0xFFFFF000  }
0x2dc: {  	_ =	swait.ge [sflag:s25], $0x18700  }
0x2dd: {  	[sflag:s25] =	ssyncset.done $0x0  }
0x2de: {  	s31 =	simm.s32 $0x0;
	[sflag:s25] =	ssyncadd.s32 $0xFFFE7900  }
0x2df: {  	v0 =	vld [tilespmem:s31+$0x18700];
	_ =	sdelay $0x7  }
0x2e0: {  	s0 =	simm.s32 $0x10;
	s2 =	simm.s32 $0x80;
	v0 =	vld.idx.msk [tilespmem:v0+s22+$0x0], $0xffff  }
.LBB2_44:
0x2e1: {  	p0 =	sne.s32 s2, $0x3FC0;
	v1 =	vld [tilespmem:s0+$0x18700];
	_ =	sdelay $0x3  }
.Ltmp21:
0x2e2: {  	(pc) =	sbr.rel @p0 .LBB2_44-.Ltmp21, $2  }
0x2e3: {  	[tilespmem:s31+$0x1A700] =	vst v0;
	s31 =	smov.u32 s0;
	_ =	sdelay $0x2  }
0x2e4: {  	s0 =	sshra.s32 s2, $0x2;
	s2 =	sadd.s32 $0x40, s2;
	v0 =	vld.idx.msk [tilespmem:v1+s22+$0x0], $0xffff  }
0x2e5: {  	v1 =	vld [tilespmem:s0+$0x18700];
	_ =	sdelay $0x6  }
0x2e6: {  	[tilespmem:s31+$0x1A700] =	vst v0  }
0x2e7: {  	v0 =	vld.idx.msk [tilespmem:v1+s22+$0x0], $0xffff;
	_ =	sdelay $0x4  }
0x2e8: {  	[tilespmem:s0+$0x1A700] =	vst v0  }
0x2e9: {  	_ =	swait.ge [sflag:s29], $0x1000  }
0x2ea: {  	[sflag:s29] =	ssyncset.done $0x0  }
0x2eb: {  	s2 =	sld [smem:$0x7E0];
	[sflag:s29] =	ssyncadd.s32 $0xFFFFF000  }
0x2ec: {  	[hbm4b:s14+s20] =	stream.strided.scatter [tilespmem:s28], [sflag:$0x2], $0x1000, s21, s20, $0x38;
	[tilespmem:$0x1B700] =	vst v63  }
0x2ed: {  	s0 =	simm.s32 $0x0  }
0x2ee: {  	[tilespmem:s0], [sflag:$0x1] =	stream.strided.gather [hbm4b:s2+s20], $0x18700, s21, s20, $0x38;
	[tilespmem:$0x1B700] =	vst v63  }
0x2ef: {  	s2 =	rddreg [dreg:$0x18]  }
0x2f0: {  	[tilespmem:s23], [sflag:$0x3] =	stream.strided.gather [hbm4b:s2+s20], $0x1000, s21, s20, $0x38;
	[tilespmem:$0x1B700] =	vst v63  }
0x2f1: {  	_ =	swait.ge [sflag:s24], $0x1000  }
0x2f2: {  	[sflag:s24] =	ssyncset.done $0x0  }
0x2f3: {  	[sflag:s24] =	ssyncadd.s32 $0xFFFFF000  }
0x2f4: {  	_ =	swait.ge [sflag:s25], $0x18700  }
0x2f5: {  	[sflag:s25] =	ssyncset.done $0x0  }
0x2f6: {  	s31 =	simm.s32 $0x0;
	[sflag:s25] =	ssyncadd.s32 $0xFFFE7900  }
0x2f7: {  	v0 =	vld [tilespmem:s31+$0x18700];
	_ =	sdelay $0x7  }
0x2f8: {  	s0 =	simm.s32 $0x10;
	s2 =	simm.s32 $0x80;
	v0 =	vld.idx.msk [tilespmem:v0+s22+$0x0], $0xffff  }
.LBB2_46:
0x2f9: {  	p0 =	sne.s32 s2, $0x3FC0;
	v1 =	vld [tilespmem:s0+$0x18700];
	_ =	sdelay $0x3  }
.Ltmp22:
0x2fa: {  	(pc) =	sbr.rel @p0 .LBB2_46-.Ltmp22, $2  }
0x2fb: {  	[tilespmem:s31+$0x19700] =	vst v0;
	s31 =	smov.u32 s0;
	_ =	sdelay $0x2  }
0x2fc: {  	s0 =	sshra.s32 s2, $0x2;
	s2 =	sadd.s32 $0x40, s2;
	v0 =	vld.idx.msk [tilespmem:v1+s22+$0x0], $0xffff  }
0x2fd: {  	v1 =	vld [tilespmem:s0+$0x18700];
	_ =	sdelay $0x6  }
0x2fe: {  	[tilespmem:s31+$0x19700] =	vst v0  }
0x2ff: {  	v0 =	vld.idx.msk [tilespmem:v1+s22+$0x0], $0xffff;
	_ =	sdelay $0x4  }
0x300: {  	[tilespmem:s0+$0x19700] =	vst v0  }
0x301: {  	_ =	swait.ge [sflag:s29], $0x1000  }
0x302: {  	[sflag:s29] =	ssyncset.done $0x0  }
0x303: {  	s2 =	sld [smem:$0x7E1];
	[sflag:s29] =	ssyncadd.s32 $0xFFFFF000  }
0x304: {  	[hbm4b:s15+s20] =	stream.strided.scatter [tilespmem:s26], [sflag:$0x2], $0x1000, s21, s20, $0x38;
	[tilespmem:$0x1B700] =	vst v63  }
0x305: {  	s0 =	simm.s32 $0x0  }
0x306: {  	[tilespmem:s0], [sflag:$0x1] =	stream.strided.gather [hbm4b:s2+s20], $0x18700, s21, s20, $0x38;
	[tilespmem:$0x1B700] =	vst v63  }
0x307: {  	s2 =	rddreg [dreg:$0x19]  }
0x308: {  	[tilespmem:s23], [sflag:$0x3] =	stream.strided.gather [hbm4b:s2+s20], $0x1000, s21, s20, $0x38;
	[tilespmem:$0x1B700] =	vst v63  }
0x309: {  	_ =	swait.ge [sflag:s24], $0x1000  }
0x30a: {  	[sflag:s24] =	ssyncset.done $0x0  }
0x30b: {  	[sflag:s24] =	ssyncadd.s32 $0xFFFFF000  }
0x30c: {  	_ =	swait.ge [sflag:s25], $0x18700  }
0x30d: {  	[sflag:s25] =	ssyncset.done $0x0  }
0x30e: {  	s31 =	simm.s32 $0x0;
	[sflag:s25] =	ssyncadd.s32 $0xFFFE7900  }
0x30f: {  	v0 =	vld [tilespmem:s31+$0x18700];
	_ =	sdelay $0x7  }
0x310: {  	s0 =	simm.s32 $0x10;
	s2 =	simm.s32 $0x80;
	v0 =	vld.idx.msk [tilespmem:v0+s22+$0x0], $0xffff  }
.LBB2_48:
0x311: {  	p0 =	sne.s32 s2, $0x3FC0;
	v1 =	vld [tilespmem:s0+$0x18700];
	_ =	sdelay $0x3  }
.Ltmp23:
0x312: {  	(pc) =	sbr.rel @p0 .LBB2_48-.Ltmp23, $2  }
0x313: {  	[tilespmem:s31+$0x1A700] =	vst v0;
	s31 =	smov.u32 s0;
	_ =	sdelay $0x2  }
0x314: {  	s0 =	sshra.s32 s2, $0x2;
	s2 =	sadd.s32 $0x40, s2;
	v0 =	vld.idx.msk [tilespmem:v1+s22+$0x0], $0xffff  }
0x315: {  	v1 =	vld [tilespmem:s0+$0x18700];
	_ =	sdelay $0x6  }
0x316: {  	[tilespmem:s31+$0x1A700] =	vst v0  }
0x317: {  	v0 =	vld.idx.msk [tilespmem:v1+s22+$0x0], $0xffff;
	_ =	sdelay $0x4  }
0x318: {  	[tilespmem:s0+$0x1A700] =	vst v0  }
0x319: {  	_ =	swait.ge [sflag:s29], $0x1000  }
0x31a: {  	[sflag:s29] =	ssyncset.done $0x0  }
0x31b: {  	s2 =	sld [smem:$0x7E2];
	[sflag:s29] =	ssyncadd.s32 $0xFFFFF000  }
0x31c: {  	[hbm4b:s13+s20] =	stream.strided.scatter [tilespmem:s28], [sflag:$0x2], $0x1000, s21, s20, $0x38;
	[tilespmem:$0x1B700] =	vst v63  }
0x31d: {  	s0 =	simm.s32 $0x0  }
0x31e: {  	[tilespmem:s0], [sflag:$0x1] =	stream.strided.gather [hbm4b:s2+s20], $0x18700, s21, s20, $0x38;
	[tilespmem:$0x1B700] =	vst v63  }
0x31f: {  	s2 =	rddreg [dreg:$0x1a]  }
0x320: {  	[tilespmem:s23], [sflag:$0x3] =	stream.strided.gather [hbm4b:s2+s20], $0x1000, s21, s20, $0x38;
	[tilespmem:$0x1B700] =	vst v63  }
0x321: {  	_ =	swait.ge [sflag:s24], $0x1000  }
0x322: {  	[sflag:s24] =	ssyncset.done $0x0  }
0x323: {  	[sflag:s24] =	ssyncadd.s32 $0xFFFFF000  }
0x324: {  	_ =	swait.ge [sflag:s25], $0x18700  }
0x325: {  	[sflag:s25] =	ssyncset.done $0x0  }
0x326: {  	s31 =	simm.s32 $0x0;
	[sflag:s25] =	ssyncadd.s32 $0xFFFE7900  }
0x327: {  	v0 =	vld [tilespmem:s31+$0x18700];
	_ =	sdelay $0x7  }
0x328: {  	s0 =	simm.s32 $0x10;
	s2 =	simm.s32 $0x80;
	v0 =	vld.idx.msk [tilespmem:v0+s22+$0x0], $0xffff  }
.LBB2_50:
0x329: {  	p0 =	sne.s32 s2, $0x3FC0;
	v1 =	vld [tilespmem:s0+$0x18700];
	_ =	sdelay $0x3  }
.Ltmp24:
0x32a: {  	(pc) =	sbr.rel @p0 .LBB2_50-.Ltmp24, $2  }
0x32b: {  	[tilespmem:s31+$0x19700] =	vst v0;
	s31 =	smov.u32 s0;
	_ =	sdelay $0x2  }
0x32c: {  	s0 =	sshra.s32 s2, $0x2;
	s2 =	sadd.s32 $0x40, s2;
	v0 =	vld.idx.msk [tilespmem:v1+s22+$0x0], $0xffff  }
0x32d: {  	v1 =	vld [tilespmem:s0+$0x18700];
	_ =	sdelay $0x6  }
0x32e: {  	[tilespmem:s31+$0x19700] =	vst v0  }
0x32f: {  	v0 =	vld.idx.msk [tilespmem:v1+s22+$0x0], $0xffff;
	_ =	sdelay $0x4  }
0x330: {  	[tilespmem:s0+$0x19700] =	vst v0  }
0x331: {  	_ =	swait.ge [sflag:s29], $0x1000  }
0x332: {  	[sflag:s29] =	ssyncset.done $0x0  }
0x333: {  	s2 =	sld [smem:$0x7E3];
	[sflag:s29] =	ssyncadd.s32 $0xFFFFF000  }
0x334: {  	[hbm4b:s17+s20] =	stream.strided.scatter [tilespmem:s26], [sflag:$0x2], $0x1000, s21, s20, $0x38;
	[tilespmem:$0x1B700] =	vst v63  }
0x335: {  	s0 =	simm.s32 $0x0  }
0x336: {  	[tilespmem:s0], [sflag:$0x1] =	stream.strided.gather [hbm4b:s2+s20], $0x18700, s21, s20, $0x38;
	[tilespmem:$0x1B700] =	vst v63  }
0x337: {  	s2 =	sld [smem:$0x7E4];
	_ =	sdelay $0x2  }
0x338: {  	[tilespmem:s23], [sflag:$0x3] =	stream.strided.gather [hbm4b:s2+s20], $0x1000, s21, s20, $0x38;
	[tilespmem:$0x1B700] =	vst v63  }
0x339: {  	_ =	swait.ge [sflag:s24], $0x1000  }
0x33a: {  	[sflag:s24] =	ssyncset.done $0x0  }
0x33b: {  	[sflag:s24] =	ssyncadd.s32 $0xFFFFF000  }
0x33c: {  	_ =	swait.ge [sflag:s25], $0x18700  }
0x33d: {  	[sflag:s25] =	ssyncset.done $0x0  }
0x33e: {  	s31 =	simm.s32 $0x0;
	[sflag:s25] =	ssyncadd.s32 $0xFFFE7900  }
0x33f: {  	v0 =	vld [tilespmem:s31+$0x18700];
	_ =	sdelay $0x7  }
0x340: {  	s0 =	simm.s32 $0x10;
	s2 =	simm.s32 $0x80;
	v0 =	vld.idx.msk [tilespmem:v0+s22+$0x0], $0xffff  }
.LBB2_52:
0x341: {  	p0 =	sne.s32 s2, $0x3FC0;
	v1 =	vld [tilespmem:s0+$0x18700];
	_ =	sdelay $0x3  }
.Ltmp25:
0x342: {  	(pc) =	sbr.rel @p0 .LBB2_52-.Ltmp25, $2  }
0x343: {  	[tilespmem:s31+$0x1A700] =	vst v0;
	s31 =	smov.u32 s0;
	_ =	sdelay $0x2  }
0x344: {  	s0 =	sshra.s32 s2, $0x2;
	s2 =	sadd.s32 $0x40, s2;
	v0 =	vld.idx.msk [tilespmem:v1+s22+$0x0], $0xffff  }
0x345: {  	v1 =	vld [tilespmem:s0+$0x18700];
	_ =	sdelay $0x6  }
0x346: {  	[tilespmem:s31+$0x1A700] =	vst v0  }
0x347: {  	v0 =	vld.idx.msk [tilespmem:v1+s22+$0x0], $0xffff;
	_ =	sdelay $0x4  }
0x348: {  	[tilespmem:s0+$0x1A700] =	vst v0  }
0x349: {  	_ =	swait.ge [sflag:s29], $0x1000  }
0x34a: {  	[sflag:s29] =	ssyncset.done $0x0  }
0x34b: {  	s30 =	sadd.s32 $0x1, s30;
	[sflag:s29] =	ssyncadd.s32 $0xFFFFF000  }
0x34c: {  	[hbm4b:s18+s20] =	stream.strided.scatter [tilespmem:s28], [sflag:$0x2], $0x1000, s21, s20, $0x38;
	[tilespmem:$0x1B700] =	vst v63  }
0x34d: {  	p0 =	sne.s32 s30, s19;
	_ =	swait.ge [sflag:s29], $0x1000  }
.Ltmp26:
0x34e: {  	[sflag:s29] =	ssyncset.done $0x0;
	(pc) =	sbr.rel @p0 .LBB2_1-.Ltmp26, $4  }
0x34f: {  	[sflag:s29] =	ssyncadd.s32 $0xFFFFF000  }
0x350: {  	_ =	swait.ge [sflag:s29], $0x1000  }
0x351: {  	[sflag:s29] =	ssyncset.done $0x0  }
0x352: {  	[sflag:s29] =	ssyncadd.s32 $0xFFFFF000  }
0x353: {  	_ =	sfence.sel $0x180000  }
0x354: {  	[bflag:$0x0] =	sbarrier.arrive $0xFFFF  }
0x355: {  	_ =	strace $0x90000047  }
0x356: {  	s0 =	stileid.u32;
	[bflag:$0x2] =	sbarrier.arrive $0xFFFF  }
0x357: {  	p0 =	sne.s32 s0, $0x0;
	s0 =	rddreg [dreg:$0x3]  }
0x358: {  	s0 =	sadd.s32 @!p0 $0x100000, s0  }
0x359: {  	[sflag:s0] =	ssyncadd.tile.s32 @!p0 $0x1;
	_ =	shalt  }
.Lfunc_end2:
_tile_overlayer_lowered:
.L_overlay_start_2:
0x35a: {  	(tag) =	ssettag $0x2  }
0x35b: {  	s0 =	rddreg [dreg:$0x0];
	s2 =	stileid.u32  }
0x35c: {  	s1 =	rddreg [dreg:$0x1];
	p0 =	sne.s32 s2, $0x0  }
0x35d: {  	s3 =	rddreg [dreg:$0x2];
	[bflag:$0x3] =	sbarrier.arrive $0xFFFF;
	s2 =	simm.s32 @!p0 $0x1C03  }
0x35e: {  	[timem:s3], [sflag:s2] =	dma.local @!p0 [hbm:s0], s1  }
0x35f: {  	s0 =	simm.s32 @!p0 $0x3  }
0x360: {  	_ =	swait.ge @!p0 [sflag:s0], s1  }
0x361: {  	s1 =	ssub.s32 @!p0 $0x0, s1;
	[sflag:s0] =	ssyncset.done @!p0 $0x0  }
0x362: {  	[sflag:s0] =	ssyncadd.s32 @!p0 s1  }
0x363: {  	[bflag:$0x3] =	sbarrier.arrive $0xFFFF  }
0x364: {  	_ =	shalt  }

</sc_bundles>
